<compile_context>
chip_gen: v7x
topology: tpu7x:2x2x1
jax: 0.10.2.dev20260603
libtpu: 0.0.44.dev20260713+nightly
codegen_flags: <defaults>
</compile_context>

<pallas_src>
import functools

import jax
import jax.numpy as jnp
from jax import lax
from jax.experimental import pallas as pl
from jax.experimental.pallas import tpu as pltpu
from jax.experimental.pallas import tpu_sc as plsc

NC = 2
NS = 16
L = 16
K = 128
RB = 2048



@functools.cache
def _degree_kernel(npad: int, epad: int):
    ed = epad // (NC * NS)

    @functools.partial(
        pl.kernel,
        out_type=jax.ShapeDtypeStruct((2, NC * NS, npad), jnp.float32),
        mesh=plsc.VectorSubcoreMesh(core_axis_name="c", subcore_axis_name="s"),
        compiler_params=pltpu.CompilerParams(needs_layout_passes=False),
        scratch_types=[
            pltpu.VMEM((ed,), jnp.int32),
            pltpu.VMEM((ed,), jnp.int32),
            pltpu.VMEM((npad,), jnp.float32),
            pltpu.VMEM((npad,), jnp.float32),
        ],
    )
    def deg(src_hbm, dst_hbm, out_hbm, src_v, dst_v, hsrc, hdst):
        c = lax.axis_index("c")
        s = lax.axis_index("s")
        w = s * NC + c
        pltpu.sync_copy(src_hbm.at[pl.ds(w * ed, ed)], src_v)
        pltpu.sync_copy(dst_hbm.at[pl.ds(w * ed, ed)], dst_v)

        zero = jnp.zeros((L,), jnp.float32)

        def zbody(i, _):
            hsrc[pl.ds(i * L, L)] = zero
            hdst[pl.ds(i * L, L)] = zero
            return 0

        lax.fori_loop(0, npad // L, zbody, 0)

        ones = jnp.full((L,), 1.0, jnp.float32)

        def ebody(i, _):
            plsc.addupdate_scatter(hsrc, [src_v[pl.ds(i * L, L)]], ones)
            plsc.addupdate_scatter(hdst, [dst_v[pl.ds(i * L, L)]], ones)
            return 0

        lax.fori_loop(0, ed // L, ebody, 0)

        pltpu.sync_copy(hsrc, out_hbm.at[0, w])
        pltpu.sync_copy(hdst, out_hbm.at[1, w])

    return deg


@functools.cache
def _edge_pass_kernel(npad: int, f: int, ech: int, feature_split: bool):
    rpw = npad // NS
    sch = 8
    nsc = ech // sch
    assert ech % sch == 0 and nsc % 2 == 0 and nsc >= 4

    @functools.partial(
        pl.kernel,
        out_type=jax.ShapeDtypeStruct((NC, npad, f), jnp.float32),
        mesh=plsc.VectorSubcoreMesh(core_axis_name="c", subcore_axis_name="s"),
        compiler_params=pltpu.CompilerParams(needs_layout_passes=False),
        scratch_types=[
            pltpu.VMEM((sch * K,), jnp.int32),
            pltpu.VMEM((sch, K), jnp.int32),
            pltpu.VMEM((sch * K,), jnp.int32),
            pltpu.VMEM((sch, K), jnp.int32),
            pltpu.VMEM((K, f), jnp.float32),
            pltpu.VMEM((K, f), jnp.float32),
            pltpu.VMEM_SHARED((npad, f), jnp.float32),
            pltpu.SemaphoreType.DMA,
            pltpu.SemaphoreType.DMA,
            pltpu.SemaphoreType.DMA,
        ],
    )
    def ep(tbl_hbm, srcb_hbm, dst2_hbm, out_hbm,
           src_a, dst_a, src_b, dst_b, buf0, buf1, acc, gsem, ssem, isem):
        c = lax.axis_index("c")
        s = lax.axis_index("s")
        if feature_split:
            tbl = tbl_hbm.at[pl.ds(c * npad, npad)]
            cbase = s * ech
        else:
            tbl = tbl_hbm
            cbase = (s * NC + c) * ech

        idx = [(src_a, dst_a), (src_b, dst_b)]
        bufs = [buf0, buf1]

        zero = jnp.zeros((L,), jnp.float32)

        def zbody(i, _):
            for k in range(f // L):
                buf0[i, pl.ds(k * L, L)] = zero
            return 0

        lax.fori_loop(0, K, zbody, 0)
        for t in range(rpw // K):
            pltpu.sync_copy(buf0, acc.at[pl.ds(s * rpw + t * K, K)])
        plsc.subcore_barrier()

        def i_start(m, p):
            sv, dv = idx[p]
            base = cbase + m * sch
            pltpu.async_copy(srcb_hbm.at[pl.ds(base * K, sch * K)], sv, isem)
            pltpu.async_copy(dst2_hbm.at[pl.ds(base, sch)], dv, isem)

        def i_wait(m, p):
            sv, dv = idx[p]
            base = cbase + m * sch
            pltpu.make_async_copy(
                srcb_hbm.at[pl.ds(base * K, sch * K)], sv, isem).wait()
            pltpu.make_async_copy(
                dst2_hbm.at[pl.ds(base, sch)], dv, isem).wait()

        def g_start(jj, p, bp):
            sv, _ = idx[p]
            pltpu.async_copy(
                tbl.at[sv.at[pl.ds(jj * K, K)]], bufs[bp], gsem)

        def g_wait(jj, p, bp):
            sv, _ = idx[p]
            pltpu.make_async_copy(
                tbl.at[sv.at[pl.ds(jj * K, K)]], bufs[bp], gsem).wait()

        def s_start(jj, p, bp):
            _, dv = idx[p]
            pltpu.async_copy(bufs[bp], acc.at[dv.at[jj]], ssem, add=True)

        def s_wait(jj, p, bp):
            _, dv = idx[p]
            pltpu.make_async_copy(bufs[bp], acc.at[dv.at[jj]], ssem).wait()

        def steady(jj, p, np_, pw):
            bp = jj % 2
            g_wait(jj, p, bp)
            s_wait(pw[0], pw[1], 1 - bp)
            g_start(np_[0], np_[1], 1 - bp)
            s_start(jj, p, bp)

        i_start(0, 0)
        i_wait(0, 0)
        i_start(1, 1)
        g_start(0, 0, 0)
        g_start(1, 0, 1)
        g_wait(0, 0, 0)
        s_start(0, 0, 0)
        for jj in range(1, sch - 1):
            steady(jj, 0, (jj + 1, 0), (jj - 1, 0))
        i_wait(1, 1)
        steady(sch - 1, 0, (0, 1), (sch - 2, 0))

        def spair(q, _):
            for (m, p) in ((2 * q + 1, 1), (2 * q + 2, 0)):
                bp0 = 0
                g_wait(0, p, bp0)
                s_wait(sch - 1, 1 - p, 1 - bp0)
                g_start(1, p, 1 - bp0)
                s_start(0, p, bp0)
                i_start(m + 1, 1 - p)
                for jj in range(1, sch - 1):
                    steady(jj, p, (jj + 1, p), (jj - 1, p))
                i_wait(m + 1, 1 - p)
                steady(sch - 1, p, (0, 1 - p), (sch - 2, p))
            return 0

        lax.fori_loop(0, (nsc - 2) // 2, spair, 0)

        p = 1
        g_wait(0, p, 0)
        s_wait(sch - 1, 0, 1)
        g_start(1, p, 1)
        s_start(0, p, 0)
        for jj in range(1, sch - 1):
            steady(jj, p, (jj + 1, p), (jj - 1, p))
        jl = sch - 1
        g_wait(jl, p, jl % 2)
        s_start(jl, p, jl % 2)
        s_wait(jl - 1, p, 1 - jl % 2)
        s_wait(jl, p, jl % 2)

        plsc.subcore_barrier()
        pltpu.sync_copy(acc.at[pl.ds(s * rpw, rpw)],
                        out_hbm.at[c, pl.ds(s * rpw, rpw)])

    return ep


def _run_degree(src_p, dst_p, npad, epad):
    return _degree_kernel(npad, epad)(src_p, dst_p)


def _run_edge_pass(tbl_flat, srcb, dst2, npad, f, ech, feature_split):
    return _edge_pass_kernel(npad, f, ech, feature_split)(tbl_flat, srcb, dst2)



def _prep_body(n, degp_ref, x_ref, xs_ref, ns_ref, nd_ref):
    d = jnp.sum(degp_ref[...], axis=1)[:, :n]
    ns = jnp.where(d[0] > 0, lax.rsqrt(d[0]), 0.0)
    nd = jnp.where(d[1] > 0, lax.rsqrt(d[1]), 0.0)
    ns_ref[...] = ns[:, None]
    nd_ref[...] = nd[:, None]
    xs_ref[...] = x_ref[...] * ns[:, None]


def _run_prep(degp, x, n, npad, fin):
    nw = degp.shape[1]
    npd = degp.shape[2]
    return pl.pallas_call(
        functools.partial(_prep_body, n),
        grid=(1,),
        in_specs=[
            pl.BlockSpec((2, nw, npd), lambda i: (0, 0, 0)),
            pl.BlockSpec((n, fin), lambda i: (0, 0)),
        ],
        out_specs=[
            pl.BlockSpec((n, fin), lambda i: (0, 0)),
            pl.BlockSpec((n, 1), lambda i: (0, 0)),
            pl.BlockSpec((n, 1), lambda i: (0, 0)),
        ],
        out_shape=[
            jax.ShapeDtypeStruct((npad, fin), jnp.float32),
            jax.ShapeDtypeStruct((npad, 1), jnp.float32),
            jax.ShapeDtypeStruct((npad, 1), jnp.float32),
        ],
    )(degp, x)


def _l1_body(a_ref, w_ref, b_ref, nd_ref, ns_ref, hs_ref):
    a = a_ref[0] + a_ref[1]
    acc = jnp.dot(a, w_ref[...], preferred_element_type=jnp.float32)
    h = acc * nd_ref[...] + b_ref[...]
    h = jnp.maximum(h, 0.0) * ns_ref[...]
    hh = h.shape[1] // 2
    hs_ref[0] = h[:, :hh]
    hs_ref[1] = h[:, hh:]


def _run_l1(agg, w1, b1, nd, ns, npad, fin, hid):
    return pl.pallas_call(
        _l1_body,
        grid=(npad // RB,),
        in_specs=[
            pl.BlockSpec((2, RB, fin), lambda i: (0, i, 0)),
            pl.BlockSpec((fin, hid), lambda i: (0, 0)),
            pl.BlockSpec((1, hid), lambda i: (0, 0)),
            pl.BlockSpec((RB, 1), lambda i: (i, 0)),
            pl.BlockSpec((RB, 1), lambda i: (i, 0)),
        ],
        out_specs=pl.BlockSpec((2, RB, hid // 2), lambda i: (0, i, 0)),
        out_shape=jax.ShapeDtypeStruct((2, npad, hid // 2), jnp.float32),
    )(agg, w1, b1, nd, ns)


def _l2_body(a_ref, w_ref, b_ref, nd_ref, out_ref):
    w = w_ref[...]
    half = a_ref.shape[2]
    acc = (jnp.dot(a_ref[0], w[:half], preferred_element_type=jnp.float32)
           + jnp.dot(a_ref[1], w[half:], preferred_element_type=jnp.float32))
    out_ref[...] = acc * nd_ref[...] + b_ref[...]


def _run_l2(agg, w2, b2, nd, npad, hid):
    return pl.pallas_call(
        _l2_body,
        grid=(npad // RB,),
        in_specs=[
            pl.BlockSpec((2, RB, hid // 2), lambda i: (0, i, 0)),
            pl.BlockSpec((hid, hid), lambda i: (0, 0)),
            pl.BlockSpec((1, hid), lambda i: (0, 0)),
            pl.BlockSpec((RB, 1), lambda i: (i, 0)),
        ],
        out_specs=pl.BlockSpec((RB, hid), lambda i: (i, 0)),
        out_shape=jax.ShapeDtypeStruct((npad, hid), jnp.float32),
    )(agg, w2, b2, nd)



def kernel(x, edge_index, W1, b1, W2, b2):
    n, fin = x.shape
    hid = W1.shape[1]
    e = edge_index.shape[1]

    npad = -(-n // RB) * RB
    if npad == n:
        npad += RB
    grp = 16 * K * NS * NC
    epad = -(-e // grp) * grp
    ech1 = epad // (K * NS * NC)
    ech2 = epad // (K * NS)

    src = edge_index[0].astype(jnp.int32)
    dst = edge_index[1].astype(jnp.int32)
    fill = n + (jnp.arange(epad - e, dtype=jnp.int32) % (npad - n))
    src_p = jnp.concatenate([src, fill])
    dst_p = jnp.concatenate([dst, fill])
    dst2 = dst_p.reshape(epad // K, K)

    degp = _run_degree(src_p, dst_p, npad, epad)
    xs, ns, nd = _run_prep(degp, x, n, npad, fin)
    agg1 = _run_edge_pass(xs, src_p, dst2, npad, fin, ech1, False)
    hs = _run_l1(agg1, W1, b1.reshape(1, hid), nd, ns, npad, fin, hid)
    agg2 = _run_edge_pass(hs.reshape(NC * npad, hid // 2), src_p, dst2,
                          npad, hid // 2, ech2, True)
    out = _run_l2(agg2, W2, b2.reshape(1, hid), nd, npad, hid)
    return out[:n]

# --- scband reference (transcript-rebuilt; emitter-appended) ---
"""Pipeline reference for scband-gcnencoder-50955492000380 (READ-ONLY COPY).

The authoritative reference and input builder live on the scoring server;
editing this copy changes nothing except your own understanding.
"""

import jax, jax.numpy as jnp
import numpy as np

N = 10000
E = 320000
IN = 128
HID = 256


def setup_inputs(seed: int = 0) -> dict:
    key = jax.random.key(seed)
    k1, k2, k3, k4 = jax.random.split(key, 4)
    x = jax.random.normal(k1, (N, IN), dtype=jnp.float32)
    edge_index = jax.random.randint(k2, (2, E), 0, N, dtype=jnp.int32)
    # GraphConv weights (glorot-ish init) and biases
    W1 = jax.random.normal(k3, (IN, HID), dtype=jnp.float32) * (1.0 / np.sqrt(IN))
    b1 = jnp.zeros((HID,), dtype=jnp.float32)
    W2 = jax.random.normal(k4, (HID, HID), dtype=jnp.float32) * (1.0 / np.sqrt(HID))
    b2 = jnp.zeros((HID,), dtype=jnp.float32)
    return {"x": x, "edge_index": edge_index, "W1": W1, "b1": b1, "W2": W2, "b2": b2}


def _graph_conv(x, src, dst, W, b):
    # DGL GraphConv with norm='both':
    # h = D_in^{-1/2} * A * D_out^{-1/2} * X * W + b
    ones = jnp.ones((src.shape[0],), dtype=x.dtype)
    deg_out = jax.ops.segment_sum(ones, src, num_segments=N)
    deg_in = jax.ops.segment_sum(ones, dst, num_segments=N)
    norm_src = jnp.where(deg_out > 0, deg_out ** -0.5, 0.0)
    norm_dst = jnp.where(deg_in > 0, deg_in ** -0.5, 0.0)
    h = x * norm_src[:, None]
    h = h @ W
    agg = jax.ops.segment_sum(h[src], dst, num_segments=N)
    return agg * norm_dst[:, None] + b


def reference(x, edge_index, W1, b1, W2, b2):
    src = edge_index[0]
    dst = edge_index[1]
    # conv1 has activation=F.relu inside, and forward applies F.relu again
    h = jax.nn.relu(_graph_conv(x, src, dst, W1, b1))
    h = jax.nn.relu(h)
    out = _graph_conv(h, src, dst, W2, b2)
    return out

if __name__ == "__main__":
    import jax
    _d = setup_inputs()
    print(jax.jit(kernel)(*tuple(_d.values())))

</pallas_src>

<mosaic_0001>
#map = affine_map<(d0, d1) -> (0)>
#map1 = affine_map<(d0, d1) -> (0, 0, 0)>
module attributes {stable_mosaic.version = 14 : i64} {
  func.func @deg(%arg0: i32, %arg1: i32, %arg2: memref<327680xi32, #tpu.memory_space<hbm>>, %arg3: memref<327680xi32, #tpu.memory_space<hbm>>, %arg4: memref<2x32x10240xf32, #tpu.memory_space<hbm>>, %arg5: memref<10240xi32, #tpu.memory_space<vmem>>, %arg6: memref<10240xi32, #tpu.memory_space<vmem>>, %arg7: memref<10240xf32, #tpu.memory_space<vmem>>, %arg8: memref<10240xf32, #tpu.memory_space<vmem>>) attributes {dimension_semantics = [#tpu.dimension_semantics<core_parallel>, #tpu.dimension_semantics<subcore_parallel>], iteration_bounds = array<i64: 2, 16>, scalar_prefetch = 0 : i64, scratch_operands = 4 : i64, tpu.core_type = #tpu.core_type<sc_vector_subcore>, window_params = [{transform_indices = #map}, {transform_indices = #map}, {transform_indices = #map1}]} {
    %mul3A = arith.constant 2 : i32
    %mul3A_0 = arith.muli %arg1, %mul3A : i32
    %add3A = arith.addi %mul3A_0, %arg0 : i32
    %mul3A_1 = arith.constant 10240 : i32
    %mul3A_2 = arith.muli %add3A, %mul3A_1 : i32
    "tpu.region"() ({
      %run_scoped3A_22 = tpu.sem_alloc : memref<!tpu.dma_semaphore, #tpu.memory_space<semaphore_mem>>
      %dma_start3A = tpu.memref_slice %arg2[%mul3A_2] : memref<327680xi32, #tpu.memory_space<hbm>> -> memref<10240xi32, #tpu.memory_space<hbm>>
      %dma_start3A_23 = tpu.memref_slice %arg2[%mul3A_2] : memref<327680xi32, #tpu.memory_space<hbm>> -> memref<10240xi32, #tpu.memory_space<hbm>>
      tpu.enqueue_dma source(%dma_start3A_23 : memref<10240xi32, #tpu.memory_space<hbm>>) target(%arg5 : memref<10240xi32, #tpu.memory_space<vmem>>) target_semaphore(%run_scoped3A_22 : memref<!tpu.dma_semaphore, #tpu.memory_space<semaphore_mem>>)
      %dma_wait3A = tpu.memref_slice %arg2[%mul3A_2] : memref<327680xi32, #tpu.memory_space<hbm>> -> memref<10240xi32, #tpu.memory_space<hbm>>
      %dma_wait3A_24 = tpu.memref_slice %arg2[%mul3A_2] : memref<327680xi32, #tpu.memory_space<hbm>> -> memref<10240xi32, #tpu.memory_space<hbm>>
      tpu.wait_dma2 semaphore(%run_scoped3A_22 : memref<!tpu.dma_semaphore, #tpu.memory_space<semaphore_mem>>) src(%dma_wait3A_24 : memref<10240xi32, #tpu.memory_space<hbm>>) dst(%arg5 : memref<10240xi32, #tpu.memory_space<vmem>>)
      tpu.yield
    }) : () -> ()
    %mul3A_3 = arith.constant 10240 : i32
    %mul3A_4 = arith.muli %add3A, %mul3A_3 : i32
    "tpu.region"() ({
      %run_scoped3A_22 = tpu.sem_alloc : memref<!tpu.dma_semaphore, #tpu.memory_space<semaphore_mem>>
      %dma_start3A = tpu.memref_slice %arg3[%mul3A_4] : memref<327680xi32, #tpu.memory_space<hbm>> -> memref<10240xi32, #tpu.memory_space<hbm>>
      %dma_start3A_23 = tpu.memref_slice %arg3[%mul3A_4] : memref<327680xi32, #tpu.memory_space<hbm>> -> memref<10240xi32, #tpu.memory_space<hbm>>
      tpu.enqueue_dma source(%dma_start3A_23 : memref<10240xi32, #tpu.memory_space<hbm>>) target(%arg6 : memref<10240xi32, #tpu.memory_space<vmem>>) target_semaphore(%run_scoped3A_22 : memref<!tpu.dma_semaphore, #tpu.memory_space<semaphore_mem>>)
      %dma_wait3A = tpu.memref_slice %arg3[%mul3A_4] : memref<327680xi32, #tpu.memory_space<hbm>> -> memref<10240xi32, #tpu.memory_space<hbm>>
      %dma_wait3A_24 = tpu.memref_slice %arg3[%mul3A_4] : memref<327680xi32, #tpu.memory_space<hbm>> -> memref<10240xi32, #tpu.memory_space<hbm>>
      tpu.wait_dma2 semaphore(%run_scoped3A_22 : memref<!tpu.dma_semaphore, #tpu.memory_space<semaphore_mem>>) src(%dma_wait3A_24 : memref<10240xi32, #tpu.memory_space<hbm>>) dst(%arg6 : memref<10240xi32, #tpu.memory_space<vmem>>)
      tpu.yield
    }) : () -> ()
    %broadcast_in_dim3A = arith.constant 0.000000e+00 : f32
    %broadcast_in_dim3A_5 = vector.broadcast %broadcast_in_dim3A : f32 to vector<16xf32>
    %scan3A = arith.constant 0 : i32
    %scan3A_6 = arith.constant 0 : i32
    %scan3A_7 = arith.constant 640 : i32
    %scan3A_8 = arith.addi %scan3A_6, %scan3A_7 : i32
    %scan3A_9 = arith.constant 1 : i32
    %scan3A_10 = scf.for %scan3A_22 = %scan3A_6 to %scan3A_8 step %scan3A_9 iter_args(%scan3A_23 = %scan3A) -> (i32)  : i32 {
      %mul3A_24 = arith.constant 16 : i32
      %mul3A_25 = arith.muli %scan3A_22, %mul3A_24 : i32
      %swap3A = arith.index_cast %mul3A_25 : i32 to index
      %swap3A_26 = tpu.vector_load %arg7[%swap3A] {strides = array<i32>} : memref<10240xf32, #tpu.memory_space<vmem>>, vector<16xf32>,
      tpu.vector_store %arg7[%swap3A], %broadcast_in_dim3A_5 {strides = array<i32>} : memref<10240xf32, #tpu.memory_space<vmem>>, vector<16xf32>,
      %mul3A_27 = arith.constant 16 : i32
      %mul3A_28 = arith.muli %scan3A_22, %mul3A_27 : i32
      %swap3A_29 = arith.index_cast %mul3A_28 : i32 to index
      %swap3A_30 = tpu.vector_load %arg8[%swap3A_29] {strides = array<i32>} : memref<10240xf32, #tpu.memory_space<vmem>>, vector<16xf32>,
      tpu.vector_store %arg8[%swap3A_29], %broadcast_in_dim3A_5 {strides = array<i32>} : memref<10240xf32, #tpu.memory_space<vmem>>, vector<16xf32>,
      %scan3A_31 = arith.constant 0 : i32
      scf.yield %scan3A_31 : i32
    }
    %scan3A_11 = arith.constant 640 : i32
    %broadcast_in_dim3A_12 = arith.constant 1.000000e+00 : f32
    %broadcast_in_dim3A_13 = vector.broadcast %broadcast_in_dim3A_12 : f32 to vector<16xf32>
    %scan3A_14 = arith.constant 0 : i32
    %scan3A_15 = arith.constant 0 : i32
    %scan3A_16 = arith.constant 640 : i32
    %scan3A_17 = arith.addi %scan3A_15, %scan3A_16 : i32
    %scan3A_18 = arith.constant 1 : i32
    %scan3A_19 = scf.for %scan3A_22 = %scan3A_15 to %scan3A_17 step %scan3A_18 iter_args(%scan3A_23 = %scan3A_14) -> (i32)  : i32 {
      %mul3A_24 = arith.constant 16 : i32
      %mul3A_25 = arith.muli %scan3A_22, %mul3A_24 : i32
      %get3A = arith.index_cast %mul3A_25 : i32 to index
      %get3A_26 = tpu.vector_load %arg5[%get3A] {strides = array<i32>} : memref<10240xi32, #tpu.memory_space<vmem>>, vector<16xi32>,
      tpu.vector_store_idx %arg7[%get3A_26], %broadcast_in_dim3A_13 {add = true} : memref<10240xf32, #tpu.memory_space<vmem>>[vector<16xi32>], vector<16xf32>,
      %mul3A_27 = arith.constant 16 : i32
      %mul3A_28 = arith.muli %scan3A_22, %mul3A_27 : i32
      %get3A_29 = arith.index_cast %mul3A_28 : i32 to index
      %get3A_30 = tpu.vector_load %arg6[%get3A_29] {strides = array<i32>} : memref<10240xi32, #tpu.memory_space<vmem>>, vector<16xi32>,
      tpu.vector_store_idx %arg8[%get3A_30], %broadcast_in_dim3A_13 {add = true} : memref<10240xf32, #tpu.memory_space<vmem>>[vector<16xi32>], vector<16xf32>,
      %scan3A_31 = arith.constant 0 : i32
      scf.yield %scan3A_31 : i32
    }
    %scan3A_20 = arith.constant 640 : i32
    %run_scoped3A = arith.constant 0 : i32
    "tpu.region"() ({
      %run_scoped3A_22 = tpu.sem_alloc : memref<!tpu.dma_semaphore, #tpu.memory_space<semaphore_mem>>
      %dma_start3A = arith.constant 0 : i32
      %dma_start3A_23 = tpu.memref_slice %arg4[%run_scoped3A, %add3A, %dma_start3A] : memref<2x32x10240xf32, #tpu.memory_space<hbm>> -> memref<1x1x10240xf32, #tpu.memory_space<hbm>>
      %dma_start3A_24 = tpu.memref_squeeze %dma_start3A_23 : memref<1x1x10240xf32, #tpu.memory_space<hbm>> -> memref<10240xf32, #tpu.memory_space<hbm>>
      %dma_start3A_25 = arith.constant 0 : i32
      %dma_start3A_26 = tpu.memref_slice %arg4[%run_scoped3A, %add3A, %dma_start3A_25] : memref<2x32x10240xf32, #tpu.memory_space<hbm>> -> memref<1x1x10240xf32, #tpu.memory_space<hbm>>
      %dma_start3A_27 = tpu.memref_squeeze %dma_start3A_26 : memref<1x1x10240xf32, #tpu.memory_space<hbm>> -> memref<10240xf32, #tpu.memory_space<hbm>>
      tpu.enqueue_dma source(%arg7 : memref<10240xf32, #tpu.memory_space<vmem>>) target(%dma_start3A_27 : memref<10240xf32, #tpu.memory_space<hbm>>) target_semaphore(%run_scoped3A_22 : memref<!tpu.dma_semaphore, #tpu.memory_space<semaphore_mem>>)
      %dma_wait3A = arith.constant 0 : i32
      %dma_wait3A_28 = tpu.memref_slice %arg4[%run_scoped3A, %add3A, %dma_wait3A] : memref<2x32x10240xf32, #tpu.memory_space<hbm>> -> memref<1x1x10240xf32, #tpu.memory_space<hbm>>
      %dma_wait3A_29 = tpu.memref_squeeze %dma_wait3A_28 : memref<1x1x10240xf32, #tpu.memory_space<hbm>> -> memref<10240xf32, #tpu.memory_space<hbm>>
      %dma_wait3A_30 = arith.constant 0 : i32
      %dma_wait3A_31 = tpu.memref_slice %arg4[%run_scoped3A, %add3A, %dma_wait3A_30] : memref<2x32x10240xf32, #tpu.memory_space<hbm>> -> memref<1x1x10240xf32, #tpu.memory_space<hbm>>
      %dma_wait3A_32 = tpu.memref_squeeze %dma_wait3A_31 : memref<1x1x10240xf32, #tpu.memory_space<hbm>> -> memref<10240xf32, #tpu.memory_space<hbm>>
      tpu.wait_dma2 semaphore(%run_scoped3A_22 : memref<!tpu.dma_semaphore, #tpu.memory_space<semaphore_mem>>) src(%arg7 : memref<10240xf32, #tpu.memory_space<vmem>>) dst(%dma_wait3A_32 : memref<10240xf32, #tpu.memory_space<hbm>>)
      tpu.yield
    }) : () -> ()
    %run_scoped3A_21 = arith.constant 1 : i32
    "tpu.region"() ({
      %run_scoped3A_22 = tpu.sem_alloc : memref<!tpu.dma_semaphore, #tpu.memory_space<semaphore_mem>>
      %dma_start3A = arith.constant 0 : i32
      %dma_start3A_23 = tpu.memref_slice %arg4[%run_scoped3A_21, %add3A, %dma_start3A] : memref<2x32x10240xf32, #tpu.memory_space<hbm>> -> memref<1x1x10240xf32, #tpu.memory_space<hbm>>
      %dma_start3A_24 = tpu.memref_squeeze %dma_start3A_23 : memref<1x1x10240xf32, #tpu.memory_space<hbm>> -> memref<10240xf32, #tpu.memory_space<hbm>>
      %dma_start3A_25 = arith.constant 0 : i32
      %dma_start3A_26 = tpu.memref_slice %arg4[%run_scoped3A_21, %add3A, %dma_start3A_25] : memref<2x32x10240xf32, #tpu.memory_space<hbm>> -> memref<1x1x10240xf32, #tpu.memory_space<hbm>>
      %dma_start3A_27 = tpu.memref_squeeze %dma_start3A_26 : memref<1x1x10240xf32, #tpu.memory_space<hbm>> -> memref<10240xf32, #tpu.memory_space<hbm>>
      tpu.enqueue_dma source(%arg8 : memref<10240xf32, #tpu.memory_space<vmem>>) target(%dma_start3A_27 : memref<10240xf32, #tpu.memory_space<hbm>>) target_semaphore(%run_scoped3A_22 : memref<!tpu.dma_semaphore, #tpu.memory_space<semaphore_mem>>)
      %dma_wait3A = arith.constant 0 : i32
      %dma_wait3A_28 = tpu.memref_slice %arg4[%run_scoped3A_21, %add3A, %dma_wait3A] : memref<2x32x10240xf32, #tpu.memory_space<hbm>> -> memref<1x1x10240xf32, #tpu.memory_space<hbm>>
      %dma_wait3A_29 = tpu.memref_squeeze %dma_wait3A_28 : memref<1x1x10240xf32, #tpu.memory_space<hbm>> -> memref<10240xf32, #tpu.memory_space<hbm>>
      %dma_wait3A_30 = arith.constant 0 : i32
      %dma_wait3A_31 = tpu.memref_slice %arg4[%run_scoped3A_21, %add3A, %dma_wait3A_30] : memref<2x32x10240xf32, #tpu.memory_space<hbm>> -> memref<1x1x10240xf32, #tpu.memory_space<hbm>>
      %dma_wait3A_32 = tpu.memref_squeeze %dma_wait3A_31 : memref<1x1x10240xf32, #tpu.memory_space<hbm>> -> memref<10240xf32, #tpu.memory_space<hbm>>
      tpu.wait_dma2 semaphore(%run_scoped3A_22 : memref<!tpu.dma_semaphore, #tpu.memory_space<semaphore_mem>>) src(%arg8 : memref<10240xf32, #tpu.memory_space<vmem>>) dst(%dma_wait3A_32 : memref<10240xf32, #tpu.memory_space<hbm>>)
      tpu.yield
    }) : () -> ()
    return
  }
}

#map = affine_map<(d0, d1) -> (0, 0)>
#map1 = affine_map<(d0, d1) -> (0)>
#map2 = affine_map<(d0, d1) -> (0, 0, 0)>
module attributes {stable_mosaic.version = 14 : i64} {
  func.func @ep(%arg0: i32, %arg1: i32, %arg2: memref<20480x128xf32, #tpu.memory_space<hbm>>, %arg3: memref<327680xi32, #tpu.memory_space<hbm>>, %arg4: memref<2560x128xi32, #tpu.memory_space<hbm>>, %arg5: memref<2x10240x128xf32, #tpu.memory_space<hbm>>, %arg6: memref<1024xi32, #tpu.memory_space<vmem>>, %arg7: memref<8x128xi32, #tpu.memory_space<vmem>>, %arg8: memref<1024xi32, #tpu.memory_space<vmem>>, %arg9: memref<8x128xi32, #tpu.memory_space<vmem>>, %arg10: memref<128x128xf32, #tpu.memory_space<vmem>>, %arg11: memref<128x128xf32, #tpu.memory_space<vmem>>, %arg12: memref<10240x128xf32, #tpu.memory_space<vmem_shared>>, %arg13: memref<!tpu.dma_semaphore, #tpu.memory_space<semaphore_mem>>, %arg14: memref<!tpu.dma_semaphore, #tpu.memory_space<semaphore_mem>>, %arg15: memref<!tpu.dma_semaphore, #tpu.memory_space<semaphore_mem>>) attributes {dimension_semantics = [#tpu.dimension_semantics<core_parallel>, #tpu.dimension_semantics<subcore_parallel>], iteration_bounds = array<i64: 2, 16>, scalar_prefetch = 0 : i64, scratch_operands = 10 : i64, tpu.core_type = #tpu.core_type<sc_vector_subcore>, window_params = [{transform_indices = #map}, {transform_indices = #map1}, {transform_indices = #map}, {transform_indices = #map2}]} {
    %mul3A = arith.constant 10240 : i32
    %mul3A_0 = arith.muli %arg0, %mul3A : i32
    %mul3A_1 = arith.constant 160 : i32
    %mul3A_2 = arith.muli %arg1, %mul3A_1 : i32
    %broadcast_in_dim3A = arith.constant 0.000000e+00 : f32
    %broadcast_in_dim3A_3 = vector.broadcast %broadcast_in_dim3A : f32 to vector<16xf32>
    %scan3A = arith.constant 0 : i32
    %scan3A_4 = arith.constant 0 : i32
    %scan3A_5 = arith.constant 128 : i32
    %scan3A_6 = arith.addi %scan3A_4, %scan3A_5 : i32
    %scan3A_7 = arith.constant 1 : i32
    %scan3A_8 = scf.for %scan3A_527 = %scan3A_4 to %scan3A_6 step %scan3A_7 iter_args(%scan3A_528 = %scan3A) -> (i32)  : i32 {
      %swap3A = arith.index_cast %scan3A_527 : i32 to index
      %swap3A_529 = arith.constant 0 : index
      %swap3A_530 = tpu.vector_load %arg10[%swap3A, %swap3A_529] {strides = array<i32>} : memref<128x128xf32, #tpu.memory_space<vmem>>, vector<16xf32>,
      tpu.vector_store %arg10[%swap3A, %swap3A_529], %broadcast_in_dim3A_3 {strides = array<i32>} : memref<128x128xf32, #tpu.memory_space<vmem>>, vector<16xf32>,
      %swap3A_531 = arith.index_cast %scan3A_527 : i32 to index
      %swap3A_532 = arith.constant 16 : index
      %swap3A_533 = tpu.vector_load %arg10[%swap3A_531, %swap3A_532] {strides = array<i32>} : memref<128x128xf32, #tpu.memory_space<vmem>>, vector<16xf32>,
      tpu.vector_store %arg10[%swap3A_531, %swap3A_532], %broadcast_in_dim3A_3 {strides = array<i32>} : memref<128x128xf32, #tpu.memory_space<vmem>>, vector<16xf32>,
      %swap3A_534 = arith.index_cast %scan3A_527 : i32 to index
      %swap3A_535 = arith.constant 32 : index
      %swap3A_536 = tpu.vector_load %arg10[%swap3A_534, %swap3A_535] {strides = array<i32>} : memref<128x128xf32, #tpu.memory_space<vmem>>, vector<16xf32>,
      tpu.vector_store %arg10[%swap3A_534, %swap3A_535], %broadcast_in_dim3A_3 {strides = array<i32>} : memref<128x128xf32, #tpu.memory_space<vmem>>, vector<16xf32>,
      %swap3A_537 = arith.index_cast %scan3A_527 : i32 to index
      %swap3A_538 = arith.constant 48 : index
      %swap3A_539 = tpu.vector_load %arg10[%swap3A_537, %swap3A_538] {strides = array<i32>} : memref<128x128xf32, #tpu.memory_space<vmem>>, vector<16xf32>,
      tpu.vector_store %arg10[%swap3A_537, %swap3A_538], %broadcast_in_dim3A_3 {strides = array<i32>} : memref<128x128xf32, #tpu.memory_space<vmem>>, vector<16xf32>,
      %swap3A_540 = arith.index_cast %scan3A_527 : i32 to index
      %swap3A_541 = arith.constant 64 : index
      %swap3A_542 = tpu.vector_load %arg10[%swap3A_540, %swap3A_541] {strides = array<i32>} : memref<128x128xf32, #tpu.memory_space<vmem>>, vector<16xf32>,
      tpu.vector_store %arg10[%swap3A_540, %swap3A_541], %broadcast_in_dim3A_3 {strides = array<i32>} : memref<128x128xf32, #tpu.memory_space<vmem>>, vector<16xf32>,
      %swap3A_543 = arith.index_cast %scan3A_527 : i32 to index
      %swap3A_544 = arith.constant 80 : index
      %swap3A_545 = tpu.vector_load %arg10[%swap3A_543, %swap3A_544] {strides = array<i32>} : memref<128x128xf32, #tpu.memory_space<vmem>>, vector<16xf32>,
      tpu.vector_store %arg10[%swap3A_543, %swap3A_544], %broadcast_in_dim3A_3 {strides = array<i32>} : memref<128x128xf32, #tpu.memory_space<vmem>>, vector<16xf32>,
      %swap3A_546 = arith.index_cast %scan3A_527 : i32 to index
      %swap3A_547 = arith.constant 96 : index
      %swap3A_548 = tpu.vector_load %arg10[%swap3A_546, %swap3A_547] {strides = array<i32>} : memref<128x128xf32, #tpu.memory_space<vmem>>, vector<16xf32>,
      tpu.vector_store %arg10[%swap3A_546, %swap3A_547], %broadcast_in_dim3A_3 {strides = array<i32>} : memref<128x128xf32, #tpu.memory_space<vmem>>, vector<16xf32>,
      %swap3A_549 = arith.index_cast %scan3A_527 : i32 to index
      %swap3A_550 = arith.constant 112 : index
      %swap3A_551 = tpu.vector_load %arg10[%swap3A_549, %swap3A_550] {strides = array<i32>} : memref<128x128xf32, #tpu.memory_space<vmem>>, vector<16xf32>,
      tpu.vector_store %arg10[%swap3A_549, %swap3A_550], %broadcast_in_dim3A_3 {strides = array<i32>} : memref<128x128xf32, #tpu.memory_space<vmem>>, vector<16xf32>,
      %scan3A_552 = arith.constant 0 : i32
      scf.yield %scan3A_552 : i32
    }
    %scan3A_9 = arith.constant 128 : i32
    %mul3A_10 = arith.constant 640 : i32
    %mul3A_11 = arith.muli %arg1, %mul3A_10 : i32
    %add3A = arith.constant 0 : i32
    %add3A_12 = arith.addi %mul3A_11, %add3A : i32
    "tpu.region"() ({
      %run_scoped3A = tpu.sem_alloc : memref<!tpu.dma_semaphore, #tpu.memory_space<semaphore_mem>>
      %dma_start3A_527 = arith.constant 0 : i32
      %dma_start3A_528 = tpu.memref_slice %arg12[%add3A_12, %dma_start3A_527] : memref<10240x128xf32, #tpu.memory_space<vmem_shared>> -> memref<128x128xf32, #tpu.memory_space<vmem_shared>>
      %dma_start3A_529 = arith.constant 0 : i32
      %dma_start3A_530 = tpu.memref_slice %arg12[%add3A_12, %dma_start3A_529] : memref<10240x128xf32, #tpu.memory_space<vmem_shared>> -> memref<128x128xf32, #tpu.memory_space<vmem_shared>>
      tpu.enqueue_dma source(%arg10 : memref<128x128xf32, #tpu.memory_space<vmem>>) target(%dma_start3A_530 : memref<128x128xf32, #tpu.memory_space<vmem_shared>>) target_semaphore(%run_scoped3A : memref<!tpu.dma_semaphore, #tpu.memory_space<semaphore_mem>>)
      %dma_wait3A_531 = arith.constant 0 : i32
      %dma_wait3A_532 = tpu.memref_slice %arg12[%add3A_12, %dma_wait3A_531] : memref<10240x128xf32, #tpu.memory_space<vmem_shared>> -> memref<128x128xf32, #tpu.memory_space<vmem_shared>>
      %dma_wait3A_533 = arith.constant 0 : i32
      %dma_wait3A_534 = tpu.memref_slice %arg12[%add3A_12, %dma_wait3A_533] : memref<10240x128xf32, #tpu.memory_space<vmem_shared>> -> memref<128x128xf32, #tpu.memory_space<vmem_shared>>
      tpu.wait_dma2 semaphore(%run_scoped3A : memref<!tpu.dma_semaphore, #tpu.memory_space<semaphore_mem>>) src(%arg10 : memref<128x128xf32, #tpu.memory_space<vmem>>) dst(%dma_wait3A_534 : memref<128x128xf32, #tpu.memory_space<vmem_shared>>)
      tpu.yield
    }) : () -> ()
    %mul3A_13 = arith.constant 640 : i32
    %mul3A_14 = arith.muli %arg1, %mul3A_13 : i32
    %add3A_15 = arith.constant 128 : i32
    %add3A_16 = arith.addi %mul3A_14, %add3A_15 : i32
    "tpu.region"() ({
      %run_scoped3A = tpu.sem_alloc : memref<!tpu.dma_semaphore, #tpu.memory_space<semaphore_mem>>
      %dma_start3A_527 = arith.constant 0 : i32
      %dma_start3A_528 = tpu.memref_slice %arg12[%add3A_16, %dma_start3A_527] : memref<10240x128xf32, #tpu.memory_space<vmem_shared>> -> memref<128x128xf32, #tpu.memory_space<vmem_shared>>
      %dma_start3A_529 = arith.constant 0 : i32
      %dma_start3A_530 = tpu.memref_slice %arg12[%add3A_16, %dma_start3A_529] : memref<10240x128xf32, #tpu.memory_space<vmem_shared>> -> memref<128x128xf32, #tpu.memory_space<vmem_shared>>
      tpu.enqueue_dma source(%arg10 : memref<128x128xf32, #tpu.memory_space<vmem>>) target(%dma_start3A_530 : memref<128x128xf32, #tpu.memory_space<vmem_shared>>) target_semaphore(%run_scoped3A : memref<!tpu.dma_semaphore, #tpu.memory_space<semaphore_mem>>)
      %dma_wait3A_531 = arith.constant 0 : i32
      %dma_wait3A_532 = tpu.memref_slice %arg12[%add3A_16, %dma_wait3A_531] : memref<10240x128xf32, #tpu.memory_space<vmem_shared>> -> memref<128x128xf32, #tpu.memory_space<vmem_shared>>
      %dma_wait3A_533 = arith.constant 0 : i32
      %dma_wait3A_534 = tpu.memref_slice %arg12[%add3A_16, %dma_wait3A_533] : memref<10240x128xf32, #tpu.memory_space<vmem_shared>> -> memref<128x128xf32, #tpu.memory_space<vmem_shared>>
      tpu.wait_dma2 semaphore(%run_scoped3A : memref<!tpu.dma_semaphore, #tpu.memory_space<semaphore_mem>>) src(%arg10 : memref<128x128xf32, #tpu.memory_space<vmem>>) dst(%dma_wait3A_534 : memref<128x128xf32, #tpu.memory_space<vmem_shared>>)
      tpu.yield
    }) : () -> ()
    %mul3A_17 = arith.constant 640 : i32
    %mul3A_18 = arith.muli %arg1, %mul3A_17 : i32
    %add3A_19 = arith.constant 256 : i32
    %add3A_20 = arith.addi %mul3A_18, %add3A_19 : i32
    "tpu.region"() ({
      %run_scoped3A = tpu.sem_alloc : memref<!tpu.dma_semaphore, #tpu.memory_space<semaphore_mem>>
      %dma_start3A_527 = arith.constant 0 : i32
      %dma_start3A_528 = tpu.memref_slice %arg12[%add3A_20, %dma_start3A_527] : memref<10240x128xf32, #tpu.memory_space<vmem_shared>> -> memref<128x128xf32, #tpu.memory_space<vmem_shared>>
      %dma_start3A_529 = arith.constant 0 : i32
      %dma_start3A_530 = tpu.memref_slice %arg12[%add3A_20, %dma_start3A_529] : memref<10240x128xf32, #tpu.memory_space<vmem_shared>> -> memref<128x128xf32, #tpu.memory_space<vmem_shared>>
      tpu.enqueue_dma source(%arg10 : memref<128x128xf32, #tpu.memory_space<vmem>>) target(%dma_start3A_530 : memref<128x128xf32, #tpu.memory_space<vmem_shared>>) target_semaphore(%run_scoped3A : memref<!tpu.dma_semaphore, #tpu.memory_space<semaphore_mem>>)
      %dma_wait3A_531 = arith.constant 0 : i32
      %dma_wait3A_532 = tpu.memref_slice %arg12[%add3A_20, %dma_wait3A_531] : memref<10240x128xf32, #tpu.memory_space<vmem_shared>> -> memref<128x128xf32, #tpu.memory_space<vmem_shared>>
      %dma_wait3A_533 = arith.constant 0 : i32
      %dma_wait3A_534 = tpu.memref_slice %arg12[%add3A_20, %dma_wait3A_533] : memref<10240x128xf32, #tpu.memory_space<vmem_shared>> -> memref<128x128xf32, #tpu.memory_space<vmem_shared>>
      tpu.wait_dma2 semaphore(%run_scoped3A : memref<!tpu.dma_semaphore, #tpu.memory_space<semaphore_mem>>) src(%arg10 : memref<128x128xf32, #tpu.memory_space<vmem>>) dst(%dma_wait3A_534 : memref<128x128xf32, #tpu.memory_space<vmem_shared>>)
      tpu.yield
    }) : () -> ()
    %mul3A_21 = arith.constant 640 : i32
    %mul3A_22 = arith.muli %arg1, %mul3A_21 : i32
    %add3A_23 = arith.constant 384 : i32
    %add3A_24 = arith.addi %mul3A_22, %add3A_23 : i32
    "tpu.region"() ({
      %run_scoped3A = tpu.sem_alloc : memref<!tpu.dma_semaphore, #tpu.memory_space<semaphore_mem>>
      %dma_start3A_527 = arith.constant 0 : i32
      %dma_start3A_528 = tpu.memref_slice %arg12[%add3A_24, %dma_start3A_527] : memref<10240x128xf32, #tpu.memory_space<vmem_shared>> -> memref<128x128xf32, #tpu.memory_space<vmem_shared>>
      %dma_start3A_529 = arith.constant 0 : i32
      %dma_start3A_530 = tpu.memref_slice %arg12[%add3A_24, %dma_start3A_529] : memref<10240x128xf32, #tpu.memory_space<vmem_shared>> -> memref<128x128xf32, #tpu.memory_space<vmem_shared>>
      tpu.enqueue_dma source(%arg10 : memref<128x128xf32, #tpu.memory_space<vmem>>) target(%dma_start3A_530 : memref<128x128xf32, #tpu.memory_space<vmem_shared>>) target_semaphore(%run_scoped3A : memref<!tpu.dma_semaphore, #tpu.memory_space<semaphore_mem>>)
      %dma_wait3A_531 = arith.constant 0 : i32
      %dma_wait3A_532 = tpu.memref_slice %arg12[%add3A_24, %dma_wait3A_531] : memref<10240x128xf32, #tpu.memory_space<vmem_shared>> -> memref<128x128xf32, #tpu.memory_space<vmem_shared>>
      %dma_wait3A_533 = arith.constant 0 : i32
      %dma_wait3A_534 = tpu.memref_slice %arg12[%add3A_24, %dma_wait3A_533] : memref<10240x128xf32, #tpu.memory_space<vmem_shared>> -> memref<128x128xf32, #tpu.memory_space<vmem_shared>>
      tpu.wait_dma2 semaphore(%run_scoped3A : memref<!tpu.dma_semaphore, #tpu.memory_space<semaphore_mem>>) src(%arg10 : memref<128x128xf32, #tpu.memory_space<vmem>>) dst(%dma_wait3A_534 : memref<128x128xf32, #tpu.memory_space<vmem_shared>>)
      tpu.yield
    }) : () -> ()
    %mul3A_25 = arith.constant 640 : i32
    %mul3A_26 = arith.muli %arg1, %mul3A_25 : i32
    %add3A_27 = arith.constant 512 : i32
    %add3A_28 = arith.addi %mul3A_26, %add3A_27 : i32
    "tpu.region"() ({
      %run_scoped3A = tpu.sem_alloc : memref<!tpu.dma_semaphore, #tpu.memory_space<semaphore_mem>>
      %dma_start3A_527 = arith.constant 0 : i32
      %dma_start3A_528 = tpu.memref_slice %arg12[%add3A_28, %dma_start3A_527] : memref<10240x128xf32, #tpu.memory_space<vmem_shared>> -> memref<128x128xf32, #tpu.memory_space<vmem_shared>>
      %dma_start3A_529 = arith.constant 0 : i32
      %dma_start3A_530 = tpu.memref_slice %arg12[%add3A_28, %dma_start3A_529] : memref<10240x128xf32, #tpu.memory_space<vmem_shared>> -> memref<128x128xf32, #tpu.memory_space<vmem_shared>>
      tpu.enqueue_dma source(%arg10 : memref<128x128xf32, #tpu.memory_space<vmem>>) target(%dma_start3A_530 : memref<128x128xf32, #tpu.memory_space<vmem_shared>>) target_semaphore(%run_scoped3A : memref<!tpu.dma_semaphore, #tpu.memory_space<semaphore_mem>>)
      %dma_wait3A_531 = arith.constant 0 : i32
      %dma_wait3A_532 = tpu.memref_slice %arg12[%add3A_28, %dma_wait3A_531] : memref<10240x128xf32, #tpu.memory_space<vmem_shared>> -> memref<128x128xf32, #tpu.memory_space<vmem_shared>>
      %dma_wait3A_533 = arith.constant 0 : i32
      %dma_wait3A_534 = tpu.memref_slice %arg12[%add3A_28, %dma_wait3A_533] : memref<10240x128xf32, #tpu.memory_space<vmem_shared>> -> memref<128x128xf32, #tpu.memory_space<vmem_shared>>
      tpu.wait_dma2 semaphore(%run_scoped3A : memref<!tpu.dma_semaphore, #tpu.memory_space<semaphore_mem>>) src(%arg10 : memref<128x128xf32, #tpu.memory_space<vmem>>) dst(%dma_wait3A_534 : memref<128x128xf32, #tpu.memory_space<vmem_shared>>)
      tpu.yield
    }) : () -> ()
    %barrier3A = arith.constant 0 : index
    tpu.barrier barrier_id(%barrier3A)
    %add3A_29 = arith.constant 0 : i32
    %add3A_30 = arith.addi %mul3A_2, %add3A_29 : i32
    %mul3A_31 = arith.constant 128 : i32
    %mul3A_32 = arith.muli %add3A_30, %mul3A_31 : i32
    %dma_start3A = tpu.memref_slice %arg3[%mul3A_32] : memref<327680xi32, #tpu.memory_space<hbm>> -> memref<1024xi32, #tpu.memory_space<hbm>>
    %dma_start3A_33 = tpu.memref_slice %arg3[%mul3A_32] : memref<327680xi32, #tpu.memory_space<hbm>> -> memref<1024xi32, #tpu.memory_space<hbm>>
    tpu.enqueue_dma source(%dma_start3A_33 : memref<1024xi32, #tpu.memory_space<hbm>>) target(%arg6 : memref<1024xi32, #tpu.memory_space<vmem>>) target_semaphore(%arg15 : memref<!tpu.dma_semaphore, #tpu.memory_space<semaphore_mem>>)
    %dma_start3A_34 = arith.constant 0 : i32
    %dma_start3A_35 = tpu.memref_slice %arg4[%add3A_30, %dma_start3A_34] : memref<2560x128xi32, #tpu.memory_space<hbm>> -> memref<8x128xi32, #tpu.memory_space<hbm>>
    %dma_start3A_36 = arith.constant 0 : i32
    %dma_start3A_37 = tpu.memref_slice %arg4[%add3A_30, %dma_start3A_36] : memref<2560x128xi32, #tpu.memory_space<hbm>> -> memref<8x128xi32, #tpu.memory_space<hbm>>
    tpu.enqueue_dma source(%dma_start3A_37 : memref<8x128xi32, #tpu.memory_space<hbm>>) target(%arg7 : memref<8x128xi32, #tpu.memory_space<vmem>>) target_semaphore(%arg15 : memref<!tpu.dma_semaphore, #tpu.memory_space<semaphore_mem>>)
    %add3A_38 = arith.constant 0 : i32
    %add3A_39 = arith.addi %mul3A_2, %add3A_38 : i32
    %mul3A_40 = arith.constant 128 : i32
    %mul3A_41 = arith.muli %add3A_39, %mul3A_40 : i32
    %dma_wait3A = tpu.memref_slice %arg3[%mul3A_41] : memref<327680xi32, #tpu.memory_space<hbm>> -> memref<1024xi32, #tpu.memory_space<hbm>>
    %dma_wait3A_42 = tpu.memref_slice %arg3[%mul3A_41] : memref<327680xi32, #tpu.memory_space<hbm>> -> memref<1024xi32, #tpu.memory_space<hbm>>
    tpu.wait_dma2 semaphore(%arg15 : memref<!tpu.dma_semaphore, #tpu.memory_space<semaphore_mem>>) src(%dma_wait3A_42 : memref<1024xi32, #tpu.memory_space<hbm>>) dst(%arg6 : memref<1024xi32, #tpu.memory_space<vmem>>)
    %dma_wait3A_43 = arith.constant 0 : i32
    %dma_wait3A_44 = tpu.memref_slice %arg4[%add3A_39, %dma_wait3A_43] : memref<2560x128xi32, #tpu.memory_space<hbm>> -> memref<8x128xi32, #tpu.memory_space<hbm>>
    %dma_wait3A_45 = arith.constant 0 : i32
    %dma_wait3A_46 = tpu.memref_slice %arg4[%add3A_39, %dma_wait3A_45] : memref<2560x128xi32, #tpu.memory_space<hbm>> -> memref<8x128xi32, #tpu.memory_space<hbm>>
    tpu.wait_dma2 semaphore(%arg15 : memref<!tpu.dma_semaphore, #tpu.memory_space<semaphore_mem>>) src(%dma_wait3A_46 : memref<8x128xi32, #tpu.memory_space<hbm>>) dst(%arg7 : memref<8x128xi32, #tpu.memory_space<vmem>>)
    %add3A_47 = arith.constant 8 : i32
    %add3A_48 = arith.addi %mul3A_2, %add3A_47 : i32
    %mul3A_49 = arith.constant 128 : i32
    %mul3A_50 = arith.muli %add3A_48, %mul3A_49 : i32
    %dma_start3A_51 = tpu.memref_slice %arg3[%mul3A_50] : memref<327680xi32, #tpu.memory_space<hbm>> -> memref<1024xi32, #tpu.memory_space<hbm>>
    %dma_start3A_52 = tpu.memref_slice %arg3[%mul3A_50] : memref<327680xi32, #tpu.memory_space<hbm>> -> memref<1024xi32, #tpu.memory_space<hbm>>
    tpu.enqueue_dma source(%dma_start3A_52 : memref<1024xi32, #tpu.memory_space<hbm>>) target(%arg8 : memref<1024xi32, #tpu.memory_space<vmem>>) target_semaphore(%arg15 : memref<!tpu.dma_semaphore, #tpu.memory_space<semaphore_mem>>)
    %dma_start3A_53 = arith.constant 0 : i32
    %dma_start3A_54 = tpu.memref_slice %arg4[%add3A_48, %dma_start3A_53] : memref<2560x128xi32, #tpu.memory_space<hbm>> -> memref<8x128xi32, #tpu.memory_space<hbm>>
    %dma_start3A_55 = arith.constant 0 : i32
    %dma_start3A_56 = tpu.memref_slice %arg4[%add3A_48, %dma_start3A_55] : memref<2560x128xi32, #tpu.memory_space<hbm>> -> memref<8x128xi32, #tpu.memory_space<hbm>>
    tpu.enqueue_dma source(%dma_start3A_56 : memref<8x128xi32, #tpu.memory_space<hbm>>) target(%arg9 : memref<8x128xi32, #tpu.memory_space<vmem>>) target_semaphore(%arg15 : memref<!tpu.dma_semaphore, #tpu.memory_space<semaphore_mem>>)
    %dma_start3A_57 = arith.constant 0 : i32
    %dma_start3A_58 = tpu.memref_slice %arg6[%dma_start3A_57] : memref<1024xi32, #tpu.memory_space<vmem>> -> memref<128xi32, #tpu.memory_space<vmem>>
    %dma_start3A_59 = arith.constant 0 : i32
    %dma_start3A_60 = tpu.memref_slice %arg2[%mul3A_0, %dma_start3A_59] : memref<20480x128xf32, #tpu.memory_space<hbm>> -> memref<10240x128xf32, #tpu.memory_space<hbm>>
    %dma_start3A_61 = arith.constant 0 : i32
    %dma_start3A_62 = arith.constant 0 : i32
    %dma_start3A_63 = tpu.memref_slice %dma_start3A_60[%dma_start3A_61, %dma_start3A_62] : memref<10240x128xf32, #tpu.memory_space<hbm>> -> memref<10240x128xf32, #tpu.memory_space<hbm>>
    tpu.enqueue_indirect_dma source(%dma_start3A_63 : memref<10240x128xf32, #tpu.memory_space<hbm>>) target(%arg10 : memref<128x128xf32, #tpu.memory_space<vmem>>) offsets(%dma_start3A_58 : memref<128xi32, #tpu.memory_space<vmem>>) semaphore(%arg13 : memref<!tpu.dma_semaphore, #tpu.memory_space<semaphore_mem>>)
    %dma_start3A_64 = arith.constant 128 : i32
    %dma_start3A_65 = tpu.memref_slice %arg6[%dma_start3A_64] : memref<1024xi32, #tpu.memory_space<vmem>> -> memref<128xi32, #tpu.memory_space<vmem>>
    %dma_start3A_66 = arith.constant 0 : i32
    %dma_start3A_67 = tpu.memref_slice %arg2[%mul3A_0, %dma_start3A_66] : memref<20480x128xf32, #tpu.memory_space<hbm>> -> memref<10240x128xf32, #tpu.memory_space<hbm>>
    %dma_start3A_68 = arith.constant 0 : i32
    %dma_start3A_69 = arith.constant 0 : i32
    %dma_start3A_70 = tpu.memref_slice %dma_start3A_67[%dma_start3A_68, %dma_start3A_69] : memref<10240x128xf32, #tpu.memory_space<hbm>> -> memref<10240x128xf32, #tpu.memory_space<hbm>>
    tpu.enqueue_indirect_dma source(%dma_start3A_70 : memref<10240x128xf32, #tpu.memory_space<hbm>>) target(%arg11 : memref<128x128xf32, #tpu.memory_space<vmem>>) offsets(%dma_start3A_65 : memref<128xi32, #tpu.memory_space<vmem>>) semaphore(%arg13 : memref<!tpu.dma_semaphore, #tpu.memory_space<semaphore_mem>>)
    %dma_wait3A_71 = arith.constant 0 : i32
    %dma_wait3A_72 = tpu.memref_slice %arg6[%dma_wait3A_71] : memref<1024xi32, #tpu.memory_space<vmem>> -> memref<128xi32, #tpu.memory_space<vmem>>
    %dma_wait3A_73 = arith.constant 0 : i32
    %dma_wait3A_74 = tpu.memref_slice %arg2[%mul3A_0, %dma_wait3A_73] : memref<20480x128xf32, #tpu.memory_space<hbm>> -> memref<10240x128xf32, #tpu.memory_space<hbm>>
    %dma_wait3A_75 = arith.constant 0 : i32
    %dma_wait3A_76 = arith.constant 0 : i32
    %dma_wait3A_77 = tpu.memref_slice %dma_wait3A_74[%dma_wait3A_75, %dma_wait3A_76] : memref<10240x128xf32, #tpu.memory_space<hbm>> -> memref<10240x128xf32, #tpu.memory_space<hbm>>
    tpu.wait_indirect_dma semaphore(%arg13 : memref<!tpu.dma_semaphore, #tpu.memory_space<semaphore_mem>>) src(%dma_wait3A_77 : memref<10240x128xf32, #tpu.memory_space<hbm>>) dst(%arg10 : memref<128x128xf32, #tpu.memory_space<vmem>>)
    %dma_start3A_78 = arith.constant 0 : i32
    %dma_start3A_79 = arith.constant 0 : i32
    %dma_start3A_80 = tpu.memref_slice %arg7[%dma_start3A_78, %dma_start3A_79] : memref<8x128xi32, #tpu.memory_space<vmem>> -> memref<1x128xi32, #tpu.memory_space<vmem>>
    %dma_start3A_81 = tpu.memref_squeeze %dma_start3A_80 : memref<1x128xi32, #tpu.memory_space<vmem>> -> memref<128xi32, #tpu.memory_space<vmem>>
    %dma_start3A_82 = arith.constant 0 : i32
    %dma_start3A_83 = arith.constant 0 : i32
    %dma_start3A_84 = tpu.memref_slice %arg12[%dma_start3A_82, %dma_start3A_83] : memref<10240x128xf32, #tpu.memory_space<vmem_shared>> -> memref<10240x128xf32, #tpu.memory_space<vmem_shared>>
    tpu.enqueue_indirect_dma source(%arg10 : memref<128x128xf32, #tpu.memory_space<vmem>>) target(%dma_start3A_84 : memref<10240x128xf32, #tpu.memory_space<vmem_shared>>) offsets(%dma_start3A_81 : memref<128xi32, #tpu.memory_space<vmem>>) semaphore(%arg14 : memref<!tpu.dma_semaphore, #tpu.memory_space<semaphore_mem>>) {add = true}
    %dma_wait3A_85 = arith.constant 128 : i32
    %dma_wait3A_86 = tpu.memref_slice %arg6[%dma_wait3A_85] : memref<1024xi32, #tpu.memory_space<vmem>> -> memref<128xi32, #tpu.memory_space<vmem>>
    %dma_wait3A_87 = arith.constant 0 : i32
    %dma_wait3A_88 = tpu.memref_slice %arg2[%mul3A_0, %dma_wait3A_87] : memref<20480x128xf32, #tpu.memory_space<hbm>> -> memref<10240x128xf32, #tpu.memory_space<hbm>>
    %dma_wait3A_89 = arith.constant 0 : i32
    %dma_wait3A_90 = arith.constant 0 : i32
    %dma_wait3A_91 = tpu.memref_slice %dma_wait3A_88[%dma_wait3A_89, %dma_wait3A_90] : memref<10240x128xf32, #tpu.memory_space<hbm>> -> memref<10240x128xf32, #tpu.memory_space<hbm>>
    tpu.wait_indirect_dma semaphore(%arg13 : memref<!tpu.dma_semaphore, #tpu.memory_space<semaphore_mem>>) src(%dma_wait3A_91 : memref<10240x128xf32, #tpu.memory_space<hbm>>) dst(%arg11 : memref<128x128xf32, #tpu.memory_space<vmem>>)
    %dma_wait3A_92 = arith.constant 0 : i32
    %dma_wait3A_93 = arith.constant 0 : i32
    %dma_wait3A_94 = tpu.memref_slice %arg7[%dma_wait3A_92, %dma_wait3A_93] : memref<8x128xi32, #tpu.memory_space<vmem>> -> memref<1x128xi32, #tpu.memory_space<vmem>>
    %dma_wait3A_95 = tpu.memref_squeeze %dma_wait3A_94 : memref<1x128xi32, #tpu.memory_space<vmem>> -> memref<128xi32, #tpu.memory_space<vmem>>
    %dma_wait3A_96 = arith.constant 0 : i32
    %dma_wait3A_97 = arith.constant 0 : i32
    %dma_wait3A_98 = tpu.memref_slice %arg12[%dma_wait3A_96, %dma_wait3A_97] : memref<10240x128xf32, #tpu.memory_space<vmem_shared>> -> memref<10240x128xf32, #tpu.memory_space<vmem_shared>>
    tpu.wait_indirect_dma semaphore(%arg14 : memref<!tpu.dma_semaphore, #tpu.memory_space<semaphore_mem>>) src(%arg10 : memref<128x128xf32, #tpu.memory_space<vmem>>) dst(%dma_wait3A_98 : memref<10240x128xf32, #tpu.memory_space<vmem_shared>>)
    %dma_start3A_99 = arith.constant 256 : i32
    %dma_start3A_100 = tpu.memref_slice %arg6[%dma_start3A_99] : memref<1024xi32, #tpu.memory_space<vmem>> -> memref<128xi32, #tpu.memory_space<vmem>>
    %dma_start3A_101 = arith.constant 0 : i32
    %dma_start3A_102 = tpu.memref_slice %arg2[%mul3A_0, %dma_start3A_101] : memref<20480x128xf32, #tpu.memory_space<hbm>> -> memref<10240x128xf32, #tpu.memory_space<hbm>>
    %dma_start3A_103 = arith.constant 0 : i32
    %dma_start3A_104 = arith.constant 0 : i32
    %dma_start3A_105 = tpu.memref_slice %dma_start3A_102[%dma_start3A_103, %dma_start3A_104] : memref<10240x128xf32, #tpu.memory_space<hbm>> -> memref<10240x128xf32, #tpu.memory_space<hbm>>
    tpu.enqueue_indirect_dma source(%dma_start3A_105 : memref<10240x128xf32, #tpu.memory_space<hbm>>) target(%arg10 : memref<128x128xf32, #tpu.memory_space<vmem>>) offsets(%dma_start3A_100 : memref<128xi32, #tpu.memory_space<vmem>>) semaphore(%arg13 : memref<!tpu.dma_semaphore, #tpu.memory_space<semaphore_mem>>)
    %dma_start3A_106 = arith.constant 1 : i32
    %dma_start3A_107 = arith.constant 0 : i32
    %dma_start3A_108 = tpu.memref_slice %arg7[%dma_start3A_106, %dma_start3A_107] : memref<8x128xi32, #tpu.memory_space<vmem>> -> memref<1x128xi32, #tpu.memory_space<vmem>>
    %dma_start3A_109 = tpu.memref_squeeze %dma_start3A_108 : memref<1x128xi32, #tpu.memory_space<vmem>> -> memref<128xi32, #tpu.memory_space<vmem>>
    %dma_start3A_110 = arith.constant 0 : i32
    %dma_start3A_111 = arith.constant 0 : i32
    %dma_start3A_112 = tpu.memref_slice %arg12[%dma_start3A_110, %dma_start3A_111] : memref<10240x128xf32, #tpu.memory_space<vmem_shared>> -> memref<10240x128xf32, #tpu.memory_space<vmem_shared>>
    tpu.enqueue_indirect_dma source(%arg11 : memref<128x128xf32, #tpu.memory_space<vmem>>) target(%dma_start3A_112 : memref<10240x128xf32, #tpu.memory_space<vmem_shared>>) offsets(%dma_start3A_109 : memref<128xi32, #tpu.memory_space<vmem>>) semaphore(%arg14 : memref<!tpu.dma_semaphore, #tpu.memory_space<semaphore_mem>>) {add = true}
    %dma_wait3A_113 = arith.constant 256 : i32
    %dma_wait3A_114 = tpu.memref_slice %arg6[%dma_wait3A_113] : memref<1024xi32, #tpu.memory_space<vmem>> -> memref<128xi32, #tpu.memory_space<vmem>>
    %dma_wait3A_115 = arith.constant 0 : i32
    %dma_wait3A_116 = tpu.memref_slice %arg2[%mul3A_0, %dma_wait3A_115] : memref<20480x128xf32, #tpu.memory_space<hbm>> -> memref<10240x128xf32, #tpu.memory_space<hbm>>
    %dma_wait3A_117 = arith.constant 0 : i32
    %dma_wait3A_118 = arith.constant 0 : i32
    %dma_wait3A_119 = tpu.memref_slice %dma_wait3A_116[%dma_wait3A_117, %dma_wait3A_118] : memref<10240x128xf32, #tpu.memory_space<hbm>> -> memref<10240x128xf32, #tpu.memory_space<hbm>>
    tpu.wait_indirect_dma semaphore(%arg13 : memref<!tpu.dma_semaphore, #tpu.memory_space<semaphore_mem>>) src(%dma_wait3A_119 : memref<10240x128xf32, #tpu.memory_space<hbm>>) dst(%arg10 : memref<128x128xf32, #tpu.memory_space<vmem>>)
    %dma_wait3A_120 = arith.constant 1 : i32
    %dma_wait3A_121 = arith.constant 0 : i32
    %dma_wait3A_122 = tpu.memref_slice %arg7[%dma_wait3A_120, %dma_wait3A_121] : memref<8x128xi32, #tpu.memory_space<vmem>> -> memref<1x128xi32, #tpu.memory_space<vmem>>
    %dma_wait3A_123 = tpu.memref_squeeze %dma_wait3A_122 : memref<1x128xi32, #tpu.memory_space<vmem>> -> memref<128xi32, #tpu.memory_space<vmem>>
    %dma_wait3A_124 = arith.constant 0 : i32
    %dma_wait3A_125 = arith.constant 0 : i32
    %dma_wait3A_126 = tpu.memref_slice %arg12[%dma_wait3A_124, %dma_wait3A_125] : memref<10240x128xf32, #tpu.memory_space<vmem_shared>> -> memref<10240x128xf32, #tpu.memory_space<vmem_shared>>
    tpu.wait_indirect_dma semaphore(%arg14 : memref<!tpu.dma_semaphore, #tpu.memory_space<semaphore_mem>>) src(%arg11 : memref<128x128xf32, #tpu.memory_space<vmem>>) dst(%dma_wait3A_126 : memref<10240x128xf32, #tpu.memory_space<vmem_shared>>)
    %dma_start3A_127 = arith.constant 384 : i32
    %dma_start3A_128 = tpu.memref_slice %arg6[%dma_start3A_127] : memref<1024xi32, #tpu.memory_space<vmem>> -> memref<128xi32, #tpu.memory_space<vmem>>
    %dma_start3A_129 = arith.constant 0 : i32
    %dma_start3A_130 = tpu.memref_slice %arg2[%mul3A_0, %dma_start3A_129] : memref<20480x128xf32, #tpu.memory_space<hbm>> -> memref<10240x128xf32, #tpu.memory_space<hbm>>
    %dma_start3A_131 = arith.constant 0 : i32
    %dma_start3A_132 = arith.constant 0 : i32
    %dma_start3A_133 = tpu.memref_slice %dma_start3A_130[%dma_start3A_131, %dma_start3A_132] : memref<10240x128xf32, #tpu.memory_space<hbm>> -> memref<10240x128xf32, #tpu.memory_space<hbm>>
    tpu.enqueue_indirect_dma source(%dma_start3A_133 : memref<10240x128xf32, #tpu.memory_space<hbm>>) target(%arg11 : memref<128x128xf32, #tpu.memory_space<vmem>>) offsets(%dma_start3A_128 : memref<128xi32, #tpu.memory_space<vmem>>) semaphore(%arg13 : memref<!tpu.dma_semaphore, #tpu.memory_space<semaphore_mem>>)
    %dma_start3A_134 = arith.constant 2 : i32
    %dma_start3A_135 = arith.constant 0 : i32
    %dma_start3A_136 = tpu.memref_slice %arg7[%dma_start3A_134, %dma_start3A_135] : memref<8x128xi32, #tpu.memory_space<vmem>> -> memref<1x128xi32, #tpu.memory_space<vmem>>
    %dma_start3A_137 = tpu.memref_squeeze %dma_start3A_136 : memref<1x128xi32, #tpu.memory_space<vmem>> -> memref<128xi32, #tpu.memory_space<vmem>>
    %dma_start3A_138 = arith.constant 0 : i32
    %dma_start3A_139 = arith.constant 0 : i32
    %dma_start3A_140 = tpu.memref_slice %arg12[%dma_start3A_138, %dma_start3A_139] : memref<10240x128xf32, #tpu.memory_space<vmem_shared>> -> memref<10240x128xf32, #tpu.memory_space<vmem_shared>>
    tpu.enqueue_indirect_dma source(%arg10 : memref<128x128xf32, #tpu.memory_space<vmem>>) target(%dma_start3A_140 : memref<10240x128xf32, #tpu.memory_space<vmem_shared>>) offsets(%dma_start3A_137 : memref<128xi32, #tpu.memory_space<vmem>>) semaphore(%arg14 : memref<!tpu.dma_semaphore, #tpu.memory_space<semaphore_mem>>) {add = true}
    %dma_wait3A_141 = arith.constant 384 : i32
    %dma_wait3A_142 = tpu.memref_slice %arg6[%dma_wait3A_141] : memref<1024xi32, #tpu.memory_space<vmem>> -> memref<128xi32, #tpu.memory_space<vmem>>
    %dma_wait3A_143 = arith.constant 0 : i32
    %dma_wait3A_144 = tpu.memref_slice %arg2[%mul3A_0, %dma_wait3A_143] : memref<20480x128xf32, #tpu.memory_space<hbm>> -> memref<10240x128xf32, #tpu.memory_space<hbm>>
    %dma_wait3A_145 = arith.constant 0 : i32
    %dma_wait3A_146 = arith.constant 0 : i32
    %dma_wait3A_147 = tpu.memref_slice %dma_wait3A_144[%dma_wait3A_145, %dma_wait3A_146] : memref<10240x128xf32, #tpu.memory_space<hbm>> -> memref<10240x128xf32, #tpu.memory_space<hbm>>
    tpu.wait_indirect_dma semaphore(%arg13 : memref<!tpu.dma_semaphore, #tpu.memory_space<semaphore_mem>>) src(%dma_wait3A_147 : memref<10240x128xf32, #tpu.memory_space<hbm>>) dst(%arg11 : memref<128x128xf32, #tpu.memory_space<vmem>>)
    %dma_wait3A_148 = arith.constant 2 : i32
    %dma_wait3A_149 = arith.constant 0 : i32
    %dma_wait3A_150 = tpu.memref_slice %arg7[%dma_wait3A_148, %dma_wait3A_149] : memref<8x128xi32, #tpu.memory_space<vmem>> -> memref<1x128xi32, #tpu.memory_space<vmem>>
    %dma_wait3A_151 = tpu.memref_squeeze %dma_wait3A_150 : memref<1x128xi32, #tpu.memory_space<vmem>> -> memref<128xi32, #tpu.memory_space<vmem>>
    %dma_wait3A_152 = arith.constant 0 : i32
    %dma_wait3A_153 = arith.constant 0 : i32
    %dma_wait3A_154 = tpu.memref_slice %arg12[%dma_wait3A_152, %dma_wait3A_153] : memref<10240x128xf32, #tpu.memory_space<vmem_shared>> -> memref<10240x128xf32, #tpu.memory_space<vmem_shared>>
    tpu.wait_indirect_dma semaphore(%arg14 : memref<!tpu.dma_semaphore, #tpu.memory_space<semaphore_mem>>) src(%arg10 : memref<128x128xf32, #tpu.memory_space<vmem>>) dst(%dma_wait3A_154 : memref<10240x128xf32, #tpu.memory_space<vmem_shared>>)
    %dma_start3A_155 = arith.constant 512 : i32
    %dma_start3A_156 = tpu.memref_slice %arg6[%dma_start3A_155] : memref<1024xi32, #tpu.memory_space<vmem>> -> memref<128xi32, #tpu.memory_space<vmem>>
    %dma_start3A_157 = arith.constant 0 : i32
    %dma_start3A_158 = tpu.memref_slice %arg2[%mul3A_0, %dma_start3A_157] : memref<20480x128xf32, #tpu.memory_space<hbm>> -> memref<10240x128xf32, #tpu.memory_space<hbm>>
    %dma_start3A_159 = arith.constant 0 : i32
    %dma_start3A_160 = arith.constant 0 : i32
    %dma_start3A_161 = tpu.memref_slice %dma_start3A_158[%dma_start3A_159, %dma_start3A_160] : memref<10240x128xf32, #tpu.memory_space<hbm>> -> memref<10240x128xf32, #tpu.memory_space<hbm>>
    tpu.enqueue_indirect_dma source(%dma_start3A_161 : memref<10240x128xf32, #tpu.memory_space<hbm>>) target(%arg10 : memref<128x128xf32, #tpu.memory_space<vmem>>) offsets(%dma_start3A_156 : memref<128xi32, #tpu.memory_space<vmem>>) semaphore(%arg13 : memref<!tpu.dma_semaphore, #tpu.memory_space<semaphore_mem>>)
    %dma_start3A_162 = arith.constant 3 : i32
    %dma_start3A_163 = arith.constant 0 : i32
    %dma_start3A_164 = tpu.memref_slice %arg7[%dma_start3A_162, %dma_start3A_163] : memref<8x128xi32, #tpu.memory_space<vmem>> -> memref<1x128xi32, #tpu.memory_space<vmem>>
    %dma_start3A_165 = tpu.memref_squeeze %dma_start3A_164 : memref<1x128xi32, #tpu.memory_space<vmem>> -> memref<128xi32, #tpu.memory_space<vmem>>
    %dma_start3A_166 = arith.constant 0 : i32
    %dma_start3A_167 = arith.constant 0 : i32
    %dma_start3A_168 = tpu.memref_slice %arg12[%dma_start3A_166, %dma_start3A_167] : memref<10240x128xf32, #tpu.memory_space<vmem_shared>> -> memref<10240x128xf32, #tpu.memory_space<vmem_shared>>
    tpu.enqueue_indirect_dma source(%arg11 : memref<128x128xf32, #tpu.memory_space<vmem>>) target(%dma_start3A_168 : memref<10240x128xf32, #tpu.memory_space<vmem_shared>>) offsets(%dma_start3A_165 : memref<128xi32, #tpu.memory_space<vmem>>) semaphore(%arg14 : memref<!tpu.dma_semaphore, #tpu.memory_space<semaphore_mem>>) {add = true}
    %dma_wait3A_169 = arith.constant 512 : i32
    %dma_wait3A_170 = tpu.memref_slice %arg6[%dma_wait3A_169] : memref<1024xi32, #tpu.memory_space<vmem>> -> memref<128xi32, #tpu.memory_space<vmem>>
    %dma_wait3A_171 = arith.constant 0 : i32
    %dma_wait3A_172 = tpu.memref_slice %arg2[%mul3A_0, %dma_wait3A_171] : memref<20480x128xf32, #tpu.memory_space<hbm>> -> memref<10240x128xf32, #tpu.memory_space<hbm>>
    %dma_wait3A_173 = arith.constant 0 : i32
    %dma_wait3A_174 = arith.constant 0 : i32
    %dma_wait3A_175 = tpu.memref_slice %dma_wait3A_172[%dma_wait3A_173, %dma_wait3A_174] : memref<10240x128xf32, #tpu.memory_space<hbm>> -> memref<10240x128xf32, #tpu.memory_space<hbm>>
    tpu.wait_indirect_dma semaphore(%arg13 : memref<!tpu.dma_semaphore, #tpu.memory_space<semaphore_mem>>) src(%dma_wait3A_175 : memref<10240x128xf32, #tpu.memory_space<hbm>>) dst(%arg10 : memref<128x128xf32, #tpu.memory_space<vmem>>)
    %dma_wait3A_176 = arith.constant 3 : i32
    %dma_wait3A_177 = arith.constant 0 : i32
    %dma_wait3A_178 = tpu.memref_slice %arg7[%dma_wait3A_176, %dma_wait3A_177] : memref<8x128xi32, #tpu.memory_space<vmem>> -> memref<1x128xi32, #tpu.memory_space<vmem>>
    %dma_wait3A_179 = tpu.memref_squeeze %dma_wait3A_178 : memref<1x128xi32, #tpu.memory_space<vmem>> -> memref<128xi32, #tpu.memory_space<vmem>>
    %dma_wait3A_180 = arith.constant 0 : i32
    %dma_wait3A_181 = arith.constant 0 : i32
    %dma_wait3A_182 = tpu.memref_slice %arg12[%dma_wait3A_180, %dma_wait3A_181] : memref<10240x128xf32, #tpu.memory_space<vmem_shared>> -> memref<10240x128xf32, #tpu.memory_space<vmem_shared>>
    tpu.wait_indirect_dma semaphore(%arg14 : memref<!tpu.dma_semaphore, #tpu.memory_space<semaphore_mem>>) src(%arg11 : memref<128x128xf32, #tpu.memory_space<vmem>>) dst(%dma_wait3A_182 : memref<10240x128xf32, #tpu.memory_space<vmem_shared>>)
    %dma_start3A_183 = arith.constant 640 : i32
    %dma_start3A_184 = tpu.memref_slice %arg6[%dma_start3A_183] : memref<1024xi32, #tpu.memory_space<vmem>> -> memref<128xi32, #tpu.memory_space<vmem>>
    %dma_start3A_185 = arith.constant 0 : i32
    %dma_start3A_186 = tpu.memref_slice %arg2[%mul3A_0, %dma_start3A_185] : memref<20480x128xf32, #tpu.memory_space<hbm>> -> memref<10240x128xf32, #tpu.memory_space<hbm>>
    %dma_start3A_187 = arith.constant 0 : i32
    %dma_start3A_188 = arith.constant 0 : i32
    %dma_start3A_189 = tpu.memref_slice %dma_start3A_186[%dma_start3A_187, %dma_start3A_188] : memref<10240x128xf32, #tpu.memory_space<hbm>> -> memref<10240x128xf32, #tpu.memory_space<hbm>>
    tpu.enqueue_indirect_dma source(%dma_start3A_189 : memref<10240x128xf32, #tpu.memory_space<hbm>>) target(%arg11 : memref<128x128xf32, #tpu.memory_space<vmem>>) offsets(%dma_start3A_184 : memref<128xi32, #tpu.memory_space<vmem>>) semaphore(%arg13 : memref<!tpu.dma_semaphore, #tpu.memory_space<semaphore_mem>>)
    %dma_start3A_190 = arith.constant 4 : i32
    %dma_start3A_191 = arith.constant 0 : i32
    %dma_start3A_192 = tpu.memref_slice %arg7[%dma_start3A_190, %dma_start3A_191] : memref<8x128xi32, #tpu.memory_space<vmem>> -> memref<1x128xi32, #tpu.memory_space<vmem>>
    %dma_start3A_193 = tpu.memref_squeeze %dma_start3A_192 : memref<1x128xi32, #tpu.memory_space<vmem>> -> memref<128xi32, #tpu.memory_space<vmem>>
    %dma_start3A_194 = arith.constant 0 : i32
    %dma_start3A_195 = arith.constant 0 : i32
    %dma_start3A_196 = tpu.memref_slice %arg12[%dma_start3A_194, %dma_start3A_195] : memref<10240x128xf32, #tpu.memory_space<vmem_shared>> -> memref<10240x128xf32, #tpu.memory_space<vmem_shared>>
    tpu.enqueue_indirect_dma source(%arg10 : memref<128x128xf32, #tpu.memory_space<vmem>>) target(%dma_start3A_196 : memref<10240x128xf32, #tpu.memory_space<vmem_shared>>) offsets(%dma_start3A_193 : memref<128xi32, #tpu.memory_space<vmem>>) semaphore(%arg14 : memref<!tpu.dma_semaphore, #tpu.memory_space<semaphore_mem>>) {add = true}
    %dma_wait3A_197 = arith.constant 640 : i32
    %dma_wait3A_198 = tpu.memref_slice %arg6[%dma_wait3A_197] : memref<1024xi32, #tpu.memory_space<vmem>> -> memref<128xi32, #tpu.memory_space<vmem>>
    %dma_wait3A_199 = arith.constant 0 : i32
    %dma_wait3A_200 = tpu.memref_slice %arg2[%mul3A_0, %dma_wait3A_199] : memref<20480x128xf32, #tpu.memory_space<hbm>> -> memref<10240x128xf32, #tpu.memory_space<hbm>>
    %dma_wait3A_201 = arith.constant 0 : i32
    %dma_wait3A_202 = arith.constant 0 : i32
    %dma_wait3A_203 = tpu.memref_slice %dma_wait3A_200[%dma_wait3A_201, %dma_wait3A_202] : memref<10240x128xf32, #tpu.memory_space<hbm>> -> memref<10240x128xf32, #tpu.memory_space<hbm>>
    tpu.wait_indirect_dma semaphore(%arg13 : memref<!tpu.dma_semaphore, #tpu.memory_space<semaphore_mem>>) src(%dma_wait3A_203 : memref<10240x128xf32, #tpu.memory_space<hbm>>) dst(%arg11 : memref<128x128xf32, #tpu.memory_space<vmem>>)
    %dma_wait3A_204 = arith.constant 4 : i32
    %dma_wait3A_205 = arith.constant 0 : i32
    %dma_wait3A_206 = tpu.memref_slice %arg7[%dma_wait3A_204, %dma_wait3A_205] : memref<8x128xi32, #tpu.memory_space<vmem>> -> memref<1x128xi32, #tpu.memory_space<vmem>>
    %dma_wait3A_207 = tpu.memref_squeeze %dma_wait3A_206 : memref<1x128xi32, #tpu.memory_space<vmem>> -> memref<128xi32, #tpu.memory_space<vmem>>
    %dma_wait3A_208 = arith.constant 0 : i32
    %dma_wait3A_209 = arith.constant 0 : i32
    %dma_wait3A_210 = tpu.memref_slice %arg12[%dma_wait3A_208, %dma_wait3A_209] : memref<10240x128xf32, #tpu.memory_space<vmem_shared>> -> memref<10240x128xf32, #tpu.memory_space<vmem_shared>>
    tpu.wait_indirect_dma semaphore(%arg14 : memref<!tpu.dma_semaphore, #tpu.memory_space<semaphore_mem>>) src(%arg10 : memref<128x128xf32, #tpu.memory_space<vmem>>) dst(%dma_wait3A_210 : memref<10240x128xf32, #tpu.memory_space<vmem_shared>>)
    %dma_start3A_211 = arith.constant 768 : i32
    %dma_start3A_212 = tpu.memref_slice %arg6[%dma_start3A_211] : memref<1024xi32, #tpu.memory_space<vmem>> -> memref<128xi32, #tpu.memory_space<vmem>>
    %dma_start3A_213 = arith.constant 0 : i32
    %dma_start3A_214 = tpu.memref_slice %arg2[%mul3A_0, %dma_start3A_213] : memref<20480x128xf32, #tpu.memory_space<hbm>> -> memref<10240x128xf32, #tpu.memory_space<hbm>>
    %dma_start3A_215 = arith.constant 0 : i32
    %dma_start3A_216 = arith.constant 0 : i32
    %dma_start3A_217 = tpu.memref_slice %dma_start3A_214[%dma_start3A_215, %dma_start3A_216] : memref<10240x128xf32, #tpu.memory_space<hbm>> -> memref<10240x128xf32, #tpu.memory_space<hbm>>
    tpu.enqueue_indirect_dma source(%dma_start3A_217 : memref<10240x128xf32, #tpu.memory_space<hbm>>) target(%arg10 : memref<128x128xf32, #tpu.memory_space<vmem>>) offsets(%dma_start3A_212 : memref<128xi32, #tpu.memory_space<vmem>>) semaphore(%arg13 : memref<!tpu.dma_semaphore, #tpu.memory_space<semaphore_mem>>)
    %dma_start3A_218 = arith.constant 5 : i32
    %dma_start3A_219 = arith.constant 0 : i32
    %dma_start3A_220 = tpu.memref_slice %arg7[%dma_start3A_218, %dma_start3A_219] : memref<8x128xi32, #tpu.memory_space<vmem>> -> memref<1x128xi32, #tpu.memory_space<vmem>>
    %dma_start3A_221 = tpu.memref_squeeze %dma_start3A_220 : memref<1x128xi32, #tpu.memory_space<vmem>> -> memref<128xi32, #tpu.memory_space<vmem>>
    %dma_start3A_222 = arith.constant 0 : i32
    %dma_start3A_223 = arith.constant 0 : i32
    %dma_start3A_224 = tpu.memref_slice %arg12[%dma_start3A_222, %dma_start3A_223] : memref<10240x128xf32, #tpu.memory_space<vmem_shared>> -> memref<10240x128xf32, #tpu.memory_space<vmem_shared>>
    tpu.enqueue_indirect_dma source(%arg11 : memref<128x128xf32, #tpu.memory_space<vmem>>) target(%dma_start3A_224 : memref<10240x128xf32, #tpu.memory_space<vmem_shared>>) offsets(%dma_start3A_221 : memref<128xi32, #tpu.memory_space<vmem>>) semaphore(%arg14 : memref<!tpu.dma_semaphore, #tpu.memory_space<semaphore_mem>>) {add = true}
    %dma_wait3A_225 = arith.constant 768 : i32
    %dma_wait3A_226 = tpu.memref_slice %arg6[%dma_wait3A_225] : memref<1024xi32, #tpu.memory_space<vmem>> -> memref<128xi32, #tpu.memory_space<vmem>>
    %dma_wait3A_227 = arith.constant 0 : i32
    %dma_wait3A_228 = tpu.memref_slice %arg2[%mul3A_0, %dma_wait3A_227] : memref<20480x128xf32, #tpu.memory_space<hbm>> -> memref<10240x128xf32, #tpu.memory_space<hbm>>
    %dma_wait3A_229 = arith.constant 0 : i32
    %dma_wait3A_230 = arith.constant 0 : i32
    %dma_wait3A_231 = tpu.memref_slice %dma_wait3A_228[%dma_wait3A_229, %dma_wait3A_230] : memref<10240x128xf32, #tpu.memory_space<hbm>> -> memref<10240x128xf32, #tpu.memory_space<hbm>>
    tpu.wait_indirect_dma semaphore(%arg13 : memref<!tpu.dma_semaphore, #tpu.memory_space<semaphore_mem>>) src(%dma_wait3A_231 : memref<10240x128xf32, #tpu.memory_space<hbm>>) dst(%arg10 : memref<128x128xf32, #tpu.memory_space<vmem>>)
    %dma_wait3A_232 = arith.constant 5 : i32
    %dma_wait3A_233 = arith.constant 0 : i32
    %dma_wait3A_234 = tpu.memref_slice %arg7[%dma_wait3A_232, %dma_wait3A_233] : memref<8x128xi32, #tpu.memory_space<vmem>> -> memref<1x128xi32, #tpu.memory_space<vmem>>
    %dma_wait3A_235 = tpu.memref_squeeze %dma_wait3A_234 : memref<1x128xi32, #tpu.memory_space<vmem>> -> memref<128xi32, #tpu.memory_space<vmem>>
    %dma_wait3A_236 = arith.constant 0 : i32
    %dma_wait3A_237 = arith.constant 0 : i32
    %dma_wait3A_238 = tpu.memref_slice %arg12[%dma_wait3A_236, %dma_wait3A_237] : memref<10240x128xf32, #tpu.memory_space<vmem_shared>> -> memref<10240x128xf32, #tpu.memory_space<vmem_shared>>
    tpu.wait_indirect_dma semaphore(%arg14 : memref<!tpu.dma_semaphore, #tpu.memory_space<semaphore_mem>>) src(%arg11 : memref<128x128xf32, #tpu.memory_space<vmem>>) dst(%dma_wait3A_238 : memref<10240x128xf32, #tpu.memory_space<vmem_shared>>)
    %dma_start3A_239 = arith.constant 896 : i32
    %dma_start3A_240 = tpu.memref_slice %arg6[%dma_start3A_239] : memref<1024xi32, #tpu.memory_space<vmem>> -> memref<128xi32, #tpu.memory_space<vmem>>
    %dma_start3A_241 = arith.constant 0 : i32
    %dma_start3A_242 = tpu.memref_slice %arg2[%mul3A_0, %dma_start3A_241] : memref<20480x128xf32, #tpu.memory_space<hbm>> -> memref<10240x128xf32, #tpu.memory_space<hbm>>
    %dma_start3A_243 = arith.constant 0 : i32
    %dma_start3A_244 = arith.constant 0 : i32
    %dma_start3A_245 = tpu.memref_slice %dma_start3A_242[%dma_start3A_243, %dma_start3A_244] : memref<10240x128xf32, #tpu.memory_space<hbm>> -> memref<10240x128xf32, #tpu.memory_space<hbm>>
    tpu.enqueue_indirect_dma source(%dma_start3A_245 : memref<10240x128xf32, #tpu.memory_space<hbm>>) target(%arg11 : memref<128x128xf32, #tpu.memory_space<vmem>>) offsets(%dma_start3A_240 : memref<128xi32, #tpu.memory_space<vmem>>) semaphore(%arg13 : memref<!tpu.dma_semaphore, #tpu.memory_space<semaphore_mem>>)
    %dma_start3A_246 = arith.constant 6 : i32
    %dma_start3A_247 = arith.constant 0 : i32
    %dma_start3A_248 = tpu.memref_slice %arg7[%dma_start3A_246, %dma_start3A_247] : memref<8x128xi32, #tpu.memory_space<vmem>> -> memref<1x128xi32, #tpu.memory_space<vmem>>
    %dma_start3A_249 = tpu.memref_squeeze %dma_start3A_248 : memref<1x128xi32, #tpu.memory_space<vmem>> -> memref<128xi32, #tpu.memory_space<vmem>>
    %dma_start3A_250 = arith.constant 0 : i32
    %dma_start3A_251 = arith.constant 0 : i32
    %dma_start3A_252 = tpu.memref_slice %arg12[%dma_start3A_250, %dma_start3A_251] : memref<10240x128xf32, #tpu.memory_space<vmem_shared>> -> memref<10240x128xf32, #tpu.memory_space<vmem_shared>>
    tpu.enqueue_indirect_dma source(%arg10 : memref<128x128xf32, #tpu.memory_space<vmem>>) target(%dma_start3A_252 : memref<10240x128xf32, #tpu.memory_space<vmem_shared>>) offsets(%dma_start3A_249 : memref<128xi32, #tpu.memory_space<vmem>>) semaphore(%arg14 : memref<!tpu.dma_semaphore, #tpu.memory_space<semaphore_mem>>) {add = true}
    %add3A_253 = arith.constant 8 : i32
    %add3A_254 = arith.addi %mul3A_2, %add3A_253 : i32
    %mul3A_255 = arith.constant 128 : i32
    %mul3A_256 = arith.muli %add3A_254, %mul3A_255 : i32
    %dma_wait3A_257 = tpu.memref_slice %arg3[%mul3A_256] : memref<327680xi32, #tpu.memory_space<hbm>> -> memref<1024xi32, #tpu.memory_space<hbm>>
    %dma_wait3A_258 = tpu.memref_slice %arg3[%mul3A_256] : memref<327680xi32, #tpu.memory_space<hbm>> -> memref<1024xi32, #tpu.memory_space<hbm>>
    tpu.wait_dma2 semaphore(%arg15 : memref<!tpu.dma_semaphore, #tpu.memory_space<semaphore_mem>>) src(%dma_wait3A_258 : memref<1024xi32, #tpu.memory_space<hbm>>) dst(%arg8 : memref<1024xi32, #tpu.memory_space<vmem>>)
    %dma_wait3A_259 = arith.constant 0 : i32
    %dma_wait3A_260 = tpu.memref_slice %arg4[%add3A_254, %dma_wait3A_259] : memref<2560x128xi32, #tpu.memory_space<hbm>> -> memref<8x128xi32, #tpu.memory_space<hbm>>
    %dma_wait3A_261 = arith.constant 0 : i32
    %dma_wait3A_262 = tpu.memref_slice %arg4[%add3A_254, %dma_wait3A_261] : memref<2560x128xi32, #tpu.memory_space<hbm>> -> memref<8x128xi32, #tpu.memory_space<hbm>>
    tpu.wait_dma2 semaphore(%arg15 : memref<!tpu.dma_semaphore, #tpu.memory_space<semaphore_mem>>) src(%dma_wait3A_262 : memref<8x128xi32, #tpu.memory_space<hbm>>) dst(%arg9 : memref<8x128xi32, #tpu.memory_space<vmem>>)
    %dma_wait3A_263 = arith.constant 896 : i32
    %dma_wait3A_264 = tpu.memref_slice %arg6[%dma_wait3A_263] : memref<1024xi32, #tpu.memory_space<vmem>> -> memref<128xi32, #tpu.memory_space<vmem>>
    %dma_wait3A_265 = arith.constant 0 : i32
    %dma_wait3A_266 = tpu.memref_slice %arg2[%mul3A_0, %dma_wait3A_265] : memref<20480x128xf32, #tpu.memory_space<hbm>> -> memref<10240x128xf32, #tpu.memory_space<hbm>>
    %dma_wait3A_267 = arith.constant 0 : i32
    %dma_wait3A_268 = arith.constant 0 : i32
    %dma_wait3A_269 = tpu.memref_slice %dma_wait3A_266[%dma_wait3A_267, %dma_wait3A_268] : memref<10240x128xf32, #tpu.memory_space<hbm>> -> memref<10240x128xf32, #tpu.memory_space<hbm>>
    tpu.wait_indirect_dma semaphore(%arg13 : memref<!tpu.dma_semaphore, #tpu.memory_space<semaphore_mem>>) src(%dma_wait3A_269 : memref<10240x128xf32, #tpu.memory_space<hbm>>) dst(%arg11 : memref<128x128xf32, #tpu.memory_space<vmem>>)
    %dma_wait3A_270 = arith.constant 6 : i32
    %dma_wait3A_271 = arith.constant 0 : i32
    %dma_wait3A_272 = tpu.memref_slice %arg7[%dma_wait3A_270, %dma_wait3A_271] : memref<8x128xi32, #tpu.memory_space<vmem>> -> memref<1x128xi32, #tpu.memory_space<vmem>>
    %dma_wait3A_273 = tpu.memref_squeeze %dma_wait3A_272 : memref<1x128xi32, #tpu.memory_space<vmem>> -> memref<128xi32, #tpu.memory_space<vmem>>
    %dma_wait3A_274 = arith.constant 0 : i32
    %dma_wait3A_275 = arith.constant 0 : i32
    %dma_wait3A_276 = tpu.memref_slice %arg12[%dma_wait3A_274, %dma_wait3A_275] : memref<10240x128xf32, #tpu.memory_space<vmem_shared>> -> memref<10240x128xf32, #tpu.memory_space<vmem_shared>>
    tpu.wait_indirect_dma semaphore(%arg14 : memref<!tpu.dma_semaphore, #tpu.memory_space<semaphore_mem>>) src(%arg10 : memref<128x128xf32, #tpu.memory_space<vmem>>) dst(%dma_wait3A_276 : memref<10240x128xf32, #tpu.memory_space<vmem_shared>>)
    %dma_start3A_277 = arith.constant 0 : i32
    %dma_start3A_278 = tpu.memref_slice %arg8[%dma_start3A_277] : memref<1024xi32, #tpu.memory_space<vmem>> -> memref<128xi32, #tpu.memory_space<vmem>>
    %dma_start3A_279 = arith.constant 0 : i32
    %dma_start3A_280 = tpu.memref_slice %arg2[%mul3A_0, %dma_start3A_279] : memref<20480x128xf32, #tpu.memory_space<hbm>> -> memref<10240x128xf32, #tpu.memory_space<hbm>>
    %dma_start3A_281 = arith.constant 0 : i32
    %dma_start3A_282 = arith.constant 0 : i32
    %dma_start3A_283 = tpu.memref_slice %dma_start3A_280[%dma_start3A_281, %dma_start3A_282] : memref<10240x128xf32, #tpu.memory_space<hbm>> -> memref<10240x128xf32, #tpu.memory_space<hbm>>
    tpu.enqueue_indirect_dma source(%dma_start3A_283 : memref<10240x128xf32, #tpu.memory_space<hbm>>) target(%arg10 : memref<128x128xf32, #tpu.memory_space<vmem>>) offsets(%dma_start3A_278 : memref<128xi32, #tpu.memory_space<vmem>>) semaphore(%arg13 : memref<!tpu.dma_semaphore, #tpu.memory_space<semaphore_mem>>)
    %dma_start3A_284 = arith.constant 7 : i32
    %dma_start3A_285 = arith.constant 0 : i32
    %dma_start3A_286 = tpu.memref_slice %arg7[%dma_start3A_284, %dma_start3A_285] : memref<8x128xi32, #tpu.memory_space<vmem>> -> memref<1x128xi32, #tpu.memory_space<vmem>>
    %dma_start3A_287 = tpu.memref_squeeze %dma_start3A_286 : memref<1x128xi32, #tpu.memory_space<vmem>> -> memref<128xi32, #tpu.memory_space<vmem>>
    %dma_start3A_288 = arith.constant 0 : i32
    %dma_start3A_289 = arith.constant 0 : i32
    %dma_start3A_290 = tpu.memref_slice %arg12[%dma_start3A_288, %dma_start3A_289] : memref<10240x128xf32, #tpu.memory_space<vmem_shared>> -> memref<10240x128xf32, #tpu.memory_space<vmem_shared>>
    tpu.enqueue_indirect_dma source(%arg11 : memref<128x128xf32, #tpu.memory_space<vmem>>) target(%dma_start3A_290 : memref<10240x128xf32, #tpu.memory_space<vmem_shared>>) offsets(%dma_start3A_287 : memref<128xi32, #tpu.memory_space<vmem>>) semaphore(%arg14 : memref<!tpu.dma_semaphore, #tpu.memory_space<semaphore_mem>>) {add = true}
    %scan3A_291 = arith.constant 0 : i32
    %scan3A_292 = arith.constant 0 : i32
    %scan3A_293 = arith.constant 9 : i32
    %scan3A_294 = arith.addi %scan3A_292, %scan3A_293 : i32
    %scan3A_295 = arith.constant 1 : i32
    %scan3A_296 = scf.for %scan3A_527 = %scan3A_292 to %scan3A_294 step %scan3A_295 iter_args(%scan3A_528 = %scan3A_291) -> (i32)  : i32 {
      %mul3A_529 = arith.constant 2 : i32
      %mul3A_530 = arith.muli %mul3A_529, %scan3A_527 : i32
      %add3A_531 = arith.constant 1 : i32
      %add3A_532 = arith.addi %mul3A_530, %add3A_531 : i32
      %mul3A_533 = arith.constant 2 : i32
      %mul3A_534 = arith.muli %mul3A_533, %scan3A_527 : i32
      %add3A_535 = arith.constant 2 : i32
      %add3A_536 = arith.addi %mul3A_534, %add3A_535 : i32
      %dma_wait3A_537 = arith.constant 0 : i32
      %dma_wait3A_538 = tpu.memref_slice %arg8[%dma_wait3A_537] : memref<1024xi32, #tpu.memory_space<vmem>> -> memref<128xi32, #tpu.memory_space<vmem>>
      %dma_wait3A_539 = arith.constant 0 : i32
      %dma_wait3A_540 = tpu.memref_slice %arg2[%mul3A_0, %dma_wait3A_539] : memref<20480x128xf32, #tpu.memory_space<hbm>> -> memref<10240x128xf32, #tpu.memory_space<hbm>>
      %dma_wait3A_541 = arith.constant 0 : i32
      %dma_wait3A_542 = arith.constant 0 : i32
      %dma_wait3A_543 = tpu.memref_slice %dma_wait3A_540[%dma_wait3A_541, %dma_wait3A_542] : memref<10240x128xf32, #tpu.memory_space<hbm>> -> memref<10240x128xf32, #tpu.memory_space<hbm>>
      tpu.wait_indirect_dma semaphore(%arg13 : memref<!tpu.dma_semaphore, #tpu.memory_space<semaphore_mem>>) src(%dma_wait3A_543 : memref<10240x128xf32, #tpu.memory_space<hbm>>) dst(%arg10 : memref<128x128xf32, #tpu.memory_space<vmem>>)
      %dma_wait3A_544 = arith.constant 7 : i32
      %dma_wait3A_545 = arith.constant 0 : i32
      %dma_wait3A_546 = tpu.memref_slice %arg7[%dma_wait3A_544, %dma_wait3A_545] : memref<8x128xi32, #tpu.memory_space<vmem>> -> memref<1x128xi32, #tpu.memory_space<vmem>>
      %dma_wait3A_547 = tpu.memref_squeeze %dma_wait3A_546 : memref<1x128xi32, #tpu.memory_space<vmem>> -> memref<128xi32, #tpu.memory_space<vmem>>
      %dma_wait3A_548 = arith.constant 0 : i32
      %dma_wait3A_549 = arith.constant 0 : i32
      %dma_wait3A_550 = tpu.memref_slice %arg12[%dma_wait3A_548, %dma_wait3A_549] : memref<10240x128xf32, #tpu.memory_space<vmem_shared>> -> memref<10240x128xf32, #tpu.memory_space<vmem_shared>>
      tpu.wait_indirect_dma semaphore(%arg14 : memref<!tpu.dma_semaphore, #tpu.memory_space<semaphore_mem>>) src(%arg11 : memref<128x128xf32, #tpu.memory_space<vmem>>) dst(%dma_wait3A_550 : memref<10240x128xf32, #tpu.memory_space<vmem_shared>>)
      %dma_start3A_551 = arith.constant 128 : i32
      %dma_start3A_552 = tpu.memref_slice %arg8[%dma_start3A_551] : memref<1024xi32, #tpu.memory_space<vmem>> -> memref<128xi32, #tpu.memory_space<vmem>>
      %dma_start3A_553 = arith.constant 0 : i32
      %dma_start3A_554 = tpu.memref_slice %arg2[%mul3A_0, %dma_start3A_553] : memref<20480x128xf32, #tpu.memory_space<hbm>> -> memref<10240x128xf32, #tpu.memory_space<hbm>>
      %dma_start3A_555 = arith.constant 0 : i32
      %dma_start3A_556 = arith.constant 0 : i32
      %dma_start3A_557 = tpu.memref_slice %dma_start3A_554[%dma_start3A_555, %dma_start3A_556] : memref<10240x128xf32, #tpu.memory_space<hbm>> -> memref<10240x128xf32, #tpu.memory_space<hbm>>
      tpu.enqueue_indirect_dma source(%dma_start3A_557 : memref<10240x128xf32, #tpu.memory_space<hbm>>) target(%arg11 : memref<128x128xf32, #tpu.memory_space<vmem>>) offsets(%dma_start3A_552 : memref<128xi32, #tpu.memory_space<vmem>>) semaphore(%arg13 : memref<!tpu.dma_semaphore, #tpu.memory_space<semaphore_mem>>)
      %dma_start3A_558 = arith.constant 0 : i32
      %dma_start3A_559 = arith.constant 0 : i32
      %dma_start3A_560 = tpu.memref_slice %arg9[%dma_start3A_558, %dma_start3A_559] : memref<8x128xi32, #tpu.memory_space<vmem>> -> memref<1x128xi32, #tpu.memory_space<vmem>>
      %dma_start3A_561 = tpu.memref_squeeze %dma_start3A_560 : memref<1x128xi32, #tpu.memory_space<vmem>> -> memref<128xi32, #tpu.memory_space<vmem>>
      %dma_start3A_562 = arith.constant 0 : i32
      %dma_start3A_563 = arith.constant 0 : i32
      %dma_start3A_564 = tpu.memref_slice %arg12[%dma_start3A_562, %dma_start3A_563] : memref<10240x128xf32, #tpu.memory_space<vmem_shared>> -> memref<10240x128xf32, #tpu.memory_space<vmem_shared>>
      tpu.enqueue_indirect_dma source(%arg10 : memref<128x128xf32, #tpu.memory_space<vmem>>) target(%dma_start3A_564 : memref<10240x128xf32, #tpu.memory_space<vmem_shared>>) offsets(%dma_start3A_561 : memref<128xi32, #tpu.memory_space<vmem>>) semaphore(%arg14 : memref<!tpu.dma_semaphore, #tpu.memory_space<semaphore_mem>>) {add = true}
      %add3A_565 = arith.constant 1 : i32
      %add3A_566 = arith.addi %add3A_532, %add3A_565 : i32
      %mul3A_567 = arith.constant 8 : i32
      %mul3A_568 = arith.muli %add3A_566, %mul3A_567 : i32
      %add3A_569 = arith.addi %mul3A_2, %mul3A_568 : i32
      %mul3A_570 = arith.constant 128 : i32
      %mul3A_571 = arith.muli %add3A_569, %mul3A_570 : i32
      %dma_start3A_572 = tpu.memref_slice %arg3[%mul3A_571] : memref<327680xi32, #tpu.memory_space<hbm>> -> memref<1024xi32, #tpu.memory_space<hbm>>
      %dma_start3A_573 = tpu.memref_slice %arg3[%mul3A_571] : memref<327680xi32, #tpu.memory_space<hbm>> -> memref<1024xi32, #tpu.memory_space<hbm>>
      tpu.enqueue_dma source(%dma_start3A_573 : memref<1024xi32, #tpu.memory_space<hbm>>) target(%arg6 : memref<1024xi32, #tpu.memory_space<vmem>>) target_semaphore(%arg15 : memref<!tpu.dma_semaphore, #tpu.memory_space<semaphore_mem>>)
      %dma_start3A_574 = arith.constant 0 : i32
      %dma_start3A_575 = tpu.memref_slice %arg4[%add3A_569, %dma_start3A_574] : memref<2560x128xi32, #tpu.memory_space<hbm>> -> memref<8x128xi32, #tpu.memory_space<hbm>>
      %dma_start3A_576 = arith.constant 0 : i32
      %dma_start3A_577 = tpu.memref_slice %arg4[%add3A_569, %dma_start3A_576] : memref<2560x128xi32, #tpu.memory_space<hbm>> -> memref<8x128xi32, #tpu.memory_space<hbm>>
      tpu.enqueue_dma source(%dma_start3A_577 : memref<8x128xi32, #tpu.memory_space<hbm>>) target(%arg7 : memref<8x128xi32, #tpu.memory_space<vmem>>) target_semaphore(%arg15 : memref<!tpu.dma_semaphore, #tpu.memory_space<semaphore_mem>>)
      %dma_wait3A_578 = arith.constant 128 : i32
      %dma_wait3A_579 = tpu.memref_slice %arg8[%dma_wait3A_578] : memref<1024xi32, #tpu.memory_space<vmem>> -> memref<128xi32, #tpu.memory_space<vmem>>
      %dma_wait3A_580 = arith.constant 0 : i32
      %dma_wait3A_581 = tpu.memref_slice %arg2[%mul3A_0, %dma_wait3A_580] : memref<20480x128xf32, #tpu.memory_space<hbm>> -> memref<10240x128xf32, #tpu.memory_space<hbm>>
      %dma_wait3A_582 = arith.constant 0 : i32
      %dma_wait3A_583 = arith.constant 0 : i32
      %dma_wait3A_584 = tpu.memref_slice %dma_wait3A_581[%dma_wait3A_582, %dma_wait3A_583] : memref<10240x128xf32, #tpu.memory_space<hbm>> -> memref<10240x128xf32, #tpu.memory_space<hbm>>
      tpu.wait_indirect_dma semaphore(%arg13 : memref<!tpu.dma_semaphore, #tpu.memory_space<semaphore_mem>>) src(%dma_wait3A_584 : memref<10240x128xf32, #tpu.memory_space<hbm>>) dst(%arg11 : memref<128x128xf32, #tpu.memory_space<vmem>>)
      %dma_wait3A_585 = arith.constant 0 : i32
      %dma_wait3A_586 = arith.constant 0 : i32
      %dma_wait3A_587 = tpu.memref_slice %arg9[%dma_wait3A_585, %dma_wait3A_586] : memref<8x128xi32, #tpu.memory_space<vmem>> -> memref<1x128xi32, #tpu.memory_space<vmem>>
      %dma_wait3A_588 = tpu.memref_squeeze %dma_wait3A_587 : memref<1x128xi32, #tpu.memory_space<vmem>> -> memref<128xi32, #tpu.memory_space<vmem>>
      %dma_wait3A_589 = arith.constant 0 : i32
      %dma_wait3A_590 = arith.constant 0 : i32
      %dma_wait3A_591 = tpu.memref_slice %arg12[%dma_wait3A_589, %dma_wait3A_590] : memref<10240x128xf32, #tpu.memory_space<vmem_shared>> -> memref<10240x128xf32, #tpu.memory_space<vmem_shared>>
      tpu.wait_indirect_dma semaphore(%arg14 : memref<!tpu.dma_semaphore, #tpu.memory_space<semaphore_mem>>) src(%arg10 : memref<128x128xf32, #tpu.memory_space<vmem>>) dst(%dma_wait3A_591 : memref<10240x128xf32, #tpu.memory_space<vmem_shared>>)
      %dma_start3A_592 = arith.constant 256 : i32
      %dma_start3A_593 = tpu.memref_slice %arg8[%dma_start3A_592] : memref<1024xi32, #tpu.memory_space<vmem>> -> memref<128xi32, #tpu.memory_space<vmem>>
      %dma_start3A_594 = arith.constant 0 : i32
      %dma_start3A_595 = tpu.memref_slice %arg2[%mul3A_0, %dma_start3A_594] : memref<20480x128xf32, #tpu.memory_space<hbm>> -> memref<10240x128xf32, #tpu.memory_space<hbm>>
      %dma_start3A_596 = arith.constant 0 : i32
      %dma_start3A_597 = arith.constant 0 : i32
      %dma_start3A_598 = tpu.memref_slice %dma_start3A_595[%dma_start3A_596, %dma_start3A_597] : memref<10240x128xf32, #tpu.memory_space<hbm>> -> memref<10240x128xf32, #tpu.memory_space<hbm>>
      tpu.enqueue_indirect_dma source(%dma_start3A_598 : memref<10240x128xf32, #tpu.memory_space<hbm>>) target(%arg10 : memref<128x128xf32, #tpu.memory_space<vmem>>) offsets(%dma_start3A_593 : memref<128xi32, #tpu.memory_space<vmem>>) semaphore(%arg13 : memref<!tpu.dma_semaphore, #tpu.memory_space<semaphore_mem>>)
      %dma_start3A_599 = arith.constant 1 : i32
      %dma_start3A_600 = arith.constant 0 : i32
      %dma_start3A_601 = tpu.memref_slice %arg9[%dma_start3A_599, %dma_start3A_600] : memref<8x128xi32, #tpu.memory_space<vmem>> -> memref<1x128xi32, #tpu.memory_space<vmem>>
      %dma_start3A_602 = tpu.memref_squeeze %dma_start3A_601 : memref<1x128xi32, #tpu.memory_space<vmem>> -> memref<128xi32, #tpu.memory_space<vmem>>
      %dma_start3A_603 = arith.constant 0 : i32
      %dma_start3A_604 = arith.constant 0 : i32
      %dma_start3A_605 = tpu.memref_slice %arg12[%dma_start3A_603, %dma_start3A_604] : memref<10240x128xf32, #tpu.memory_space<vmem_shared>> -> memref<10240x128xf32, #tpu.memory_space<vmem_shared>>
      tpu.enqueue_indirect_dma source(%arg11 : memref<128x128xf32, #tpu.memory_space<vmem>>) target(%dma_start3A_605 : memref<10240x128xf32, #tpu.memory_space<vmem_shared>>) offsets(%dma_start3A_602 : memref<128xi32, #tpu.memory_space<vmem>>) semaphore(%arg14 : memref<!tpu.dma_semaphore, #tpu.memory_space<semaphore_mem>>) {add = true}
      %dma_wait3A_606 = arith.constant 256 : i32
      %dma_wait3A_607 = tpu.memref_slice %arg8[%dma_wait3A_606] : memref<1024xi32, #tpu.memory_space<vmem>> -> memref<128xi32, #tpu.memory_space<vmem>>
      %dma_wait3A_608 = arith.constant 0 : i32
      %dma_wait3A_609 = tpu.memref_slice %arg2[%mul3A_0, %dma_wait3A_608] : memref<20480x128xf32, #tpu.memory_space<hbm>> -> memref<10240x128xf32, #tpu.memory_space<hbm>>
      %dma_wait3A_610 = arith.constant 0 : i32
      %dma_wait3A_611 = arith.constant 0 : i32
      %dma_wait3A_612 = tpu.memref_slice %dma_wait3A_609[%dma_wait3A_610, %dma_wait3A_611] : memref<10240x128xf32, #tpu.memory_space<hbm>> -> memref<10240x128xf32, #tpu.memory_space<hbm>>
      tpu.wait_indirect_dma semaphore(%arg13 : memref<!tpu.dma_semaphore, #tpu.memory_space<semaphore_mem>>) src(%dma_wait3A_612 : memref<10240x128xf32, #tpu.memory_space<hbm>>) dst(%arg10 : memref<128x128xf32, #tpu.memory_space<vmem>>)
      %dma_wait3A_613 = arith.constant 1 : i32
      %dma_wait3A_614 = arith.constant 0 : i32
      %dma_wait3A_615 = tpu.memref_slice %arg9[%dma_wait3A_613, %dma_wait3A_614] : memref<8x128xi32, #tpu.memory_space<vmem>> -> memref<1x128xi32, #tpu.memory_space<vmem>>
      %dma_wait3A_616 = tpu.memref_squeeze %dma_wait3A_615 : memref<1x128xi32, #tpu.memory_space<vmem>> -> memref<128xi32, #tpu.memory_space<vmem>>
      %dma_wait3A_617 = arith.constant 0 : i32
      %dma_wait3A_618 = arith.constant 0 : i32
      %dma_wait3A_619 = tpu.memref_slice %arg12[%dma_wait3A_617, %dma_wait3A_618] : memref<10240x128xf32, #tpu.memory_space<vmem_shared>> -> memref<10240x128xf32, #tpu.memory_space<vmem_shared>>
      tpu.wait_indirect_dma semaphore(%arg14 : memref<!tpu.dma_semaphore, #tpu.memory_space<semaphore_mem>>) src(%arg11 : memref<128x128xf32, #tpu.memory_space<vmem>>) dst(%dma_wait3A_619 : memref<10240x128xf32, #tpu.memory_space<vmem_shared>>)
      %dma_start3A_620 = arith.constant 384 : i32
      %dma_start3A_621 = tpu.memref_slice %arg8[%dma_start3A_620] : memref<1024xi32, #tpu.memory_space<vmem>> -> memref<128xi32, #tpu.memory_space<vmem>>
      %dma_start3A_622 = arith.constant 0 : i32
      %dma_start3A_623 = tpu.memref_slice %arg2[%mul3A_0, %dma_start3A_622] : memref<20480x128xf32, #tpu.memory_space<hbm>> -> memref<10240x128xf32, #tpu.memory_space<hbm>>
      %dma_start3A_624 = arith.constant 0 : i32
      %dma_start3A_625 = arith.constant 0 : i32
      %dma_start3A_626 = tpu.memref_slice %dma_start3A_623[%dma_start3A_624, %dma_start3A_625] : memref<10240x128xf32, #tpu.memory_space<hbm>> -> memref<10240x128xf32, #tpu.memory_space<hbm>>
      tpu.enqueue_indirect_dma source(%dma_start3A_626 : memref<10240x128xf32, #tpu.memory_space<hbm>>) target(%arg11 : memref<128x128xf32, #tpu.memory_space<vmem>>) offsets(%dma_start3A_621 : memref<128xi32, #tpu.memory_space<vmem>>) semaphore(%arg13 : memref<!tpu.dma_semaphore, #tpu.memory_space<semaphore_mem>>)
      %dma_start3A_627 = arith.constant 2 : i32
      %dma_start3A_628 = arith.constant 0 : i32
      %dma_start3A_629 = tpu.memref_slice %arg9[%dma_start3A_627, %dma_start3A_628] : memref<8x128xi32, #tpu.memory_space<vmem>> -> memref<1x128xi32, #tpu.memory_space<vmem>>
      %dma_start3A_630 = tpu.memref_squeeze %dma_start3A_629 : memref<1x128xi32, #tpu.memory_space<vmem>> -> memref<128xi32, #tpu.memory_space<vmem>>
      %dma_start3A_631 = arith.constant 0 : i32
      %dma_start3A_632 = arith.constant 0 : i32
      %dma_start3A_633 = tpu.memref_slice %arg12[%dma_start3A_631, %dma_start3A_632] : memref<10240x128xf32, #tpu.memory_space<vmem_shared>> -> memref<10240x128xf32, #tpu.memory_space<vmem_shared>>
      tpu.enqueue_indirect_dma source(%arg10 : memref<128x128xf32, #tpu.memory_space<vmem>>) target(%dma_start3A_633 : memref<10240x128xf32, #tpu.memory_space<vmem_shared>>) offsets(%dma_start3A_630 : memref<128xi32, #tpu.memory_space<vmem>>) semaphore(%arg14 : memref<!tpu.dma_semaphore, #tpu.memory_space<semaphore_mem>>) {add = true}
      %dma_wait3A_634 = arith.constant 384 : i32
      %dma_wait3A_635 = tpu.memref_slice %arg8[%dma_wait3A_634] : memref<1024xi32, #tpu.memory_space<vmem>> -> memref<128xi32, #tpu.memory_space<vmem>>
      %dma_wait3A_636 = arith.constant 0 : i32
      %dma_wait3A_637 = tpu.memref_slice %arg2[%mul3A_0, %dma_wait3A_636] : memref<20480x128xf32, #tpu.memory_space<hbm>> -> memref<10240x128xf32, #tpu.memory_space<hbm>>
      %dma_wait3A_638 = arith.constant 0 : i32
      %dma_wait3A_639 = arith.constant 0 : i32
      %dma_wait3A_640 = tpu.memref_slice %dma_wait3A_637[%dma_wait3A_638, %dma_wait3A_639] : memref<10240x128xf32, #tpu.memory_space<hbm>> -> memref<10240x128xf32, #tpu.memory_space<hbm>>
      tpu.wait_indirect_dma semaphore(%arg13 : memref<!tpu.dma_semaphore, #tpu.memory_space<semaphore_mem>>) src(%dma_wait3A_640 : memref<10240x128xf32, #tpu.memory_space<hbm>>) dst(%arg11 : memref<128x128xf32, #tpu.memory_space<vmem>>)
      %dma_wait3A_641 = arith.constant 2 : i32
      %dma_wait3A_642 = arith.constant 0 : i32
      %dma_wait3A_643 = tpu.memref_slice %arg9[%dma_wait3A_641, %dma_wait3A_642] : memref<8x128xi32, #tpu.memory_space<vmem>> -> memref<1x128xi32, #tpu.memory_space<vmem>>
      %dma_wait3A_644 = tpu.memref_squeeze %dma_wait3A_643 : memref<1x128xi32, #tpu.memory_space<vmem>> -> memref<128xi32, #tpu.memory_space<vmem>>
      %dma_wait3A_645 = arith.constant 0 : i32
      %dma_wait3A_646 = arith.constant 0 : i32
      %dma_wait3A_647 = tpu.memref_slice %arg12[%dma_wait3A_645, %dma_wait3A_646] : memref<10240x128xf32, #tpu.memory_space<vmem_shared>> -> memref<10240x128xf32, #tpu.memory_space<vmem_shared>>
      tpu.wait_indirect_dma semaphore(%arg14 : memref<!tpu.dma_semaphore, #tpu.memory_space<semaphore_mem>>) src(%arg10 : memref<128x128xf32, #tpu.memory_space<vmem>>) dst(%dma_wait3A_647 : memref<10240x128xf32, #tpu.memory_space<vmem_shared>>)
      %dma_start3A_648 = arith.constant 512 : i32
      %dma_start3A_649 = tpu.memref_slice %arg8[%dma_start3A_648] : memref<1024xi32, #tpu.memory_space<vmem>> -> memref<128xi32, #tpu.memory_space<vmem>>
      %dma_start3A_650 = arith.constant 0 : i32
      %dma_start3A_651 = tpu.memref_slice %arg2[%mul3A_0, %dma_start3A_650] : memref<20480x128xf32, #tpu.memory_space<hbm>> -> memref<10240x128xf32, #tpu.memory_space<hbm>>
      %dma_start3A_652 = arith.constant 0 : i32
      %dma_start3A_653 = arith.constant 0 : i32
      %dma_start3A_654 = tpu.memref_slice %dma_start3A_651[%dma_start3A_652, %dma_start3A_653] : memref<10240x128xf32, #tpu.memory_space<hbm>> -> memref<10240x128xf32, #tpu.memory_space<hbm>>
      tpu.enqueue_indirect_dma source(%dma_start3A_654 : memref<10240x128xf32, #tpu.memory_space<hbm>>) target(%arg10 : memref<128x128xf32, #tpu.memory_space<vmem>>) offsets(%dma_start3A_649 : memref<128xi32, #tpu.memory_space<vmem>>) semaphore(%arg13 : memref<!tpu.dma_semaphore, #tpu.memory_space<semaphore_mem>>)
      %dma_start3A_655 = arith.constant 3 : i32
      %dma_start3A_656 = arith.constant 0 : i32
      %dma_start3A_657 = tpu.memref_slice %arg9[%dma_start3A_655, %dma_start3A_656] : memref<8x128xi32, #tpu.memory_space<vmem>> -> memref<1x128xi32, #tpu.memory_space<vmem>>
      %dma_start3A_658 = tpu.memref_squeeze %dma_start3A_657 : memref<1x128xi32, #tpu.memory_space<vmem>> -> memref<128xi32, #tpu.memory_space<vmem>>
      %dma_start3A_659 = arith.constant 0 : i32
      %dma_start3A_660 = arith.constant 0 : i32
      %dma_start3A_661 = tpu.memref_slice %arg12[%dma_start3A_659, %dma_start3A_660] : memref<10240x128xf32, #tpu.memory_space<vmem_shared>> -> memref<10240x128xf32, #tpu.memory_space<vmem_shared>>
      tpu.enqueue_indirect_dma source(%arg11 : memref<128x128xf32, #tpu.memory_space<vmem>>) target(%dma_start3A_661 : memref<10240x128xf32, #tpu.memory_space<vmem_shared>>) offsets(%dma_start3A_658 : memref<128xi32, #tpu.memory_space<vmem>>) semaphore(%arg14 : memref<!tpu.dma_semaphore, #tpu.memory_space<semaphore_mem>>) {add = true}
      %dma_wait3A_662 = arith.constant 512 : i32
      %dma_wait3A_663 = tpu.memref_slice %arg8[%dma_wait3A_662] : memref<1024xi32, #tpu.memory_space<vmem>> -> memref<128xi32, #tpu.memory_space<vmem>>
      %dma_wait3A_664 = arith.constant 0 : i32
      %dma_wait3A_665 = tpu.memref_slice %arg2[%mul3A_0, %dma_wait3A_664] : memref<20480x128xf32, #tpu.memory_space<hbm>> -> memref<10240x128xf32, #tpu.memory_space<hbm>>
      %dma_wait3A_666 = arith.constant 0 : i32
      %dma_wait3A_667 = arith.constant 0 : i32
      %dma_wait3A_668 = tpu.memref_slice %dma_wait3A_665[%dma_wait3A_666, %dma_wait3A_667] : memref<10240x128xf32, #tpu.memory_space<hbm>> -> memref<10240x128xf32, #tpu.memory_space<hbm>>
      tpu.wait_indirect_dma semaphore(%arg13 : memref<!tpu.dma_semaphore, #tpu.memory_space<semaphore_mem>>) src(%dma_wait3A_668 : memref<10240x128xf32, #tpu.memory_space<hbm>>) dst(%arg10 : memref<128x128xf32, #tpu.memory_space<vmem>>)
      %dma_wait3A_669 = arith.constant 3 : i32
      %dma_wait3A_670 = arith.constant 0 : i32
      %dma_wait3A_671 = tpu.memref_slice %arg9[%dma_wait3A_669, %dma_wait3A_670] : memref<8x128xi32, #tpu.memory_space<vmem>> -> memref<1x128xi32, #tpu.memory_space<vmem>>
      %dma_wait3A_672 = tpu.memref_squeeze %dma_wait3A_671 : memref<1x128xi32, #tpu.memory_space<vmem>> -> memref<128xi32, #tpu.memory_space<vmem>>
      %dma_wait3A_673 = arith.constant 0 : i32
      %dma_wait3A_674 = arith.constant 0 : i32
      %dma_wait3A_675 = tpu.memref_slice %arg12[%dma_wait3A_673, %dma_wait3A_674] : memref<10240x128xf32, #tpu.memory_space<vmem_shared>> -> memref<10240x128xf32, #tpu.memory_space<vmem_shared>>
      tpu.wait_indirect_dma semaphore(%arg14 : memref<!tpu.dma_semaphore, #tpu.memory_space<semaphore_mem>>) src(%arg11 : memref<128x128xf32, #tpu.memory_space<vmem>>) dst(%dma_wait3A_675 : memref<10240x128xf32, #tpu.memory_space<vmem_shared>>)
      %dma_start3A_676 = arith.constant 640 : i32
      %dma_start3A_677 = tpu.memref_slice %arg8[%dma_start3A_676] : memref<1024xi32, #tpu.memory_space<vmem>> -> memref<128xi32, #tpu.memory_space<vmem>>
      %dma_start3A_678 = arith.constant 0 : i32
      %dma_start3A_679 = tpu.memref_slice %arg2[%mul3A_0, %dma_start3A_678] : memref<20480x128xf32, #tpu.memory_space<hbm>> -> memref<10240x128xf32, #tpu.memory_space<hbm>>
      %dma_start3A_680 = arith.constant 0 : i32
      %dma_start3A_681 = arith.constant 0 : i32
      %dma_start3A_682 = tpu.memref_slice %dma_start3A_679[%dma_start3A_680, %dma_start3A_681] : memref<10240x128xf32, #tpu.memory_space<hbm>> -> memref<10240x128xf32, #tpu.memory_space<hbm>>
      tpu.enqueue_indirect_dma source(%dma_start3A_682 : memref<10240x128xf32, #tpu.memory_space<hbm>>) target(%arg11 : memref<128x128xf32, #tpu.memory_space<vmem>>) offsets(%dma_start3A_677 : memref<128xi32, #tpu.memory_space<vmem>>) semaphore(%arg13 : memref<!tpu.dma_semaphore, #tpu.memory_space<semaphore_mem>>)
      %dma_start3A_683 = arith.constant 4 : i32
      %dma_start3A_684 = arith.constant 0 : i32
      %dma_start3A_685 = tpu.memref_slice %arg9[%dma_start3A_683, %dma_start3A_684] : memref<8x128xi32, #tpu.memory_space<vmem>> -> memref<1x128xi32, #tpu.memory_space<vmem>>
      %dma_start3A_686 = tpu.memref_squeeze %dma_start3A_685 : memref<1x128xi32, #tpu.memory_space<vmem>> -> memref<128xi32, #tpu.memory_space<vmem>>
      %dma_start3A_687 = arith.constant 0 : i32
      %dma_start3A_688 = arith.constant 0 : i32
      %dma_start3A_689 = tpu.memref_slice %arg12[%dma_start3A_687, %dma_start3A_688] : memref<10240x128xf32, #tpu.memory_space<vmem_shared>> -> memref<10240x128xf32, #tpu.memory_space<vmem_shared>>
      tpu.enqueue_indirect_dma source(%arg10 : memref<128x128xf32, #tpu.memory_space<vmem>>) target(%dma_start3A_689 : memref<10240x128xf32, #tpu.memory_space<vmem_shared>>) offsets(%dma_start3A_686 : memref<128xi32, #tpu.memory_space<vmem>>) semaphore(%arg14 : memref<!tpu.dma_semaphore, #tpu.memory_space<semaphore_mem>>) {add = true}
      %dma_wait3A_690 = arith.constant 640 : i32
      %dma_wait3A_691 = tpu.memref_slice %arg8[%dma_wait3A_690] : memref<1024xi32, #tpu.memory_space<vmem>> -> memref<128xi32, #tpu.memory_space<vmem>>
      %dma_wait3A_692 = arith.constant 0 : i32
      %dma_wait3A_693 = tpu.memref_slice %arg2[%mul3A_0, %dma_wait3A_692] : memref<20480x128xf32, #tpu.memory_space<hbm>> -> memref<10240x128xf32, #tpu.memory_space<hbm>>
      %dma_wait3A_694 = arith.constant 0 : i32
      %dma_wait3A_695 = arith.constant 0 : i32
      %dma_wait3A_696 = tpu.memref_slice %dma_wait3A_693[%dma_wait3A_694, %dma_wait3A_695] : memref<10240x128xf32, #tpu.memory_space<hbm>> -> memref<10240x128xf32, #tpu.memory_space<hbm>>
      tpu.wait_indirect_dma semaphore(%arg13 : memref<!tpu.dma_semaphore, #tpu.memory_space<semaphore_mem>>) src(%dma_wait3A_696 : memref<10240x128xf32, #tpu.memory_space<hbm>>) dst(%arg11 : memref<128x128xf32, #tpu.memory_space<vmem>>)
      %dma_wait3A_697 = arith.constant 4 : i32
      %dma_wait3A_698 = arith.constant 0 : i32
      %dma_wait3A_699 = tpu.memref_slice %arg9[%dma_wait3A_697, %dma_wait3A_698] : memref<8x128xi32, #tpu.memory_space<vmem>> -> memref<1x128xi32, #tpu.memory_space<vmem>>
      %dma_wait3A_700 = tpu.memref_squeeze %dma_wait3A_699 : memref<1x128xi32, #tpu.memory_space<vmem>> -> memref<128xi32, #tpu.memory_space<vmem>>
      %dma_wait3A_701 = arith.constant 0 : i32
      %dma_wait3A_702 = arith.constant 0 : i32
      %dma_wait3A_703 = tpu.memref_slice %arg12[%dma_wait3A_701, %dma_wait3A_702] : memref<10240x128xf32, #tpu.memory_space<vmem_shared>> -> memref<10240x128xf32, #tpu.memory_space<vmem_shared>>
      tpu.wait_indirect_dma semaphore(%arg14 : memref<!tpu.dma_semaphore, #tpu.memory_space<semaphore_mem>>) src(%arg10 : memref<128x128xf32, #tpu.memory_space<vmem>>) dst(%dma_wait3A_703 : memref<10240x128xf32, #tpu.memory_space<vmem_shared>>)
      %dma_start3A_704 = arith.constant 768 : i32
      %dma_start3A_705 = tpu.memref_slice %arg8[%dma_start3A_704] : memref<1024xi32, #tpu.memory_space<vmem>> -> memref<128xi32, #tpu.memory_space<vmem>>
      %dma_start3A_706 = arith.constant 0 : i32
      %dma_start3A_707 = tpu.memref_slice %arg2[%mul3A_0, %dma_start3A_706] : memref<20480x128xf32, #tpu.memory_space<hbm>> -> memref<10240x128xf32, #tpu.memory_space<hbm>>
      %dma_start3A_708 = arith.constant 0 : i32
      %dma_start3A_709 = arith.constant 0 : i32
      %dma_start3A_710 = tpu.memref_slice %dma_start3A_707[%dma_start3A_708, %dma_start3A_709] : memref<10240x128xf32, #tpu.memory_space<hbm>> -> memref<10240x128xf32, #tpu.memory_space<hbm>>
      tpu.enqueue_indirect_dma source(%dma_start3A_710 : memref<10240x128xf32, #tpu.memory_space<hbm>>) target(%arg10 : memref<128x128xf32, #tpu.memory_space<vmem>>) offsets(%dma_start3A_705 : memref<128xi32, #tpu.memory_space<vmem>>) semaphore(%arg13 : memref<!tpu.dma_semaphore, #tpu.memory_space<semaphore_mem>>)
      %dma_start3A_711 = arith.constant 5 : i32
      %dma_start3A_712 = arith.constant 0 : i32
      %dma_start3A_713 = tpu.memref_slice %arg9[%dma_start3A_711, %dma_start3A_712] : memref<8x128xi32, #tpu.memory_space<vmem>> -> memref<1x128xi32, #tpu.memory_space<vmem>>
      %dma_start3A_714 = tpu.memref_squeeze %dma_start3A_713 : memref<1x128xi32, #tpu.memory_space<vmem>> -> memref<128xi32, #tpu.memory_space<vmem>>
      %dma_start3A_715 = arith.constant 0 : i32
      %dma_start3A_716 = arith.constant 0 : i32
      %dma_start3A_717 = tpu.memref_slice %arg12[%dma_start3A_715, %dma_start3A_716] : memref<10240x128xf32, #tpu.memory_space<vmem_shared>> -> memref<10240x128xf32, #tpu.memory_space<vmem_shared>>
      tpu.enqueue_indirect_dma source(%arg11 : memref<128x128xf32, #tpu.memory_space<vmem>>) target(%dma_start3A_717 : memref<10240x128xf32, #tpu.memory_space<vmem_shared>>) offsets(%dma_start3A_714 : memref<128xi32, #tpu.memory_space<vmem>>) semaphore(%arg14 : memref<!tpu.dma_semaphore, #tpu.memory_space<semaphore_mem>>) {add = true}
      %dma_wait3A_718 = arith.constant 768 : i32
      %dma_wait3A_719 = tpu.memref_slice %arg8[%dma_wait3A_718] : memref<1024xi32, #tpu.memory_space<vmem>> -> memref<128xi32, #tpu.memory_space<vmem>>
      %dma_wait3A_720 = arith.constant 0 : i32
      %dma_wait3A_721 = tpu.memref_slice %arg2[%mul3A_0, %dma_wait3A_720] : memref<20480x128xf32, #tpu.memory_space<hbm>> -> memref<10240x128xf32, #tpu.memory_space<hbm>>
      %dma_wait3A_722 = arith.constant 0 : i32
      %dma_wait3A_723 = arith.constant 0 : i32
      %dma_wait3A_724 = tpu.memref_slice %dma_wait3A_721[%dma_wait3A_722, %dma_wait3A_723] : memref<10240x128xf32, #tpu.memory_space<hbm>> -> memref<10240x128xf32, #tpu.memory_space<hbm>>
      tpu.wait_indirect_dma semaphore(%arg13 : memref<!tpu.dma_semaphore, #tpu.memory_space<semaphore_mem>>) src(%dma_wait3A_724 : memref<10240x128xf32, #tpu.memory_space<hbm>>) dst(%arg10 : memref<128x128xf32, #tpu.memory_space<vmem>>)
      %dma_wait3A_725 = arith.constant 5 : i32
      %dma_wait3A_726 = arith.constant 0 : i32
      %dma_wait3A_727 = tpu.memref_slice %arg9[%dma_wait3A_725, %dma_wait3A_726] : memref<8x128xi32, #tpu.memory_space<vmem>> -> memref<1x128xi32, #tpu.memory_space<vmem>>
      %dma_wait3A_728 = tpu.memref_squeeze %dma_wait3A_727 : memref<1x128xi32, #tpu.memory_space<vmem>> -> memref<128xi32, #tpu.memory_space<vmem>>
      %dma_wait3A_729 = arith.constant 0 : i32
      %dma_wait3A_730 = arith.constant 0 : i32
      %dma_wait3A_731 = tpu.memref_slice %arg12[%dma_wait3A_729, %dma_wait3A_730] : memref<10240x128xf32, #tpu.memory_space<vmem_shared>> -> memref<10240x128xf32, #tpu.memory_space<vmem_shared>>
      tpu.wait_indirect_dma semaphore(%arg14 : memref<!tpu.dma_semaphore, #tpu.memory_space<semaphore_mem>>) src(%arg11 : memref<128x128xf32, #tpu.memory_space<vmem>>) dst(%dma_wait3A_731 : memref<10240x128xf32, #tpu.memory_space<vmem_shared>>)
      %dma_start3A_732 = arith.constant 896 : i32
      %dma_start3A_733 = tpu.memref_slice %arg8[%dma_start3A_732] : memref<1024xi32, #tpu.memory_space<vmem>> -> memref<128xi32, #tpu.memory_space<vmem>>
      %dma_start3A_734 = arith.constant 0 : i32
      %dma_start3A_735 = tpu.memref_slice %arg2[%mul3A_0, %dma_start3A_734] : memref<20480x128xf32, #tpu.memory_space<hbm>> -> memref<10240x128xf32, #tpu.memory_space<hbm>>
      %dma_start3A_736 = arith.constant 0 : i32
      %dma_start3A_737 = arith.constant 0 : i32
      %dma_start3A_738 = tpu.memref_slice %dma_start3A_735[%dma_start3A_736, %dma_start3A_737] : memref<10240x128xf32, #tpu.memory_space<hbm>> -> memref<10240x128xf32, #tpu.memory_space<hbm>>
      tpu.enqueue_indirect_dma source(%dma_start3A_738 : memref<10240x128xf32, #tpu.memory_space<hbm>>) target(%arg11 : memref<128x128xf32, #tpu.memory_space<vmem>>) offsets(%dma_start3A_733 : memref<128xi32, #tpu.memory_space<vmem>>) semaphore(%arg13 : memref<!tpu.dma_semaphore, #tpu.memory_space<semaphore_mem>>)
      %dma_start3A_739 = arith.constant 6 : i32
      %dma_start3A_740 = arith.constant 0 : i32
      %dma_start3A_741 = tpu.memref_slice %arg9[%dma_start3A_739, %dma_start3A_740] : memref<8x128xi32, #tpu.memory_space<vmem>> -> memref<1x128xi32, #tpu.memory_space<vmem>>
      %dma_start3A_742 = tpu.memref_squeeze %dma_start3A_741 : memref<1x128xi32, #tpu.memory_space<vmem>> -> memref<128xi32, #tpu.memory_space<vmem>>
      %dma_start3A_743 = arith.constant 0 : i32
      %dma_start3A_744 = arith.constant 0 : i32
      %dma_start3A_745 = tpu.memref_slice %arg12[%dma_start3A_743, %dma_start3A_744] : memref<10240x128xf32, #tpu.memory_space<vmem_shared>> -> memref<10240x128xf32, #tpu.memory_space<vmem_shared>>
      tpu.enqueue_indirect_dma source(%arg10 : memref<128x128xf32, #tpu.memory_space<vmem>>) target(%dma_start3A_745 : memref<10240x128xf32, #tpu.memory_space<vmem_shared>>) offsets(%dma_start3A_742 : memref<128xi32, #tpu.memory_space<vmem>>) semaphore(%arg14 : memref<!tpu.dma_semaphore, #tpu.memory_space<semaphore_mem>>) {add = true}
      %add3A_746 = arith.constant 1 : i32
      %add3A_747 = arith.addi %add3A_532, %add3A_746 : i32
      %mul3A_748 = arith.constant 8 : i32
      %mul3A_749 = arith.muli %add3A_747, %mul3A_748 : i32
      %add3A_750 = arith.addi %mul3A_2, %mul3A_749 : i32
      %mul3A_751 = arith.constant 128 : i32
      %mul3A_752 = arith.muli %add3A_750, %mul3A_751 : i32
      %dma_wait3A_753 = tpu.memref_slice %arg3[%mul3A_752] : memref<327680xi32, #tpu.memory_space<hbm>> -> memref<1024xi32, #tpu.memory_space<hbm>>
      %dma_wait3A_754 = tpu.memref_slice %arg3[%mul3A_752] : memref<327680xi32, #tpu.memory_space<hbm>> -> memref<1024xi32, #tpu.memory_space<hbm>>
      tpu.wait_dma2 semaphore(%arg15 : memref<!tpu.dma_semaphore, #tpu.memory_space<semaphore_mem>>) src(%dma_wait3A_754 : memref<1024xi32, #tpu.memory_space<hbm>>) dst(%arg6 : memref<1024xi32, #tpu.memory_space<vmem>>)
      %dma_wait3A_755 = arith.constant 0 : i32
      %dma_wait3A_756 = tpu.memref_slice %arg4[%add3A_750, %dma_wait3A_755] : memref<2560x128xi32, #tpu.memory_space<hbm>> -> memref<8x128xi32, #tpu.memory_space<hbm>>
      %dma_wait3A_757 = arith.constant 0 : i32
      %dma_wait3A_758 = tpu.memref_slice %arg4[%add3A_750, %dma_wait3A_757] : memref<2560x128xi32, #tpu.memory_space<hbm>> -> memref<8x128xi32, #tpu.memory_space<hbm>>
      tpu.wait_dma2 semaphore(%arg15 : memref<!tpu.dma_semaphore, #tpu.memory_space<semaphore_mem>>) src(%dma_wait3A_758 : memref<8x128xi32, #tpu.memory_space<hbm>>) dst(%arg7 : memref<8x128xi32, #tpu.memory_space<vmem>>)
      %dma_wait3A_759 = arith.constant 896 : i32
      %dma_wait3A_760 = tpu.memref_slice %arg8[%dma_wait3A_759] : memref<1024xi32, #tpu.memory_space<vmem>> -> memref<128xi32, #tpu.memory_space<vmem>>
      %dma_wait3A_761 = arith.constant 0 : i32
      %dma_wait3A_762 = tpu.memref_slice %arg2[%mul3A_0, %dma_wait3A_761] : memref<20480x128xf32, #tpu.memory_space<hbm>> -> memref<10240x128xf32, #tpu.memory_space<hbm>>
      %dma_wait3A_763 = arith.constant 0 : i32
      %dma_wait3A_764 = arith.constant 0 : i32
      %dma_wait3A_765 = tpu.memref_slice %dma_wait3A_762[%dma_wait3A_763, %dma_wait3A_764] : memref<10240x128xf32, #tpu.memory_space<hbm>> -> memref<10240x128xf32, #tpu.memory_space<hbm>>
      tpu.wait_indirect_dma semaphore(%arg13 : memref<!tpu.dma_semaphore, #tpu.memory_space<semaphore_mem>>) src(%dma_wait3A_765 : memref<10240x128xf32, #tpu.memory_space<hbm>>) dst(%arg11 : memref<128x128xf32, #tpu.memory_space<vmem>>)
      %dma_wait3A_766 = arith.constant 6 : i32
      %dma_wait3A_767 = arith.constant 0 : i32
      %dma_wait3A_768 = tpu.memref_slice %arg9[%dma_wait3A_766, %dma_wait3A_767] : memref<8x128xi32, #tpu.memory_space<vmem>> -> memref<1x128xi32, #tpu.memory_space<vmem>>
      %dma_wait3A_769 = tpu.memref_squeeze %dma_wait3A_768 : memref<1x128xi32, #tpu.memory_space<vmem>> -> memref<128xi32, #tpu.memory_space<vmem>>
      %dma_wait3A_770 = arith.constant 0 : i32
      %dma_wait3A_771 = arith.constant 0 : i32
      %dma_wait3A_772 = tpu.memref_slice %arg12[%dma_wait3A_770, %dma_wait3A_771] : memref<10240x128xf32, #tpu.memory_space<vmem_shared>> -> memref<10240x128xf32, #tpu.memory_space<vmem_shared>>
      tpu.wait_indirect_dma semaphore(%arg14 : memref<!tpu.dma_semaphore, #tpu.memory_space<semaphore_mem>>) src(%arg10 : memref<128x128xf32, #tpu.memory_space<vmem>>) dst(%dma_wait3A_772 : memref<10240x128xf32, #tpu.memory_space<vmem_shared>>)
      %dma_start3A_773 = arith.constant 0 : i32
      %dma_start3A_774 = tpu.memref_slice %arg6[%dma_start3A_773] : memref<1024xi32, #tpu.memory_space<vmem>> -> memref<128xi32, #tpu.memory_space<vmem>>
      %dma_start3A_775 = arith.constant 0 : i32
      %dma_start3A_776 = tpu.memref_slice %arg2[%mul3A_0, %dma_start3A_775] : memref<20480x128xf32, #tpu.memory_space<hbm>> -> memref<10240x128xf32, #tpu.memory_space<hbm>>
      %dma_start3A_777 = arith.constant 0 : i32
      %dma_start3A_778 = arith.constant 0 : i32
      %dma_start3A_779 = tpu.memref_slice %dma_start3A_776[%dma_start3A_777, %dma_start3A_778] : memref<10240x128xf32, #tpu.memory_space<hbm>> -> memref<10240x128xf32, #tpu.memory_space<hbm>>
      tpu.enqueue_indirect_dma source(%dma_start3A_779 : memref<10240x128xf32, #tpu.memory_space<hbm>>) target(%arg10 : memref<128x128xf32, #tpu.memory_space<vmem>>) offsets(%dma_start3A_774 : memref<128xi32, #tpu.memory_space<vmem>>) semaphore(%arg13 : memref<!tpu.dma_semaphore, #tpu.memory_space<semaphore_mem>>)
      %dma_start3A_780 = arith.constant 7 : i32
      %dma_start3A_781 = arith.constant 0 : i32
      %dma_start3A_782 = tpu.memref_slice %arg9[%dma_start3A_780, %dma_start3A_781] : memref<8x128xi32, #tpu.memory_space<vmem>> -> memref<1x128xi32, #tpu.memory_space<vmem>>
      %dma_start3A_783 = tpu.memref_squeeze %dma_start3A_782 : memref<1x128xi32, #tpu.memory_space<vmem>> -> memref<128xi32, #tpu.memory_space<vmem>>
      %dma_start3A_784 = arith.constant 0 : i32
      %dma_start3A_785 = arith.constant 0 : i32
      %dma_start3A_786 = tpu.memref_slice %arg12[%dma_start3A_784, %dma_start3A_785] : memref<10240x128xf32, #tpu.memory_space<vmem_shared>> -> memref<10240x128xf32, #tpu.memory_space<vmem_shared>>
      tpu.enqueue_indirect_dma source(%arg11 : memref<128x128xf32, #tpu.memory_space<vmem>>) target(%dma_start3A_786 : memref<10240x128xf32, #tpu.memory_space<vmem_shared>>) offsets(%dma_start3A_783 : memref<128xi32, #tpu.memory_space<vmem>>) semaphore(%arg14 : memref<!tpu.dma_semaphore, #tpu.memory_space<semaphore_mem>>) {add = true}
      %dma_wait3A_787 = arith.constant 0 : i32
      %dma_wait3A_788 = tpu.memref_slice %arg6[%dma_wait3A_787] : memref<1024xi32, #tpu.memory_space<vmem>> -> memref<128xi32, #tpu.memory_space<vmem>>
      %dma_wait3A_789 = arith.constant 0 : i32
      %dma_wait3A_790 = tpu.memref_slice %arg2[%mul3A_0, %dma_wait3A_789] : memref<20480x128xf32, #tpu.memory_space<hbm>> -> memref<10240x128xf32, #tpu.memory_space<hbm>>
      %dma_wait3A_791 = arith.constant 0 : i32
      %dma_wait3A_792 = arith.constant 0 : i32
      %dma_wait3A_793 = tpu.memref_slice %dma_wait3A_790[%dma_wait3A_791, %dma_wait3A_792] : memref<10240x128xf32, #tpu.memory_space<hbm>> -> memref<10240x128xf32, #tpu.memory_space<hbm>>
      tpu.wait_indirect_dma semaphore(%arg13 : memref<!tpu.dma_semaphore, #tpu.memory_space<semaphore_mem>>) src(%dma_wait3A_793 : memref<10240x128xf32, #tpu.memory_space<hbm>>) dst(%arg10 : memref<128x128xf32, #tpu.memory_space<vmem>>)
      %dma_wait3A_794 = arith.constant 7 : i32
      %dma_wait3A_795 = arith.constant 0 : i32
      %dma_wait3A_796 = tpu.memref_slice %arg9[%dma_wait3A_794, %dma_wait3A_795] : memref<8x128xi32, #tpu.memory_space<vmem>> -> memref<1x128xi32, #tpu.memory_space<vmem>>
      %dma_wait3A_797 = tpu.memref_squeeze %dma_wait3A_796 : memref<1x128xi32, #tpu.memory_space<vmem>> -> memref<128xi32, #tpu.memory_space<vmem>>
      %dma_wait3A_798 = arith.constant 0 : i32
      %dma_wait3A_799 = arith.constant 0 : i32
      %dma_wait3A_800 = tpu.memref_slice %arg12[%dma_wait3A_798, %dma_wait3A_799] : memref<10240x128xf32, #tpu.memory_space<vmem_shared>> -> memref<10240x128xf32, #tpu.memory_space<vmem_shared>>
      tpu.wait_indirect_dma semaphore(%arg14 : memref<!tpu.dma_semaphore, #tpu.memory_space<semaphore_mem>>) src(%arg11 : memref<128x128xf32, #tpu.memory_space<vmem>>) dst(%dma_wait3A_800 : memref<10240x128xf32, #tpu.memory_space<vmem_shared>>)
      %dma_start3A_801 = arith.constant 128 : i32
      %dma_start3A_802 = tpu.memref_slice %arg6[%dma_start3A_801] : memref<1024xi32, #tpu.memory_space<vmem>> -> memref<128xi32, #tpu.memory_space<vmem>>
      %dma_start3A_803 = arith.constant 0 : i32
      %dma_start3A_804 = tpu.memref_slice %arg2[%mul3A_0, %dma_start3A_803] : memref<20480x128xf32, #tpu.memory_space<hbm>> -> memref<10240x128xf32, #tpu.memory_space<hbm>>
      %dma_start3A_805 = arith.constant 0 : i32
      %dma_start3A_806 = arith.constant 0 : i32
      %dma_start3A_807 = tpu.memref_slice %dma_start3A_804[%dma_start3A_805, %dma_start3A_806] : memref<10240x128xf32, #tpu.memory_space<hbm>> -> memref<10240x128xf32, #tpu.memory_space<hbm>>
      tpu.enqueue_indirect_dma source(%dma_start3A_807 : memref<10240x128xf32, #tpu.memory_space<hbm>>) target(%arg11 : memref<128x128xf32, #tpu.memory_space<vmem>>) offsets(%dma_start3A_802 : memref<128xi32, #tpu.memory_space<vmem>>) semaphore(%arg13 : memref<!tpu.dma_semaphore, #tpu.memory_space<semaphore_mem>>)
      %dma_start3A_808 = arith.constant 0 : i32
      %dma_start3A_809 = arith.constant 0 : i32
      %dma_start3A_810 = tpu.memref_slice %arg7[%dma_start3A_808, %dma_start3A_809] : memref<8x128xi32, #tpu.memory_space<vmem>> -> memref<1x128xi32, #tpu.memory_space<vmem>>
      %dma_start3A_811 = tpu.memref_squeeze %dma_start3A_810 : memref<1x128xi32, #tpu.memory_space<vmem>> -> memref<128xi32, #tpu.memory_space<vmem>>
      %dma_start3A_812 = arith.constant 0 : i32
      %dma_start3A_813 = arith.constant 0 : i32
      %dma_start3A_814 = tpu.memref_slice %arg12[%dma_start3A_812, %dma_start3A_813] : memref<10240x128xf32, #tpu.memory_space<vmem_shared>> -> memref<10240x128xf32, #tpu.memory_space<vmem_shared>>
      tpu.enqueue_indirect_dma source(%arg10 : memref<128x128xf32, #tpu.memory_space<vmem>>) target(%dma_start3A_814 : memref<10240x128xf32, #tpu.memory_space<vmem_shared>>) offsets(%dma_start3A_811 : memref<128xi32, #tpu.memory_space<vmem>>) semaphore(%arg14 : memref<!tpu.dma_semaphore, #tpu.memory_space<semaphore_mem>>) {add = true}
      %add3A_815 = arith.constant 1 : i32
      %add3A_816 = arith.addi %add3A_536, %add3A_815 : i32
      %mul3A_817 = arith.constant 8 : i32
      %mul3A_818 = arith.muli %add3A_816, %mul3A_817 : i32
      %add3A_819 = arith.addi %mul3A_2, %mul3A_818 : i32
      %mul3A_820 = arith.constant 128 : i32
      %mul3A_821 = arith.muli %add3A_819, %mul3A_820 : i32
      %dma_start3A_822 = tpu.memref_slice %arg3[%mul3A_821] : memref<327680xi32, #tpu.memory_space<hbm>> -> memref<1024xi32, #tpu.memory_space<hbm>>
      %dma_start3A_823 = tpu.memref_slice %arg3[%mul3A_821] : memref<327680xi32, #tpu.memory_space<hbm>> -> memref<1024xi32, #tpu.memory_space<hbm>>
      tpu.enqueue_dma source(%dma_start3A_823 : memref<1024xi32, #tpu.memory_space<hbm>>) target(%arg8 : memref<1024xi32, #tpu.memory_space<vmem>>) target_semaphore(%arg15 : memref<!tpu.dma_semaphore, #tpu.memory_space<semaphore_mem>>)
      %dma_start3A_824 = arith.constant 0 : i32
      %dma_start3A_825 = tpu.memref_slice %arg4[%add3A_819, %dma_start3A_824] : memref<2560x128xi32, #tpu.memory_space<hbm>> -> memref<8x128xi32, #tpu.memory_space<hbm>>
      %dma_start3A_826 = arith.constant 0 : i32
      %dma_start3A_827 = tpu.memref_slice %arg4[%add3A_819, %dma_start3A_826] : memref<2560x128xi32, #tpu.memory_space<hbm>> -> memref<8x128xi32, #tpu.memory_space<hbm>>
      tpu.enqueue_dma source(%dma_start3A_827 : memref<8x128xi32, #tpu.memory_space<hbm>>) target(%arg9 : memref<8x128xi32, #tpu.memory_space<vmem>>) target_semaphore(%arg15 : memref<!tpu.dma_semaphore, #tpu.memory_space<semaphore_mem>>)
      %dma_wait3A_828 = arith.constant 128 : i32
      %dma_wait3A_829 = tpu.memref_slice %arg6[%dma_wait3A_828] : memref<1024xi32, #tpu.memory_space<vmem>> -> memref<128xi32, #tpu.memory_space<vmem>>
      %dma_wait3A_830 = arith.constant 0 : i32
      %dma_wait3A_831 = tpu.memref_slice %arg2[%mul3A_0, %dma_wait3A_830] : memref<20480x128xf32, #tpu.memory_space<hbm>> -> memref<10240x128xf32, #tpu.memory_space<hbm>>
      %dma_wait3A_832 = arith.constant 0 : i32
      %dma_wait3A_833 = arith.constant 0 : i32
      %dma_wait3A_834 = tpu.memref_slice %dma_wait3A_831[%dma_wait3A_832, %dma_wait3A_833] : memref<10240x128xf32, #tpu.memory_space<hbm>> -> memref<10240x128xf32, #tpu.memory_space<hbm>>
      tpu.wait_indirect_dma semaphore(%arg13 : memref<!tpu.dma_semaphore, #tpu.memory_space<semaphore_mem>>) src(%dma_wait3A_834 : memref<10240x128xf32, #tpu.memory_space<hbm>>) dst(%arg11 : memref<128x128xf32, #tpu.memory_space<vmem>>)
      %dma_wait3A_835 = arith.constant 0 : i32
      %dma_wait3A_836 = arith.constant 0 : i32
      %dma_wait3A_837 = tpu.memref_slice %arg7[%dma_wait3A_835, %dma_wait3A_836] : memref<8x128xi32, #tpu.memory_space<vmem>> -> memref<1x128xi32, #tpu.memory_space<vmem>>
      %dma_wait3A_838 = tpu.memref_squeeze %dma_wait3A_837 : memref<1x128xi32, #tpu.memory_space<vmem>> -> memref<128xi32, #tpu.memory_space<vmem>>
      %dma_wait3A_839 = arith.constant 0 : i32
      %dma_wait3A_840 = arith.constant 0 : i32
      %dma_wait3A_841 = tpu.memref_slice %arg12[%dma_wait3A_839, %dma_wait3A_840] : memref<10240x128xf32, #tpu.memory_space<vmem_shared>> -> memref<10240x128xf32, #tpu.memory_space<vmem_shared>>
      tpu.wait_indirect_dma semaphore(%arg14 : memref<!tpu.dma_semaphore, #tpu.memory_space<semaphore_mem>>) src(%arg10 : memref<128x128xf32, #tpu.memory_space<vmem>>) dst(%dma_wait3A_841 : memref<10240x128xf32, #tpu.memory_space<vmem_shared>>)
      %dma_start3A_842 = arith.constant 256 : i32
      %dma_start3A_843 = tpu.memref_slice %arg6[%dma_start3A_842] : memref<1024xi32, #tpu.memory_space<vmem>> -> memref<128xi32, #tpu.memory_space<vmem>>
      %dma_start3A_844 = arith.constant 0 : i32
      %dma_start3A_845 = tpu.memref_slice %arg2[%mul3A_0, %dma_start3A_844] : memref<20480x128xf32, #tpu.memory_space<hbm>> -> memref<10240x128xf32, #tpu.memory_space<hbm>>
      %dma_start3A_846 = arith.constant 0 : i32
      %dma_start3A_847 = arith.constant 0 : i32
      %dma_start3A_848 = tpu.memref_slice %dma_start3A_845[%dma_start3A_846, %dma_start3A_847] : memref<10240x128xf32, #tpu.memory_space<hbm>> -> memref<10240x128xf32, #tpu.memory_space<hbm>>
      tpu.enqueue_indirect_dma source(%dma_start3A_848 : memref<10240x128xf32, #tpu.memory_space<hbm>>) target(%arg10 : memref<128x128xf32, #tpu.memory_space<vmem>>) offsets(%dma_start3A_843 : memref<128xi32, #tpu.memory_space<vmem>>) semaphore(%arg13 : memref<!tpu.dma_semaphore, #tpu.memory_space<semaphore_mem>>)
      %dma_start3A_849 = arith.constant 1 : i32
      %dma_start3A_850 = arith.constant 0 : i32
      %dma_start3A_851 = tpu.memref_slice %arg7[%dma_start3A_849, %dma_start3A_850] : memref<8x128xi32, #tpu.memory_space<vmem>> -> memref<1x128xi32, #tpu.memory_space<vmem>>
      %dma_start3A_852 = tpu.memref_squeeze %dma_start3A_851 : memref<1x128xi32, #tpu.memory_space<vmem>> -> memref<128xi32, #tpu.memory_space<vmem>>
      %dma_start3A_853 = arith.constant 0 : i32
      %dma_start3A_854 = arith.constant 0 : i32
      %dma_start3A_855 = tpu.memref_slice %arg12[%dma_start3A_853, %dma_start3A_854] : memref<10240x128xf32, #tpu.memory_space<vmem_shared>> -> memref<10240x128xf32, #tpu.memory_space<vmem_shared>>
      tpu.enqueue_indirect_dma source(%arg11 : memref<128x128xf32, #tpu.memory_space<vmem>>) target(%dma_start3A_855 : memref<10240x128xf32, #tpu.memory_space<vmem_shared>>) offsets(%dma_start3A_852 : memref<128xi32, #tpu.memory_space<vmem>>) semaphore(%arg14 : memref<!tpu.dma_semaphore, #tpu.memory_space<semaphore_mem>>) {add = true}
      %dma_wait3A_856 = arith.constant 256 : i32
      %dma_wait3A_857 = tpu.memref_slice %arg6[%dma_wait3A_856] : memref<1024xi32, #tpu.memory_space<vmem>> -> memref<128xi32, #tpu.memory_space<vmem>>
      %dma_wait3A_858 = arith.constant 0 : i32
      %dma_wait3A_859 = tpu.memref_slice %arg2[%mul3A_0, %dma_wait3A_858] : memref<20480x128xf32, #tpu.memory_space<hbm>> -> memref<10240x128xf32, #tpu.memory_space<hbm>>
      %dma_wait3A_860 = arith.constant 0 : i32
      %dma_wait3A_861 = arith.constant 0 : i32
      %dma_wait3A_862 = tpu.memref_slice %dma_wait3A_859[%dma_wait3A_860, %dma_wait3A_861] : memref<10240x128xf32, #tpu.memory_space<hbm>> -> memref<10240x128xf32, #tpu.memory_space<hbm>>
      tpu.wait_indirect_dma semaphore(%arg13 : memref<!tpu.dma_semaphore, #tpu.memory_space<semaphore_mem>>) src(%dma_wait3A_862 : memref<10240x128xf32, #tpu.memory_space<hbm>>) dst(%arg10 : memref<128x128xf32, #tpu.memory_space<vmem>>)
      %dma_wait3A_863 = arith.constant 1 : i32
      %dma_wait3A_864 = arith.constant 0 : i32
      %dma_wait3A_865 = tpu.memref_slice %arg7[%dma_wait3A_863, %dma_wait3A_864] : memref<8x128xi32, #tpu.memory_space<vmem>> -> memref<1x128xi32, #tpu.memory_space<vmem>>
      %dma_wait3A_866 = tpu.memref_squeeze %dma_wait3A_865 : memref<1x128xi32, #tpu.memory_space<vmem>> -> memref<128xi32, #tpu.memory_space<vmem>>
      %dma_wait3A_867 = arith.constant 0 : i32
      %dma_wait3A_868 = arith.constant 0 : i32
      %dma_wait3A_869 = tpu.memref_slice %arg12[%dma_wait3A_867, %dma_wait3A_868] : memref<10240x128xf32, #tpu.memory_space<vmem_shared>> -> memref<10240x128xf32, #tpu.memory_space<vmem_shared>>
      tpu.wait_indirect_dma semaphore(%arg14 : memref<!tpu.dma_semaphore, #tpu.memory_space<semaphore_mem>>) src(%arg11 : memref<128x128xf32, #tpu.memory_space<vmem>>) dst(%dma_wait3A_869 : memref<10240x128xf32, #tpu.memory_space<vmem_shared>>)
      %dma_start3A_870 = arith.constant 384 : i32
      %dma_start3A_871 = tpu.memref_slice %arg6[%dma_start3A_870] : memref<1024xi32, #tpu.memory_space<vmem>> -> memref<128xi32, #tpu.memory_space<vmem>>
      %dma_start3A_872 = arith.constant 0 : i32
      %dma_start3A_873 = tpu.memref_slice %arg2[%mul3A_0, %dma_start3A_872] : memref<20480x128xf32, #tpu.memory_space<hbm>> -> memref<10240x128xf32, #tpu.memory_space<hbm>>
      %dma_start3A_874 = arith.constant 0 : i32
      %dma_start3A_875 = arith.constant 0 : i32
      %dma_start3A_876 = tpu.memref_slice %dma_start3A_873[%dma_start3A_874, %dma_start3A_875] : memref<10240x128xf32, #tpu.memory_space<hbm>> -> memref<10240x128xf32, #tpu.memory_space<hbm>>
      tpu.enqueue_indirect_dma source(%dma_start3A_876 : memref<10240x128xf32, #tpu.memory_space<hbm>>) target(%arg11 : memref<128x128xf32, #tpu.memory_space<vmem>>) offsets(%dma_start3A_871 : memref<128xi32, #tpu.memory_space<vmem>>) semaphore(%arg13 : memref<!tpu.dma_semaphore, #tpu.memory_space<semaphore_mem>>)
      %dma_start3A_877 = arith.constant 2 : i32
      %dma_start3A_878 = arith.constant 0 : i32
      %dma_start3A_879 = tpu.memref_slice %arg7[%dma_start3A_877, %dma_start3A_878] : memref<8x128xi32, #tpu.memory_space<vmem>> -> memref<1x128xi32, #tpu.memory_space<vmem>>
      %dma_start3A_880 = tpu.memref_squeeze %dma_start3A_879 : memref<1x128xi32, #tpu.memory_space<vmem>> -> memref<128xi32, #tpu.memory_space<vmem>>
      %dma_start3A_881 = arith.constant 0 : i32
      %dma_start3A_882 = arith.constant 0 : i32
      %dma_start3A_883 = tpu.memref_slice %arg12[%dma_start3A_881, %dma_start3A_882] : memref<10240x128xf32, #tpu.memory_space<vmem_shared>> -> memref<10240x128xf32, #tpu.memory_space<vmem_shared>>
      tpu.enqueue_indirect_dma source(%arg10 : memref<128x128xf32, #tpu.memory_space<vmem>>) target(%dma_start3A_883 : memref<10240x128xf32, #tpu.memory_space<vmem_shared>>) offsets(%dma_start3A_880 : memref<128xi32, #tpu.memory_space<vmem>>) semaphore(%arg14 : memref<!tpu.dma_semaphore, #tpu.memory_space<semaphore_mem>>) {add = true}
      %dma_wait3A_884 = arith.constant 384 : i32
      %dma_wait3A_885 = tpu.memref_slice %arg6[%dma_wait3A_884] : memref<1024xi32, #tpu.memory_space<vmem>> -> memref<128xi32, #tpu.memory_space<vmem>>
      %dma_wait3A_886 = arith.constant 0 : i32
      %dma_wait3A_887 = tpu.memref_slice %arg2[%mul3A_0, %dma_wait3A_886] : memref<20480x128xf32, #tpu.memory_space<hbm>> -> memref<10240x128xf32, #tpu.memory_space<hbm>>
      %dma_wait3A_888 = arith.constant 0 : i32
      %dma_wait3A_889 = arith.constant 0 : i32
      %dma_wait3A_890 = tpu.memref_slice %dma_wait3A_887[%dma_wait3A_888, %dma_wait3A_889] : memref<10240x128xf32, #tpu.memory_space<hbm>> -> memref<10240x128xf32, #tpu.memory_space<hbm>>
      tpu.wait_indirect_dma semaphore(%arg13 : memref<!tpu.dma_semaphore, #tpu.memory_space<semaphore_mem>>) src(%dma_wait3A_890 : memref<10240x128xf32, #tpu.memory_space<hbm>>) dst(%arg11 : memref<128x128xf32, #tpu.memory_space<vmem>>)
      %dma_wait3A_891 = arith.constant 2 : i32
      %dma_wait3A_892 = arith.constant 0 : i32
      %dma_wait3A_893 = tpu.memref_slice %arg7[%dma_wait3A_891, %dma_wait3A_892] : memref<8x128xi32, #tpu.memory_space<vmem>> -> memref<1x128xi32, #tpu.memory_space<vmem>>
      %dma_wait3A_894 = tpu.memref_squeeze %dma_wait3A_893 : memref<1x128xi32, #tpu.memory_space<vmem>> -> memref<128xi32, #tpu.memory_space<vmem>>
      %dma_wait3A_895 = arith.constant 0 : i32
      %dma_wait3A_896 = arith.constant 0 : i32
      %dma_wait3A_897 = tpu.memref_slice %arg12[%dma_wait3A_895, %dma_wait3A_896] : memref<10240x128xf32, #tpu.memory_space<vmem_shared>> -> memref<10240x128xf32, #tpu.memory_space<vmem_shared>>
      tpu.wait_indirect_dma semaphore(%arg14 : memref<!tpu.dma_semaphore, #tpu.memory_space<semaphore_mem>>) src(%arg10 : memref<128x128xf32, #tpu.memory_space<vmem>>) dst(%dma_wait3A_897 : memref<10240x128xf32, #tpu.memory_space<vmem_shared>>)
      %dma_start3A_898 = arith.constant 512 : i32
      %dma_start3A_899 = tpu.memref_slice %arg6[%dma_start3A_898] : memref<1024xi32, #tpu.memory_space<vmem>> -> memref<128xi32, #tpu.memory_space<vmem>>
      %dma_start3A_900 = arith.constant 0 : i32
      %dma_start3A_901 = tpu.memref_slice %arg2[%mul3A_0, %dma_start3A_900] : memref<20480x128xf32, #tpu.memory_space<hbm>> -> memref<10240x128xf32, #tpu.memory_space<hbm>>
      %dma_start3A_902 = arith.constant 0 : i32
      %dma_start3A_903 = arith.constant 0 : i32
      %dma_start3A_904 = tpu.memref_slice %dma_start3A_901[%dma_start3A_902, %dma_start3A_903] : memref<10240x128xf32, #tpu.memory_space<hbm>> -> memref<10240x128xf32, #tpu.memory_space<hbm>>
      tpu.enqueue_indirect_dma source(%dma_start3A_904 : memref<10240x128xf32, #tpu.memory_space<hbm>>) target(%arg10 : memref<128x128xf32, #tpu.memory_space<vmem>>) offsets(%dma_start3A_899 : memref<128xi32, #tpu.memory_space<vmem>>) semaphore(%arg13 : memref<!tpu.dma_semaphore, #tpu.memory_space<semaphore_mem>>)
      %dma_start3A_905 = arith.constant 3 : i32
      %dma_start3A_906 = arith.constant 0 : i32
      %dma_start3A_907 = tpu.memref_slice %arg7[%dma_start3A_905, %dma_start3A_906] : memref<8x128xi32, #tpu.memory_space<vmem>> -> memref<1x128xi32, #tpu.memory_space<vmem>>
      %dma_start3A_908 = tpu.memref_squeeze %dma_start3A_907 : memref<1x128xi32, #tpu.memory_space<vmem>> -> memref<128xi32, #tpu.memory_space<vmem>>
      %dma_start3A_909 = arith.constant 0 : i32
      %dma_start3A_910 = arith.constant 0 : i32
      %dma_start3A_911 = tpu.memref_slice %arg12[%dma_start3A_909, %dma_start3A_910] : memref<10240x128xf32, #tpu.memory_space<vmem_shared>> -> memref<10240x128xf32, #tpu.memory_space<vmem_shared>>
      tpu.enqueue_indirect_dma source(%arg11 : memref<128x128xf32, #tpu.memory_space<vmem>>) target(%dma_start3A_911 : memref<10240x128xf32, #tpu.memory_space<vmem_shared>>) offsets(%dma_start3A_908 : memref<128xi32, #tpu.memory_space<vmem>>) semaphore(%arg14 : memref<!tpu.dma_semaphore, #tpu.memory_space<semaphore_mem>>) {add = true}
      %dma_wait3A_912 = arith.constant 512 : i32
      %dma_wait3A_913 = tpu.memref_slice %arg6[%dma_wait3A_912] : memref<1024xi32, #tpu.memory_space<vmem>> -> memref<128xi32, #tpu.memory_space<vmem>>
      %dma_wait3A_914 = arith.constant 0 : i32
      %dma_wait3A_915 = tpu.memref_slice %arg2[%mul3A_0, %dma_wait3A_914] : memref<20480x128xf32, #tpu.memory_space<hbm>> -> memref<10240x128xf32, #tpu.memory_space<hbm>>
      %dma_wait3A_916 = arith.constant 0 : i32
      %dma_wait3A_917 = arith.constant 0 : i32
      %dma_wait3A_918 = tpu.memref_slice %dma_wait3A_915[%dma_wait3A_916, %dma_wait3A_917] : memref<10240x128xf32, #tpu.memory_space<hbm>> -> memref<10240x128xf32, #tpu.memory_space<hbm>>
      tpu.wait_indirect_dma semaphore(%arg13 : memref<!tpu.dma_semaphore, #tpu.memory_space<semaphore_mem>>) src(%dma_wait3A_918 : memref<10240x128xf32, #tpu.memory_space<hbm>>) dst(%arg10 : memref<128x128xf32, #tpu.memory_space<vmem>>)
      %dma_wait3A_919 = arith.constant 3 : i32
      %dma_wait3A_920 = arith.constant 0 : i32
      %dma_wait3A_921 = tpu.memref_slice %arg7[%dma_wait3A_919, %dma_wait3A_920] : memref<8x128xi32, #tpu.memory_space<vmem>> -> memref<1x128xi32, #tpu.memory_space<vmem>>
      %dma_wait3A_922 = tpu.memref_squeeze %dma_wait3A_921 : memref<1x128xi32, #tpu.memory_space<vmem>> -> memref<128xi32, #tpu.memory_space<vmem>>
      %dma_wait3A_923 = arith.constant 0 : i32
      %dma_wait3A_924 = arith.constant 0 : i32
      %dma_wait3A_925 = tpu.memref_slice %arg12[%dma_wait3A_923, %dma_wait3A_924] : memref<10240x128xf32, #tpu.memory_space<vmem_shared>> -> memref<10240x128xf32, #tpu.memory_space<vmem_shared>>
      tpu.wait_indirect_dma semaphore(%arg14 : memref<!tpu.dma_semaphore, #tpu.memory_space<semaphore_mem>>) src(%arg11 : memref<128x128xf32, #tpu.memory_space<vmem>>) dst(%dma_wait3A_925 : memref<10240x128xf32, #tpu.memory_space<vmem_shared>>)
      %dma_start3A_926 = arith.constant 640 : i32
      %dma_start3A_927 = tpu.memref_slice %arg6[%dma_start3A_926] : memref<1024xi32, #tpu.memory_space<vmem>> -> memref<128xi32, #tpu.memory_space<vmem>>
      %dma_start3A_928 = arith.constant 0 : i32
      %dma_start3A_929 = tpu.memref_slice %arg2[%mul3A_0, %dma_start3A_928] : memref<20480x128xf32, #tpu.memory_space<hbm>> -> memref<10240x128xf32, #tpu.memory_space<hbm>>
      %dma_start3A_930 = arith.constant 0 : i32
      %dma_start3A_931 = arith.constant 0 : i32
      %dma_start3A_932 = tpu.memref_slice %dma_start3A_929[%dma_start3A_930, %dma_start3A_931] : memref<10240x128xf32, #tpu.memory_space<hbm>> -> memref<10240x128xf32, #tpu.memory_space<hbm>>
      tpu.enqueue_indirect_dma source(%dma_start3A_932 : memref<10240x128xf32, #tpu.memory_space<hbm>>) target(%arg11 : memref<128x128xf32, #tpu.memory_space<vmem>>) offsets(%dma_start3A_927 : memref<128xi32, #tpu.memory_space<vmem>>) semaphore(%arg13 : memref<!tpu.dma_semaphore, #tpu.memory_space<semaphore_mem>>)
      %dma_start3A_933 = arith.constant 4 : i32
      %dma_start3A_934 = arith.constant 0 : i32
      %dma_start3A_935 = tpu.memref_slice %arg7[%dma_start3A_933, %dma_start3A_934] : memref<8x128xi32, #tpu.memory_space<vmem>> -> memref<1x128xi32, #tpu.memory_space<vmem>>
      %dma_start3A_936 = tpu.memref_squeeze %dma_start3A_935 : memref<1x128xi32, #tpu.memory_space<vmem>> -> memref<128xi32, #tpu.memory_space<vmem>>
      %dma_start3A_937 = arith.constant 0 : i32
      %dma_start3A_938 = arith.constant 0 : i32
      %dma_start3A_939 = tpu.memref_slice %arg12[%dma_start3A_937, %dma_start3A_938] : memref<10240x128xf32, #tpu.memory_space<vmem_shared>> -> memref<10240x128xf32, #tpu.memory_space<vmem_shared>>
      tpu.enqueue_indirect_dma source(%arg10 : memref<128x128xf32, #tpu.memory_space<vmem>>) target(%dma_start3A_939 : memref<10240x128xf32, #tpu.memory_space<vmem_shared>>) offsets(%dma_start3A_936 : memref<128xi32, #tpu.memory_space<vmem>>) semaphore(%arg14 : memref<!tpu.dma_semaphore, #tpu.memory_space<semaphore_mem>>) {add = true}
      %dma_wait3A_940 = arith.constant 640 : i32
      %dma_wait3A_941 = tpu.memref_slice %arg6[%dma_wait3A_940] : memref<1024xi32, #tpu.memory_space<vmem>> -> memref<128xi32, #tpu.memory_space<vmem>>
      %dma_wait3A_942 = arith.constant 0 : i32
      %dma_wait3A_943 = tpu.memref_slice %arg2[%mul3A_0, %dma_wait3A_942] : memref<20480x128xf32, #tpu.memory_space<hbm>> -> memref<10240x128xf32, #tpu.memory_space<hbm>>
      %dma_wait3A_944 = arith.constant 0 : i32
      %dma_wait3A_945 = arith.constant 0 : i32
      %dma_wait3A_946 = tpu.memref_slice %dma_wait3A_943[%dma_wait3A_944, %dma_wait3A_945] : memref<10240x128xf32, #tpu.memory_space<hbm>> -> memref<10240x128xf32, #tpu.memory_space<hbm>>
      tpu.wait_indirect_dma semaphore(%arg13 : memref<!tpu.dma_semaphore, #tpu.memory_space<semaphore_mem>>) src(%dma_wait3A_946 : memref<10240x128xf32, #tpu.memory_space<hbm>>) dst(%arg11 : memref<128x128xf32, #tpu.memory_space<vmem>>)
      %dma_wait3A_947 = arith.constant 4 : i32
      %dma_wait3A_948 = arith.constant 0 : i32
      %dma_wait3A_949 = tpu.memref_slice %arg7[%dma_wait3A_947, %dma_wait3A_948] : memref<8x128xi32, #tpu.memory_space<vmem>> -> memref<1x128xi32, #tpu.memory_space<vmem>>
      %dma_wait3A_950 = tpu.memref_squeeze %dma_wait3A_949 : memref<1x128xi32, #tpu.memory_space<vmem>> -> memref<128xi32, #tpu.memory_space<vmem>>
      %dma_wait3A_951 = arith.constant 0 : i32
      %dma_wait3A_952 = arith.constant 0 : i32
      %dma_wait3A_953 = tpu.memref_slice %arg12[%dma_wait3A_951, %dma_wait3A_952] : memref<10240x128xf32, #tpu.memory_space<vmem_shared>> -> memref<10240x128xf32, #tpu.memory_space<vmem_shared>>
      tpu.wait_indirect_dma semaphore(%arg14 : memref<!tpu.dma_semaphore, #tpu.memory_space<semaphore_mem>>) src(%arg10 : memref<128x128xf32, #tpu.memory_space<vmem>>) dst(%dma_wait3A_953 : memref<10240x128xf32, #tpu.memory_space<vmem_shared>>)
      %dma_start3A_954 = arith.constant 768 : i32
      %dma_start3A_955 = tpu.memref_slice %arg6[%dma_start3A_954] : memref<1024xi32, #tpu.memory_space<vmem>> -> memref<128xi32, #tpu.memory_space<vmem>>
      %dma_start3A_956 = arith.constant 0 : i32
      %dma_start3A_957 = tpu.memref_slice %arg2[%mul3A_0, %dma_start3A_956] : memref<20480x128xf32, #tpu.memory_space<hbm>> -> memref<10240x128xf32, #tpu.memory_space<hbm>>
      %dma_start3A_958 = arith.constant 0 : i32
      %dma_start3A_959 = arith.constant 0 : i32
      %dma_start3A_960 = tpu.memref_slice %dma_start3A_957[%dma_start3A_958, %dma_start3A_959] : memref<10240x128xf32, #tpu.memory_space<hbm>> -> memref<10240x128xf32, #tpu.memory_space<hbm>>
      tpu.enqueue_indirect_dma source(%dma_start3A_960 : memref<10240x128xf32, #tpu.memory_space<hbm>>) target(%arg10 : memref<128x128xf32, #tpu.memory_space<vmem>>) offsets(%dma_start3A_955 : memref<128xi32, #tpu.memory_space<vmem>>) semaphore(%arg13 : memref<!tpu.dma_semaphore, #tpu.memory_space<semaphore_mem>>)
      %dma_start3A_961 = arith.constant 5 : i32
      %dma_start3A_962 = arith.constant 0 : i32
      %dma_start3A_963 = tpu.memref_slice %arg7[%dma_start3A_961, %dma_start3A_962] : memref<8x128xi32, #tpu.memory_space<vmem>> -> memref<1x128xi32, #tpu.memory_space<vmem>>
      %dma_start3A_964 = tpu.memref_squeeze %dma_start3A_963 : memref<1x128xi32, #tpu.memory_space<vmem>> -> memref<128xi32, #tpu.memory_space<vmem>>
      %dma_start3A_965 = arith.constant 0 : i32
      %dma_start3A_966 = arith.constant 0 : i32
      %dma_start3A_967 = tpu.memref_slice %arg12[%dma_start3A_965, %dma_start3A_966] : memref<10240x128xf32, #tpu.memory_space<vmem_shared>> -> memref<10240x128xf32, #tpu.memory_space<vmem_shared>>
      tpu.enqueue_indirect_dma source(%arg11 : memref<128x128xf32, #tpu.memory_space<vmem>>) target(%dma_start3A_967 : memref<10240x128xf32, #tpu.memory_space<vmem_shared>>) offsets(%dma_start3A_964 : memref<128xi32, #tpu.memory_space<vmem>>) semaphore(%arg14 : memref<!tpu.dma_semaphore, #tpu.memory_space<semaphore_mem>>) {add = true}
      %dma_wait3A_968 = arith.constant 768 : i32
      %dma_wait3A_969 = tpu.memref_slice %arg6[%dma_wait3A_968] : memref<1024xi32, #tpu.memory_space<vmem>> -> memref<128xi32, #tpu.memory_space<vmem>>
      %dma_wait3A_970 = arith.constant 0 : i32
      %dma_wait3A_971 = tpu.memref_slice %arg2[%mul3A_0, %dma_wait3A_970] : memref<20480x128xf32, #tpu.memory_space<hbm>> -> memref<10240x128xf32, #tpu.memory_space<hbm>>
      %dma_wait3A_972 = arith.constant 0 : i32
      %dma_wait3A_973 = arith.constant 0 : i32
      %dma_wait3A_974 = tpu.memref_slice %dma_wait3A_971[%dma_wait3A_972, %dma_wait3A_973] : memref<10240x128xf32, #tpu.memory_space<hbm>> -> memref<10240x128xf32, #tpu.memory_space<hbm>>
      tpu.wait_indirect_dma semaphore(%arg13 : memref<!tpu.dma_semaphore, #tpu.memory_space<semaphore_mem>>) src(%dma_wait3A_974 : memref<10240x128xf32, #tpu.memory_space<hbm>>) dst(%arg10 : memref<128x128xf32, #tpu.memory_space<vmem>>)
      %dma_wait3A_975 = arith.constant 5 : i32
      %dma_wait3A_976 = arith.constant 0 : i32
      %dma_wait3A_977 = tpu.memref_slice %arg7[%dma_wait3A_975, %dma_wait3A_976] : memref<8x128xi32, #tpu.memory_space<vmem>> -> memref<1x128xi32, #tpu.memory_space<vmem>>
      %dma_wait3A_978 = tpu.memref_squeeze %dma_wait3A_977 : memref<1x128xi32, #tpu.memory_space<vmem>> -> memref<128xi32, #tpu.memory_space<vmem>>
      %dma_wait3A_979 = arith.constant 0 : i32
      %dma_wait3A_980 = arith.constant 0 : i32
      %dma_wait3A_981 = tpu.memref_slice %arg12[%dma_wait3A_979, %dma_wait3A_980] : memref<10240x128xf32, #tpu.memory_space<vmem_shared>> -> memref<10240x128xf32, #tpu.memory_space<vmem_shared>>
      tpu.wait_indirect_dma semaphore(%arg14 : memref<!tpu.dma_semaphore, #tpu.memory_space<semaphore_mem>>) src(%arg11 : memref<128x128xf32, #tpu.memory_space<vmem>>) dst(%dma_wait3A_981 : memref<10240x128xf32, #tpu.memory_space<vmem_shared>>)
      %dma_start3A_982 = arith.constant 896 : i32
      %dma_start3A_983 = tpu.memref_slice %arg6[%dma_start3A_982] : memref<1024xi32, #tpu.memory_space<vmem>> -> memref<128xi32, #tpu.memory_space<vmem>>
      %dma_start3A_984 = arith.constant 0 : i32
      %dma_start3A_985 = tpu.memref_slice %arg2[%mul3A_0, %dma_start3A_984] : memref<20480x128xf32, #tpu.memory_space<hbm>> -> memref<10240x128xf32, #tpu.memory_space<hbm>>
      %dma_start3A_986 = arith.constant 0 : i32
      %dma_start3A_987 = arith.constant 0 : i32
      %dma_start3A_988 = tpu.memref_slice %dma_start3A_985[%dma_start3A_986, %dma_start3A_987] : memref<10240x128xf32, #tpu.memory_space<hbm>> -> memref<10240x128xf32, #tpu.memory_space<hbm>>
      tpu.enqueue_indirect_dma source(%dma_start3A_988 : memref<10240x128xf32, #tpu.memory_space<hbm>>) target(%arg11 : memref<128x128xf32, #tpu.memory_space<vmem>>) offsets(%dma_start3A_983 : memref<128xi32, #tpu.memory_space<vmem>>) semaphore(%arg13 : memref<!tpu.dma_semaphore, #tpu.memory_space<semaphore_mem>>)
      %dma_start3A_989 = arith.constant 6 : i32
      %dma_start3A_990 = arith.constant 0 : i32
      %dma_start3A_991 = tpu.memref_slice %arg7[%dma_start3A_989, %dma_start3A_990] : memref<8x128xi32, #tpu.memory_space<vmem>> -> memref<1x128xi32, #tpu.memory_space<vmem>>
      %dma_start3A_992 = tpu.memref_squeeze %dma_start3A_991 : memref<1x128xi32, #tpu.memory_space<vmem>> -> memref<128xi32, #tpu.memory_space<vmem>>
      %dma_start3A_993 = arith.constant 0 : i32
      %dma_start3A_994 = arith.constant 0 : i32
      %dma_start3A_995 = tpu.memref_slice %arg12[%dma_start3A_993, %dma_start3A_994] : memref<10240x128xf32, #tpu.memory_space<vmem_shared>> -> memref<10240x128xf32, #tpu.memory_space<vmem_shared>>
      tpu.enqueue_indirect_dma source(%arg10 : memref<128x128xf32, #tpu.memory_space<vmem>>) target(%dma_start3A_995 : memref<10240x128xf32, #tpu.memory_space<vmem_shared>>) offsets(%dma_start3A_992 : memref<128xi32, #tpu.memory_space<vmem>>) semaphore(%arg14 : memref<!tpu.dma_semaphore, #tpu.memory_space<semaphore_mem>>) {add = true}
      %add3A_996 = arith.constant 1 : i32
      %add3A_997 = arith.addi %add3A_536, %add3A_996 : i32
      %mul3A_998 = arith.constant 8 : i32
      %mul3A_999 = arith.muli %add3A_997, %mul3A_998 : i32
      %add3A_1000 = arith.addi %mul3A_2, %mul3A_999 : i32
      %mul3A_1001 = arith.constant 128 : i32
      %mul3A_1002 = arith.muli %add3A_1000, %mul3A_1001 : i32
      %dma_wait3A_1003 = tpu.memref_slice %arg3[%mul3A_1002] : memref<327680xi32, #tpu.memory_space<hbm>> -> memref<1024xi32, #tpu.memory_space<hbm>>
      %dma_wait3A_1004 = tpu.memref_slice %arg3[%mul3A_1002] : memref<327680xi32, #tpu.memory_space<hbm>> -> memref<1024xi32, #tpu.memory_space<hbm>>
      tpu.wait_dma2 semaphore(%arg15 : memref<!tpu.dma_semaphore, #tpu.memory_space<semaphore_mem>>) src(%dma_wait3A_1004 : memref<1024xi32, #tpu.memory_space<hbm>>) dst(%arg8 : memref<1024xi32, #tpu.memory_space<vmem>>)
      %dma_wait3A_1005 = arith.constant 0 : i32
      %dma_wait3A_1006 = tpu.memref_slice %arg4[%add3A_1000, %dma_wait3A_1005] : memref<2560x128xi32, #tpu.memory_space<hbm>> -> memref<8x128xi32, #tpu.memory_space<hbm>>
      %dma_wait3A_1007 = arith.constant 0 : i32
      %dma_wait3A_1008 = tpu.memref_slice %arg4[%add3A_1000, %dma_wait3A_1007] : memref<2560x128xi32, #tpu.memory_space<hbm>> -> memref<8x128xi32, #tpu.memory_space<hbm>>
      tpu.wait_dma2 semaphore(%arg15 : memref<!tpu.dma_semaphore, #tpu.memory_space<semaphore_mem>>) src(%dma_wait3A_1008 : memref<8x128xi32, #tpu.memory_space<hbm>>) dst(%arg9 : memref<8x128xi32, #tpu.memory_space<vmem>>)
      %dma_wait3A_1009 = arith.constant 896 : i32
      %dma_wait3A_1010 = tpu.memref_slice %arg6[%dma_wait3A_1009] : memref<1024xi32, #tpu.memory_space<vmem>> -> memref<128xi32, #tpu.memory_space<vmem>>
      %dma_wait3A_1011 = arith.constant 0 : i32
      %dma_wait3A_1012 = tpu.memref_slice %arg2[%mul3A_0, %dma_wait3A_1011] : memref<20480x128xf32, #tpu.memory_space<hbm>> -> memref<10240x128xf32, #tpu.memory_space<hbm>>
      %dma_wait3A_1013 = arith.constant 0 : i32
      %dma_wait3A_1014 = arith.constant 0 : i32
      %dma_wait3A_1015 = tpu.memref_slice %dma_wait3A_1012[%dma_wait3A_1013, %dma_wait3A_1014] : memref<10240x128xf32, #tpu.memory_space<hbm>> -> memref<10240x128xf32, #tpu.memory_space<hbm>>
      tpu.wait_indirect_dma semaphore(%arg13 : memref<!tpu.dma_semaphore, #tpu.memory_space<semaphore_mem>>) src(%dma_wait3A_1015 : memref<10240x128xf32, #tpu.memory_space<hbm>>) dst(%arg11 : memref<128x128xf32, #tpu.memory_space<vmem>>)
      %dma_wait3A_1016 = arith.constant 6 : i32
      %dma_wait3A_1017 = arith.constant 0 : i32
      %dma_wait3A_1018 = tpu.memref_slice %arg7[%dma_wait3A_1016, %dma_wait3A_1017] : memref<8x128xi32, #tpu.memory_space<vmem>> -> memref<1x128xi32, #tpu.memory_space<vmem>>
      %dma_wait3A_1019 = tpu.memref_squeeze %dma_wait3A_1018 : memref<1x128xi32, #tpu.memory_space<vmem>> -> memref<128xi32, #tpu.memory_space<vmem>>
      %dma_wait3A_1020 = arith.constant 0 : i32
      %dma_wait3A_1021 = arith.constant 0 : i32
      %dma_wait3A_1022 = tpu.memref_slice %arg12[%dma_wait3A_1020, %dma_wait3A_1021] : memref<10240x128xf32, #tpu.memory_space<vmem_shared>> -> memref<10240x128xf32, #tpu.memory_space<vmem_shared>>
      tpu.wait_indirect_dma semaphore(%arg14 : memref<!tpu.dma_semaphore, #tpu.memory_space<semaphore_mem>>) src(%arg10 : memref<128x128xf32, #tpu.memory_space<vmem>>) dst(%dma_wait3A_1022 : memref<10240x128xf32, #tpu.memory_space<vmem_shared>>)
      %dma_start3A_1023 = arith.constant 0 : i32
      %dma_start3A_1024 = tpu.memref_slice %arg8[%dma_start3A_1023] : memref<1024xi32, #tpu.memory_space<vmem>> -> memref<128xi32, #tpu.memory_space<vmem>>
      %dma_start3A_1025 = arith.constant 0 : i32
      %dma_start3A_1026 = tpu.memref_slice %arg2[%mul3A_0, %dma_start3A_1025] : memref<20480x128xf32, #tpu.memory_space<hbm>> -> memref<10240x128xf32, #tpu.memory_space<hbm>>
      %dma_start3A_1027 = arith.constant 0 : i32
      %dma_start3A_1028 = arith.constant 0 : i32
      %dma_start3A_1029 = tpu.memref_slice %dma_start3A_1026[%dma_start3A_1027, %dma_start3A_1028] : memref<10240x128xf32, #tpu.memory_space<hbm>> -> memref<10240x128xf32, #tpu.memory_space<hbm>>
      tpu.enqueue_indirect_dma source(%dma_start3A_1029 : memref<10240x128xf32, #tpu.memory_space<hbm>>) target(%arg10 : memref<128x128xf32, #tpu.memory_space<vmem>>) offsets(%dma_start3A_1024 : memref<128xi32, #tpu.memory_space<vmem>>) semaphore(%arg13 : memref<!tpu.dma_semaphore, #tpu.memory_space<semaphore_mem>>)
      %dma_start3A_1030 = arith.constant 7 : i32
      %dma_start3A_1031 = arith.constant 0 : i32
      %dma_start3A_1032 = tpu.memref_slice %arg7[%dma_start3A_1030, %dma_start3A_1031] : memref<8x128xi32, #tpu.memory_space<vmem>> -> memref<1x128xi32, #tpu.memory_space<vmem>>
      %dma_start3A_1033 = tpu.memref_squeeze %dma_start3A_1032 : memref<1x128xi32, #tpu.memory_space<vmem>> -> memref<128xi32, #tpu.memory_space<vmem>>
      %dma_start3A_1034 = arith.constant 0 : i32
      %dma_start3A_1035 = arith.constant 0 : i32
      %dma_start3A_1036 = tpu.memref_slice %arg12[%dma_start3A_1034, %dma_start3A_1035] : memref<10240x128xf32, #tpu.memory_space<vmem_shared>> -> memref<10240x128xf32, #tpu.memory_space<vmem_shared>>
      tpu.enqueue_indirect_dma source(%arg11 : memref<128x128xf32, #tpu.memory_space<vmem>>) target(%dma_start3A_1036 : memref<10240x128xf32, #tpu.memory_space<vmem_shared>>) offsets(%dma_start3A_1033 : memref<128xi32, #tpu.memory_space<vmem>>) semaphore(%arg14 : memref<!tpu.dma_semaphore, #tpu.memory_space<semaphore_mem>>) {add = true}
      %scan3A_1037 = arith.constant 0 : i32
      scf.yield %scan3A_1037 : i32
    }
    %scan3A_297 = arith.constant 9 : i32
    %dma_wait3A_298 = arith.constant 0 : i32
    %dma_wait3A_299 = tpu.memref_slice %arg8[%dma_wait3A_298] : memref<1024xi32, #tpu.memory_space<vmem>> -> memref<128xi32, #tpu.memory_space<vmem>>
    %dma_wait3A_300 = arith.constant 0 : i32
    %dma_wait3A_301 = tpu.memref_slice %arg2[%mul3A_0, %dma_wait3A_300] : memref<20480x128xf32, #tpu.memory_space<hbm>> -> memref<10240x128xf32, #tpu.memory_space<hbm>>
    %dma_wait3A_302 = arith.constant 0 : i32
    %dma_wait3A_303 = arith.constant 0 : i32
    %dma_wait3A_304 = tpu.memref_slice %dma_wait3A_301[%dma_wait3A_302, %dma_wait3A_303] : memref<10240x128xf32, #tpu.memory_space<hbm>> -> memref<10240x128xf32, #tpu.memory_space<hbm>>
    tpu.wait_indirect_dma semaphore(%arg13 : memref<!tpu.dma_semaphore, #tpu.memory_space<semaphore_mem>>) src(%dma_wait3A_304 : memref<10240x128xf32, #tpu.memory_space<hbm>>) dst(%arg10 : memref<128x128xf32, #tpu.memory_space<vmem>>)
    %dma_wait3A_305 = arith.constant 7 : i32
    %dma_wait3A_306 = arith.constant 0 : i32
    %dma_wait3A_307 = tpu.memref_slice %arg7[%dma_wait3A_305, %dma_wait3A_306] : memref<8x128xi32, #tpu.memory_space<vmem>> -> memref<1x128xi32, #tpu.memory_space<vmem>>
    %dma_wait3A_308 = tpu.memref_squeeze %dma_wait3A_307 : memref<1x128xi32, #tpu.memory_space<vmem>> -> memref<128xi32, #tpu.memory_space<vmem>>
    %dma_wait3A_309 = arith.constant 0 : i32
    %dma_wait3A_310 = arith.constant 0 : i32
    %dma_wait3A_311 = tpu.memref_slice %arg12[%dma_wait3A_309, %dma_wait3A_310] : memref<10240x128xf32, #tpu.memory_space<vmem_shared>> -> memref<10240x128xf32, #tpu.memory_space<vmem_shared>>
    tpu.wait_indirect_dma semaphore(%arg14 : memref<!tpu.dma_semaphore, #tpu.memory_space<semaphore_mem>>) src(%arg11 : memref<128x128xf32, #tpu.memory_space<vmem>>) dst(%dma_wait3A_311 : memref<10240x128xf32, #tpu.memory_space<vmem_shared>>)
    %dma_start3A_312 = arith.constant 128 : i32
    %dma_start3A_313 = tpu.memref_slice %arg8[%dma_start3A_312] : memref<1024xi32, #tpu.memory_space<vmem>> -> memref<128xi32, #tpu.memory_space<vmem>>
    %dma_start3A_314 = arith.constant 0 : i32
    %dma_start3A_315 = tpu.memref_slice %arg2[%mul3A_0, %dma_start3A_314] : memref<20480x128xf32, #tpu.memory_space<hbm>> -> memref<10240x128xf32, #tpu.memory_space<hbm>>
    %dma_start3A_316 = arith.constant 0 : i32
    %dma_start3A_317 = arith.constant 0 : i32
    %dma_start3A_318 = tpu.memref_slice %dma_start3A_315[%dma_start3A_316, %dma_start3A_317] : memref<10240x128xf32, #tpu.memory_space<hbm>> -> memref<10240x128xf32, #tpu.memory_space<hbm>>
    tpu.enqueue_indirect_dma source(%dma_start3A_318 : memref<10240x128xf32, #tpu.memory_space<hbm>>) target(%arg11 : memref<128x128xf32, #tpu.memory_space<vmem>>) offsets(%dma_start3A_313 : memref<128xi32, #tpu.memory_space<vmem>>) semaphore(%arg13 : memref<!tpu.dma_semaphore, #tpu.memory_space<semaphore_mem>>)
    %dma_start3A_319 = arith.constant 0 : i32
    %dma_start3A_320 = arith.constant 0 : i32
    %dma_start3A_321 = tpu.memref_slice %arg9[%dma_start3A_319, %dma_start3A_320] : memref<8x128xi32, #tpu.memory_space<vmem>> -> memref<1x128xi32, #tpu.memory_space<vmem>>
    %dma_start3A_322 = tpu.memref_squeeze %dma_start3A_321 : memref<1x128xi32, #tpu.memory_space<vmem>> -> memref<128xi32, #tpu.memory_space<vmem>>
    %dma_start3A_323 = arith.constant 0 : i32
    %dma_start3A_324 = arith.constant 0 : i32
    %dma_start3A_325 = tpu.memref_slice %arg12[%dma_start3A_323, %dma_start3A_324] : memref<10240x128xf32, #tpu.memory_space<vmem_shared>> -> memref<10240x128xf32, #tpu.memory_space<vmem_shared>>
    tpu.enqueue_indirect_dma source(%arg10 : memref<128x128xf32, #tpu.memory_space<vmem>>) target(%dma_start3A_325 : memref<10240x128xf32, #tpu.memory_space<vmem_shared>>) offsets(%dma_start3A_322 : memref<128xi32, #tpu.memory_space<vmem>>) semaphore(%arg14 : memref<!tpu.dma_semaphore, #tpu.memory_space<semaphore_mem>>) {add = true}
    %dma_wait3A_326 = arith.constant 128 : i32
    %dma_wait3A_327 = tpu.memref_slice %arg8[%dma_wait3A_326] : memref<1024xi32, #tpu.memory_space<vmem>> -> memref<128xi32, #tpu.memory_space<vmem>>
    %dma_wait3A_328 = arith.constant 0 : i32
    %dma_wait3A_329 = tpu.memref_slice %arg2[%mul3A_0, %dma_wait3A_328] : memref<20480x128xf32, #tpu.memory_space<hbm>> -> memref<10240x128xf32, #tpu.memory_space<hbm>>
    %dma_wait3A_330 = arith.constant 0 : i32
    %dma_wait3A_331 = arith.constant 0 : i32
    %dma_wait3A_332 = tpu.memref_slice %dma_wait3A_329[%dma_wait3A_330, %dma_wait3A_331] : memref<10240x128xf32, #tpu.memory_space<hbm>> -> memref<10240x128xf32, #tpu.memory_space<hbm>>
    tpu.wait_indirect_dma semaphore(%arg13 : memref<!tpu.dma_semaphore, #tpu.memory_space<semaphore_mem>>) src(%dma_wait3A_332 : memref<10240x128xf32, #tpu.memory_space<hbm>>) dst(%arg11 : memref<128x128xf32, #tpu.memory_space<vmem>>)
    %dma_wait3A_333 = arith.constant 0 : i32
    %dma_wait3A_334 = arith.constant 0 : i32
    %dma_wait3A_335 = tpu.memref_slice %arg9[%dma_wait3A_333, %dma_wait3A_334] : memref<8x128xi32, #tpu.memory_space<vmem>> -> memref<1x128xi32, #tpu.memory_space<vmem>>
    %dma_wait3A_336 = tpu.memref_squeeze %dma_wait3A_335 : memref<1x128xi32, #tpu.memory_space<vmem>> -> memref<128xi32, #tpu.memory_space<vmem>>
    %dma_wait3A_337 = arith.constant 0 : i32
    %dma_wait3A_338 = arith.constant 0 : i32
    %dma_wait3A_339 = tpu.memref_slice %arg12[%dma_wait3A_337, %dma_wait3A_338] : memref<10240x128xf32, #tpu.memory_space<vmem_shared>> -> memref<10240x128xf32, #tpu.memory_space<vmem_shared>>
    tpu.wait_indirect_dma semaphore(%arg14 : memref<!tpu.dma_semaphore, #tpu.memory_space<semaphore_mem>>) src(%arg10 : memref<128x128xf32, #tpu.memory_space<vmem>>) dst(%dma_wait3A_339 : memref<10240x128xf32, #tpu.memory_space<vmem_shared>>)
    %dma_start3A_340 = arith.constant 256 : i32
    %dma_start3A_341 = tpu.memref_slice %arg8[%dma_start3A_340] : memref<1024xi32, #tpu.memory_space<vmem>> -> memref<128xi32, #tpu.memory_space<vmem>>
    %dma_start3A_342 = arith.constant 0 : i32
    %dma_start3A_343 = tpu.memref_slice %arg2[%mul3A_0, %dma_start3A_342] : memref<20480x128xf32, #tpu.memory_space<hbm>> -> memref<10240x128xf32, #tpu.memory_space<hbm>>
    %dma_start3A_344 = arith.constant 0 : i32
    %dma_start3A_345 = arith.constant 0 : i32
    %dma_start3A_346 = tpu.memref_slice %dma_start3A_343[%dma_start3A_344, %dma_start3A_345] : memref<10240x128xf32, #tpu.memory_space<hbm>> -> memref<10240x128xf32, #tpu.memory_space<hbm>>
    tpu.enqueue_indirect_dma source(%dma_start3A_346 : memref<10240x128xf32, #tpu.memory_space<hbm>>) target(%arg10 : memref<128x128xf32, #tpu.memory_space<vmem>>) offsets(%dma_start3A_341 : memref<128xi32, #tpu.memory_space<vmem>>) semaphore(%arg13 : memref<!tpu.dma_semaphore, #tpu.memory_space<semaphore_mem>>)
    %dma_start3A_347 = arith.constant 1 : i32
    %dma_start3A_348 = arith.constant 0 : i32
    %dma_start3A_349 = tpu.memref_slice %arg9[%dma_start3A_347, %dma_start3A_348] : memref<8x128xi32, #tpu.memory_space<vmem>> -> memref<1x128xi32, #tpu.memory_space<vmem>>
    %dma_start3A_350 = tpu.memref_squeeze %dma_start3A_349 : memref<1x128xi32, #tpu.memory_space<vmem>> -> memref<128xi32, #tpu.memory_space<vmem>>
    %dma_start3A_351 = arith.constant 0 : i32
    %dma_start3A_352 = arith.constant 0 : i32
    %dma_start3A_353 = tpu.memref_slice %arg12[%dma_start3A_351, %dma_start3A_352] : memref<10240x128xf32, #tpu.memory_space<vmem_shared>> -> memref<10240x128xf32, #tpu.memory_space<vmem_shared>>
    tpu.enqueue_indirect_dma source(%arg11 : memref<128x128xf32, #tpu.memory_space<vmem>>) target(%dma_start3A_353 : memref<10240x128xf32, #tpu.memory_space<vmem_shared>>) offsets(%dma_start3A_350 : memref<128xi32, #tpu.memory_space<vmem>>) semaphore(%arg14 : memref<!tpu.dma_semaphore, #tpu.memory_space<semaphore_mem>>) {add = true}
    %dma_wait3A_354 = arith.constant 256 : i32
    %dma_wait3A_355 = tpu.memref_slice %arg8[%dma_wait3A_354] : memref<1024xi32, #tpu.memory_space<vmem>> -> memref<128xi32, #tpu.memory_space<vmem>>
    %dma_wait3A_356 = arith.constant 0 : i32
    %dma_wait3A_357 = tpu.memref_slice %arg2[%mul3A_0, %dma_wait3A_356] : memref<20480x128xf32, #tpu.memory_space<hbm>> -> memref<10240x128xf32, #tpu.memory_space<hbm>>
    %dma_wait3A_358 = arith.constant 0 : i32
    %dma_wait3A_359 = arith.constant 0 : i32
    %dma_wait3A_360 = tpu.memref_slice %dma_wait3A_357[%dma_wait3A_358, %dma_wait3A_359] : memref<10240x128xf32, #tpu.memory_space<hbm>> -> memref<10240x128xf32, #tpu.memory_space<hbm>>
    tpu.wait_indirect_dma semaphore(%arg13 : memref<!tpu.dma_semaphore, #tpu.memory_space<semaphore_mem>>) src(%dma_wait3A_360 : memref<10240x128xf32, #tpu.memory_space<hbm>>) dst(%arg10 : memref<128x128xf32, #tpu.memory_space<vmem>>)
    %dma_wait3A_361 = arith.constant 1 : i32
    %dma_wait3A_362 = arith.constant 0 : i32
    %dma_wait3A_363 = tpu.memref_slice %arg9[%dma_wait3A_361, %dma_wait3A_362] : memref<8x128xi32, #tpu.memory_space<vmem>> -> memref<1x128xi32, #tpu.memory_space<vmem>>
    %dma_wait3A_364 = tpu.memref_squeeze %dma_wait3A_363 : memref<1x128xi32, #tpu.memory_space<vmem>> -> memref<128xi32, #tpu.memory_space<vmem>>
    %dma_wait3A_365 = arith.constant 0 : i32
    %dma_wait3A_366 = arith.constant 0 : i32
    %dma_wait3A_367 = tpu.memref_slice %arg12[%dma_wait3A_365, %dma_wait3A_366] : memref<10240x128xf32, #tpu.memory_space<vmem_shared>> -> memref<10240x128xf32, #tpu.memory_space<vmem_shared>>
    tpu.wait_indirect_dma semaphore(%arg14 : memref<!tpu.dma_semaphore, #tpu.memory_space<semaphore_mem>>) src(%arg11 : memref<128x128xf32, #tpu.memory_space<vmem>>) dst(%dma_wait3A_367 : memref<10240x128xf32, #tpu.memory_space<vmem_shared>>)
    %dma_start3A_368 = arith.constant 384 : i32
    %dma_start3A_369 = tpu.memref_slice %arg8[%dma_start3A_368] : memref<1024xi32, #tpu.memory_space<vmem>> -> memref<128xi32, #tpu.memory_space<vmem>>
    %dma_start3A_370 = arith.constant 0 : i32
    %dma_start3A_371 = tpu.memref_slice %arg2[%mul3A_0, %dma_start3A_370] : memref<20480x128xf32, #tpu.memory_space<hbm>> -> memref<10240x128xf32, #tpu.memory_space<hbm>>
    %dma_start3A_372 = arith.constant 0 : i32
    %dma_start3A_373 = arith.constant 0 : i32
    %dma_start3A_374 = tpu.memref_slice %dma_start3A_371[%dma_start3A_372, %dma_start3A_373] : memref<10240x128xf32, #tpu.memory_space<hbm>> -> memref<10240x128xf32, #tpu.memory_space<hbm>>
    tpu.enqueue_indirect_dma source(%dma_start3A_374 : memref<10240x128xf32, #tpu.memory_space<hbm>>) target(%arg11 : memref<128x128xf32, #tpu.memory_space<vmem>>) offsets(%dma_start3A_369 : memref<128xi32, #tpu.memory_space<vmem>>) semaphore(%arg13 : memref<!tpu.dma_semaphore, #tpu.memory_space<semaphore_mem>>)
    %dma_start3A_375 = arith.constant 2 : i32
    %dma_start3A_376 = arith.constant 0 : i32
    %dma_start3A_377 = tpu.memref_slice %arg9[%dma_start3A_375, %dma_start3A_376] : memref<8x128xi32, #tpu.memory_space<vmem>> -> memref<1x128xi32, #tpu.memory_space<vmem>>
    %dma_start3A_378 = tpu.memref_squeeze %dma_start3A_377 : memref<1x128xi32, #tpu.memory_space<vmem>> -> memref<128xi32, #tpu.memory_space<vmem>>
    %dma_start3A_379 = arith.constant 0 : i32
    %dma_start3A_380 = arith.constant 0 : i32
    %dma_start3A_381 = tpu.memref_slice %arg12[%dma_start3A_379, %dma_start3A_380] : memref<10240x128xf32, #tpu.memory_space<vmem_shared>> -> memref<10240x128xf32, #tpu.memory_space<vmem_shared>>
    tpu.enqueue_indirect_dma source(%arg10 : memref<128x128xf32, #tpu.memory_space<vmem>>) target(%dma_start3A_381 : memref<10240x128xf32, #tpu.memory_space<vmem_shared>>) offsets(%dma_start3A_378 : memref<128xi32, #tpu.memory_space<vmem>>) semaphore(%arg14 : memref<!tpu.dma_semaphore, #tpu.memory_space<semaphore_mem>>) {add = true}
    %dma_wait3A_382 = arith.constant 384 : i32
    %dma_wait3A_383 = tpu.memref_slice %arg8[%dma_wait3A_382] : memref<1024xi32, #tpu.memory_space<vmem>> -> memref<128xi32, #tpu.memory_space<vmem>>
    %dma_wait3A_384 = arith.constant 0 : i32
    %dma_wait3A_385 = tpu.memref_slice %arg2[%mul3A_0, %dma_wait3A_384] : memref<20480x128xf32, #tpu.memory_space<hbm>> -> memref<10240x128xf32, #tpu.memory_space<hbm>>
    %dma_wait3A_386 = arith.constant 0 : i32
    %dma_wait3A_387 = arith.constant 0 : i32
    %dma_wait3A_388 = tpu.memref_slice %dma_wait3A_385[%dma_wait3A_386, %dma_wait3A_387] : memref<10240x128xf32, #tpu.memory_space<hbm>> -> memref<10240x128xf32, #tpu.memory_space<hbm>>
    tpu.wait_indirect_dma semaphore(%arg13 : memref<!tpu.dma_semaphore, #tpu.memory_space<semaphore_mem>>) src(%dma_wait3A_388 : memref<10240x128xf32, #tpu.memory_space<hbm>>) dst(%arg11 : memref<128x128xf32, #tpu.memory_space<vmem>>)
    %dma_wait3A_389 = arith.constant 2 : i32
    %dma_wait3A_390 = arith.constant 0 : i32
    %dma_wait3A_391 = tpu.memref_slice %arg9[%dma_wait3A_389, %dma_wait3A_390] : memref<8x128xi32, #tpu.memory_space<vmem>> -> memref<1x128xi32, #tpu.memory_space<vmem>>
    %dma_wait3A_392 = tpu.memref_squeeze %dma_wait3A_391 : memref<1x128xi32, #tpu.memory_space<vmem>> -> memref<128xi32, #tpu.memory_space<vmem>>
    %dma_wait3A_393 = arith.constant 0 : i32
    %dma_wait3A_394 = arith.constant 0 : i32
    %dma_wait3A_395 = tpu.memref_slice %arg12[%dma_wait3A_393, %dma_wait3A_394] : memref<10240x128xf32, #tpu.memory_space<vmem_shared>> -> memref<10240x128xf32, #tpu.memory_space<vmem_shared>>
    tpu.wait_indirect_dma semaphore(%arg14 : memref<!tpu.dma_semaphore, #tpu.memory_space<semaphore_mem>>) src(%arg10 : memref<128x128xf32, #tpu.memory_space<vmem>>) dst(%dma_wait3A_395 : memref<10240x128xf32, #tpu.memory_space<vmem_shared>>)
    %dma_start3A_396 = arith.constant 512 : i32
    %dma_start3A_397 = tpu.memref_slice %arg8[%dma_start3A_396] : memref<1024xi32, #tpu.memory_space<vmem>> -> memref<128xi32, #tpu.memory_space<vmem>>
    %dma_start3A_398 = arith.constant 0 : i32
    %dma_start3A_399 = tpu.memref_slice %arg2[%mul3A_0, %dma_start3A_398] : memref<20480x128xf32, #tpu.memory_space<hbm>> -> memref<10240x128xf32, #tpu.memory_space<hbm>>
    %dma_start3A_400 = arith.constant 0 : i32
    %dma_start3A_401 = arith.constant 0 : i32
    %dma_start3A_402 = tpu.memref_slice %dma_start3A_399[%dma_start3A_400, %dma_start3A_401] : memref<10240x128xf32, #tpu.memory_space<hbm>> -> memref<10240x128xf32, #tpu.memory_space<hbm>>
    tpu.enqueue_indirect_dma source(%dma_start3A_402 : memref<10240x128xf32, #tpu.memory_space<hbm>>) target(%arg10 : memref<128x128xf32, #tpu.memory_space<vmem>>) offsets(%dma_start3A_397 : memref<128xi32, #tpu.memory_space<vmem>>) semaphore(%arg13 : memref<!tpu.dma_semaphore, #tpu.memory_space<semaphore_mem>>)
    %dma_start3A_403 = arith.constant 3 : i32
    %dma_start3A_404 = arith.constant 0 : i32
    %dma_start3A_405 = tpu.memref_slice %arg9[%dma_start3A_403, %dma_start3A_404] : memref<8x128xi32, #tpu.memory_space<vmem>> -> memref<1x128xi32, #tpu.memory_space<vmem>>
    %dma_start3A_406 = tpu.memref_squeeze %dma_start3A_405 : memref<1x128xi32, #tpu.memory_space<vmem>> -> memref<128xi32, #tpu.memory_space<vmem>>
    %dma_start3A_407 = arith.constant 0 : i32
    %dma_start3A_408 = arith.constant 0 : i32
    %dma_start3A_409 = tpu.memref_slice %arg12[%dma_start3A_407, %dma_start3A_408] : memref<10240x128xf32, #tpu.memory_space<vmem_shared>> -> memref<10240x128xf32, #tpu.memory_space<vmem_shared>>
    tpu.enqueue_indirect_dma source(%arg11 : memref<128x128xf32, #tpu.memory_space<vmem>>) target(%dma_start3A_409 : memref<10240x128xf32, #tpu.memory_space<vmem_shared>>) offsets(%dma_start3A_406 : memref<128xi32, #tpu.memory_space<vmem>>) semaphore(%arg14 : memref<!tpu.dma_semaphore, #tpu.memory_space<semaphore_mem>>) {add = true}
    %dma_wait3A_410 = arith.constant 512 : i32
    %dma_wait3A_411 = tpu.memref_slice %arg8[%dma_wait3A_410] : memref<1024xi32, #tpu.memory_space<vmem>> -> memref<128xi32, #tpu.memory_space<vmem>>
    %dma_wait3A_412 = arith.constant 0 : i32
    %dma_wait3A_413 = tpu.memref_slice %arg2[%mul3A_0, %dma_wait3A_412] : memref<20480x128xf32, #tpu.memory_space<hbm>> -> memref<10240x128xf32, #tpu.memory_space<hbm>>
    %dma_wait3A_414 = arith.constant 0 : i32
    %dma_wait3A_415 = arith.constant 0 : i32
    %dma_wait3A_416 = tpu.memref_slice %dma_wait3A_413[%dma_wait3A_414, %dma_wait3A_415] : memref<10240x128xf32, #tpu.memory_space<hbm>> -> memref<10240x128xf32, #tpu.memory_space<hbm>>
    tpu.wait_indirect_dma semaphore(%arg13 : memref<!tpu.dma_semaphore, #tpu.memory_space<semaphore_mem>>) src(%dma_wait3A_416 : memref<10240x128xf32, #tpu.memory_space<hbm>>) dst(%arg10 : memref<128x128xf32, #tpu.memory_space<vmem>>)
    %dma_wait3A_417 = arith.constant 3 : i32
    %dma_wait3A_418 = arith.constant 0 : i32
    %dma_wait3A_419 = tpu.memref_slice %arg9[%dma_wait3A_417, %dma_wait3A_418] : memref<8x128xi32, #tpu.memory_space<vmem>> -> memref<1x128xi32, #tpu.memory_space<vmem>>
    %dma_wait3A_420 = tpu.memref_squeeze %dma_wait3A_419 : memref<1x128xi32, #tpu.memory_space<vmem>> -> memref<128xi32, #tpu.memory_space<vmem>>
    %dma_wait3A_421 = arith.constant 0 : i32
    %dma_wait3A_422 = arith.constant 0 : i32
    %dma_wait3A_423 = tpu.memref_slice %arg12[%dma_wait3A_421, %dma_wait3A_422] : memref<10240x128xf32, #tpu.memory_space<vmem_shared>> -> memref<10240x128xf32, #tpu.memory_space<vmem_shared>>
    tpu.wait_indirect_dma semaphore(%arg14 : memref<!tpu.dma_semaphore, #tpu.memory_space<semaphore_mem>>) src(%arg11 : memref<128x128xf32, #tpu.memory_space<vmem>>) dst(%dma_wait3A_423 : memref<10240x128xf32, #tpu.memory_space<vmem_shared>>)
    %dma_start3A_424 = arith.constant 640 : i32
    %dma_start3A_425 = tpu.memref_slice %arg8[%dma_start3A_424] : memref<1024xi32, #tpu.memory_space<vmem>> -> memref<128xi32, #tpu.memory_space<vmem>>
    %dma_start3A_426 = arith.constant 0 : i32
    %dma_start3A_427 = tpu.memref_slice %arg2[%mul3A_0, %dma_start3A_426] : memref<20480x128xf32, #tpu.memory_space<hbm>> -> memref<10240x128xf32, #tpu.memory_space<hbm>>
    %dma_start3A_428 = arith.constant 0 : i32
    %dma_start3A_429 = arith.constant 0 : i32
    %dma_start3A_430 = tpu.memref_slice %dma_start3A_427[%dma_start3A_428, %dma_start3A_429] : memref<10240x128xf32, #tpu.memory_space<hbm>> -> memref<10240x128xf32, #tpu.memory_space<hbm>>
    tpu.enqueue_indirect_dma source(%dma_start3A_430 : memref<10240x128xf32, #tpu.memory_space<hbm>>) target(%arg11 : memref<128x128xf32, #tpu.memory_space<vmem>>) offsets(%dma_start3A_425 : memref<128xi32, #tpu.memory_space<vmem>>) semaphore(%arg13 : memref<!tpu.dma_semaphore, #tpu.memory_space<semaphore_mem>>)
    %dma_start3A_431 = arith.constant 4 : i32
    %dma_start3A_432 = arith.constant 0 : i32
    %dma_start3A_433 = tpu.memref_slice %arg9[%dma_start3A_431, %dma_start3A_432] : memref<8x128xi32, #tpu.memory_space<vmem>> -> memref<1x128xi32, #tpu.memory_space<vmem>>
    %dma_start3A_434 = tpu.memref_squeeze %dma_start3A_433 : memref<1x128xi32, #tpu.memory_space<vmem>> -> memref<128xi32, #tpu.memory_space<vmem>>
    %dma_start3A_435 = arith.constant 0 : i32
    %dma_start3A_436 = arith.constant 0 : i32
    %dma_start3A_437 = tpu.memref_slice %arg12[%dma_start3A_435, %dma_start3A_436] : memref<10240x128xf32, #tpu.memory_space<vmem_shared>> -> memref<10240x128xf32, #tpu.memory_space<vmem_shared>>
    tpu.enqueue_indirect_dma source(%arg10 : memref<128x128xf32, #tpu.memory_space<vmem>>) target(%dma_start3A_437 : memref<10240x128xf32, #tpu.memory_space<vmem_shared>>) offsets(%dma_start3A_434 : memref<128xi32, #tpu.memory_space<vmem>>) semaphore(%arg14 : memref<!tpu.dma_semaphore, #tpu.memory_space<semaphore_mem>>) {add = true}
    %dma_wait3A_438 = arith.constant 640 : i32
    %dma_wait3A_439 = tpu.memref_slice %arg8[%dma_wait3A_438] : memref<1024xi32, #tpu.memory_space<vmem>> -> memref<128xi32, #tpu.memory_space<vmem>>
    %dma_wait3A_440 = arith.constant 0 : i32
    %dma_wait3A_441 = tpu.memref_slice %arg2[%mul3A_0, %dma_wait3A_440] : memref<20480x128xf32, #tpu.memory_space<hbm>> -> memref<10240x128xf32, #tpu.memory_space<hbm>>
    %dma_wait3A_442 = arith.constant 0 : i32
    %dma_wait3A_443 = arith.constant 0 : i32
    %dma_wait3A_444 = tpu.memref_slice %dma_wait3A_441[%dma_wait3A_442, %dma_wait3A_443] : memref<10240x128xf32, #tpu.memory_space<hbm>> -> memref<10240x128xf32, #tpu.memory_space<hbm>>
    tpu.wait_indirect_dma semaphore(%arg13 : memref<!tpu.dma_semaphore, #tpu.memory_space<semaphore_mem>>) src(%dma_wait3A_444 : memref<10240x128xf32, #tpu.memory_space<hbm>>) dst(%arg11 : memref<128x128xf32, #tpu.memory_space<vmem>>)
    %dma_wait3A_445 = arith.constant 4 : i32
    %dma_wait3A_446 = arith.constant 0 : i32
    %dma_wait3A_447 = tpu.memref_slice %arg9[%dma_wait3A_445, %dma_wait3A_446] : memref<8x128xi32, #tpu.memory_space<vmem>> -> memref<1x128xi32, #tpu.memory_space<vmem>>
    %dma_wait3A_448 = tpu.memref_squeeze %dma_wait3A_447 : memref<1x128xi32, #tpu.memory_space<vmem>> -> memref<128xi32, #tpu.memory_space<vmem>>
    %dma_wait3A_449 = arith.constant 0 : i32
    %dma_wait3A_450 = arith.constant 0 : i32
    %dma_wait3A_451 = tpu.memref_slice %arg12[%dma_wait3A_449, %dma_wait3A_450] : memref<10240x128xf32, #tpu.memory_space<vmem_shared>> -> memref<10240x128xf32, #tpu.memory_space<vmem_shared>>
    tpu.wait_indirect_dma semaphore(%arg14 : memref<!tpu.dma_semaphore, #tpu.memory_space<semaphore_mem>>) src(%arg10 : memref<128x128xf32, #tpu.memory_space<vmem>>) dst(%dma_wait3A_451 : memref<10240x128xf32, #tpu.memory_space<vmem_shared>>)
    %dma_start3A_452 = arith.constant 768 : i32
    %dma_start3A_453 = tpu.memref_slice %arg8[%dma_start3A_452] : memref<1024xi32, #tpu.memory_space<vmem>> -> memref<128xi32, #tpu.memory_space<vmem>>
    %dma_start3A_454 = arith.constant 0 : i32
    %dma_start3A_455 = tpu.memref_slice %arg2[%mul3A_0, %dma_start3A_454] : memref<20480x128xf32, #tpu.memory_space<hbm>> -> memref<10240x128xf32, #tpu.memory_space<hbm>>
    %dma_start3A_456 = arith.constant 0 : i32
    %dma_start3A_457 = arith.constant 0 : i32
    %dma_start3A_458 = tpu.memref_slice %dma_start3A_455[%dma_start3A_456, %dma_start3A_457] : memref<10240x128xf32, #tpu.memory_space<hbm>> -> memref<10240x128xf32, #tpu.memory_space<hbm>>
    tpu.enqueue_indirect_dma source(%dma_start3A_458 : memref<10240x128xf32, #tpu.memory_space<hbm>>) target(%arg10 : memref<128x128xf32, #tpu.memory_space<vmem>>) offsets(%dma_start3A_453 : memref<128xi32, #tpu.memory_space<vmem>>) semaphore(%arg13 : memref<!tpu.dma_semaphore, #tpu.memory_space<semaphore_mem>>)
    %dma_start3A_459 = arith.constant 5 : i32
    %dma_start3A_460 = arith.constant 0 : i32
    %dma_start3A_461 = tpu.memref_slice %arg9[%dma_start3A_459, %dma_start3A_460] : memref<8x128xi32, #tpu.memory_space<vmem>> -> memref<1x128xi32, #tpu.memory_space<vmem>>
    %dma_start3A_462 = tpu.memref_squeeze %dma_start3A_461 : memref<1x128xi32, #tpu.memory_space<vmem>> -> memref<128xi32, #tpu.memory_space<vmem>>
    %dma_start3A_463 = arith.constant 0 : i32
    %dma_start3A_464 = arith.constant 0 : i32
    %dma_start3A_465 = tpu.memref_slice %arg12[%dma_start3A_463, %dma_start3A_464] : memref<10240x128xf32, #tpu.memory_space<vmem_shared>> -> memref<10240x128xf32, #tpu.memory_space<vmem_shared>>
    tpu.enqueue_indirect_dma source(%arg11 : memref<128x128xf32, #tpu.memory_space<vmem>>) target(%dma_start3A_465 : memref<10240x128xf32, #tpu.memory_space<vmem_shared>>) offsets(%dma_start3A_462 : memref<128xi32, #tpu.memory_space<vmem>>) semaphore(%arg14 : memref<!tpu.dma_semaphore, #tpu.memory_space<semaphore_mem>>) {add = true}
    %dma_wait3A_466 = arith.constant 768 : i32
    %dma_wait3A_467 = tpu.memref_slice %arg8[%dma_wait3A_466] : memref<1024xi32, #tpu.memory_space<vmem>> -> memref<128xi32, #tpu.memory_space<vmem>>
    %dma_wait3A_468 = arith.constant 0 : i32
    %dma_wait3A_469 = tpu.memref_slice %arg2[%mul3A_0, %dma_wait3A_468] : memref<20480x128xf32, #tpu.memory_space<hbm>> -> memref<10240x128xf32, #tpu.memory_space<hbm>>
    %dma_wait3A_470 = arith.constant 0 : i32
    %dma_wait3A_471 = arith.constant 0 : i32
    %dma_wait3A_472 = tpu.memref_slice %dma_wait3A_469[%dma_wait3A_470, %dma_wait3A_471] : memref<10240x128xf32, #tpu.memory_space<hbm>> -> memref<10240x128xf32, #tpu.memory_space<hbm>>
    tpu.wait_indirect_dma semaphore(%arg13 : memref<!tpu.dma_semaphore, #tpu.memory_space<semaphore_mem>>) src(%dma_wait3A_472 : memref<10240x128xf32, #tpu.memory_space<hbm>>) dst(%arg10 : memref<128x128xf32, #tpu.memory_space<vmem>>)
    %dma_wait3A_473 = arith.constant 5 : i32
    %dma_wait3A_474 = arith.constant 0 : i32
    %dma_wait3A_475 = tpu.memref_slice %arg9[%dma_wait3A_473, %dma_wait3A_474] : memref<8x128xi32, #tpu.memory_space<vmem>> -> memref<1x128xi32, #tpu.memory_space<vmem>>
    %dma_wait3A_476 = tpu.memref_squeeze %dma_wait3A_475 : memref<1x128xi32, #tpu.memory_space<vmem>> -> memref<128xi32, #tpu.memory_space<vmem>>
    %dma_wait3A_477 = arith.constant 0 : i32
    %dma_wait3A_478 = arith.constant 0 : i32
    %dma_wait3A_479 = tpu.memref_slice %arg12[%dma_wait3A_477, %dma_wait3A_478] : memref<10240x128xf32, #tpu.memory_space<vmem_shared>> -> memref<10240x128xf32, #tpu.memory_space<vmem_shared>>
    tpu.wait_indirect_dma semaphore(%arg14 : memref<!tpu.dma_semaphore, #tpu.memory_space<semaphore_mem>>) src(%arg11 : memref<128x128xf32, #tpu.memory_space<vmem>>) dst(%dma_wait3A_479 : memref<10240x128xf32, #tpu.memory_space<vmem_shared>>)
    %dma_start3A_480 = arith.constant 896 : i32
    %dma_start3A_481 = tpu.memref_slice %arg8[%dma_start3A_480] : memref<1024xi32, #tpu.memory_space<vmem>> -> memref<128xi32, #tpu.memory_space<vmem>>
    %dma_start3A_482 = arith.constant 0 : i32
    %dma_start3A_483 = tpu.memref_slice %arg2[%mul3A_0, %dma_start3A_482] : memref<20480x128xf32, #tpu.memory_space<hbm>> -> memref<10240x128xf32, #tpu.memory_space<hbm>>
    %dma_start3A_484 = arith.constant 0 : i32
    %dma_start3A_485 = arith.constant 0 : i32
    %dma_start3A_486 = tpu.memref_slice %dma_start3A_483[%dma_start3A_484, %dma_start3A_485] : memref<10240x128xf32, #tpu.memory_space<hbm>> -> memref<10240x128xf32, #tpu.memory_space<hbm>>
    tpu.enqueue_indirect_dma source(%dma_start3A_486 : memref<10240x128xf32, #tpu.memory_space<hbm>>) target(%arg11 : memref<128x128xf32, #tpu.memory_space<vmem>>) offsets(%dma_start3A_481 : memref<128xi32, #tpu.memory_space<vmem>>) semaphore(%arg13 : memref<!tpu.dma_semaphore, #tpu.memory_space<semaphore_mem>>)
    %dma_start3A_487 = arith.constant 6 : i32
    %dma_start3A_488 = arith.constant 0 : i32
    %dma_start3A_489 = tpu.memref_slice %arg9[%dma_start3A_487, %dma_start3A_488] : memref<8x128xi32, #tpu.memory_space<vmem>> -> memref<1x128xi32, #tpu.memory_space<vmem>>
    %dma_start3A_490 = tpu.memref_squeeze %dma_start3A_489 : memref<1x128xi32, #tpu.memory_space<vmem>> -> memref<128xi32, #tpu.memory_space<vmem>>
    %dma_start3A_491 = arith.constant 0 : i32
    %dma_start3A_492 = arith.constant 0 : i32
    %dma_start3A_493 = tpu.memref_slice %arg12[%dma_start3A_491, %dma_start3A_492] : memref<10240x128xf32, #tpu.memory_space<vmem_shared>> -> memref<10240x128xf32, #tpu.memory_space<vmem_shared>>
    tpu.enqueue_indirect_dma source(%arg10 : memref<128x128xf32, #tpu.memory_space<vmem>>) target(%dma_start3A_493 : memref<10240x128xf32, #tpu.memory_space<vmem_shared>>) offsets(%dma_start3A_490 : memref<128xi32, #tpu.memory_space<vmem>>) semaphore(%arg14 : memref<!tpu.dma_semaphore, #tpu.memory_space<semaphore_mem>>) {add = true}
    %dma_wait3A_494 = arith.constant 896 : i32
    %dma_wait3A_495 = tpu.memref_slice %arg8[%dma_wait3A_494] : memref<1024xi32, #tpu.memory_space<vmem>> -> memref<128xi32, #tpu.memory_space<vmem>>
    %dma_wait3A_496 = arith.constant 0 : i32
    %dma_wait3A_497 = tpu.memref_slice %arg2[%mul3A_0, %dma_wait3A_496] : memref<20480x128xf32, #tpu.memory_space<hbm>> -> memref<10240x128xf32, #tpu.memory_space<hbm>>
    %dma_wait3A_498 = arith.constant 0 : i32
    %dma_wait3A_499 = arith.constant 0 : i32
    %dma_wait3A_500 = tpu.memref_slice %dma_wait3A_497[%dma_wait3A_498, %dma_wait3A_499] : memref<10240x128xf32, #tpu.memory_space<hbm>> -> memref<10240x128xf32, #tpu.memory_space<hbm>>
    tpu.wait_indirect_dma semaphore(%arg13 : memref<!tpu.dma_semaphore, #tpu.memory_space<semaphore_mem>>) src(%dma_wait3A_500 : memref<10240x128xf32, #tpu.memory_space<hbm>>) dst(%arg11 : memref<128x128xf32, #tpu.memory_space<vmem>>)
    %dma_start3A_501 = arith.constant 7 : i32
    %dma_start3A_502 = arith.constant 0 : i32
    %dma_start3A_503 = tpu.memref_slice %arg9[%dma_start3A_501, %dma_start3A_502] : memref<8x128xi32, #tpu.memory_space<vmem>> -> memref<1x128xi32, #tpu.memory_space<vmem>>
    %dma_start3A_504 = tpu.memref_squeeze %dma_start3A_503 : memref<1x128xi32, #tpu.memory_space<vmem>> -> memref<128xi32, #tpu.memory_space<vmem>>
    %dma_start3A_505 = arith.constant 0 : i32
    %dma_start3A_506 = arith.constant 0 : i32
    %dma_start3A_507 = tpu.memref_slice %arg12[%dma_start3A_505, %dma_start3A_506] : memref<10240x128xf32, #tpu.memory_space<vmem_shared>> -> memref<10240x128xf32, #tpu.memory_space<vmem_shared>>
    tpu.enqueue_indirect_dma source(%arg11 : memref<128x128xf32, #tpu.memory_space<vmem>>) target(%dma_start3A_507 : memref<10240x128xf32, #tpu.memory_space<vmem_shared>>) offsets(%dma_start3A_504 : memref<128xi32, #tpu.memory_space<vmem>>) semaphore(%arg14 : memref<!tpu.dma_semaphore, #tpu.memory_space<semaphore_mem>>) {add = true}
    %dma_wait3A_508 = arith.constant 6 : i32
    %dma_wait3A_509 = arith.constant 0 : i32
    %dma_wait3A_510 = tpu.memref_slice %arg9[%dma_wait3A_508, %dma_wait3A_509] : memref<8x128xi32, #tpu.memory_space<vmem>> -> memref<1x128xi32, #tpu.memory_space<vmem>>
    %dma_wait3A_511 = tpu.memref_squeeze %dma_wait3A_510 : memref<1x128xi32, #tpu.memory_space<vmem>> -> memref<128xi32, #tpu.memory_space<vmem>>
    %dma_wait3A_512 = arith.constant 0 : i32
    %dma_wait3A_513 = arith.constant 0 : i32
    %dma_wait3A_514 = tpu.memref_slice %arg12[%dma_wait3A_512, %dma_wait3A_513] : memref<10240x128xf32, #tpu.memory_space<vmem_shared>> -> memref<10240x128xf32, #tpu.memory_space<vmem_shared>>
    tpu.wait_indirect_dma semaphore(%arg14 : memref<!tpu.dma_semaphore, #tpu.memory_space<semaphore_mem>>) src(%arg10 : memref<128x128xf32, #tpu.memory_space<vmem>>) dst(%dma_wait3A_514 : memref<10240x128xf32, #tpu.memory_space<vmem_shared>>)
    %dma_wait3A_515 = arith.constant 7 : i32
    %dma_wait3A_516 = arith.constant 0 : i32
    %dma_wait3A_517 = tpu.memref_slice %arg9[%dma_wait3A_515, %dma_wait3A_516] : memref<8x128xi32, #tpu.memory_space<vmem>> -> memref<1x128xi32, #tpu.memory_space<vmem>>
    %dma_wait3A_518 = tpu.memref_squeeze %dma_wait3A_517 : memref<1x128xi32, #tpu.memory_space<vmem>> -> memref<128xi32, #tpu.memory_space<vmem>>
    %dma_wait3A_519 = arith.constant 0 : i32
    %dma_wait3A_520 = arith.constant 0 : i32
    %dma_wait3A_521 = tpu.memref_slice %arg12[%dma_wait3A_519, %dma_wait3A_520] : memref<10240x128xf32, #tpu.memory_space<vmem_shared>> -> memref<10240x128xf32, #tpu.memory_space<vmem_shared>>
    tpu.wait_indirect_dma semaphore(%arg14 : memref<!tpu.dma_semaphore, #tpu.memory_space<semaphore_mem>>) src(%arg11 : memref<128x128xf32, #tpu.memory_space<vmem>>) dst(%dma_wait3A_521 : memref<10240x128xf32, #tpu.memory_space<vmem_shared>>)
    %barrier3A_522 = arith.constant 0 : index
    tpu.barrier barrier_id(%barrier3A_522)
    %mul3A_523 = arith.constant 640 : i32
    %mul3A_524 = arith.muli %arg1, %mul3A_523 : i32
    %mul3A_525 = arith.constant 640 : i32
    %mul3A_526 = arith.muli %arg1, %mul3A_525 : i32
    "tpu.region"() ({
      %run_scoped3A = tpu.sem_alloc : memref<!tpu.dma_semaphore, #tpu.memory_space<semaphore_mem>>
      %dma_start3A_527 = arith.constant 0 : i32
      %dma_start3A_528 = tpu.memref_slice %arg5[%arg0, %mul3A_526, %dma_start3A_527] : memref<2x10240x128xf32, #tpu.memory_space<hbm>> -> memref<1x640x128xf32, #tpu.memory_space<hbm>>
      %dma_start3A_529 = tpu.memref_squeeze %dma_start3A_528 : memref<1x640x128xf32, #tpu.memory_space<hbm>> -> memref<640x128xf32, #tpu.memory_space<hbm>>
      %dma_start3A_530 = arith.constant 0 : i32
      %dma_start3A_531 = tpu.memref_slice %arg12[%mul3A_524, %dma_start3A_530] : memref<10240x128xf32, #tpu.memory_space<vmem_shared>> -> memref<640x128xf32, #tpu.memory_space<vmem_shared>>
      tpu.enqueue_dma source(%dma_start3A_531 : memref<640x128xf32, #tpu.memory_space<vmem_shared>>) target(%dma_start3A_529 : memref<640x128xf32, #tpu.memory_space<hbm>>) target_semaphore(%run_scoped3A : memref<!tpu.dma_semaphore, #tpu.memory_space<semaphore_mem>>)
      %dma_wait3A_532 = arith.constant 0 : i32
      %dma_wait3A_533 = tpu.memref_slice %arg5[%arg0, %mul3A_526, %dma_wait3A_532] : memref<2x10240x128xf32, #tpu.memory_space<hbm>> -> memref<1x640x128xf32, #tpu.memory_space<hbm>>
      %dma_wait3A_534 = tpu.memref_squeeze %dma_wait3A_533 : memref<1x640x128xf32, #tpu.memory_space<hbm>> -> memref<640x128xf32, #tpu.memory_space<hbm>>
      %dma_wait3A_535 = arith.constant 0 : i32
      %dma_wait3A_536 = tpu.memref_slice %arg12[%mul3A_524, %dma_wait3A_535] : memref<10240x128xf32, #tpu.memory_space<vmem_shared>> -> memref<640x128xf32, #tpu.memory_space<vmem_shared>>
      tpu.wait_dma2 semaphore(%run_scoped3A : memref<!tpu.dma_semaphore, #tpu.memory_space<semaphore_mem>>) src(%dma_wait3A_536 : memref<640x128xf32, #tpu.memory_space<vmem_shared>>) dst(%dma_wait3A_534 : memref<640x128xf32, #tpu.memory_space<hbm>>)
      tpu.yield
    }) : () -> ()
    return
  }
}

#map = affine_map<(d0, d1) -> (0, 0)>
#map1 = affine_map<(d0, d1) -> (0)>
#map2 = affine_map<(d0, d1) -> (0, 0, 0)>
module attributes {stable_mosaic.version = 14 : i64} {
  func.func @ep(%arg0: i32, %arg1: i32, %arg2: memref<10240x128xf32, #tpu.memory_space<hbm>>, %arg3: memref<327680xi32, #tpu.memory_space<hbm>>, %arg4: memref<2560x128xi32, #tpu.memory_space<hbm>>, %arg5: memref<2x10240x128xf32, #tpu.memory_space<hbm>>, %arg6: memref<1024xi32, #tpu.memory_space<vmem>>, %arg7: memref<8x128xi32, #tpu.memory_space<vmem>>, %arg8: memref<1024xi32, #tpu.memory_space<vmem>>, %arg9: memref<8x128xi32, #tpu.memory_space<vmem>>, %arg10: memref<128x128xf32, #tpu.memory_space<vmem>>, %arg11: memref<128x128xf32, #tpu.memory_space<vmem>>, %arg12: memref<10240x128xf32, #tpu.memory_space<vmem_shared>>, %arg13: memref<!tpu.dma_semaphore, #tpu.memory_space<semaphore_mem>>, %arg14: memref<!tpu.dma_semaphore, #tpu.memory_space<semaphore_mem>>, %arg15: memref<!tpu.dma_semaphore, #tpu.memory_space<semaphore_mem>>) attributes {dimension_semantics = [#tpu.dimension_semantics<core_parallel>, #tpu.dimension_semantics<subcore_parallel>], iteration_bounds = array<i64: 2, 16>, scalar_prefetch = 0 : i64, scratch_operands = 10 : i64, tpu.core_type = #tpu.core_type<sc_vector_subcore>, window_params = [{transform_indices = #map}, {transform_indices = #map1}, {transform_indices = #map}, {transform_indices = #map2}]} {
    %mul3A = arith.constant 2 : i32
    %mul3A_0 = arith.muli %arg1, %mul3A : i32
    %add3A = arith.addi %mul3A_0, %arg0 : i32
    %mul3A_1 = arith.constant 80 : i32
    %mul3A_2 = arith.muli %add3A, %mul3A_1 : i32
    %broadcast_in_dim3A = arith.constant 0.000000e+00 : f32
    %broadcast_in_dim3A_3 = vector.broadcast %broadcast_in_dim3A : f32 to vector<16xf32>
    %scan3A = arith.constant 0 : i32
    %scan3A_4 = arith.constant 0 : i32
    %scan3A_5 = arith.constant 128 : i32
    %scan3A_6 = arith.addi %scan3A_4, %scan3A_5 : i32
    %scan3A_7 = arith.constant 1 : i32
    %scan3A_8 = scf.for %scan3A_464 = %scan3A_4 to %scan3A_6 step %scan3A_7 iter_args(%scan3A_465 = %scan3A) -> (i32)  : i32 {
      %swap3A = arith.index_cast %scan3A_464 : i32 to index
      %swap3A_466 = arith.constant 0 : index
      %swap3A_467 = tpu.vector_load %arg10[%swap3A, %swap3A_466] {strides = array<i32>} : memref<128x128xf32, #tpu.memory_space<vmem>>, vector<16xf32>,
      tpu.vector_store %arg10[%swap3A, %swap3A_466], %broadcast_in_dim3A_3 {strides = array<i32>} : memref<128x128xf32, #tpu.memory_space<vmem>>, vector<16xf32>,
      %swap3A_468 = arith.index_cast %scan3A_464 : i32 to index
      %swap3A_469 = arith.constant 16 : index
      %swap3A_470 = tpu.vector_load %arg10[%swap3A_468, %swap3A_469] {strides = array<i32>} : memref<128x128xf32, #tpu.memory_space<vmem>>, vector<16xf32>,
      tpu.vector_store %arg10[%swap3A_468, %swap3A_469], %broadcast_in_dim3A_3 {strides = array<i32>} : memref<128x128xf32, #tpu.memory_space<vmem>>, vector<16xf32>,
      %swap3A_471 = arith.index_cast %scan3A_464 : i32 to index
      %swap3A_472 = arith.constant 32 : index
      %swap3A_473 = tpu.vector_load %arg10[%swap3A_471, %swap3A_472] {strides = array<i32>} : memref<128x128xf32, #tpu.memory_space<vmem>>, vector<16xf32>,
      tpu.vector_store %arg10[%swap3A_471, %swap3A_472], %broadcast_in_dim3A_3 {strides = array<i32>} : memref<128x128xf32, #tpu.memory_space<vmem>>, vector<16xf32>,
      %swap3A_474 = arith.index_cast %scan3A_464 : i32 to index
      %swap3A_475 = arith.constant 48 : index
      %swap3A_476 = tpu.vector_load %arg10[%swap3A_474, %swap3A_475] {strides = array<i32>} : memref<128x128xf32, #tpu.memory_space<vmem>>, vector<16xf32>,
      tpu.vector_store %arg10[%swap3A_474, %swap3A_475], %broadcast_in_dim3A_3 {strides = array<i32>} : memref<128x128xf32, #tpu.memory_space<vmem>>, vector<16xf32>,
      %swap3A_477 = arith.index_cast %scan3A_464 : i32 to index
      %swap3A_478 = arith.constant 64 : index
      %swap3A_479 = tpu.vector_load %arg10[%swap3A_477, %swap3A_478] {strides = array<i32>} : memref<128x128xf32, #tpu.memory_space<vmem>>, vector<16xf32>,
      tpu.vector_store %arg10[%swap3A_477, %swap3A_478], %broadcast_in_dim3A_3 {strides = array<i32>} : memref<128x128xf32, #tpu.memory_space<vmem>>, vector<16xf32>,
      %swap3A_480 = arith.index_cast %scan3A_464 : i32 to index
      %swap3A_481 = arith.constant 80 : index
      %swap3A_482 = tpu.vector_load %arg10[%swap3A_480, %swap3A_481] {strides = array<i32>} : memref<128x128xf32, #tpu.memory_space<vmem>>, vector<16xf32>,
      tpu.vector_store %arg10[%swap3A_480, %swap3A_481], %broadcast_in_dim3A_3 {strides = array<i32>} : memref<128x128xf32, #tpu.memory_space<vmem>>, vector<16xf32>,
      %swap3A_483 = arith.index_cast %scan3A_464 : i32 to index
      %swap3A_484 = arith.constant 96 : index
      %swap3A_485 = tpu.vector_load %arg10[%swap3A_483, %swap3A_484] {strides = array<i32>} : memref<128x128xf32, #tpu.memory_space<vmem>>, vector<16xf32>,
      tpu.vector_store %arg10[%swap3A_483, %swap3A_484], %broadcast_in_dim3A_3 {strides = array<i32>} : memref<128x128xf32, #tpu.memory_space<vmem>>, vector<16xf32>,
      %swap3A_486 = arith.index_cast %scan3A_464 : i32 to index
      %swap3A_487 = arith.constant 112 : index
      %swap3A_488 = tpu.vector_load %arg10[%swap3A_486, %swap3A_487] {strides = array<i32>} : memref<128x128xf32, #tpu.memory_space<vmem>>, vector<16xf32>,
      tpu.vector_store %arg10[%swap3A_486, %swap3A_487], %broadcast_in_dim3A_3 {strides = array<i32>} : memref<128x128xf32, #tpu.memory_space<vmem>>, vector<16xf32>,
      %scan3A_489 = arith.constant 0 : i32
      scf.yield %scan3A_489 : i32
    }
    %scan3A_9 = arith.constant 128 : i32
    %mul3A_10 = arith.constant 640 : i32
    %mul3A_11 = arith.muli %arg1, %mul3A_10 : i32
    %add3A_12 = arith.constant 0 : i32
    %add3A_13 = arith.addi %mul3A_11, %add3A_12 : i32
    "tpu.region"() ({
      %run_scoped3A = tpu.sem_alloc : memref<!tpu.dma_semaphore, #tpu.memory_space<semaphore_mem>>
      %dma_start3A_464 = arith.constant 0 : i32
      %dma_start3A_465 = tpu.memref_slice %arg12[%add3A_13, %dma_start3A_464] : memref<10240x128xf32, #tpu.memory_space<vmem_shared>> -> memref<128x128xf32, #tpu.memory_space<vmem_shared>>
      %dma_start3A_466 = arith.constant 0 : i32
      %dma_start3A_467 = tpu.memref_slice %arg12[%add3A_13, %dma_start3A_466] : memref<10240x128xf32, #tpu.memory_space<vmem_shared>> -> memref<128x128xf32, #tpu.memory_space<vmem_shared>>
      tpu.enqueue_dma source(%arg10 : memref<128x128xf32, #tpu.memory_space<vmem>>) target(%dma_start3A_467 : memref<128x128xf32, #tpu.memory_space<vmem_shared>>) target_semaphore(%run_scoped3A : memref<!tpu.dma_semaphore, #tpu.memory_space<semaphore_mem>>)
      %dma_wait3A_468 = arith.constant 0 : i32
      %dma_wait3A_469 = tpu.memref_slice %arg12[%add3A_13, %dma_wait3A_468] : memref<10240x128xf32, #tpu.memory_space<vmem_shared>> -> memref<128x128xf32, #tpu.memory_space<vmem_shared>>
      %dma_wait3A_470 = arith.constant 0 : i32
      %dma_wait3A_471 = tpu.memref_slice %arg12[%add3A_13, %dma_wait3A_470] : memref<10240x128xf32, #tpu.memory_space<vmem_shared>> -> memref<128x128xf32, #tpu.memory_space<vmem_shared>>
      tpu.wait_dma2 semaphore(%run_scoped3A : memref<!tpu.dma_semaphore, #tpu.memory_space<semaphore_mem>>) src(%arg10 : memref<128x128xf32, #tpu.memory_space<vmem>>) dst(%dma_wait3A_471 : memref<128x128xf32, #tpu.memory_space<vmem_shared>>)
      tpu.yield
    }) : () -> ()
    %mul3A_14 = arith.constant 640 : i32
    %mul3A_15 = arith.muli %arg1, %mul3A_14 : i32
    %add3A_16 = arith.constant 128 : i32
    %add3A_17 = arith.addi %mul3A_15, %add3A_16 : i32
    "tpu.region"() ({
      %run_scoped3A = tpu.sem_alloc : memref<!tpu.dma_semaphore, #tpu.memory_space<semaphore_mem>>
      %dma_start3A_464 = arith.constant 0 : i32
      %dma_start3A_465 = tpu.memref_slice %arg12[%add3A_17, %dma_start3A_464] : memref<10240x128xf32, #tpu.memory_space<vmem_shared>> -> memref<128x128xf32, #tpu.memory_space<vmem_shared>>
      %dma_start3A_466 = arith.constant 0 : i32
      %dma_start3A_467 = tpu.memref_slice %arg12[%add3A_17, %dma_start3A_466] : memref<10240x128xf32, #tpu.memory_space<vmem_shared>> -> memref<128x128xf32, #tpu.memory_space<vmem_shared>>
      tpu.enqueue_dma source(%arg10 : memref<128x128xf32, #tpu.memory_space<vmem>>) target(%dma_start3A_467 : memref<128x128xf32, #tpu.memory_space<vmem_shared>>) target_semaphore(%run_scoped3A : memref<!tpu.dma_semaphore, #tpu.memory_space<semaphore_mem>>)
      %dma_wait3A_468 = arith.constant 0 : i32
      %dma_wait3A_469 = tpu.memref_slice %arg12[%add3A_17, %dma_wait3A_468] : memref<10240x128xf32, #tpu.memory_space<vmem_shared>> -> memref<128x128xf32, #tpu.memory_space<vmem_shared>>
      %dma_wait3A_470 = arith.constant 0 : i32
      %dma_wait3A_471 = tpu.memref_slice %arg12[%add3A_17, %dma_wait3A_470] : memref<10240x128xf32, #tpu.memory_space<vmem_shared>> -> memref<128x128xf32, #tpu.memory_space<vmem_shared>>
      tpu.wait_dma2 semaphore(%run_scoped3A : memref<!tpu.dma_semaphore, #tpu.memory_space<semaphore_mem>>) src(%arg10 : memref<128x128xf32, #tpu.memory_space<vmem>>) dst(%dma_wait3A_471 : memref<128x128xf32, #tpu.memory_space<vmem_shared>>)
      tpu.yield
    }) : () -> ()
    %mul3A_18 = arith.constant 640 : i32
    %mul3A_19 = arith.muli %arg1, %mul3A_18 : i32
    %add3A_20 = arith.constant 256 : i32
    %add3A_21 = arith.addi %mul3A_19, %add3A_20 : i32
    "tpu.region"() ({
      %run_scoped3A = tpu.sem_alloc : memref<!tpu.dma_semaphore, #tpu.memory_space<semaphore_mem>>
      %dma_start3A_464 = arith.constant 0 : i32
      %dma_start3A_465 = tpu.memref_slice %arg12[%add3A_21, %dma_start3A_464] : memref<10240x128xf32, #tpu.memory_space<vmem_shared>> -> memref<128x128xf32, #tpu.memory_space<vmem_shared>>
      %dma_start3A_466 = arith.constant 0 : i32
      %dma_start3A_467 = tpu.memref_slice %arg12[%add3A_21, %dma_start3A_466] : memref<10240x128xf32, #tpu.memory_space<vmem_shared>> -> memref<128x128xf32, #tpu.memory_space<vmem_shared>>
      tpu.enqueue_dma source(%arg10 : memref<128x128xf32, #tpu.memory_space<vmem>>) target(%dma_start3A_467 : memref<128x128xf32, #tpu.memory_space<vmem_shared>>) target_semaphore(%run_scoped3A : memref<!tpu.dma_semaphore, #tpu.memory_space<semaphore_mem>>)
      %dma_wait3A_468 = arith.constant 0 : i32
      %dma_wait3A_469 = tpu.memref_slice %arg12[%add3A_21, %dma_wait3A_468] : memref<10240x128xf32, #tpu.memory_space<vmem_shared>> -> memref<128x128xf32, #tpu.memory_space<vmem_shared>>
      %dma_wait3A_470 = arith.constant 0 : i32
      %dma_wait3A_471 = tpu.memref_slice %arg12[%add3A_21, %dma_wait3A_470] : memref<10240x128xf32, #tpu.memory_space<vmem_shared>> -> memref<128x128xf32, #tpu.memory_space<vmem_shared>>
      tpu.wait_dma2 semaphore(%run_scoped3A : memref<!tpu.dma_semaphore, #tpu.memory_space<semaphore_mem>>) src(%arg10 : memref<128x128xf32, #tpu.memory_space<vmem>>) dst(%dma_wait3A_471 : memref<128x128xf32, #tpu.memory_space<vmem_shared>>)
      tpu.yield
    }) : () -> ()
    %mul3A_22 = arith.constant 640 : i32
    %mul3A_23 = arith.muli %arg1, %mul3A_22 : i32
    %add3A_24 = arith.constant 384 : i32
    %add3A_25 = arith.addi %mul3A_23, %add3A_24 : i32
    "tpu.region"() ({
      %run_scoped3A = tpu.sem_alloc : memref<!tpu.dma_semaphore, #tpu.memory_space<semaphore_mem>>
      %dma_start3A_464 = arith.constant 0 : i32
      %dma_start3A_465 = tpu.memref_slice %arg12[%add3A_25, %dma_start3A_464] : memref<10240x128xf32, #tpu.memory_space<vmem_shared>> -> memref<128x128xf32, #tpu.memory_space<vmem_shared>>
      %dma_start3A_466 = arith.constant 0 : i32
      %dma_start3A_467 = tpu.memref_slice %arg12[%add3A_25, %dma_start3A_466] : memref<10240x128xf32, #tpu.memory_space<vmem_shared>> -> memref<128x128xf32, #tpu.memory_space<vmem_shared>>
      tpu.enqueue_dma source(%arg10 : memref<128x128xf32, #tpu.memory_space<vmem>>) target(%dma_start3A_467 : memref<128x128xf32, #tpu.memory_space<vmem_shared>>) target_semaphore(%run_scoped3A : memref<!tpu.dma_semaphore, #tpu.memory_space<semaphore_mem>>)
      %dma_wait3A_468 = arith.constant 0 : i32
      %dma_wait3A_469 = tpu.memref_slice %arg12[%add3A_25, %dma_wait3A_468] : memref<10240x128xf32, #tpu.memory_space<vmem_shared>> -> memref<128x128xf32, #tpu.memory_space<vmem_shared>>
      %dma_wait3A_470 = arith.constant 0 : i32
      %dma_wait3A_471 = tpu.memref_slice %arg12[%add3A_25, %dma_wait3A_470] : memref<10240x128xf32, #tpu.memory_space<vmem_shared>> -> memref<128x128xf32, #tpu.memory_space<vmem_shared>>
      tpu.wait_dma2 semaphore(%run_scoped3A : memref<!tpu.dma_semaphore, #tpu.memory_space<semaphore_mem>>) src(%arg10 : memref<128x128xf32, #tpu.memory_space<vmem>>) dst(%dma_wait3A_471 : memref<128x128xf32, #tpu.memory_space<vmem_shared>>)
      tpu.yield
    }) : () -> ()
    %mul3A_26 = arith.constant 640 : i32
    %mul3A_27 = arith.muli %arg1, %mul3A_26 : i32
    %add3A_28 = arith.constant 512 : i32
    %add3A_29 = arith.addi %mul3A_27, %add3A_28 : i32
    "tpu.region"() ({
      %run_scoped3A = tpu.sem_alloc : memref<!tpu.dma_semaphore, #tpu.memory_space<semaphore_mem>>
      %dma_start3A_464 = arith.constant 0 : i32
      %dma_start3A_465 = tpu.memref_slice %arg12[%add3A_29, %dma_start3A_464] : memref<10240x128xf32, #tpu.memory_space<vmem_shared>> -> memref<128x128xf32, #tpu.memory_space<vmem_shared>>
      %dma_start3A_466 = arith.constant 0 : i32
      %dma_start3A_467 = tpu.memref_slice %arg12[%add3A_29, %dma_start3A_466] : memref<10240x128xf32, #tpu.memory_space<vmem_shared>> -> memref<128x128xf32, #tpu.memory_space<vmem_shared>>
      tpu.enqueue_dma source(%arg10 : memref<128x128xf32, #tpu.memory_space<vmem>>) target(%dma_start3A_467 : memref<128x128xf32, #tpu.memory_space<vmem_shared>>) target_semaphore(%run_scoped3A : memref<!tpu.dma_semaphore, #tpu.memory_space<semaphore_mem>>)
      %dma_wait3A_468 = arith.constant 0 : i32
      %dma_wait3A_469 = tpu.memref_slice %arg12[%add3A_29, %dma_wait3A_468] : memref<10240x128xf32, #tpu.memory_space<vmem_shared>> -> memref<128x128xf32, #tpu.memory_space<vmem_shared>>
      %dma_wait3A_470 = arith.constant 0 : i32
      %dma_wait3A_471 = tpu.memref_slice %arg12[%add3A_29, %dma_wait3A_470] : memref<10240x128xf32, #tpu.memory_space<vmem_shared>> -> memref<128x128xf32, #tpu.memory_space<vmem_shared>>
      tpu.wait_dma2 semaphore(%run_scoped3A : memref<!tpu.dma_semaphore, #tpu.memory_space<semaphore_mem>>) src(%arg10 : memref<128x128xf32, #tpu.memory_space<vmem>>) dst(%dma_wait3A_471 : memref<128x128xf32, #tpu.memory_space<vmem_shared>>)
      tpu.yield
    }) : () -> ()
    %barrier3A = arith.constant 0 : index
    tpu.barrier barrier_id(%barrier3A)
    %add3A_30 = arith.constant 0 : i32
    %add3A_31 = arith.addi %mul3A_2, %add3A_30 : i32
    %mul3A_32 = arith.constant 128 : i32
    %mul3A_33 = arith.muli %add3A_31, %mul3A_32 : i32
    %dma_start3A = tpu.memref_slice %arg3[%mul3A_33] : memref<327680xi32, #tpu.memory_space<hbm>> -> memref<1024xi32, #tpu.memory_space<hbm>>
    %dma_start3A_34 = tpu.memref_slice %arg3[%mul3A_33] : memref<327680xi32, #tpu.memory_space<hbm>> -> memref<1024xi32, #tpu.memory_space<hbm>>
    tpu.enqueue_dma source(%dma_start3A_34 : memref<1024xi32, #tpu.memory_space<hbm>>) target(%arg6 : memref<1024xi32, #tpu.memory_space<vmem>>) target_semaphore(%arg15 : memref<!tpu.dma_semaphore, #tpu.memory_space<semaphore_mem>>)
    %dma_start3A_35 = arith.constant 0 : i32
    %dma_start3A_36 = tpu.memref_slice %arg4[%add3A_31, %dma_start3A_35] : memref<2560x128xi32, #tpu.memory_space<hbm>> -> memref<8x128xi32, #tpu.memory_space<hbm>>
    %dma_start3A_37 = arith.constant 0 : i32
    %dma_start3A_38 = tpu.memref_slice %arg4[%add3A_31, %dma_start3A_37] : memref<2560x128xi32, #tpu.memory_space<hbm>> -> memref<8x128xi32, #tpu.memory_space<hbm>>
    tpu.enqueue_dma source(%dma_start3A_38 : memref<8x128xi32, #tpu.memory_space<hbm>>) target(%arg7 : memref<8x128xi32, #tpu.memory_space<vmem>>) target_semaphore(%arg15 : memref<!tpu.dma_semaphore, #tpu.memory_space<semaphore_mem>>)
    %add3A_39 = arith.constant 0 : i32
    %add3A_40 = arith.addi %mul3A_2, %add3A_39 : i32
    %mul3A_41 = arith.constant 128 : i32
    %mul3A_42 = arith.muli %add3A_40, %mul3A_41 : i32
    %dma_wait3A = tpu.memref_slice %arg3[%mul3A_42] : memref<327680xi32, #tpu.memory_space<hbm>> -> memref<1024xi32, #tpu.memory_space<hbm>>
    %dma_wait3A_43 = tpu.memref_slice %arg3[%mul3A_42] : memref<327680xi32, #tpu.memory_space<hbm>> -> memref<1024xi32, #tpu.memory_space<hbm>>
    tpu.wait_dma2 semaphore(%arg15 : memref<!tpu.dma_semaphore, #tpu.memory_space<semaphore_mem>>) src(%dma_wait3A_43 : memref<1024xi32, #tpu.memory_space<hbm>>) dst(%arg6 : memref<1024xi32, #tpu.memory_space<vmem>>)
    %dma_wait3A_44 = arith.constant 0 : i32
    %dma_wait3A_45 = tpu.memref_slice %arg4[%add3A_40, %dma_wait3A_44] : memref<2560x128xi32, #tpu.memory_space<hbm>> -> memref<8x128xi32, #tpu.memory_space<hbm>>
    %dma_wait3A_46 = arith.constant 0 : i32
    %dma_wait3A_47 = tpu.memref_slice %arg4[%add3A_40, %dma_wait3A_46] : memref<2560x128xi32, #tpu.memory_space<hbm>> -> memref<8x128xi32, #tpu.memory_space<hbm>>
    tpu.wait_dma2 semaphore(%arg15 : memref<!tpu.dma_semaphore, #tpu.memory_space<semaphore_mem>>) src(%dma_wait3A_47 : memref<8x128xi32, #tpu.memory_space<hbm>>) dst(%arg7 : memref<8x128xi32, #tpu.memory_space<vmem>>)
    %add3A_48 = arith.constant 8 : i32
    %add3A_49 = arith.addi %mul3A_2, %add3A_48 : i32
    %mul3A_50 = arith.constant 128 : i32
    %mul3A_51 = arith.muli %add3A_49, %mul3A_50 : i32
    %dma_start3A_52 = tpu.memref_slice %arg3[%mul3A_51] : memref<327680xi32, #tpu.memory_space<hbm>> -> memref<1024xi32, #tpu.memory_space<hbm>>
    %dma_start3A_53 = tpu.memref_slice %arg3[%mul3A_51] : memref<327680xi32, #tpu.memory_space<hbm>> -> memref<1024xi32, #tpu.memory_space<hbm>>
    tpu.enqueue_dma source(%dma_start3A_53 : memref<1024xi32, #tpu.memory_space<hbm>>) target(%arg8 : memref<1024xi32, #tpu.memory_space<vmem>>) target_semaphore(%arg15 : memref<!tpu.dma_semaphore, #tpu.memory_space<semaphore_mem>>)
    %dma_start3A_54 = arith.constant 0 : i32
    %dma_start3A_55 = tpu.memref_slice %arg4[%add3A_49, %dma_start3A_54] : memref<2560x128xi32, #tpu.memory_space<hbm>> -> memref<8x128xi32, #tpu.memory_space<hbm>>
    %dma_start3A_56 = arith.constant 0 : i32
    %dma_start3A_57 = tpu.memref_slice %arg4[%add3A_49, %dma_start3A_56] : memref<2560x128xi32, #tpu.memory_space<hbm>> -> memref<8x128xi32, #tpu.memory_space<hbm>>
    tpu.enqueue_dma source(%dma_start3A_57 : memref<8x128xi32, #tpu.memory_space<hbm>>) target(%arg9 : memref<8x128xi32, #tpu.memory_space<vmem>>) target_semaphore(%arg15 : memref<!tpu.dma_semaphore, #tpu.memory_space<semaphore_mem>>)
    %dma_start3A_58 = arith.constant 0 : i32
    %dma_start3A_59 = tpu.memref_slice %arg6[%dma_start3A_58] : memref<1024xi32, #tpu.memory_space<vmem>> -> memref<128xi32, #tpu.memory_space<vmem>>
    %dma_start3A_60 = arith.constant 0 : i32
    %dma_start3A_61 = arith.constant 0 : i32
    %dma_start3A_62 = tpu.memref_slice %arg2[%dma_start3A_60, %dma_start3A_61] : memref<10240x128xf32, #tpu.memory_space<hbm>> -> memref<10240x128xf32, #tpu.memory_space<hbm>>
    tpu.enqueue_indirect_dma source(%dma_start3A_62 : memref<10240x128xf32, #tpu.memory_space<hbm>>) target(%arg10 : memref<128x128xf32, #tpu.memory_space<vmem>>) offsets(%dma_start3A_59 : memref<128xi32, #tpu.memory_space<vmem>>) semaphore(%arg13 : memref<!tpu.dma_semaphore, #tpu.memory_space<semaphore_mem>>)
    %dma_start3A_63 = arith.constant 128 : i32
    %dma_start3A_64 = tpu.memref_slice %arg6[%dma_start3A_63] : memref<1024xi32, #tpu.memory_space<vmem>> -> memref<128xi32, #tpu.memory_space<vmem>>
    %dma_start3A_65 = arith.constant 0 : i32
    %dma_start3A_66 = arith.constant 0 : i32
    %dma_start3A_67 = tpu.memref_slice %arg2[%dma_start3A_65, %dma_start3A_66] : memref<10240x128xf32, #tpu.memory_space<hbm>> -> memref<10240x128xf32, #tpu.memory_space<hbm>>
    tpu.enqueue_indirect_dma source(%dma_start3A_67 : memref<10240x128xf32, #tpu.memory_space<hbm>>) target(%arg11 : memref<128x128xf32, #tpu.memory_space<vmem>>) offsets(%dma_start3A_64 : memref<128xi32, #tpu.memory_space<vmem>>) semaphore(%arg13 : memref<!tpu.dma_semaphore, #tpu.memory_space<semaphore_mem>>)
    %dma_wait3A_68 = arith.constant 0 : i32
    %dma_wait3A_69 = tpu.memref_slice %arg6[%dma_wait3A_68] : memref<1024xi32, #tpu.memory_space<vmem>> -> memref<128xi32, #tpu.memory_space<vmem>>
    %dma_wait3A_70 = arith.constant 0 : i32
    %dma_wait3A_71 = arith.constant 0 : i32
    %dma_wait3A_72 = tpu.memref_slice %arg2[%dma_wait3A_70, %dma_wait3A_71] : memref<10240x128xf32, #tpu.memory_space<hbm>> -> memref<10240x128xf32, #tpu.memory_space<hbm>>
    tpu.wait_indirect_dma semaphore(%arg13 : memref<!tpu.dma_semaphore, #tpu.memory_space<semaphore_mem>>) src(%dma_wait3A_72 : memref<10240x128xf32, #tpu.memory_space<hbm>>) dst(%arg10 : memref<128x128xf32, #tpu.memory_space<vmem>>)
    %dma_start3A_73 = arith.constant 0 : i32
    %dma_start3A_74 = arith.constant 0 : i32
    %dma_start3A_75 = tpu.memref_slice %arg7[%dma_start3A_73, %dma_start3A_74] : memref<8x128xi32, #tpu.memory_space<vmem>> -> memref<1x128xi32, #tpu.memory_space<vmem>>
    %dma_start3A_76 = tpu.memref_squeeze %dma_start3A_75 : memref<1x128xi32, #tpu.memory_space<vmem>> -> memref<128xi32, #tpu.memory_space<vmem>>
    %dma_start3A_77 = arith.constant 0 : i32
    %dma_start3A_78 = arith.constant 0 : i32
    %dma_start3A_79 = tpu.memref_slice %arg12[%dma_start3A_77, %dma_start3A_78] : memref<10240x128xf32, #tpu.memory_space<vmem_shared>> -> memref<10240x128xf32, #tpu.memory_space<vmem_shared>>
    tpu.enqueue_indirect_dma source(%arg10 : memref<128x128xf32, #tpu.memory_space<vmem>>) target(%dma_start3A_79 : memref<10240x128xf32, #tpu.memory_space<vmem_shared>>) offsets(%dma_start3A_76 : memref<128xi32, #tpu.memory_space<vmem>>) semaphore(%arg14 : memref<!tpu.dma_semaphore, #tpu.memory_space<semaphore_mem>>) {add = true}
    %dma_wait3A_80 = arith.constant 128 : i32
    %dma_wait3A_81 = tpu.memref_slice %arg6[%dma_wait3A_80] : memref<1024xi32, #tpu.memory_space<vmem>> -> memref<128xi32, #tpu.memory_space<vmem>>
    %dma_wait3A_82 = arith.constant 0 : i32
    %dma_wait3A_83 = arith.constant 0 : i32
    %dma_wait3A_84 = tpu.memref_slice %arg2[%dma_wait3A_82, %dma_wait3A_83] : memref<10240x128xf32, #tpu.memory_space<hbm>> -> memref<10240x128xf32, #tpu.memory_space<hbm>>
    tpu.wait_indirect_dma semaphore(%arg13 : memref<!tpu.dma_semaphore, #tpu.memory_space<semaphore_mem>>) src(%dma_wait3A_84 : memref<10240x128xf32, #tpu.memory_space<hbm>>) dst(%arg11 : memref<128x128xf32, #tpu.memory_space<vmem>>)
    %dma_wait3A_85 = arith.constant 0 : i32
    %dma_wait3A_86 = arith.constant 0 : i32
    %dma_wait3A_87 = tpu.memref_slice %arg7[%dma_wait3A_85, %dma_wait3A_86] : memref<8x128xi32, #tpu.memory_space<vmem>> -> memref<1x128xi32, #tpu.memory_space<vmem>>
    %dma_wait3A_88 = tpu.memref_squeeze %dma_wait3A_87 : memref<1x128xi32, #tpu.memory_space<vmem>> -> memref<128xi32, #tpu.memory_space<vmem>>
    %dma_wait3A_89 = arith.constant 0 : i32
    %dma_wait3A_90 = arith.constant 0 : i32
    %dma_wait3A_91 = tpu.memref_slice %arg12[%dma_wait3A_89, %dma_wait3A_90] : memref<10240x128xf32, #tpu.memory_space<vmem_shared>> -> memref<10240x128xf32, #tpu.memory_space<vmem_shared>>
    tpu.wait_indirect_dma semaphore(%arg14 : memref<!tpu.dma_semaphore, #tpu.memory_space<semaphore_mem>>) src(%arg10 : memref<128x128xf32, #tpu.memory_space<vmem>>) dst(%dma_wait3A_91 : memref<10240x128xf32, #tpu.memory_space<vmem_shared>>)
    %dma_start3A_92 = arith.constant 256 : i32
    %dma_start3A_93 = tpu.memref_slice %arg6[%dma_start3A_92] : memref<1024xi32, #tpu.memory_space<vmem>> -> memref<128xi32, #tpu.memory_space<vmem>>
    %dma_start3A_94 = arith.constant 0 : i32
    %dma_start3A_95 = arith.constant 0 : i32
    %dma_start3A_96 = tpu.memref_slice %arg2[%dma_start3A_94, %dma_start3A_95] : memref<10240x128xf32, #tpu.memory_space<hbm>> -> memref<10240x128xf32, #tpu.memory_space<hbm>>
    tpu.enqueue_indirect_dma source(%dma_start3A_96 : memref<10240x128xf32, #tpu.memory_space<hbm>>) target(%arg10 : memref<128x128xf32, #tpu.memory_space<vmem>>) offsets(%dma_start3A_93 : memref<128xi32, #tpu.memory_space<vmem>>) semaphore(%arg13 : memref<!tpu.dma_semaphore, #tpu.memory_space<semaphore_mem>>)
    %dma_start3A_97 = arith.constant 1 : i32
    %dma_start3A_98 = arith.constant 0 : i32
    %dma_start3A_99 = tpu.memref_slice %arg7[%dma_start3A_97, %dma_start3A_98] : memref<8x128xi32, #tpu.memory_space<vmem>> -> memref<1x128xi32, #tpu.memory_space<vmem>>
    %dma_start3A_100 = tpu.memref_squeeze %dma_start3A_99 : memref<1x128xi32, #tpu.memory_space<vmem>> -> memref<128xi32, #tpu.memory_space<vmem>>
    %dma_start3A_101 = arith.constant 0 : i32
    %dma_start3A_102 = arith.constant 0 : i32
    %dma_start3A_103 = tpu.memref_slice %arg12[%dma_start3A_101, %dma_start3A_102] : memref<10240x128xf32, #tpu.memory_space<vmem_shared>> -> memref<10240x128xf32, #tpu.memory_space<vmem_shared>>
    tpu.enqueue_indirect_dma source(%arg11 : memref<128x128xf32, #tpu.memory_space<vmem>>) target(%dma_start3A_103 : memref<10240x128xf32, #tpu.memory_space<vmem_shared>>) offsets(%dma_start3A_100 : memref<128xi32, #tpu.memory_space<vmem>>) semaphore(%arg14 : memref<!tpu.dma_semaphore, #tpu.memory_space<semaphore_mem>>) {add = true}
    %dma_wait3A_104 = arith.constant 256 : i32
    %dma_wait3A_105 = tpu.memref_slice %arg6[%dma_wait3A_104] : memref<1024xi32, #tpu.memory_space<vmem>> -> memref<128xi32, #tpu.memory_space<vmem>>
    %dma_wait3A_106 = arith.constant 0 : i32
    %dma_wait3A_107 = arith.constant 0 : i32
    %dma_wait3A_108 = tpu.memref_slice %arg2[%dma_wait3A_106, %dma_wait3A_107] : memref<10240x128xf32, #tpu.memory_space<hbm>> -> memref<10240x128xf32, #tpu.memory_space<hbm>>
    tpu.wait_indirect_dma semaphore(%arg13 : memref<!tpu.dma_semaphore, #tpu.memory_space<semaphore_mem>>) src(%dma_wait3A_108 : memref<10240x128xf32, #tpu.memory_space<hbm>>) dst(%arg10 : memref<128x128xf32, #tpu.memory_space<vmem>>)
    %dma_wait3A_109 = arith.constant 1 : i32
    %dma_wait3A_110 = arith.constant 0 : i32
    %dma_wait3A_111 = tpu.memref_slice %arg7[%dma_wait3A_109, %dma_wait3A_110] : memref<8x128xi32, #tpu.memory_space<vmem>> -> memref<1x128xi32, #tpu.memory_space<vmem>>
    %dma_wait3A_112 = tpu.memref_squeeze %dma_wait3A_111 : memref<1x128xi32, #tpu.memory_space<vmem>> -> memref<128xi32, #tpu.memory_space<vmem>>
    %dma_wait3A_113 = arith.constant 0 : i32
    %dma_wait3A_114 = arith.constant 0 : i32
    %dma_wait3A_115 = tpu.memref_slice %arg12[%dma_wait3A_113, %dma_wait3A_114] : memref<10240x128xf32, #tpu.memory_space<vmem_shared>> -> memref<10240x128xf32, #tpu.memory_space<vmem_shared>>
    tpu.wait_indirect_dma semaphore(%arg14 : memref<!tpu.dma_semaphore, #tpu.memory_space<semaphore_mem>>) src(%arg11 : memref<128x128xf32, #tpu.memory_space<vmem>>) dst(%dma_wait3A_115 : memref<10240x128xf32, #tpu.memory_space<vmem_shared>>)
    %dma_start3A_116 = arith.constant 384 : i32
    %dma_start3A_117 = tpu.memref_slice %arg6[%dma_start3A_116] : memref<1024xi32, #tpu.memory_space<vmem>> -> memref<128xi32, #tpu.memory_space<vmem>>
    %dma_start3A_118 = arith.constant 0 : i32
    %dma_start3A_119 = arith.constant 0 : i32
    %dma_start3A_120 = tpu.memref_slice %arg2[%dma_start3A_118, %dma_start3A_119] : memref<10240x128xf32, #tpu.memory_space<hbm>> -> memref<10240x128xf32, #tpu.memory_space<hbm>>
    tpu.enqueue_indirect_dma source(%dma_start3A_120 : memref<10240x128xf32, #tpu.memory_space<hbm>>) target(%arg11 : memref<128x128xf32, #tpu.memory_space<vmem>>) offsets(%dma_start3A_117 : memref<128xi32, #tpu.memory_space<vmem>>) semaphore(%arg13 : memref<!tpu.dma_semaphore, #tpu.memory_space<semaphore_mem>>)
    %dma_start3A_121 = arith.constant 2 : i32
    %dma_start3A_122 = arith.constant 0 : i32
    %dma_start3A_123 = tpu.memref_slice %arg7[%dma_start3A_121, %dma_start3A_122] : memref<8x128xi32, #tpu.memory_space<vmem>> -> memref<1x128xi32, #tpu.memory_space<vmem>>
    %dma_start3A_124 = tpu.memref_squeeze %dma_start3A_123 : memref<1x128xi32, #tpu.memory_space<vmem>> -> memref<128xi32, #tpu.memory_space<vmem>>
    %dma_start3A_125 = arith.constant 0 : i32
    %dma_start3A_126 = arith.constant 0 : i32
    %dma_start3A_127 = tpu.memref_slice %arg12[%dma_start3A_125, %dma_start3A_126] : memref<10240x128xf32, #tpu.memory_space<vmem_shared>> -> memref<10240x128xf32, #tpu.memory_space<vmem_shared>>
    tpu.enqueue_indirect_dma source(%arg10 : memref<128x128xf32, #tpu.memory_space<vmem>>) target(%dma_start3A_127 : memref<10240x128xf32, #tpu.memory_space<vmem_shared>>) offsets(%dma_start3A_124 : memref<128xi32, #tpu.memory_space<vmem>>) semaphore(%arg14 : memref<!tpu.dma_semaphore, #tpu.memory_space<semaphore_mem>>) {add = true}
    %dma_wait3A_128 = arith.constant 384 : i32
    %dma_wait3A_129 = tpu.memref_slice %arg6[%dma_wait3A_128] : memref<1024xi32, #tpu.memory_space<vmem>> -> memref<128xi32, #tpu.memory_space<vmem>>
    %dma_wait3A_130 = arith.constant 0 : i32
    %dma_wait3A_131 = arith.constant 0 : i32
    %dma_wait3A_132 = tpu.memref_slice %arg2[%dma_wait3A_130, %dma_wait3A_131] : memref<10240x128xf32, #tpu.memory_space<hbm>> -> memref<10240x128xf32, #tpu.memory_space<hbm>>
    tpu.wait_indirect_dma semaphore(%arg13 : memref<!tpu.dma_semaphore, #tpu.memory_space<semaphore_mem>>) src(%dma_wait3A_132 : memref<10240x128xf32, #tpu.memory_space<hbm>>) dst(%arg11 : memref<128x128xf32, #tpu.memory_space<vmem>>)
    %dma_wait3A_133 = arith.constant 2 : i32
    %dma_wait3A_134 = arith.constant 0 : i32
    %dma_wait3A_135 = tpu.memref_slice %arg7[%dma_wait3A_133, %dma_wait3A_134] : memref<8x128xi32, #tpu.memory_space<vmem>> -> memref<1x128xi32, #tpu.memory_space<vmem>>
    %dma_wait3A_136 = tpu.memref_squeeze %dma_wait3A_135 : memref<1x128xi32, #tpu.memory_space<vmem>> -> memref<128xi32, #tpu.memory_space<vmem>>
    %dma_wait3A_137 = arith.constant 0 : i32
    %dma_wait3A_138 = arith.constant 0 : i32
    %dma_wait3A_139 = tpu.memref_slice %arg12[%dma_wait3A_137, %dma_wait3A_138] : memref<10240x128xf32, #tpu.memory_space<vmem_shared>> -> memref<10240x128xf32, #tpu.memory_space<vmem_shared>>
    tpu.wait_indirect_dma semaphore(%arg14 : memref<!tpu.dma_semaphore, #tpu.memory_space<semaphore_mem>>) src(%arg10 : memref<128x128xf32, #tpu.memory_space<vmem>>) dst(%dma_wait3A_139 : memref<10240x128xf32, #tpu.memory_space<vmem_shared>>)
    %dma_start3A_140 = arith.constant 512 : i32
    %dma_start3A_141 = tpu.memref_slice %arg6[%dma_start3A_140] : memref<1024xi32, #tpu.memory_space<vmem>> -> memref<128xi32, #tpu.memory_space<vmem>>
    %dma_start3A_142 = arith.constant 0 : i32
    %dma_start3A_143 = arith.constant 0 : i32
    %dma_start3A_144 = tpu.memref_slice %arg2[%dma_start3A_142, %dma_start3A_143] : memref<10240x128xf32, #tpu.memory_space<hbm>> -> memref<10240x128xf32, #tpu.memory_space<hbm>>
    tpu.enqueue_indirect_dma source(%dma_start3A_144 : memref<10240x128xf32, #tpu.memory_space<hbm>>) target(%arg10 : memref<128x128xf32, #tpu.memory_space<vmem>>) offsets(%dma_start3A_141 : memref<128xi32, #tpu.memory_space<vmem>>) semaphore(%arg13 : memref<!tpu.dma_semaphore, #tpu.memory_space<semaphore_mem>>)
    %dma_start3A_145 = arith.constant 3 : i32
    %dma_start3A_146 = arith.constant 0 : i32
    %dma_start3A_147 = tpu.memref_slice %arg7[%dma_start3A_145, %dma_start3A_146] : memref<8x128xi32, #tpu.memory_space<vmem>> -> memref<1x128xi32, #tpu.memory_space<vmem>>
    %dma_start3A_148 = tpu.memref_squeeze %dma_start3A_147 : memref<1x128xi32, #tpu.memory_space<vmem>> -> memref<128xi32, #tpu.memory_space<vmem>>
    %dma_start3A_149 = arith.constant 0 : i32
    %dma_start3A_150 = arith.constant 0 : i32
    %dma_start3A_151 = tpu.memref_slice %arg12[%dma_start3A_149, %dma_start3A_150] : memref<10240x128xf32, #tpu.memory_space<vmem_shared>> -> memref<10240x128xf32, #tpu.memory_space<vmem_shared>>
    tpu.enqueue_indirect_dma source(%arg11 : memref<128x128xf32, #tpu.memory_space<vmem>>) target(%dma_start3A_151 : memref<10240x128xf32, #tpu.memory_space<vmem_shared>>) offsets(%dma_start3A_148 : memref<128xi32, #tpu.memory_space<vmem>>) semaphore(%arg14 : memref<!tpu.dma_semaphore, #tpu.memory_space<semaphore_mem>>) {add = true}
    %dma_wait3A_152 = arith.constant 512 : i32
    %dma_wait3A_153 = tpu.memref_slice %arg6[%dma_wait3A_152] : memref<1024xi32, #tpu.memory_space<vmem>> -> memref<128xi32, #tpu.memory_space<vmem>>
    %dma_wait3A_154 = arith.constant 0 : i32
    %dma_wait3A_155 = arith.constant 0 : i32
    %dma_wait3A_156 = tpu.memref_slice %arg2[%dma_wait3A_154, %dma_wait3A_155] : memref<10240x128xf32, #tpu.memory_space<hbm>> -> memref<10240x128xf32, #tpu.memory_space<hbm>>
    tpu.wait_indirect_dma semaphore(%arg13 : memref<!tpu.dma_semaphore, #tpu.memory_space<semaphore_mem>>) src(%dma_wait3A_156 : memref<10240x128xf32, #tpu.memory_space<hbm>>) dst(%arg10 : memref<128x128xf32, #tpu.memory_space<vmem>>)
    %dma_wait3A_157 = arith.constant 3 : i32
    %dma_wait3A_158 = arith.constant 0 : i32
    %dma_wait3A_159 = tpu.memref_slice %arg7[%dma_wait3A_157, %dma_wait3A_158] : memref<8x128xi32, #tpu.memory_space<vmem>> -> memref<1x128xi32, #tpu.memory_space<vmem>>
    %dma_wait3A_160 = tpu.memref_squeeze %dma_wait3A_159 : memref<1x128xi32, #tpu.memory_space<vmem>> -> memref<128xi32, #tpu.memory_space<vmem>>
    %dma_wait3A_161 = arith.constant 0 : i32
    %dma_wait3A_162 = arith.constant 0 : i32
    %dma_wait3A_163 = tpu.memref_slice %arg12[%dma_wait3A_161, %dma_wait3A_162] : memref<10240x128xf32, #tpu.memory_space<vmem_shared>> -> memref<10240x128xf32, #tpu.memory_space<vmem_shared>>
    tpu.wait_indirect_dma semaphore(%arg14 : memref<!tpu.dma_semaphore, #tpu.memory_space<semaphore_mem>>) src(%arg11 : memref<128x128xf32, #tpu.memory_space<vmem>>) dst(%dma_wait3A_163 : memref<10240x128xf32, #tpu.memory_space<vmem_shared>>)
    %dma_start3A_164 = arith.constant 640 : i32
    %dma_start3A_165 = tpu.memref_slice %arg6[%dma_start3A_164] : memref<1024xi32, #tpu.memory_space<vmem>> -> memref<128xi32, #tpu.memory_space<vmem>>
    %dma_start3A_166 = arith.constant 0 : i32
    %dma_start3A_167 = arith.constant 0 : i32
    %dma_start3A_168 = tpu.memref_slice %arg2[%dma_start3A_166, %dma_start3A_167] : memref<10240x128xf32, #tpu.memory_space<hbm>> -> memref<10240x128xf32, #tpu.memory_space<hbm>>
    tpu.enqueue_indirect_dma source(%dma_start3A_168 : memref<10240x128xf32, #tpu.memory_space<hbm>>) target(%arg11 : memref<128x128xf32, #tpu.memory_space<vmem>>) offsets(%dma_start3A_165 : memref<128xi32, #tpu.memory_space<vmem>>) semaphore(%arg13 : memref<!tpu.dma_semaphore, #tpu.memory_space<semaphore_mem>>)
    %dma_start3A_169 = arith.constant 4 : i32
    %dma_start3A_170 = arith.constant 0 : i32
    %dma_start3A_171 = tpu.memref_slice %arg7[%dma_start3A_169, %dma_start3A_170] : memref<8x128xi32, #tpu.memory_space<vmem>> -> memref<1x128xi32, #tpu.memory_space<vmem>>
    %dma_start3A_172 = tpu.memref_squeeze %dma_start3A_171 : memref<1x128xi32, #tpu.memory_space<vmem>> -> memref<128xi32, #tpu.memory_space<vmem>>
    %dma_start3A_173 = arith.constant 0 : i32
    %dma_start3A_174 = arith.constant 0 : i32
    %dma_start3A_175 = tpu.memref_slice %arg12[%dma_start3A_173, %dma_start3A_174] : memref<10240x128xf32, #tpu.memory_space<vmem_shared>> -> memref<10240x128xf32, #tpu.memory_space<vmem_shared>>
    tpu.enqueue_indirect_dma source(%arg10 : memref<128x128xf32, #tpu.memory_space<vmem>>) target(%dma_start3A_175 : memref<10240x128xf32, #tpu.memory_space<vmem_shared>>) offsets(%dma_start3A_172 : memref<128xi32, #tpu.memory_space<vmem>>) semaphore(%arg14 : memref<!tpu.dma_semaphore, #tpu.memory_space<semaphore_mem>>) {add = true}
    %dma_wait3A_176 = arith.constant 640 : i32
    %dma_wait3A_177 = tpu.memref_slice %arg6[%dma_wait3A_176] : memref<1024xi32, #tpu.memory_space<vmem>> -> memref<128xi32, #tpu.memory_space<vmem>>
    %dma_wait3A_178 = arith.constant 0 : i32
    %dma_wait3A_179 = arith.constant 0 : i32
    %dma_wait3A_180 = tpu.memref_slice %arg2[%dma_wait3A_178, %dma_wait3A_179] : memref<10240x128xf32, #tpu.memory_space<hbm>> -> memref<10240x128xf32, #tpu.memory_space<hbm>>
    tpu.wait_indirect_dma semaphore(%arg13 : memref<!tpu.dma_semaphore, #tpu.memory_space<semaphore_mem>>) src(%dma_wait3A_180 : memref<10240x128xf32, #tpu.memory_space<hbm>>) dst(%arg11 : memref<128x128xf32, #tpu.memory_space<vmem>>)
    %dma_wait3A_181 = arith.constant 4 : i32
    %dma_wait3A_182 = arith.constant 0 : i32
    %dma_wait3A_183 = tpu.memref_slice %arg7[%dma_wait3A_181, %dma_wait3A_182] : memref<8x128xi32, #tpu.memory_space<vmem>> -> memref<1x128xi32, #tpu.memory_space<vmem>>
    %dma_wait3A_184 = tpu.memref_squeeze %dma_wait3A_183 : memref<1x128xi32, #tpu.memory_space<vmem>> -> memref<128xi32, #tpu.memory_space<vmem>>
    %dma_wait3A_185 = arith.constant 0 : i32
    %dma_wait3A_186 = arith.constant 0 : i32
    %dma_wait3A_187 = tpu.memref_slice %arg12[%dma_wait3A_185, %dma_wait3A_186] : memref<10240x128xf32, #tpu.memory_space<vmem_shared>> -> memref<10240x128xf32, #tpu.memory_space<vmem_shared>>
    tpu.wait_indirect_dma semaphore(%arg14 : memref<!tpu.dma_semaphore, #tpu.memory_space<semaphore_mem>>) src(%arg10 : memref<128x128xf32, #tpu.memory_space<vmem>>) dst(%dma_wait3A_187 : memref<10240x128xf32, #tpu.memory_space<vmem_shared>>)
    %dma_start3A_188 = arith.constant 768 : i32
    %dma_start3A_189 = tpu.memref_slice %arg6[%dma_start3A_188] : memref<1024xi32, #tpu.memory_space<vmem>> -> memref<128xi32, #tpu.memory_space<vmem>>
    %dma_start3A_190 = arith.constant 0 : i32
    %dma_start3A_191 = arith.constant 0 : i32
    %dma_start3A_192 = tpu.memref_slice %arg2[%dma_start3A_190, %dma_start3A_191] : memref<10240x128xf32, #tpu.memory_space<hbm>> -> memref<10240x128xf32, #tpu.memory_space<hbm>>
    tpu.enqueue_indirect_dma source(%dma_start3A_192 : memref<10240x128xf32, #tpu.memory_space<hbm>>) target(%arg10 : memref<128x128xf32, #tpu.memory_space<vmem>>) offsets(%dma_start3A_189 : memref<128xi32, #tpu.memory_space<vmem>>) semaphore(%arg13 : memref<!tpu.dma_semaphore, #tpu.memory_space<semaphore_mem>>)
    %dma_start3A_193 = arith.constant 5 : i32
    %dma_start3A_194 = arith.constant 0 : i32
    %dma_start3A_195 = tpu.memref_slice %arg7[%dma_start3A_193, %dma_start3A_194] : memref<8x128xi32, #tpu.memory_space<vmem>> -> memref<1x128xi32, #tpu.memory_space<vmem>>
    %dma_start3A_196 = tpu.memref_squeeze %dma_start3A_195 : memref<1x128xi32, #tpu.memory_space<vmem>> -> memref<128xi32, #tpu.memory_space<vmem>>
    %dma_start3A_197 = arith.constant 0 : i32
    %dma_start3A_198 = arith.constant 0 : i32
    %dma_start3A_199 = tpu.memref_slice %arg12[%dma_start3A_197, %dma_start3A_198] : memref<10240x128xf32, #tpu.memory_space<vmem_shared>> -> memref<10240x128xf32, #tpu.memory_space<vmem_shared>>
    tpu.enqueue_indirect_dma source(%arg11 : memref<128x128xf32, #tpu.memory_space<vmem>>) target(%dma_start3A_199 : memref<10240x128xf32, #tpu.memory_space<vmem_shared>>) offsets(%dma_start3A_196 : memref<128xi32, #tpu.memory_space<vmem>>) semaphore(%arg14 : memref<!tpu.dma_semaphore, #tpu.memory_space<semaphore_mem>>) {add = true}
    %dma_wait3A_200 = arith.constant 768 : i32
    %dma_wait3A_201 = tpu.memref_slice %arg6[%dma_wait3A_200] : memref<1024xi32, #tpu.memory_space<vmem>> -> memref<128xi32, #tpu.memory_space<vmem>>
    %dma_wait3A_202 = arith.constant 0 : i32
    %dma_wait3A_203 = arith.constant 0 : i32
    %dma_wait3A_204 = tpu.memref_slice %arg2[%dma_wait3A_202, %dma_wait3A_203] : memref<10240x128xf32, #tpu.memory_space<hbm>> -> memref<10240x128xf32, #tpu.memory_space<hbm>>
    tpu.wait_indirect_dma semaphore(%arg13 : memref<!tpu.dma_semaphore, #tpu.memory_space<semaphore_mem>>) src(%dma_wait3A_204 : memref<10240x128xf32, #tpu.memory_space<hbm>>) dst(%arg10 : memref<128x128xf32, #tpu.memory_space<vmem>>)
    %dma_wait3A_205 = arith.constant 5 : i32
    %dma_wait3A_206 = arith.constant 0 : i32
    %dma_wait3A_207 = tpu.memref_slice %arg7[%dma_wait3A_205, %dma_wait3A_206] : memref<8x128xi32, #tpu.memory_space<vmem>> -> memref<1x128xi32, #tpu.memory_space<vmem>>
    %dma_wait3A_208 = tpu.memref_squeeze %dma_wait3A_207 : memref<1x128xi32, #tpu.memory_space<vmem>> -> memref<128xi32, #tpu.memory_space<vmem>>
    %dma_wait3A_209 = arith.constant 0 : i32
    %dma_wait3A_210 = arith.constant 0 : i32
    %dma_wait3A_211 = tpu.memref_slice %arg12[%dma_wait3A_209, %dma_wait3A_210] : memref<10240x128xf32, #tpu.memory_space<vmem_shared>> -> memref<10240x128xf32, #tpu.memory_space<vmem_shared>>
    tpu.wait_indirect_dma semaphore(%arg14 : memref<!tpu.dma_semaphore, #tpu.memory_space<semaphore_mem>>) src(%arg11 : memref<128x128xf32, #tpu.memory_space<vmem>>) dst(%dma_wait3A_211 : memref<10240x128xf32, #tpu.memory_space<vmem_shared>>)
    %dma_start3A_212 = arith.constant 896 : i32
    %dma_start3A_213 = tpu.memref_slice %arg6[%dma_start3A_212] : memref<1024xi32, #tpu.memory_space<vmem>> -> memref<128xi32, #tpu.memory_space<vmem>>
    %dma_start3A_214 = arith.constant 0 : i32
    %dma_start3A_215 = arith.constant 0 : i32
    %dma_start3A_216 = tpu.memref_slice %arg2[%dma_start3A_214, %dma_start3A_215] : memref<10240x128xf32, #tpu.memory_space<hbm>> -> memref<10240x128xf32, #tpu.memory_space<hbm>>
    tpu.enqueue_indirect_dma source(%dma_start3A_216 : memref<10240x128xf32, #tpu.memory_space<hbm>>) target(%arg11 : memref<128x128xf32, #tpu.memory_space<vmem>>) offsets(%dma_start3A_213 : memref<128xi32, #tpu.memory_space<vmem>>) semaphore(%arg13 : memref<!tpu.dma_semaphore, #tpu.memory_space<semaphore_mem>>)
    %dma_start3A_217 = arith.constant 6 : i32
    %dma_start3A_218 = arith.constant 0 : i32
    %dma_start3A_219 = tpu.memref_slice %arg7[%dma_start3A_217, %dma_start3A_218] : memref<8x128xi32, #tpu.memory_space<vmem>> -> memref<1x128xi32, #tpu.memory_space<vmem>>
    %dma_start3A_220 = tpu.memref_squeeze %dma_start3A_219 : memref<1x128xi32, #tpu.memory_space<vmem>> -> memref<128xi32, #tpu.memory_space<vmem>>
    %dma_start3A_221 = arith.constant 0 : i32
    %dma_start3A_222 = arith.constant 0 : i32
    %dma_start3A_223 = tpu.memref_slice %arg12[%dma_start3A_221, %dma_start3A_222] : memref<10240x128xf32, #tpu.memory_space<vmem_shared>> -> memref<10240x128xf32, #tpu.memory_space<vmem_shared>>
    tpu.enqueue_indirect_dma source(%arg10 : memref<128x128xf32, #tpu.memory_space<vmem>>) target(%dma_start3A_223 : memref<10240x128xf32, #tpu.memory_space<vmem_shared>>) offsets(%dma_start3A_220 : memref<128xi32, #tpu.memory_space<vmem>>) semaphore(%arg14 : memref<!tpu.dma_semaphore, #tpu.memory_space<semaphore_mem>>) {add = true}
    %add3A_224 = arith.constant 8 : i32
    %add3A_225 = arith.addi %mul3A_2, %add3A_224 : i32
    %mul3A_226 = arith.constant 128 : i32
    %mul3A_227 = arith.muli %add3A_225, %mul3A_226 : i32
    %dma_wait3A_228 = tpu.memref_slice %arg3[%mul3A_227] : memref<327680xi32, #tpu.memory_space<hbm>> -> memref<1024xi32, #tpu.memory_space<hbm>>
    %dma_wait3A_229 = tpu.memref_slice %arg3[%mul3A_227] : memref<327680xi32, #tpu.memory_space<hbm>> -> memref<1024xi32, #tpu.memory_space<hbm>>
    tpu.wait_dma2 semaphore(%arg15 : memref<!tpu.dma_semaphore, #tpu.memory_space<semaphore_mem>>) src(%dma_wait3A_229 : memref<1024xi32, #tpu.memory_space<hbm>>) dst(%arg8 : memref<1024xi32, #tpu.memory_space<vmem>>)
    %dma_wait3A_230 = arith.constant 0 : i32
    %dma_wait3A_231 = tpu.memref_slice %arg4[%add3A_225, %dma_wait3A_230] : memref<2560x128xi32, #tpu.memory_space<hbm>> -> memref<8x128xi32, #tpu.memory_space<hbm>>
    %dma_wait3A_232 = arith.constant 0 : i32
    %dma_wait3A_233 = tpu.memref_slice %arg4[%add3A_225, %dma_wait3A_232] : memref<2560x128xi32, #tpu.memory_space<hbm>> -> memref<8x128xi32, #tpu.memory_space<hbm>>
    tpu.wait_dma2 semaphore(%arg15 : memref<!tpu.dma_semaphore, #tpu.memory_space<semaphore_mem>>) src(%dma_wait3A_233 : memref<8x128xi32, #tpu.memory_space<hbm>>) dst(%arg9 : memref<8x128xi32, #tpu.memory_space<vmem>>)
    %dma_wait3A_234 = arith.constant 896 : i32
    %dma_wait3A_235 = tpu.memref_slice %arg6[%dma_wait3A_234] : memref<1024xi32, #tpu.memory_space<vmem>> -> memref<128xi32, #tpu.memory_space<vmem>>
    %dma_wait3A_236 = arith.constant 0 : i32
    %dma_wait3A_237 = arith.constant 0 : i32
    %dma_wait3A_238 = tpu.memref_slice %arg2[%dma_wait3A_236, %dma_wait3A_237] : memref<10240x128xf32, #tpu.memory_space<hbm>> -> memref<10240x128xf32, #tpu.memory_space<hbm>>
    tpu.wait_indirect_dma semaphore(%arg13 : memref<!tpu.dma_semaphore, #tpu.memory_space<semaphore_mem>>) src(%dma_wait3A_238 : memref<10240x128xf32, #tpu.memory_space<hbm>>) dst(%arg11 : memref<128x128xf32, #tpu.memory_space<vmem>>)
    %dma_wait3A_239 = arith.constant 6 : i32
    %dma_wait3A_240 = arith.constant 0 : i32
    %dma_wait3A_241 = tpu.memref_slice %arg7[%dma_wait3A_239, %dma_wait3A_240] : memref<8x128xi32, #tpu.memory_space<vmem>> -> memref<1x128xi32, #tpu.memory_space<vmem>>
    %dma_wait3A_242 = tpu.memref_squeeze %dma_wait3A_241 : memref<1x128xi32, #tpu.memory_space<vmem>> -> memref<128xi32, #tpu.memory_space<vmem>>
    %dma_wait3A_243 = arith.constant 0 : i32
    %dma_wait3A_244 = arith.constant 0 : i32
    %dma_wait3A_245 = tpu.memref_slice %arg12[%dma_wait3A_243, %dma_wait3A_244] : memref<10240x128xf32, #tpu.memory_space<vmem_shared>> -> memref<10240x128xf32, #tpu.memory_space<vmem_shared>>
    tpu.wait_indirect_dma semaphore(%arg14 : memref<!tpu.dma_semaphore, #tpu.memory_space<semaphore_mem>>) src(%arg10 : memref<128x128xf32, #tpu.memory_space<vmem>>) dst(%dma_wait3A_245 : memref<10240x128xf32, #tpu.memory_space<vmem_shared>>)
    %dma_start3A_246 = arith.constant 0 : i32
    %dma_start3A_247 = tpu.memref_slice %arg8[%dma_start3A_246] : memref<1024xi32, #tpu.memory_space<vmem>> -> memref<128xi32, #tpu.memory_space<vmem>>
    %dma_start3A_248 = arith.constant 0 : i32
    %dma_start3A_249 = arith.constant 0 : i32
    %dma_start3A_250 = tpu.memref_slice %arg2[%dma_start3A_248, %dma_start3A_249] : memref<10240x128xf32, #tpu.memory_space<hbm>> -> memref<10240x128xf32, #tpu.memory_space<hbm>>
    tpu.enqueue_indirect_dma source(%dma_start3A_250 : memref<10240x128xf32, #tpu.memory_space<hbm>>) target(%arg10 : memref<128x128xf32, #tpu.memory_space<vmem>>) offsets(%dma_start3A_247 : memref<128xi32, #tpu.memory_space<vmem>>) semaphore(%arg13 : memref<!tpu.dma_semaphore, #tpu.memory_space<semaphore_mem>>)
    %dma_start3A_251 = arith.constant 7 : i32
    %dma_start3A_252 = arith.constant 0 : i32
    %dma_start3A_253 = tpu.memref_slice %arg7[%dma_start3A_251, %dma_start3A_252] : memref<8x128xi32, #tpu.memory_space<vmem>> -> memref<1x128xi32, #tpu.memory_space<vmem>>
    %dma_start3A_254 = tpu.memref_squeeze %dma_start3A_253 : memref<1x128xi32, #tpu.memory_space<vmem>> -> memref<128xi32, #tpu.memory_space<vmem>>
    %dma_start3A_255 = arith.constant 0 : i32
    %dma_start3A_256 = arith.constant 0 : i32
    %dma_start3A_257 = tpu.memref_slice %arg12[%dma_start3A_255, %dma_start3A_256] : memref<10240x128xf32, #tpu.memory_space<vmem_shared>> -> memref<10240x128xf32, #tpu.memory_space<vmem_shared>>
    tpu.enqueue_indirect_dma source(%arg11 : memref<128x128xf32, #tpu.memory_space<vmem>>) target(%dma_start3A_257 : memref<10240x128xf32, #tpu.memory_space<vmem_shared>>) offsets(%dma_start3A_254 : memref<128xi32, #tpu.memory_space<vmem>>) semaphore(%arg14 : memref<!tpu.dma_semaphore, #tpu.memory_space<semaphore_mem>>) {add = true}
    %scan3A_258 = arith.constant 0 : i32
    %scan3A_259 = arith.constant 0 : i32
    %scan3A_260 = arith.constant 4 : i32
    %scan3A_261 = arith.addi %scan3A_259, %scan3A_260 : i32
    %scan3A_262 = arith.constant 1 : i32
    %scan3A_263 = scf.for %scan3A_464 = %scan3A_259 to %scan3A_261 step %scan3A_262 iter_args(%scan3A_465 = %scan3A_258) -> (i32)  : i32 {
      %mul3A_466 = arith.constant 2 : i32
      %mul3A_467 = arith.muli %mul3A_466, %scan3A_464 : i32
      %add3A_468 = arith.constant 1 : i32
      %add3A_469 = arith.addi %mul3A_467, %add3A_468 : i32
      %mul3A_470 = arith.constant 2 : i32
      %mul3A_471 = arith.muli %mul3A_470, %scan3A_464 : i32
      %add3A_472 = arith.constant 2 : i32
      %add3A_473 = arith.addi %mul3A_471, %add3A_472 : i32
      %dma_wait3A_474 = arith.constant 0 : i32
      %dma_wait3A_475 = tpu.memref_slice %arg8[%dma_wait3A_474] : memref<1024xi32, #tpu.memory_space<vmem>> -> memref<128xi32, #tpu.memory_space<vmem>>
      %dma_wait3A_476 = arith.constant 0 : i32
      %dma_wait3A_477 = arith.constant 0 : i32
      %dma_wait3A_478 = tpu.memref_slice %arg2[%dma_wait3A_476, %dma_wait3A_477] : memref<10240x128xf32, #tpu.memory_space<hbm>> -> memref<10240x128xf32, #tpu.memory_space<hbm>>
      tpu.wait_indirect_dma semaphore(%arg13 : memref<!tpu.dma_semaphore, #tpu.memory_space<semaphore_mem>>) src(%dma_wait3A_478 : memref<10240x128xf32, #tpu.memory_space<hbm>>) dst(%arg10 : memref<128x128xf32, #tpu.memory_space<vmem>>)
      %dma_wait3A_479 = arith.constant 7 : i32
      %dma_wait3A_480 = arith.constant 0 : i32
      %dma_wait3A_481 = tpu.memref_slice %arg7[%dma_wait3A_479, %dma_wait3A_480] : memref<8x128xi32, #tpu.memory_space<vmem>> -> memref<1x128xi32, #tpu.memory_space<vmem>>
      %dma_wait3A_482 = tpu.memref_squeeze %dma_wait3A_481 : memref<1x128xi32, #tpu.memory_space<vmem>> -> memref<128xi32, #tpu.memory_space<vmem>>
      %dma_wait3A_483 = arith.constant 0 : i32
      %dma_wait3A_484 = arith.constant 0 : i32
      %dma_wait3A_485 = tpu.memref_slice %arg12[%dma_wait3A_483, %dma_wait3A_484] : memref<10240x128xf32, #tpu.memory_space<vmem_shared>> -> memref<10240x128xf32, #tpu.memory_space<vmem_shared>>
      tpu.wait_indirect_dma semaphore(%arg14 : memref<!tpu.dma_semaphore, #tpu.memory_space<semaphore_mem>>) src(%arg11 : memref<128x128xf32, #tpu.memory_space<vmem>>) dst(%dma_wait3A_485 : memref<10240x128xf32, #tpu.memory_space<vmem_shared>>)
      %dma_start3A_486 = arith.constant 128 : i32
      %dma_start3A_487 = tpu.memref_slice %arg8[%dma_start3A_486] : memref<1024xi32, #tpu.memory_space<vmem>> -> memref<128xi32, #tpu.memory_space<vmem>>
      %dma_start3A_488 = arith.constant 0 : i32
      %dma_start3A_489 = arith.constant 0 : i32
      %dma_start3A_490 = tpu.memref_slice %arg2[%dma_start3A_488, %dma_start3A_489] : memref<10240x128xf32, #tpu.memory_space<hbm>> -> memref<10240x128xf32, #tpu.memory_space<hbm>>
      tpu.enqueue_indirect_dma source(%dma_start3A_490 : memref<10240x128xf32, #tpu.memory_space<hbm>>) target(%arg11 : memref<128x128xf32, #tpu.memory_space<vmem>>) offsets(%dma_start3A_487 : memref<128xi32, #tpu.memory_space<vmem>>) semaphore(%arg13 : memref<!tpu.dma_semaphore, #tpu.memory_space<semaphore_mem>>)
      %dma_start3A_491 = arith.constant 0 : i32
      %dma_start3A_492 = arith.constant 0 : i32
      %dma_start3A_493 = tpu.memref_slice %arg9[%dma_start3A_491, %dma_start3A_492] : memref<8x128xi32, #tpu.memory_space<vmem>> -> memref<1x128xi32, #tpu.memory_space<vmem>>
      %dma_start3A_494 = tpu.memref_squeeze %dma_start3A_493 : memref<1x128xi32, #tpu.memory_space<vmem>> -> memref<128xi32, #tpu.memory_space<vmem>>
      %dma_start3A_495 = arith.constant 0 : i32
      %dma_start3A_496 = arith.constant 0 : i32
      %dma_start3A_497 = tpu.memref_slice %arg12[%dma_start3A_495, %dma_start3A_496] : memref<10240x128xf32, #tpu.memory_space<vmem_shared>> -> memref<10240x128xf32, #tpu.memory_space<vmem_shared>>
      tpu.enqueue_indirect_dma source(%arg10 : memref<128x128xf32, #tpu.memory_space<vmem>>) target(%dma_start3A_497 : memref<10240x128xf32, #tpu.memory_space<vmem_shared>>) offsets(%dma_start3A_494 : memref<128xi32, #tpu.memory_space<vmem>>) semaphore(%arg14 : memref<!tpu.dma_semaphore, #tpu.memory_space<semaphore_mem>>) {add = true}
      %add3A_498 = arith.constant 1 : i32
      %add3A_499 = arith.addi %add3A_469, %add3A_498 : i32
      %mul3A_500 = arith.constant 8 : i32
      %mul3A_501 = arith.muli %add3A_499, %mul3A_500 : i32
      %add3A_502 = arith.addi %mul3A_2, %mul3A_501 : i32
      %mul3A_503 = arith.constant 128 : i32
      %mul3A_504 = arith.muli %add3A_502, %mul3A_503 : i32
      %dma_start3A_505 = tpu.memref_slice %arg3[%mul3A_504] : memref<327680xi32, #tpu.memory_space<hbm>> -> memref<1024xi32, #tpu.memory_space<hbm>>
      %dma_start3A_506 = tpu.memref_slice %arg3[%mul3A_504] : memref<327680xi32, #tpu.memory_space<hbm>> -> memref<1024xi32, #tpu.memory_space<hbm>>
      tpu.enqueue_dma source(%dma_start3A_506 : memref<1024xi32, #tpu.memory_space<hbm>>) target(%arg6 : memref<1024xi32, #tpu.memory_space<vmem>>) target_semaphore(%arg15 : memref<!tpu.dma_semaphore, #tpu.memory_space<semaphore_mem>>)
      %dma_start3A_507 = arith.constant 0 : i32
      %dma_start3A_508 = tpu.memref_slice %arg4[%add3A_502, %dma_start3A_507] : memref<2560x128xi32, #tpu.memory_space<hbm>> -> memref<8x128xi32, #tpu.memory_space<hbm>>
      %dma_start3A_509 = arith.constant 0 : i32
      %dma_start3A_510 = tpu.memref_slice %arg4[%add3A_502, %dma_start3A_509] : memref<2560x128xi32, #tpu.memory_space<hbm>> -> memref<8x128xi32, #tpu.memory_space<hbm>>
      tpu.enqueue_dma source(%dma_start3A_510 : memref<8x128xi32, #tpu.memory_space<hbm>>) target(%arg7 : memref<8x128xi32, #tpu.memory_space<vmem>>) target_semaphore(%arg15 : memref<!tpu.dma_semaphore, #tpu.memory_space<semaphore_mem>>)
      %dma_wait3A_511 = arith.constant 128 : i32
      %dma_wait3A_512 = tpu.memref_slice %arg8[%dma_wait3A_511] : memref<1024xi32, #tpu.memory_space<vmem>> -> memref<128xi32, #tpu.memory_space<vmem>>
      %dma_wait3A_513 = arith.constant 0 : i32
      %dma_wait3A_514 = arith.constant 0 : i32
      %dma_wait3A_515 = tpu.memref_slice %arg2[%dma_wait3A_513, %dma_wait3A_514] : memref<10240x128xf32, #tpu.memory_space<hbm>> -> memref<10240x128xf32, #tpu.memory_space<hbm>>
      tpu.wait_indirect_dma semaphore(%arg13 : memref<!tpu.dma_semaphore, #tpu.memory_space<semaphore_mem>>) src(%dma_wait3A_515 : memref<10240x128xf32, #tpu.memory_space<hbm>>) dst(%arg11 : memref<128x128xf32, #tpu.memory_space<vmem>>)
      %dma_wait3A_516 = arith.constant 0 : i32
      %dma_wait3A_517 = arith.constant 0 : i32
      %dma_wait3A_518 = tpu.memref_slice %arg9[%dma_wait3A_516, %dma_wait3A_517] : memref<8x128xi32, #tpu.memory_space<vmem>> -> memref<1x128xi32, #tpu.memory_space<vmem>>
      %dma_wait3A_519 = tpu.memref_squeeze %dma_wait3A_518 : memref<1x128xi32, #tpu.memory_space<vmem>> -> memref<128xi32, #tpu.memory_space<vmem>>
      %dma_wait3A_520 = arith.constant 0 : i32
      %dma_wait3A_521 = arith.constant 0 : i32
      %dma_wait3A_522 = tpu.memref_slice %arg12[%dma_wait3A_520, %dma_wait3A_521] : memref<10240x128xf32, #tpu.memory_space<vmem_shared>> -> memref<10240x128xf32, #tpu.memory_space<vmem_shared>>
      tpu.wait_indirect_dma semaphore(%arg14 : memref<!tpu.dma_semaphore, #tpu.memory_space<semaphore_mem>>) src(%arg10 : memref<128x128xf32, #tpu.memory_space<vmem>>) dst(%dma_wait3A_522 : memref<10240x128xf32, #tpu.memory_space<vmem_shared>>)
      %dma_start3A_523 = arith.constant 256 : i32
      %dma_start3A_524 = tpu.memref_slice %arg8[%dma_start3A_523] : memref<1024xi32, #tpu.memory_space<vmem>> -> memref<128xi32, #tpu.memory_space<vmem>>
      %dma_start3A_525 = arith.constant 0 : i32
      %dma_start3A_526 = arith.constant 0 : i32
      %dma_start3A_527 = tpu.memref_slice %arg2[%dma_start3A_525, %dma_start3A_526] : memref<10240x128xf32, #tpu.memory_space<hbm>> -> memref<10240x128xf32, #tpu.memory_space<hbm>>
      tpu.enqueue_indirect_dma source(%dma_start3A_527 : memref<10240x128xf32, #tpu.memory_space<hbm>>) target(%arg10 : memref<128x128xf32, #tpu.memory_space<vmem>>) offsets(%dma_start3A_524 : memref<128xi32, #tpu.memory_space<vmem>>) semaphore(%arg13 : memref<!tpu.dma_semaphore, #tpu.memory_space<semaphore_mem>>)
      %dma_start3A_528 = arith.constant 1 : i32
      %dma_start3A_529 = arith.constant 0 : i32
      %dma_start3A_530 = tpu.memref_slice %arg9[%dma_start3A_528, %dma_start3A_529] : memref<8x128xi32, #tpu.memory_space<vmem>> -> memref<1x128xi32, #tpu.memory_space<vmem>>
      %dma_start3A_531 = tpu.memref_squeeze %dma_start3A_530 : memref<1x128xi32, #tpu.memory_space<vmem>> -> memref<128xi32, #tpu.memory_space<vmem>>
      %dma_start3A_532 = arith.constant 0 : i32
      %dma_start3A_533 = arith.constant 0 : i32
      %dma_start3A_534 = tpu.memref_slice %arg12[%dma_start3A_532, %dma_start3A_533] : memref<10240x128xf32, #tpu.memory_space<vmem_shared>> -> memref<10240x128xf32, #tpu.memory_space<vmem_shared>>
      tpu.enqueue_indirect_dma source(%arg11 : memref<128x128xf32, #tpu.memory_space<vmem>>) target(%dma_start3A_534 : memref<10240x128xf32, #tpu.memory_space<vmem_shared>>) offsets(%dma_start3A_531 : memref<128xi32, #tpu.memory_space<vmem>>) semaphore(%arg14 : memref<!tpu.dma_semaphore, #tpu.memory_space<semaphore_mem>>) {add = true}
      %dma_wait3A_535 = arith.constant 256 : i32
      %dma_wait3A_536 = tpu.memref_slice %arg8[%dma_wait3A_535] : memref<1024xi32, #tpu.memory_space<vmem>> -> memref<128xi32, #tpu.memory_space<vmem>>
      %dma_wait3A_537 = arith.constant 0 : i32
      %dma_wait3A_538 = arith.constant 0 : i32
      %dma_wait3A_539 = tpu.memref_slice %arg2[%dma_wait3A_537, %dma_wait3A_538] : memref<10240x128xf32, #tpu.memory_space<hbm>> -> memref<10240x128xf32, #tpu.memory_space<hbm>>
      tpu.wait_indirect_dma semaphore(%arg13 : memref<!tpu.dma_semaphore, #tpu.memory_space<semaphore_mem>>) src(%dma_wait3A_539 : memref<10240x128xf32, #tpu.memory_space<hbm>>) dst(%arg10 : memref<128x128xf32, #tpu.memory_space<vmem>>)
      %dma_wait3A_540 = arith.constant 1 : i32
      %dma_wait3A_541 = arith.constant 0 : i32
      %dma_wait3A_542 = tpu.memref_slice %arg9[%dma_wait3A_540, %dma_wait3A_541] : memref<8x128xi32, #tpu.memory_space<vmem>> -> memref<1x128xi32, #tpu.memory_space<vmem>>
      %dma_wait3A_543 = tpu.memref_squeeze %dma_wait3A_542 : memref<1x128xi32, #tpu.memory_space<vmem>> -> memref<128xi32, #tpu.memory_space<vmem>>
      %dma_wait3A_544 = arith.constant 0 : i32
      %dma_wait3A_545 = arith.constant 0 : i32
      %dma_wait3A_546 = tpu.memref_slice %arg12[%dma_wait3A_544, %dma_wait3A_545] : memref<10240x128xf32, #tpu.memory_space<vmem_shared>> -> memref<10240x128xf32, #tpu.memory_space<vmem_shared>>
      tpu.wait_indirect_dma semaphore(%arg14 : memref<!tpu.dma_semaphore, #tpu.memory_space<semaphore_mem>>) src(%arg11 : memref<128x128xf32, #tpu.memory_space<vmem>>) dst(%dma_wait3A_546 : memref<10240x128xf32, #tpu.memory_space<vmem_shared>>)
      %dma_start3A_547 = arith.constant 384 : i32
      %dma_start3A_548 = tpu.memref_slice %arg8[%dma_start3A_547] : memref<1024xi32, #tpu.memory_space<vmem>> -> memref<128xi32, #tpu.memory_space<vmem>>
      %dma_start3A_549 = arith.constant 0 : i32
      %dma_start3A_550 = arith.constant 0 : i32
      %dma_start3A_551 = tpu.memref_slice %arg2[%dma_start3A_549, %dma_start3A_550] : memref<10240x128xf32, #tpu.memory_space<hbm>> -> memref<10240x128xf32, #tpu.memory_space<hbm>>
      tpu.enqueue_indirect_dma source(%dma_start3A_551 : memref<10240x128xf32, #tpu.memory_space<hbm>>) target(%arg11 : memref<128x128xf32, #tpu.memory_space<vmem>>) offsets(%dma_start3A_548 : memref<128xi32, #tpu.memory_space<vmem>>) semaphore(%arg13 : memref<!tpu.dma_semaphore, #tpu.memory_space<semaphore_mem>>)
      %dma_start3A_552 = arith.constant 2 : i32
      %dma_start3A_553 = arith.constant 0 : i32
      %dma_start3A_554 = tpu.memref_slice %arg9[%dma_start3A_552, %dma_start3A_553] : memref<8x128xi32, #tpu.memory_space<vmem>> -> memref<1x128xi32, #tpu.memory_space<vmem>>
      %dma_start3A_555 = tpu.memref_squeeze %dma_start3A_554 : memref<1x128xi32, #tpu.memory_space<vmem>> -> memref<128xi32, #tpu.memory_space<vmem>>
      %dma_start3A_556 = arith.constant 0 : i32
      %dma_start3A_557 = arith.constant 0 : i32
      %dma_start3A_558 = tpu.memref_slice %arg12[%dma_start3A_556, %dma_start3A_557] : memref<10240x128xf32, #tpu.memory_space<vmem_shared>> -> memref<10240x128xf32, #tpu.memory_space<vmem_shared>>
      tpu.enqueue_indirect_dma source(%arg10 : memref<128x128xf32, #tpu.memory_space<vmem>>) target(%dma_start3A_558 : memref<10240x128xf32, #tpu.memory_space<vmem_shared>>) offsets(%dma_start3A_555 : memref<128xi32, #tpu.memory_space<vmem>>) semaphore(%arg14 : memref<!tpu.dma_semaphore, #tpu.memory_space<semaphore_mem>>) {add = true}
      %dma_wait3A_559 = arith.constant 384 : i32
      %dma_wait3A_560 = tpu.memref_slice %arg8[%dma_wait3A_559] : memref<1024xi32, #tpu.memory_space<vmem>> -> memref<128xi32, #tpu.memory_space<vmem>>
      %dma_wait3A_561 = arith.constant 0 : i32
      %dma_wait3A_562 = arith.constant 0 : i32
      %dma_wait3A_563 = tpu.memref_slice %arg2[%dma_wait3A_561, %dma_wait3A_562] : memref<10240x128xf32, #tpu.memory_space<hbm>> -> memref<10240x128xf32, #tpu.memory_space<hbm>>
      tpu.wait_indirect_dma semaphore(%arg13 : memref<!tpu.dma_semaphore, #tpu.memory_space<semaphore_mem>>) src(%dma_wait3A_563 : memref<10240x128xf32, #tpu.memory_space<hbm>>) dst(%arg11 : memref<128x128xf32, #tpu.memory_space<vmem>>)
      %dma_wait3A_564 = arith.constant 2 : i32
      %dma_wait3A_565 = arith.constant 0 : i32
      %dma_wait3A_566 = tpu.memref_slice %arg9[%dma_wait3A_564, %dma_wait3A_565] : memref<8x128xi32, #tpu.memory_space<vmem>> -> memref<1x128xi32, #tpu.memory_space<vmem>>
      %dma_wait3A_567 = tpu.memref_squeeze %dma_wait3A_566 : memref<1x128xi32, #tpu.memory_space<vmem>> -> memref<128xi32, #tpu.memory_space<vmem>>
      %dma_wait3A_568 = arith.constant 0 : i32
      %dma_wait3A_569 = arith.constant 0 : i32
      %dma_wait3A_570 = tpu.memref_slice %arg12[%dma_wait3A_568, %dma_wait3A_569] : memref<10240x128xf32, #tpu.memory_space<vmem_shared>> -> memref<10240x128xf32, #tpu.memory_space<vmem_shared>>
      tpu.wait_indirect_dma semaphore(%arg14 : memref<!tpu.dma_semaphore, #tpu.memory_space<semaphore_mem>>) src(%arg10 : memref<128x128xf32, #tpu.memory_space<vmem>>) dst(%dma_wait3A_570 : memref<10240x128xf32, #tpu.memory_space<vmem_shared>>)
      %dma_start3A_571 = arith.constant 512 : i32
      %dma_start3A_572 = tpu.memref_slice %arg8[%dma_start3A_571] : memref<1024xi32, #tpu.memory_space<vmem>> -> memref<128xi32, #tpu.memory_space<vmem>>
      %dma_start3A_573 = arith.constant 0 : i32
      %dma_start3A_574 = arith.constant 0 : i32
      %dma_start3A_575 = tpu.memref_slice %arg2[%dma_start3A_573, %dma_start3A_574] : memref<10240x128xf32, #tpu.memory_space<hbm>> -> memref<10240x128xf32, #tpu.memory_space<hbm>>
      tpu.enqueue_indirect_dma source(%dma_start3A_575 : memref<10240x128xf32, #tpu.memory_space<hbm>>) target(%arg10 : memref<128x128xf32, #tpu.memory_space<vmem>>) offsets(%dma_start3A_572 : memref<128xi32, #tpu.memory_space<vmem>>) semaphore(%arg13 : memref<!tpu.dma_semaphore, #tpu.memory_space<semaphore_mem>>)
      %dma_start3A_576 = arith.constant 3 : i32
      %dma_start3A_577 = arith.constant 0 : i32
      %dma_start3A_578 = tpu.memref_slice %arg9[%dma_start3A_576, %dma_start3A_577] : memref<8x128xi32, #tpu.memory_space<vmem>> -> memref<1x128xi32, #tpu.memory_space<vmem>>
      %dma_start3A_579 = tpu.memref_squeeze %dma_start3A_578 : memref<1x128xi32, #tpu.memory_space<vmem>> -> memref<128xi32, #tpu.memory_space<vmem>>
      %dma_start3A_580 = arith.constant 0 : i32
      %dma_start3A_581 = arith.constant 0 : i32
      %dma_start3A_582 = tpu.memref_slice %arg12[%dma_start3A_580, %dma_start3A_581] : memref<10240x128xf32, #tpu.memory_space<vmem_shared>> -> memref<10240x128xf32, #tpu.memory_space<vmem_shared>>
      tpu.enqueue_indirect_dma source(%arg11 : memref<128x128xf32, #tpu.memory_space<vmem>>) target(%dma_start3A_582 : memref<10240x128xf32, #tpu.memory_space<vmem_shared>>) offsets(%dma_start3A_579 : memref<128xi32, #tpu.memory_space<vmem>>) semaphore(%arg14 : memref<!tpu.dma_semaphore, #tpu.memory_space<semaphore_mem>>) {add = true}
      %dma_wait3A_583 = arith.constant 512 : i32
      %dma_wait3A_584 = tpu.memref_slice %arg8[%dma_wait3A_583] : memref<1024xi32, #tpu.memory_space<vmem>> -> memref<128xi32, #tpu.memory_space<vmem>>
      %dma_wait3A_585 = arith.constant 0 : i32
      %dma_wait3A_586 = arith.constant 0 : i32
      %dma_wait3A_587 = tpu.memref_slice %arg2[%dma_wait3A_585, %dma_wait3A_586] : memref<10240x128xf32, #tpu.memory_space<hbm>> -> memref<10240x128xf32, #tpu.memory_space<hbm>>
      tpu.wait_indirect_dma semaphore(%arg13 : memref<!tpu.dma_semaphore, #tpu.memory_space<semaphore_mem>>) src(%dma_wait3A_587 : memref<10240x128xf32, #tpu.memory_space<hbm>>) dst(%arg10 : memref<128x128xf32, #tpu.memory_space<vmem>>)
      %dma_wait3A_588 = arith.constant 3 : i32
      %dma_wait3A_589 = arith.constant 0 : i32
      %dma_wait3A_590 = tpu.memref_slice %arg9[%dma_wait3A_588, %dma_wait3A_589] : memref<8x128xi32, #tpu.memory_space<vmem>> -> memref<1x128xi32, #tpu.memory_space<vmem>>
      %dma_wait3A_591 = tpu.memref_squeeze %dma_wait3A_590 : memref<1x128xi32, #tpu.memory_space<vmem>> -> memref<128xi32, #tpu.memory_space<vmem>>
      %dma_wait3A_592 = arith.constant 0 : i32
      %dma_wait3A_593 = arith.constant 0 : i32
      %dma_wait3A_594 = tpu.memref_slice %arg12[%dma_wait3A_592, %dma_wait3A_593] : memref<10240x128xf32, #tpu.memory_space<vmem_shared>> -> memref<10240x128xf32, #tpu.memory_space<vmem_shared>>
      tpu.wait_indirect_dma semaphore(%arg14 : memref<!tpu.dma_semaphore, #tpu.memory_space<semaphore_mem>>) src(%arg11 : memref<128x128xf32, #tpu.memory_space<vmem>>) dst(%dma_wait3A_594 : memref<10240x128xf32, #tpu.memory_space<vmem_shared>>)
      %dma_start3A_595 = arith.constant 640 : i32
      %dma_start3A_596 = tpu.memref_slice %arg8[%dma_start3A_595] : memref<1024xi32, #tpu.memory_space<vmem>> -> memref<128xi32, #tpu.memory_space<vmem>>
      %dma_start3A_597 = arith.constant 0 : i32
      %dma_start3A_598 = arith.constant 0 : i32
      %dma_start3A_599 = tpu.memref_slice %arg2[%dma_start3A_597, %dma_start3A_598] : memref<10240x128xf32, #tpu.memory_space<hbm>> -> memref<10240x128xf32, #tpu.memory_space<hbm>>
      tpu.enqueue_indirect_dma source(%dma_start3A_599 : memref<10240x128xf32, #tpu.memory_space<hbm>>) target(%arg11 : memref<128x128xf32, #tpu.memory_space<vmem>>) offsets(%dma_start3A_596 : memref<128xi32, #tpu.memory_space<vmem>>) semaphore(%arg13 : memref<!tpu.dma_semaphore, #tpu.memory_space<semaphore_mem>>)
      %dma_start3A_600 = arith.constant 4 : i32
      %dma_start3A_601 = arith.constant 0 : i32
      %dma_start3A_602 = tpu.memref_slice %arg9[%dma_start3A_600, %dma_start3A_601] : memref<8x128xi32, #tpu.memory_space<vmem>> -> memref<1x128xi32, #tpu.memory_space<vmem>>
      %dma_start3A_603 = tpu.memref_squeeze %dma_start3A_602 : memref<1x128xi32, #tpu.memory_space<vmem>> -> memref<128xi32, #tpu.memory_space<vmem>>
      %dma_start3A_604 = arith.constant 0 : i32
      %dma_start3A_605 = arith.constant 0 : i32
      %dma_start3A_606 = tpu.memref_slice %arg12[%dma_start3A_604, %dma_start3A_605] : memref<10240x128xf32, #tpu.memory_space<vmem_shared>> -> memref<10240x128xf32, #tpu.memory_space<vmem_shared>>
      tpu.enqueue_indirect_dma source(%arg10 : memref<128x128xf32, #tpu.memory_space<vmem>>) target(%dma_start3A_606 : memref<10240x128xf32, #tpu.memory_space<vmem_shared>>) offsets(%dma_start3A_603 : memref<128xi32, #tpu.memory_space<vmem>>) semaphore(%arg14 : memref<!tpu.dma_semaphore, #tpu.memory_space<semaphore_mem>>) {add = true}
      %dma_wait3A_607 = arith.constant 640 : i32
      %dma_wait3A_608 = tpu.memref_slice %arg8[%dma_wait3A_607] : memref<1024xi32, #tpu.memory_space<vmem>> -> memref<128xi32, #tpu.memory_space<vmem>>
      %dma_wait3A_609 = arith.constant 0 : i32
      %dma_wait3A_610 = arith.constant 0 : i32
      %dma_wait3A_611 = tpu.memref_slice %arg2[%dma_wait3A_609, %dma_wait3A_610] : memref<10240x128xf32, #tpu.memory_space<hbm>> -> memref<10240x128xf32, #tpu.memory_space<hbm>>
      tpu.wait_indirect_dma semaphore(%arg13 : memref<!tpu.dma_semaphore, #tpu.memory_space<semaphore_mem>>) src(%dma_wait3A_611 : memref<10240x128xf32, #tpu.memory_space<hbm>>) dst(%arg11 : memref<128x128xf32, #tpu.memory_space<vmem>>)
      %dma_wait3A_612 = arith.constant 4 : i32
      %dma_wait3A_613 = arith.constant 0 : i32
      %dma_wait3A_614 = tpu.memref_slice %arg9[%dma_wait3A_612, %dma_wait3A_613] : memref<8x128xi32, #tpu.memory_space<vmem>> -> memref<1x128xi32, #tpu.memory_space<vmem>>
      %dma_wait3A_615 = tpu.memref_squeeze %dma_wait3A_614 : memref<1x128xi32, #tpu.memory_space<vmem>> -> memref<128xi32, #tpu.memory_space<vmem>>
      %dma_wait3A_616 = arith.constant 0 : i32
      %dma_wait3A_617 = arith.constant 0 : i32
      %dma_wait3A_618 = tpu.memref_slice %arg12[%dma_wait3A_616, %dma_wait3A_617] : memref<10240x128xf32, #tpu.memory_space<vmem_shared>> -> memref<10240x128xf32, #tpu.memory_space<vmem_shared>>
      tpu.wait_indirect_dma semaphore(%arg14 : memref<!tpu.dma_semaphore, #tpu.memory_space<semaphore_mem>>) src(%arg10 : memref<128x128xf32, #tpu.memory_space<vmem>>) dst(%dma_wait3A_618 : memref<10240x128xf32, #tpu.memory_space<vmem_shared>>)
      %dma_start3A_619 = arith.constant 768 : i32
      %dma_start3A_620 = tpu.memref_slice %arg8[%dma_start3A_619] : memref<1024xi32, #tpu.memory_space<vmem>> -> memref<128xi32, #tpu.memory_space<vmem>>
      %dma_start3A_621 = arith.constant 0 : i32
      %dma_start3A_622 = arith.constant 0 : i32
      %dma_start3A_623 = tpu.memref_slice %arg2[%dma_start3A_621, %dma_start3A_622] : memref<10240x128xf32, #tpu.memory_space<hbm>> -> memref<10240x128xf32, #tpu.memory_space<hbm>>
      tpu.enqueue_indirect_dma source(%dma_start3A_623 : memref<10240x128xf32, #tpu.memory_space<hbm>>) target(%arg10 : memref<128x128xf32, #tpu.memory_space<vmem>>) offsets(%dma_start3A_620 : memref<128xi32, #tpu.memory_space<vmem>>) semaphore(%arg13 : memref<!tpu.dma_semaphore, #tpu.memory_space<semaphore_mem>>)
      %dma_start3A_624 = arith.constant 5 : i32
      %dma_start3A_625 = arith.constant 0 : i32
      %dma_start3A_626 = tpu.memref_slice %arg9[%dma_start3A_624, %dma_start3A_625] : memref<8x128xi32, #tpu.memory_space<vmem>> -> memref<1x128xi32, #tpu.memory_space<vmem>>
      %dma_start3A_627 = tpu.memref_squeeze %dma_start3A_626 : memref<1x128xi32, #tpu.memory_space<vmem>> -> memref<128xi32, #tpu.memory_space<vmem>>
      %dma_start3A_628 = arith.constant 0 : i32
      %dma_start3A_629 = arith.constant 0 : i32
      %dma_start3A_630 = tpu.memref_slice %arg12[%dma_start3A_628, %dma_start3A_629] : memref<10240x128xf32, #tpu.memory_space<vmem_shared>> -> memref<10240x128xf32, #tpu.memory_space<vmem_shared>>
      tpu.enqueue_indirect_dma source(%arg11 : memref<128x128xf32, #tpu.memory_space<vmem>>) target(%dma_start3A_630 : memref<10240x128xf32, #tpu.memory_space<vmem_shared>>) offsets(%dma_start3A_627 : memref<128xi32, #tpu.memory_space<vmem>>) semaphore(%arg14 : memref<!tpu.dma_semaphore, #tpu.memory_space<semaphore_mem>>) {add = true}
      %dma_wait3A_631 = arith.constant 768 : i32
      %dma_wait3A_632 = tpu.memref_slice %arg8[%dma_wait3A_631] : memref<1024xi32, #tpu.memory_space<vmem>> -> memref<128xi32, #tpu.memory_space<vmem>>
      %dma_wait3A_633 = arith.constant 0 : i32
      %dma_wait3A_634 = arith.constant 0 : i32
      %dma_wait3A_635 = tpu.memref_slice %arg2[%dma_wait3A_633, %dma_wait3A_634] : memref<10240x128xf32, #tpu.memory_space<hbm>> -> memref<10240x128xf32, #tpu.memory_space<hbm>>
      tpu.wait_indirect_dma semaphore(%arg13 : memref<!tpu.dma_semaphore, #tpu.memory_space<semaphore_mem>>) src(%dma_wait3A_635 : memref<10240x128xf32, #tpu.memory_space<hbm>>) dst(%arg10 : memref<128x128xf32, #tpu.memory_space<vmem>>)
      %dma_wait3A_636 = arith.constant 5 : i32
      %dma_wait3A_637 = arith.constant 0 : i32
      %dma_wait3A_638 = tpu.memref_slice %arg9[%dma_wait3A_636, %dma_wait3A_637] : memref<8x128xi32, #tpu.memory_space<vmem>> -> memref<1x128xi32, #tpu.memory_space<vmem>>
      %dma_wait3A_639 = tpu.memref_squeeze %dma_wait3A_638 : memref<1x128xi32, #tpu.memory_space<vmem>> -> memref<128xi32, #tpu.memory_space<vmem>>
      %dma_wait3A_640 = arith.constant 0 : i32
      %dma_wait3A_641 = arith.constant 0 : i32
      %dma_wait3A_642 = tpu.memref_slice %arg12[%dma_wait3A_640, %dma_wait3A_641] : memref<10240x128xf32, #tpu.memory_space<vmem_shared>> -> memref<10240x128xf32, #tpu.memory_space<vmem_shared>>
      tpu.wait_indirect_dma semaphore(%arg14 : memref<!tpu.dma_semaphore, #tpu.memory_space<semaphore_mem>>) src(%arg11 : memref<128x128xf32, #tpu.memory_space<vmem>>) dst(%dma_wait3A_642 : memref<10240x128xf32, #tpu.memory_space<vmem_shared>>)
      %dma_start3A_643 = arith.constant 896 : i32
      %dma_start3A_644 = tpu.memref_slice %arg8[%dma_start3A_643] : memref<1024xi32, #tpu.memory_space<vmem>> -> memref<128xi32, #tpu.memory_space<vmem>>
      %dma_start3A_645 = arith.constant 0 : i32
      %dma_start3A_646 = arith.constant 0 : i32
      %dma_start3A_647 = tpu.memref_slice %arg2[%dma_start3A_645, %dma_start3A_646] : memref<10240x128xf32, #tpu.memory_space<hbm>> -> memref<10240x128xf32, #tpu.memory_space<hbm>>
      tpu.enqueue_indirect_dma source(%dma_start3A_647 : memref<10240x128xf32, #tpu.memory_space<hbm>>) target(%arg11 : memref<128x128xf32, #tpu.memory_space<vmem>>) offsets(%dma_start3A_644 : memref<128xi32, #tpu.memory_space<vmem>>) semaphore(%arg13 : memref<!tpu.dma_semaphore, #tpu.memory_space<semaphore_mem>>)
      %dma_start3A_648 = arith.constant 6 : i32
      %dma_start3A_649 = arith.constant 0 : i32
      %dma_start3A_650 = tpu.memref_slice %arg9[%dma_start3A_648, %dma_start3A_649] : memref<8x128xi32, #tpu.memory_space<vmem>> -> memref<1x128xi32, #tpu.memory_space<vmem>>
      %dma_start3A_651 = tpu.memref_squeeze %dma_start3A_650 : memref<1x128xi32, #tpu.memory_space<vmem>> -> memref<128xi32, #tpu.memory_space<vmem>>
      %dma_start3A_652 = arith.constant 0 : i32
      %dma_start3A_653 = arith.constant 0 : i32
      %dma_start3A_654 = tpu.memref_slice %arg12[%dma_start3A_652, %dma_start3A_653] : memref<10240x128xf32, #tpu.memory_space<vmem_shared>> -> memref<10240x128xf32, #tpu.memory_space<vmem_shared>>
      tpu.enqueue_indirect_dma source(%arg10 : memref<128x128xf32, #tpu.memory_space<vmem>>) target(%dma_start3A_654 : memref<10240x128xf32, #tpu.memory_space<vmem_shared>>) offsets(%dma_start3A_651 : memref<128xi32, #tpu.memory_space<vmem>>) semaphore(%arg14 : memref<!tpu.dma_semaphore, #tpu.memory_space<semaphore_mem>>) {add = true}
      %add3A_655 = arith.constant 1 : i32
      %add3A_656 = arith.addi %add3A_469, %add3A_655 : i32
      %mul3A_657 = arith.constant 8 : i32
      %mul3A_658 = arith.muli %add3A_656, %mul3A_657 : i32
      %add3A_659 = arith.addi %mul3A_2, %mul3A_658 : i32
      %mul3A_660 = arith.constant 128 : i32
      %mul3A_661 = arith.muli %add3A_659, %mul3A_660 : i32
      %dma_wait3A_662 = tpu.memref_slice %arg3[%mul3A_661] : memref<327680xi32, #tpu.memory_space<hbm>> -> memref<1024xi32, #tpu.memory_space<hbm>>
      %dma_wait3A_663 = tpu.memref_slice %arg3[%mul3A_661] : memref<327680xi32, #tpu.memory_space<hbm>> -> memref<1024xi32, #tpu.memory_space<hbm>>
      tpu.wait_dma2 semaphore(%arg15 : memref<!tpu.dma_semaphore, #tpu.memory_space<semaphore_mem>>) src(%dma_wait3A_663 : memref<1024xi32, #tpu.memory_space<hbm>>) dst(%arg6 : memref<1024xi32, #tpu.memory_space<vmem>>)
      %dma_wait3A_664 = arith.constant 0 : i32
      %dma_wait3A_665 = tpu.memref_slice %arg4[%add3A_659, %dma_wait3A_664] : memref<2560x128xi32, #tpu.memory_space<hbm>> -> memref<8x128xi32, #tpu.memory_space<hbm>>
      %dma_wait3A_666 = arith.constant 0 : i32
      %dma_wait3A_667 = tpu.memref_slice %arg4[%add3A_659, %dma_wait3A_666] : memref<2560x128xi32, #tpu.memory_space<hbm>> -> memref<8x128xi32, #tpu.memory_space<hbm>>
      tpu.wait_dma2 semaphore(%arg15 : memref<!tpu.dma_semaphore, #tpu.memory_space<semaphore_mem>>) src(%dma_wait3A_667 : memref<8x128xi32, #tpu.memory_space<hbm>>) dst(%arg7 : memref<8x128xi32, #tpu.memory_space<vmem>>)
      %dma_wait3A_668 = arith.constant 896 : i32
      %dma_wait3A_669 = tpu.memref_slice %arg8[%dma_wait3A_668] : memref<1024xi32, #tpu.memory_space<vmem>> -> memref<128xi32, #tpu.memory_space<vmem>>
      %dma_wait3A_670 = arith.constant 0 : i32
      %dma_wait3A_671 = arith.constant 0 : i32
      %dma_wait3A_672 = tpu.memref_slice %arg2[%dma_wait3A_670, %dma_wait3A_671] : memref<10240x128xf32, #tpu.memory_space<hbm>> -> memref<10240x128xf32, #tpu.memory_space<hbm>>
      tpu.wait_indirect_dma semaphore(%arg13 : memref<!tpu.dma_semaphore, #tpu.memory_space<semaphore_mem>>) src(%dma_wait3A_672 : memref<10240x128xf32, #tpu.memory_space<hbm>>) dst(%arg11 : memref<128x128xf32, #tpu.memory_space<vmem>>)
      %dma_wait3A_673 = arith.constant 6 : i32
      %dma_wait3A_674 = arith.constant 0 : i32
      %dma_wait3A_675 = tpu.memref_slice %arg9[%dma_wait3A_673, %dma_wait3A_674] : memref<8x128xi32, #tpu.memory_space<vmem>> -> memref<1x128xi32, #tpu.memory_space<vmem>>
      %dma_wait3A_676 = tpu.memref_squeeze %dma_wait3A_675 : memref<1x128xi32, #tpu.memory_space<vmem>> -> memref<128xi32, #tpu.memory_space<vmem>>
      %dma_wait3A_677 = arith.constant 0 : i32
      %dma_wait3A_678 = arith.constant 0 : i32
      %dma_wait3A_679 = tpu.memref_slice %arg12[%dma_wait3A_677, %dma_wait3A_678] : memref<10240x128xf32, #tpu.memory_space<vmem_shared>> -> memref<10240x128xf32, #tpu.memory_space<vmem_shared>>
      tpu.wait_indirect_dma semaphore(%arg14 : memref<!tpu.dma_semaphore, #tpu.memory_space<semaphore_mem>>) src(%arg10 : memref<128x128xf32, #tpu.memory_space<vmem>>) dst(%dma_wait3A_679 : memref<10240x128xf32, #tpu.memory_space<vmem_shared>>)
      %dma_start3A_680 = arith.constant 0 : i32
      %dma_start3A_681 = tpu.memref_slice %arg6[%dma_start3A_680] : memref<1024xi32, #tpu.memory_space<vmem>> -> memref<128xi32, #tpu.memory_space<vmem>>
      %dma_start3A_682 = arith.constant 0 : i32
      %dma_start3A_683 = arith.constant 0 : i32
      %dma_start3A_684 = tpu.memref_slice %arg2[%dma_start3A_682, %dma_start3A_683] : memref<10240x128xf32, #tpu.memory_space<hbm>> -> memref<10240x128xf32, #tpu.memory_space<hbm>>
      tpu.enqueue_indirect_dma source(%dma_start3A_684 : memref<10240x128xf32, #tpu.memory_space<hbm>>) target(%arg10 : memref<128x128xf32, #tpu.memory_space<vmem>>) offsets(%dma_start3A_681 : memref<128xi32, #tpu.memory_space<vmem>>) semaphore(%arg13 : memref<!tpu.dma_semaphore, #tpu.memory_space<semaphore_mem>>)
      %dma_start3A_685 = arith.constant 7 : i32
      %dma_start3A_686 = arith.constant 0 : i32
      %dma_start3A_687 = tpu.memref_slice %arg9[%dma_start3A_685, %dma_start3A_686] : memref<8x128xi32, #tpu.memory_space<vmem>> -> memref<1x128xi32, #tpu.memory_space<vmem>>
      %dma_start3A_688 = tpu.memref_squeeze %dma_start3A_687 : memref<1x128xi32, #tpu.memory_space<vmem>> -> memref<128xi32, #tpu.memory_space<vmem>>
      %dma_start3A_689 = arith.constant 0 : i32
      %dma_start3A_690 = arith.constant 0 : i32
      %dma_start3A_691 = tpu.memref_slice %arg12[%dma_start3A_689, %dma_start3A_690] : memref<10240x128xf32, #tpu.memory_space<vmem_shared>> -> memref<10240x128xf32, #tpu.memory_space<vmem_shared>>
      tpu.enqueue_indirect_dma source(%arg11 : memref<128x128xf32, #tpu.memory_space<vmem>>) target(%dma_start3A_691 : memref<10240x128xf32, #tpu.memory_space<vmem_shared>>) offsets(%dma_start3A_688 : memref<128xi32, #tpu.memory_space<vmem>>) semaphore(%arg14 : memref<!tpu.dma_semaphore, #tpu.memory_space<semaphore_mem>>) {add = true}
      %dma_wait3A_692 = arith.constant 0 : i32
      %dma_wait3A_693 = tpu.memref_slice %arg6[%dma_wait3A_692] : memref<1024xi32, #tpu.memory_space<vmem>> -> memref<128xi32, #tpu.memory_space<vmem>>
      %dma_wait3A_694 = arith.constant 0 : i32
      %dma_wait3A_695 = arith.constant 0 : i32
      %dma_wait3A_696 = tpu.memref_slice %arg2[%dma_wait3A_694, %dma_wait3A_695] : memref<10240x128xf32, #tpu.memory_space<hbm>> -> memref<10240x128xf32, #tpu.memory_space<hbm>>
      tpu.wait_indirect_dma semaphore(%arg13 : memref<!tpu.dma_semaphore, #tpu.memory_space<semaphore_mem>>) src(%dma_wait3A_696 : memref<10240x128xf32, #tpu.memory_space<hbm>>) dst(%arg10 : memref<128x128xf32, #tpu.memory_space<vmem>>)
      %dma_wait3A_697 = arith.constant 7 : i32
      %dma_wait3A_698 = arith.constant 0 : i32
      %dma_wait3A_699 = tpu.memref_slice %arg9[%dma_wait3A_697, %dma_wait3A_698] : memref<8x128xi32, #tpu.memory_space<vmem>> -> memref<1x128xi32, #tpu.memory_space<vmem>>
      %dma_wait3A_700 = tpu.memref_squeeze %dma_wait3A_699 : memref<1x128xi32, #tpu.memory_space<vmem>> -> memref<128xi32, #tpu.memory_space<vmem>>
      %dma_wait3A_701 = arith.constant 0 : i32
      %dma_wait3A_702 = arith.constant 0 : i32
      %dma_wait3A_703 = tpu.memref_slice %arg12[%dma_wait3A_701, %dma_wait3A_702] : memref<10240x128xf32, #tpu.memory_space<vmem_shared>> -> memref<10240x128xf32, #tpu.memory_space<vmem_shared>>
      tpu.wait_indirect_dma semaphore(%arg14 : memref<!tpu.dma_semaphore, #tpu.memory_space<semaphore_mem>>) src(%arg11 : memref<128x128xf32, #tpu.memory_space<vmem>>) dst(%dma_wait3A_703 : memref<10240x128xf32, #tpu.memory_space<vmem_shared>>)
      %dma_start3A_704 = arith.constant 128 : i32
      %dma_start3A_705 = tpu.memref_slice %arg6[%dma_start3A_704] : memref<1024xi32, #tpu.memory_space<vmem>> -> memref<128xi32, #tpu.memory_space<vmem>>
      %dma_start3A_706 = arith.constant 0 : i32
      %dma_start3A_707 = arith.constant 0 : i32
      %dma_start3A_708 = tpu.memref_slice %arg2[%dma_start3A_706, %dma_start3A_707] : memref<10240x128xf32, #tpu.memory_space<hbm>> -> memref<10240x128xf32, #tpu.memory_space<hbm>>
      tpu.enqueue_indirect_dma source(%dma_start3A_708 : memref<10240x128xf32, #tpu.memory_space<hbm>>) target(%arg11 : memref<128x128xf32, #tpu.memory_space<vmem>>) offsets(%dma_start3A_705 : memref<128xi32, #tpu.memory_space<vmem>>) semaphore(%arg13 : memref<!tpu.dma_semaphore, #tpu.memory_space<semaphore_mem>>)
      %dma_start3A_709 = arith.constant 0 : i32
      %dma_start3A_710 = arith.constant 0 : i32
      %dma_start3A_711 = tpu.memref_slice %arg7[%dma_start3A_709, %dma_start3A_710] : memref<8x128xi32, #tpu.memory_space<vmem>> -> memref<1x128xi32, #tpu.memory_space<vmem>>
      %dma_start3A_712 = tpu.memref_squeeze %dma_start3A_711 : memref<1x128xi32, #tpu.memory_space<vmem>> -> memref<128xi32, #tpu.memory_space<vmem>>
      %dma_start3A_713 = arith.constant 0 : i32
      %dma_start3A_714 = arith.constant 0 : i32
      %dma_start3A_715 = tpu.memref_slice %arg12[%dma_start3A_713, %dma_start3A_714] : memref<10240x128xf32, #tpu.memory_space<vmem_shared>> -> memref<10240x128xf32, #tpu.memory_space<vmem_shared>>
      tpu.enqueue_indirect_dma source(%arg10 : memref<128x128xf32, #tpu.memory_space<vmem>>) target(%dma_start3A_715 : memref<10240x128xf32, #tpu.memory_space<vmem_shared>>) offsets(%dma_start3A_712 : memref<128xi32, #tpu.memory_space<vmem>>) semaphore(%arg14 : memref<!tpu.dma_semaphore, #tpu.memory_space<semaphore_mem>>) {add = true}
      %add3A_716 = arith.constant 1 : i32
      %add3A_717 = arith.addi %add3A_473, %add3A_716 : i32
      %mul3A_718 = arith.constant 8 : i32
      %mul3A_719 = arith.muli %add3A_717, %mul3A_718 : i32
      %add3A_720 = arith.addi %mul3A_2, %mul3A_719 : i32
      %mul3A_721 = arith.constant 128 : i32
      %mul3A_722 = arith.muli %add3A_720, %mul3A_721 : i32
      %dma_start3A_723 = tpu.memref_slice %arg3[%mul3A_722] : memref<327680xi32, #tpu.memory_space<hbm>> -> memref<1024xi32, #tpu.memory_space<hbm>>
      %dma_start3A_724 = tpu.memref_slice %arg3[%mul3A_722] : memref<327680xi32, #tpu.memory_space<hbm>> -> memref<1024xi32, #tpu.memory_space<hbm>>
      tpu.enqueue_dma source(%dma_start3A_724 : memref<1024xi32, #tpu.memory_space<hbm>>) target(%arg8 : memref<1024xi32, #tpu.memory_space<vmem>>) target_semaphore(%arg15 : memref<!tpu.dma_semaphore, #tpu.memory_space<semaphore_mem>>)
      %dma_start3A_725 = arith.constant 0 : i32
      %dma_start3A_726 = tpu.memref_slice %arg4[%add3A_720, %dma_start3A_725] : memref<2560x128xi32, #tpu.memory_space<hbm>> -> memref<8x128xi32, #tpu.memory_space<hbm>>
      %dma_start3A_727 = arith.constant 0 : i32
      %dma_start3A_728 = tpu.memref_slice %arg4[%add3A_720, %dma_start3A_727] : memref<2560x128xi32, #tpu.memory_space<hbm>> -> memref<8x128xi32, #tpu.memory_space<hbm>>
      tpu.enqueue_dma source(%dma_start3A_728 : memref<8x128xi32, #tpu.memory_space<hbm>>) target(%arg9 : memref<8x128xi32, #tpu.memory_space<vmem>>) target_semaphore(%arg15 : memref<!tpu.dma_semaphore, #tpu.memory_space<semaphore_mem>>)
      %dma_wait3A_729 = arith.constant 128 : i32
      %dma_wait3A_730 = tpu.memref_slice %arg6[%dma_wait3A_729] : memref<1024xi32, #tpu.memory_space<vmem>> -> memref<128xi32, #tpu.memory_space<vmem>>
      %dma_wait3A_731 = arith.constant 0 : i32
      %dma_wait3A_732 = arith.constant 0 : i32
      %dma_wait3A_733 = tpu.memref_slice %arg2[%dma_wait3A_731, %dma_wait3A_732] : memref<10240x128xf32, #tpu.memory_space<hbm>> -> memref<10240x128xf32, #tpu.memory_space<hbm>>
      tpu.wait_indirect_dma semaphore(%arg13 : memref<!tpu.dma_semaphore, #tpu.memory_space<semaphore_mem>>) src(%dma_wait3A_733 : memref<10240x128xf32, #tpu.memory_space<hbm>>) dst(%arg11 : memref<128x128xf32, #tpu.memory_space<vmem>>)
      %dma_wait3A_734 = arith.constant 0 : i32
      %dma_wait3A_735 = arith.constant 0 : i32
      %dma_wait3A_736 = tpu.memref_slice %arg7[%dma_wait3A_734, %dma_wait3A_735] : memref<8x128xi32, #tpu.memory_space<vmem>> -> memref<1x128xi32, #tpu.memory_space<vmem>>
      %dma_wait3A_737 = tpu.memref_squeeze %dma_wait3A_736 : memref<1x128xi32, #tpu.memory_space<vmem>> -> memref<128xi32, #tpu.memory_space<vmem>>
      %dma_wait3A_738 = arith.constant 0 : i32
      %dma_wait3A_739 = arith.constant 0 : i32
      %dma_wait3A_740 = tpu.memref_slice %arg12[%dma_wait3A_738, %dma_wait3A_739] : memref<10240x128xf32, #tpu.memory_space<vmem_shared>> -> memref<10240x128xf32, #tpu.memory_space<vmem_shared>>
      tpu.wait_indirect_dma semaphore(%arg14 : memref<!tpu.dma_semaphore, #tpu.memory_space<semaphore_mem>>) src(%arg10 : memref<128x128xf32, #tpu.memory_space<vmem>>) dst(%dma_wait3A_740 : memref<10240x128xf32, #tpu.memory_space<vmem_shared>>)
      %dma_start3A_741 = arith.constant 256 : i32
      %dma_start3A_742 = tpu.memref_slice %arg6[%dma_start3A_741] : memref<1024xi32, #tpu.memory_space<vmem>> -> memref<128xi32, #tpu.memory_space<vmem>>
      %dma_start3A_743 = arith.constant 0 : i32
      %dma_start3A_744 = arith.constant 0 : i32
      %dma_start3A_745 = tpu.memref_slice %arg2[%dma_start3A_743, %dma_start3A_744] : memref<10240x128xf32, #tpu.memory_space<hbm>> -> memref<10240x128xf32, #tpu.memory_space<hbm>>
      tpu.enqueue_indirect_dma source(%dma_start3A_745 : memref<10240x128xf32, #tpu.memory_space<hbm>>) target(%arg10 : memref<128x128xf32, #tpu.memory_space<vmem>>) offsets(%dma_start3A_742 : memref<128xi32, #tpu.memory_space<vmem>>) semaphore(%arg13 : memref<!tpu.dma_semaphore, #tpu.memory_space<semaphore_mem>>)
      %dma_start3A_746 = arith.constant 1 : i32
      %dma_start3A_747 = arith.constant 0 : i32
      %dma_start3A_748 = tpu.memref_slice %arg7[%dma_start3A_746, %dma_start3A_747] : memref<8x128xi32, #tpu.memory_space<vmem>> -> memref<1x128xi32, #tpu.memory_space<vmem>>
      %dma_start3A_749 = tpu.memref_squeeze %dma_start3A_748 : memref<1x128xi32, #tpu.memory_space<vmem>> -> memref<128xi32, #tpu.memory_space<vmem>>
      %dma_start3A_750 = arith.constant 0 : i32
      %dma_start3A_751 = arith.constant 0 : i32
      %dma_start3A_752 = tpu.memref_slice %arg12[%dma_start3A_750, %dma_start3A_751] : memref<10240x128xf32, #tpu.memory_space<vmem_shared>> -> memref<10240x128xf32, #tpu.memory_space<vmem_shared>>
      tpu.enqueue_indirect_dma source(%arg11 : memref<128x128xf32, #tpu.memory_space<vmem>>) target(%dma_start3A_752 : memref<10240x128xf32, #tpu.memory_space<vmem_shared>>) offsets(%dma_start3A_749 : memref<128xi32, #tpu.memory_space<vmem>>) semaphore(%arg14 : memref<!tpu.dma_semaphore, #tpu.memory_space<semaphore_mem>>) {add = true}
      %dma_wait3A_753 = arith.constant 256 : i32
      %dma_wait3A_754 = tpu.memref_slice %arg6[%dma_wait3A_753] : memref<1024xi32, #tpu.memory_space<vmem>> -> memref<128xi32, #tpu.memory_space<vmem>>
      %dma_wait3A_755 = arith.constant 0 : i32
      %dma_wait3A_756 = arith.constant 0 : i32
      %dma_wait3A_757 = tpu.memref_slice %arg2[%dma_wait3A_755, %dma_wait3A_756] : memref<10240x128xf32, #tpu.memory_space<hbm>> -> memref<10240x128xf32, #tpu.memory_space<hbm>>
      tpu.wait_indirect_dma semaphore(%arg13 : memref<!tpu.dma_semaphore, #tpu.memory_space<semaphore_mem>>) src(%dma_wait3A_757 : memref<10240x128xf32, #tpu.memory_space<hbm>>) dst(%arg10 : memref<128x128xf32, #tpu.memory_space<vmem>>)
      %dma_wait3A_758 = arith.constant 1 : i32
      %dma_wait3A_759 = arith.constant 0 : i32
      %dma_wait3A_760 = tpu.memref_slice %arg7[%dma_wait3A_758, %dma_wait3A_759] : memref<8x128xi32, #tpu.memory_space<vmem>> -> memref<1x128xi32, #tpu.memory_space<vmem>>
      %dma_wait3A_761 = tpu.memref_squeeze %dma_wait3A_760 : memref<1x128xi32, #tpu.memory_space<vmem>> -> memref<128xi32, #tpu.memory_space<vmem>>
      %dma_wait3A_762 = arith.constant 0 : i32
      %dma_wait3A_763 = arith.constant 0 : i32
      %dma_wait3A_764 = tpu.memref_slice %arg12[%dma_wait3A_762, %dma_wait3A_763] : memref<10240x128xf32, #tpu.memory_space<vmem_shared>> -> memref<10240x128xf32, #tpu.memory_space<vmem_shared>>
      tpu.wait_indirect_dma semaphore(%arg14 : memref<!tpu.dma_semaphore, #tpu.memory_space<semaphore_mem>>) src(%arg11 : memref<128x128xf32, #tpu.memory_space<vmem>>) dst(%dma_wait3A_764 : memref<10240x128xf32, #tpu.memory_space<vmem_shared>>)
      %dma_start3A_765 = arith.constant 384 : i32
      %dma_start3A_766 = tpu.memref_slice %arg6[%dma_start3A_765] : memref<1024xi32, #tpu.memory_space<vmem>> -> memref<128xi32, #tpu.memory_space<vmem>>
      %dma_start3A_767 = arith.constant 0 : i32
      %dma_start3A_768 = arith.constant 0 : i32
      %dma_start3A_769 = tpu.memref_slice %arg2[%dma_start3A_767, %dma_start3A_768] : memref<10240x128xf32, #tpu.memory_space<hbm>> -> memref<10240x128xf32, #tpu.memory_space<hbm>>
      tpu.enqueue_indirect_dma source(%dma_start3A_769 : memref<10240x128xf32, #tpu.memory_space<hbm>>) target(%arg11 : memref<128x128xf32, #tpu.memory_space<vmem>>) offsets(%dma_start3A_766 : memref<128xi32, #tpu.memory_space<vmem>>) semaphore(%arg13 : memref<!tpu.dma_semaphore, #tpu.memory_space<semaphore_mem>>)
      %dma_start3A_770 = arith.constant 2 : i32
      %dma_start3A_771 = arith.constant 0 : i32
      %dma_start3A_772 = tpu.memref_slice %arg7[%dma_start3A_770, %dma_start3A_771] : memref<8x128xi32, #tpu.memory_space<vmem>> -> memref<1x128xi32, #tpu.memory_space<vmem>>
      %dma_start3A_773 = tpu.memref_squeeze %dma_start3A_772 : memref<1x128xi32, #tpu.memory_space<vmem>> -> memref<128xi32, #tpu.memory_space<vmem>>
      %dma_start3A_774 = arith.constant 0 : i32
      %dma_start3A_775 = arith.constant 0 : i32
      %dma_start3A_776 = tpu.memref_slice %arg12[%dma_start3A_774, %dma_start3A_775] : memref<10240x128xf32, #tpu.memory_space<vmem_shared>> -> memref<10240x128xf32, #tpu.memory_space<vmem_shared>>
      tpu.enqueue_indirect_dma source(%arg10 : memref<128x128xf32, #tpu.memory_space<vmem>>) target(%dma_start3A_776 : memref<10240x128xf32, #tpu.memory_space<vmem_shared>>) offsets(%dma_start3A_773 : memref<128xi32, #tpu.memory_space<vmem>>) semaphore(%arg14 : memref<!tpu.dma_semaphore, #tpu.memory_space<semaphore_mem>>) {add = true}
      %dma_wait3A_777 = arith.constant 384 : i32
      %dma_wait3A_778 = tpu.memref_slice %arg6[%dma_wait3A_777] : memref<1024xi32, #tpu.memory_space<vmem>> -> memref<128xi32, #tpu.memory_space<vmem>>
      %dma_wait3A_779 = arith.constant 0 : i32
      %dma_wait3A_780 = arith.constant 0 : i32
      %dma_wait3A_781 = tpu.memref_slice %arg2[%dma_wait3A_779, %dma_wait3A_780] : memref<10240x128xf32, #tpu.memory_space<hbm>> -> memref<10240x128xf32, #tpu.memory_space<hbm>>
      tpu.wait_indirect_dma semaphore(%arg13 : memref<!tpu.dma_semaphore, #tpu.memory_space<semaphore_mem>>) src(%dma_wait3A_781 : memref<10240x128xf32, #tpu.memory_space<hbm>>) dst(%arg11 : memref<128x128xf32, #tpu.memory_space<vmem>>)
      %dma_wait3A_782 = arith.constant 2 : i32
      %dma_wait3A_783 = arith.constant 0 : i32
      %dma_wait3A_784 = tpu.memref_slice %arg7[%dma_wait3A_782, %dma_wait3A_783] : memref<8x128xi32, #tpu.memory_space<vmem>> -> memref<1x128xi32, #tpu.memory_space<vmem>>
      %dma_wait3A_785 = tpu.memref_squeeze %dma_wait3A_784 : memref<1x128xi32, #tpu.memory_space<vmem>> -> memref<128xi32, #tpu.memory_space<vmem>>
      %dma_wait3A_786 = arith.constant 0 : i32
      %dma_wait3A_787 = arith.constant 0 : i32
      %dma_wait3A_788 = tpu.memref_slice %arg12[%dma_wait3A_786, %dma_wait3A_787] : memref<10240x128xf32, #tpu.memory_space<vmem_shared>> -> memref<10240x128xf32, #tpu.memory_space<vmem_shared>>
      tpu.wait_indirect_dma semaphore(%arg14 : memref<!tpu.dma_semaphore, #tpu.memory_space<semaphore_mem>>) src(%arg10 : memref<128x128xf32, #tpu.memory_space<vmem>>) dst(%dma_wait3A_788 : memref<10240x128xf32, #tpu.memory_space<vmem_shared>>)
      %dma_start3A_789 = arith.constant 512 : i32
      %dma_start3A_790 = tpu.memref_slice %arg6[%dma_start3A_789] : memref<1024xi32, #tpu.memory_space<vmem>> -> memref<128xi32, #tpu.memory_space<vmem>>
      %dma_start3A_791 = arith.constant 0 : i32
      %dma_start3A_792 = arith.constant 0 : i32
      %dma_start3A_793 = tpu.memref_slice %arg2[%dma_start3A_791, %dma_start3A_792] : memref<10240x128xf32, #tpu.memory_space<hbm>> -> memref<10240x128xf32, #tpu.memory_space<hbm>>
      tpu.enqueue_indirect_dma source(%dma_start3A_793 : memref<10240x128xf32, #tpu.memory_space<hbm>>) target(%arg10 : memref<128x128xf32, #tpu.memory_space<vmem>>) offsets(%dma_start3A_790 : memref<128xi32, #tpu.memory_space<vmem>>) semaphore(%arg13 : memref<!tpu.dma_semaphore, #tpu.memory_space<semaphore_mem>>)
      %dma_start3A_794 = arith.constant 3 : i32
      %dma_start3A_795 = arith.constant 0 : i32
      %dma_start3A_796 = tpu.memref_slice %arg7[%dma_start3A_794, %dma_start3A_795] : memref<8x128xi32, #tpu.memory_space<vmem>> -> memref<1x128xi32, #tpu.memory_space<vmem>>
      %dma_start3A_797 = tpu.memref_squeeze %dma_start3A_796 : memref<1x128xi32, #tpu.memory_space<vmem>> -> memref<128xi32, #tpu.memory_space<vmem>>
      %dma_start3A_798 = arith.constant 0 : i32
      %dma_start3A_799 = arith.constant 0 : i32
      %dma_start3A_800 = tpu.memref_slice %arg12[%dma_start3A_798, %dma_start3A_799] : memref<10240x128xf32, #tpu.memory_space<vmem_shared>> -> memref<10240x128xf32, #tpu.memory_space<vmem_shared>>
      tpu.enqueue_indirect_dma source(%arg11 : memref<128x128xf32, #tpu.memory_space<vmem>>) target(%dma_start3A_800 : memref<10240x128xf32, #tpu.memory_space<vmem_shared>>) offsets(%dma_start3A_797 : memref<128xi32, #tpu.memory_space<vmem>>) semaphore(%arg14 : memref<!tpu.dma_semaphore, #tpu.memory_space<semaphore_mem>>) {add = true}
      %dma_wait3A_801 = arith.constant 512 : i32
      %dma_wait3A_802 = tpu.memref_slice %arg6[%dma_wait3A_801] : memref<1024xi32, #tpu.memory_space<vmem>> -> memref<128xi32, #tpu.memory_space<vmem>>
      %dma_wait3A_803 = arith.constant 0 : i32
      %dma_wait3A_804 = arith.constant 0 : i32
      %dma_wait3A_805 = tpu.memref_slice %arg2[%dma_wait3A_803, %dma_wait3A_804] : memref<10240x128xf32, #tpu.memory_space<hbm>> -> memref<10240x128xf32, #tpu.memory_space<hbm>>
      tpu.wait_indirect_dma semaphore(%arg13 : memref<!tpu.dma_semaphore, #tpu.memory_space<semaphore_mem>>) src(%dma_wait3A_805 : memref<10240x128xf32, #tpu.memory_space<hbm>>) dst(%arg10 : memref<128x128xf32, #tpu.memory_space<vmem>>)
      %dma_wait3A_806 = arith.constant 3 : i32
      %dma_wait3A_807 = arith.constant 0 : i32
      %dma_wait3A_808 = tpu.memref_slice %arg7[%dma_wait3A_806, %dma_wait3A_807] : memref<8x128xi32, #tpu.memory_space<vmem>> -> memref<1x128xi32, #tpu.memory_space<vmem>>
      %dma_wait3A_809 = tpu.memref_squeeze %dma_wait3A_808 : memref<1x128xi32, #tpu.memory_space<vmem>> -> memref<128xi32, #tpu.memory_space<vmem>>
      %dma_wait3A_810 = arith.constant 0 : i32
      %dma_wait3A_811 = arith.constant 0 : i32
      %dma_wait3A_812 = tpu.memref_slice %arg12[%dma_wait3A_810, %dma_wait3A_811] : memref<10240x128xf32, #tpu.memory_space<vmem_shared>> -> memref<10240x128xf32, #tpu.memory_space<vmem_shared>>
      tpu.wait_indirect_dma semaphore(%arg14 : memref<!tpu.dma_semaphore, #tpu.memory_space<semaphore_mem>>) src(%arg11 : memref<128x128xf32, #tpu.memory_space<vmem>>) dst(%dma_wait3A_812 : memref<10240x128xf32, #tpu.memory_space<vmem_shared>>)
      %dma_start3A_813 = arith.constant 640 : i32
      %dma_start3A_814 = tpu.memref_slice %arg6[%dma_start3A_813] : memref<1024xi32, #tpu.memory_space<vmem>> -> memref<128xi32, #tpu.memory_space<vmem>>
      %dma_start3A_815 = arith.constant 0 : i32
      %dma_start3A_816 = arith.constant 0 : i32
      %dma_start3A_817 = tpu.memref_slice %arg2[%dma_start3A_815, %dma_start3A_816] : memref<10240x128xf32, #tpu.memory_space<hbm>> -> memref<10240x128xf32, #tpu.memory_space<hbm>>
      tpu.enqueue_indirect_dma source(%dma_start3A_817 : memref<10240x128xf32, #tpu.memory_space<hbm>>) target(%arg11 : memref<128x128xf32, #tpu.memory_space<vmem>>) offsets(%dma_start3A_814 : memref<128xi32, #tpu.memory_space<vmem>>) semaphore(%arg13 : memref<!tpu.dma_semaphore, #tpu.memory_space<semaphore_mem>>)
      %dma_start3A_818 = arith.constant 4 : i32
      %dma_start3A_819 = arith.constant 0 : i32
      %dma_start3A_820 = tpu.memref_slice %arg7[%dma_start3A_818, %dma_start3A_819] : memref<8x128xi32, #tpu.memory_space<vmem>> -> memref<1x128xi32, #tpu.memory_space<vmem>>
      %dma_start3A_821 = tpu.memref_squeeze %dma_start3A_820 : memref<1x128xi32, #tpu.memory_space<vmem>> -> memref<128xi32, #tpu.memory_space<vmem>>
      %dma_start3A_822 = arith.constant 0 : i32
      %dma_start3A_823 = arith.constant 0 : i32
      %dma_start3A_824 = tpu.memref_slice %arg12[%dma_start3A_822, %dma_start3A_823] : memref<10240x128xf32, #tpu.memory_space<vmem_shared>> -> memref<10240x128xf32, #tpu.memory_space<vmem_shared>>
      tpu.enqueue_indirect_dma source(%arg10 : memref<128x128xf32, #tpu.memory_space<vmem>>) target(%dma_start3A_824 : memref<10240x128xf32, #tpu.memory_space<vmem_shared>>) offsets(%dma_start3A_821 : memref<128xi32, #tpu.memory_space<vmem>>) semaphore(%arg14 : memref<!tpu.dma_semaphore, #tpu.memory_space<semaphore_mem>>) {add = true}
      %dma_wait3A_825 = arith.constant 640 : i32
      %dma_wait3A_826 = tpu.memref_slice %arg6[%dma_wait3A_825] : memref<1024xi32, #tpu.memory_space<vmem>> -> memref<128xi32, #tpu.memory_space<vmem>>
      %dma_wait3A_827 = arith.constant 0 : i32
      %dma_wait3A_828 = arith.constant 0 : i32
      %dma_wait3A_829 = tpu.memref_slice %arg2[%dma_wait3A_827, %dma_wait3A_828] : memref<10240x128xf32, #tpu.memory_space<hbm>> -> memref<10240x128xf32, #tpu.memory_space<hbm>>
      tpu.wait_indirect_dma semaphore(%arg13 : memref<!tpu.dma_semaphore, #tpu.memory_space<semaphore_mem>>) src(%dma_wait3A_829 : memref<10240x128xf32, #tpu.memory_space<hbm>>) dst(%arg11 : memref<128x128xf32, #tpu.memory_space<vmem>>)
      %dma_wait3A_830 = arith.constant 4 : i32
      %dma_wait3A_831 = arith.constant 0 : i32
      %dma_wait3A_832 = tpu.memref_slice %arg7[%dma_wait3A_830, %dma_wait3A_831] : memref<8x128xi32, #tpu.memory_space<vmem>> -> memref<1x128xi32, #tpu.memory_space<vmem>>
      %dma_wait3A_833 = tpu.memref_squeeze %dma_wait3A_832 : memref<1x128xi32, #tpu.memory_space<vmem>> -> memref<128xi32, #tpu.memory_space<vmem>>
      %dma_wait3A_834 = arith.constant 0 : i32
      %dma_wait3A_835 = arith.constant 0 : i32
      %dma_wait3A_836 = tpu.memref_slice %arg12[%dma_wait3A_834, %dma_wait3A_835] : memref<10240x128xf32, #tpu.memory_space<vmem_shared>> -> memref<10240x128xf32, #tpu.memory_space<vmem_shared>>
      tpu.wait_indirect_dma semaphore(%arg14 : memref<!tpu.dma_semaphore, #tpu.memory_space<semaphore_mem>>) src(%arg10 : memref<128x128xf32, #tpu.memory_space<vmem>>) dst(%dma_wait3A_836 : memref<10240x128xf32, #tpu.memory_space<vmem_shared>>)
      %dma_start3A_837 = arith.constant 768 : i32
      %dma_start3A_838 = tpu.memref_slice %arg6[%dma_start3A_837] : memref<1024xi32, #tpu.memory_space<vmem>> -> memref<128xi32, #tpu.memory_space<vmem>>
      %dma_start3A_839 = arith.constant 0 : i32
      %dma_start3A_840 = arith.constant 0 : i32
      %dma_start3A_841 = tpu.memref_slice %arg2[%dma_start3A_839, %dma_start3A_840] : memref<10240x128xf32, #tpu.memory_space<hbm>> -> memref<10240x128xf32, #tpu.memory_space<hbm>>
      tpu.enqueue_indirect_dma source(%dma_start3A_841 : memref<10240x128xf32, #tpu.memory_space<hbm>>) target(%arg10 : memref<128x128xf32, #tpu.memory_space<vmem>>) offsets(%dma_start3A_838 : memref<128xi32, #tpu.memory_space<vmem>>) semaphore(%arg13 : memref<!tpu.dma_semaphore, #tpu.memory_space<semaphore_mem>>)
      %dma_start3A_842 = arith.constant 5 : i32
      %dma_start3A_843 = arith.constant 0 : i32
      %dma_start3A_844 = tpu.memref_slice %arg7[%dma_start3A_842, %dma_start3A_843] : memref<8x128xi32, #tpu.memory_space<vmem>> -> memref<1x128xi32, #tpu.memory_space<vmem>>
      %dma_start3A_845 = tpu.memref_squeeze %dma_start3A_844 : memref<1x128xi32, #tpu.memory_space<vmem>> -> memref<128xi32, #tpu.memory_space<vmem>>
      %dma_start3A_846 = arith.constant 0 : i32
      %dma_start3A_847 = arith.constant 0 : i32
      %dma_start3A_848 = tpu.memref_slice %arg12[%dma_start3A_846, %dma_start3A_847] : memref<10240x128xf32, #tpu.memory_space<vmem_shared>> -> memref<10240x128xf32, #tpu.memory_space<vmem_shared>>
      tpu.enqueue_indirect_dma source(%arg11 : memref<128x128xf32, #tpu.memory_space<vmem>>) target(%dma_start3A_848 : memref<10240x128xf32, #tpu.memory_space<vmem_shared>>) offsets(%dma_start3A_845 : memref<128xi32, #tpu.memory_space<vmem>>) semaphore(%arg14 : memref<!tpu.dma_semaphore, #tpu.memory_space<semaphore_mem>>) {add = true}
      %dma_wait3A_849 = arith.constant 768 : i32
      %dma_wait3A_850 = tpu.memref_slice %arg6[%dma_wait3A_849] : memref<1024xi32, #tpu.memory_space<vmem>> -> memref<128xi32, #tpu.memory_space<vmem>>
      %dma_wait3A_851 = arith.constant 0 : i32
      %dma_wait3A_852 = arith.constant 0 : i32
      %dma_wait3A_853 = tpu.memref_slice %arg2[%dma_wait3A_851, %dma_wait3A_852] : memref<10240x128xf32, #tpu.memory_space<hbm>> -> memref<10240x128xf32, #tpu.memory_space<hbm>>
      tpu.wait_indirect_dma semaphore(%arg13 : memref<!tpu.dma_semaphore, #tpu.memory_space<semaphore_mem>>) src(%dma_wait3A_853 : memref<10240x128xf32, #tpu.memory_space<hbm>>) dst(%arg10 : memref<128x128xf32, #tpu.memory_space<vmem>>)
      %dma_wait3A_854 = arith.constant 5 : i32
      %dma_wait3A_855 = arith.constant 0 : i32
      %dma_wait3A_856 = tpu.memref_slice %arg7[%dma_wait3A_854, %dma_wait3A_855] : memref<8x128xi32, #tpu.memory_space<vmem>> -> memref<1x128xi32, #tpu.memory_space<vmem>>
      %dma_wait3A_857 = tpu.memref_squeeze %dma_wait3A_856 : memref<1x128xi32, #tpu.memory_space<vmem>> -> memref<128xi32, #tpu.memory_space<vmem>>
      %dma_wait3A_858 = arith.constant 0 : i32
      %dma_wait3A_859 = arith.constant 0 : i32
      %dma_wait3A_860 = tpu.memref_slice %arg12[%dma_wait3A_858, %dma_wait3A_859] : memref<10240x128xf32, #tpu.memory_space<vmem_shared>> -> memref<10240x128xf32, #tpu.memory_space<vmem_shared>>
      tpu.wait_indirect_dma semaphore(%arg14 : memref<!tpu.dma_semaphore, #tpu.memory_space<semaphore_mem>>) src(%arg11 : memref<128x128xf32, #tpu.memory_space<vmem>>) dst(%dma_wait3A_860 : memref<10240x128xf32, #tpu.memory_space<vmem_shared>>)
      %dma_start3A_861 = arith.constant 896 : i32
      %dma_start3A_862 = tpu.memref_slice %arg6[%dma_start3A_861] : memref<1024xi32, #tpu.memory_space<vmem>> -> memref<128xi32, #tpu.memory_space<vmem>>
      %dma_start3A_863 = arith.constant 0 : i32
      %dma_start3A_864 = arith.constant 0 : i32
      %dma_start3A_865 = tpu.memref_slice %arg2[%dma_start3A_863, %dma_start3A_864] : memref<10240x128xf32, #tpu.memory_space<hbm>> -> memref<10240x128xf32, #tpu.memory_space<hbm>>
      tpu.enqueue_indirect_dma source(%dma_start3A_865 : memref<10240x128xf32, #tpu.memory_space<hbm>>) target(%arg11 : memref<128x128xf32, #tpu.memory_space<vmem>>) offsets(%dma_start3A_862 : memref<128xi32, #tpu.memory_space<vmem>>) semaphore(%arg13 : memref<!tpu.dma_semaphore, #tpu.memory_space<semaphore_mem>>)
      %dma_start3A_866 = arith.constant 6 : i32
      %dma_start3A_867 = arith.constant 0 : i32
      %dma_start3A_868 = tpu.memref_slice %arg7[%dma_start3A_866, %dma_start3A_867] : memref<8x128xi32, #tpu.memory_space<vmem>> -> memref<1x128xi32, #tpu.memory_space<vmem>>
      %dma_start3A_869 = tpu.memref_squeeze %dma_start3A_868 : memref<1x128xi32, #tpu.memory_space<vmem>> -> memref<128xi32, #tpu.memory_space<vmem>>
      %dma_start3A_870 = arith.constant 0 : i32
      %dma_start3A_871 = arith.constant 0 : i32
      %dma_start3A_872 = tpu.memref_slice %arg12[%dma_start3A_870, %dma_start3A_871] : memref<10240x128xf32, #tpu.memory_space<vmem_shared>> -> memref<10240x128xf32, #tpu.memory_space<vmem_shared>>
      tpu.enqueue_indirect_dma source(%arg10 : memref<128x128xf32, #tpu.memory_space<vmem>>) target(%dma_start3A_872 : memref<10240x128xf32, #tpu.memory_space<vmem_shared>>) offsets(%dma_start3A_869 : memref<128xi32, #tpu.memory_space<vmem>>) semaphore(%arg14 : memref<!tpu.dma_semaphore, #tpu.memory_space<semaphore_mem>>) {add = true}
      %add3A_873 = arith.constant 1 : i32
      %add3A_874 = arith.addi %add3A_473, %add3A_873 : i32
      %mul3A_875 = arith.constant 8 : i32
      %mul3A_876 = arith.muli %add3A_874, %mul3A_875 : i32
      %add3A_877 = arith.addi %mul3A_2, %mul3A_876 : i32
      %mul3A_878 = arith.constant 128 : i32
      %mul3A_879 = arith.muli %add3A_877, %mul3A_878 : i32
      %dma_wait3A_880 = tpu.memref_slice %arg3[%mul3A_879] : memref<327680xi32, #tpu.memory_space<hbm>> -> memref<1024xi32, #tpu.memory_space<hbm>>
      %dma_wait3A_881 = tpu.memref_slice %arg3[%mul3A_879] : memref<327680xi32, #tpu.memory_space<hbm>> -> memref<1024xi32, #tpu.memory_space<hbm>>
      tpu.wait_dma2 semaphore(%arg15 : memref<!tpu.dma_semaphore, #tpu.memory_space<semaphore_mem>>) src(%dma_wait3A_881 : memref<1024xi32, #tpu.memory_space<hbm>>) dst(%arg8 : memref<1024xi32, #tpu.memory_space<vmem>>)
      %dma_wait3A_882 = arith.constant 0 : i32
      %dma_wait3A_883 = tpu.memref_slice %arg4[%add3A_877, %dma_wait3A_882] : memref<2560x128xi32, #tpu.memory_space<hbm>> -> memref<8x128xi32, #tpu.memory_space<hbm>>
      %dma_wait3A_884 = arith.constant 0 : i32
      %dma_wait3A_885 = tpu.memref_slice %arg4[%add3A_877, %dma_wait3A_884] : memref<2560x128xi32, #tpu.memory_space<hbm>> -> memref<8x128xi32, #tpu.memory_space<hbm>>
      tpu.wait_dma2 semaphore(%arg15 : memref<!tpu.dma_semaphore, #tpu.memory_space<semaphore_mem>>) src(%dma_wait3A_885 : memref<8x128xi32, #tpu.memory_space<hbm>>) dst(%arg9 : memref<8x128xi32, #tpu.memory_space<vmem>>)
      %dma_wait3A_886 = arith.constant 896 : i32
      %dma_wait3A_887 = tpu.memref_slice %arg6[%dma_wait3A_886] : memref<1024xi32, #tpu.memory_space<vmem>> -> memref<128xi32, #tpu.memory_space<vmem>>
      %dma_wait3A_888 = arith.constant 0 : i32
      %dma_wait3A_889 = arith.constant 0 : i32
      %dma_wait3A_890 = tpu.memref_slice %arg2[%dma_wait3A_888, %dma_wait3A_889] : memref<10240x128xf32, #tpu.memory_space<hbm>> -> memref<10240x128xf32, #tpu.memory_space<hbm>>
      tpu.wait_indirect_dma semaphore(%arg13 : memref<!tpu.dma_semaphore, #tpu.memory_space<semaphore_mem>>) src(%dma_wait3A_890 : memref<10240x128xf32, #tpu.memory_space<hbm>>) dst(%arg11 : memref<128x128xf32, #tpu.memory_space<vmem>>)
      %dma_wait3A_891 = arith.constant 6 : i32
      %dma_wait3A_892 = arith.constant 0 : i32
      %dma_wait3A_893 = tpu.memref_slice %arg7[%dma_wait3A_891, %dma_wait3A_892] : memref<8x128xi32, #tpu.memory_space<vmem>> -> memref<1x128xi32, #tpu.memory_space<vmem>>
      %dma_wait3A_894 = tpu.memref_squeeze %dma_wait3A_893 : memref<1x128xi32, #tpu.memory_space<vmem>> -> memref<128xi32, #tpu.memory_space<vmem>>
      %dma_wait3A_895 = arith.constant 0 : i32
      %dma_wait3A_896 = arith.constant 0 : i32
      %dma_wait3A_897 = tpu.memref_slice %arg12[%dma_wait3A_895, %dma_wait3A_896] : memref<10240x128xf32, #tpu.memory_space<vmem_shared>> -> memref<10240x128xf32, #tpu.memory_space<vmem_shared>>
      tpu.wait_indirect_dma semaphore(%arg14 : memref<!tpu.dma_semaphore, #tpu.memory_space<semaphore_mem>>) src(%arg10 : memref<128x128xf32, #tpu.memory_space<vmem>>) dst(%dma_wait3A_897 : memref<10240x128xf32, #tpu.memory_space<vmem_shared>>)
      %dma_start3A_898 = arith.constant 0 : i32
      %dma_start3A_899 = tpu.memref_slice %arg8[%dma_start3A_898] : memref<1024xi32, #tpu.memory_space<vmem>> -> memref<128xi32, #tpu.memory_space<vmem>>
      %dma_start3A_900 = arith.constant 0 : i32
      %dma_start3A_901 = arith.constant 0 : i32
      %dma_start3A_902 = tpu.memref_slice %arg2[%dma_start3A_900, %dma_start3A_901] : memref<10240x128xf32, #tpu.memory_space<hbm>> -> memref<10240x128xf32, #tpu.memory_space<hbm>>
      tpu.enqueue_indirect_dma source(%dma_start3A_902 : memref<10240x128xf32, #tpu.memory_space<hbm>>) target(%arg10 : memref<128x128xf32, #tpu.memory_space<vmem>>) offsets(%dma_start3A_899 : memref<128xi32, #tpu.memory_space<vmem>>) semaphore(%arg13 : memref<!tpu.dma_semaphore, #tpu.memory_space<semaphore_mem>>)
      %dma_start3A_903 = arith.constant 7 : i32
      %dma_start3A_904 = arith.constant 0 : i32
      %dma_start3A_905 = tpu.memref_slice %arg7[%dma_start3A_903, %dma_start3A_904] : memref<8x128xi32, #tpu.memory_space<vmem>> -> memref<1x128xi32, #tpu.memory_space<vmem>>
      %dma_start3A_906 = tpu.memref_squeeze %dma_start3A_905 : memref<1x128xi32, #tpu.memory_space<vmem>> -> memref<128xi32, #tpu.memory_space<vmem>>
      %dma_start3A_907 = arith.constant 0 : i32
      %dma_start3A_908 = arith.constant 0 : i32
      %dma_start3A_909 = tpu.memref_slice %arg12[%dma_start3A_907, %dma_start3A_908] : memref<10240x128xf32, #tpu.memory_space<vmem_shared>> -> memref<10240x128xf32, #tpu.memory_space<vmem_shared>>
      tpu.enqueue_indirect_dma source(%arg11 : memref<128x128xf32, #tpu.memory_space<vmem>>) target(%dma_start3A_909 : memref<10240x128xf32, #tpu.memory_space<vmem_shared>>) offsets(%dma_start3A_906 : memref<128xi32, #tpu.memory_space<vmem>>) semaphore(%arg14 : memref<!tpu.dma_semaphore, #tpu.memory_space<semaphore_mem>>) {add = true}
      %scan3A_910 = arith.constant 0 : i32
      scf.yield %scan3A_910 : i32
    }
    %scan3A_264 = arith.constant 4 : i32
    %dma_wait3A_265 = arith.constant 0 : i32
    %dma_wait3A_266 = tpu.memref_slice %arg8[%dma_wait3A_265] : memref<1024xi32, #tpu.memory_space<vmem>> -> memref<128xi32, #tpu.memory_space<vmem>>
    %dma_wait3A_267 = arith.constant 0 : i32
    %dma_wait3A_268 = arith.constant 0 : i32
    %dma_wait3A_269 = tpu.memref_slice %arg2[%dma_wait3A_267, %dma_wait3A_268] : memref<10240x128xf32, #tpu.memory_space<hbm>> -> memref<10240x128xf32, #tpu.memory_space<hbm>>
    tpu.wait_indirect_dma semaphore(%arg13 : memref<!tpu.dma_semaphore, #tpu.memory_space<semaphore_mem>>) src(%dma_wait3A_269 : memref<10240x128xf32, #tpu.memory_space<hbm>>) dst(%arg10 : memref<128x128xf32, #tpu.memory_space<vmem>>)
    %dma_wait3A_270 = arith.constant 7 : i32
    %dma_wait3A_271 = arith.constant 0 : i32
    %dma_wait3A_272 = tpu.memref_slice %arg7[%dma_wait3A_270, %dma_wait3A_271] : memref<8x128xi32, #tpu.memory_space<vmem>> -> memref<1x128xi32, #tpu.memory_space<vmem>>
    %dma_wait3A_273 = tpu.memref_squeeze %dma_wait3A_272 : memref<1x128xi32, #tpu.memory_space<vmem>> -> memref<128xi32, #tpu.memory_space<vmem>>
    %dma_wait3A_274 = arith.constant 0 : i32
    %dma_wait3A_275 = arith.constant 0 : i32
    %dma_wait3A_276 = tpu.memref_slice %arg12[%dma_wait3A_274, %dma_wait3A_275] : memref<10240x128xf32, #tpu.memory_space<vmem_shared>> -> memref<10240x128xf32, #tpu.memory_space<vmem_shared>>
    tpu.wait_indirect_dma semaphore(%arg14 : memref<!tpu.dma_semaphore, #tpu.memory_space<semaphore_mem>>) src(%arg11 : memref<128x128xf32, #tpu.memory_space<vmem>>) dst(%dma_wait3A_276 : memref<10240x128xf32, #tpu.memory_space<vmem_shared>>)
    %dma_start3A_277 = arith.constant 128 : i32
    %dma_start3A_278 = tpu.memref_slice %arg8[%dma_start3A_277] : memref<1024xi32, #tpu.memory_space<vmem>> -> memref<128xi32, #tpu.memory_space<vmem>>
    %dma_start3A_279 = arith.constant 0 : i32
    %dma_start3A_280 = arith.constant 0 : i32
    %dma_start3A_281 = tpu.memref_slice %arg2[%dma_start3A_279, %dma_start3A_280] : memref<10240x128xf32, #tpu.memory_space<hbm>> -> memref<10240x128xf32, #tpu.memory_space<hbm>>
    tpu.enqueue_indirect_dma source(%dma_start3A_281 : memref<10240x128xf32, #tpu.memory_space<hbm>>) target(%arg11 : memref<128x128xf32, #tpu.memory_space<vmem>>) offsets(%dma_start3A_278 : memref<128xi32, #tpu.memory_space<vmem>>) semaphore(%arg13 : memref<!tpu.dma_semaphore, #tpu.memory_space<semaphore_mem>>)
    %dma_start3A_282 = arith.constant 0 : i32
    %dma_start3A_283 = arith.constant 0 : i32
    %dma_start3A_284 = tpu.memref_slice %arg9[%dma_start3A_282, %dma_start3A_283] : memref<8x128xi32, #tpu.memory_space<vmem>> -> memref<1x128xi32, #tpu.memory_space<vmem>>
    %dma_start3A_285 = tpu.memref_squeeze %dma_start3A_284 : memref<1x128xi32, #tpu.memory_space<vmem>> -> memref<128xi32, #tpu.memory_space<vmem>>
    %dma_start3A_286 = arith.constant 0 : i32
    %dma_start3A_287 = arith.constant 0 : i32
    %dma_start3A_288 = tpu.memref_slice %arg12[%dma_start3A_286, %dma_start3A_287] : memref<10240x128xf32, #tpu.memory_space<vmem_shared>> -> memref<10240x128xf32, #tpu.memory_space<vmem_shared>>
    tpu.enqueue_indirect_dma source(%arg10 : memref<128x128xf32, #tpu.memory_space<vmem>>) target(%dma_start3A_288 : memref<10240x128xf32, #tpu.memory_space<vmem_shared>>) offsets(%dma_start3A_285 : memref<128xi32, #tpu.memory_space<vmem>>) semaphore(%arg14 : memref<!tpu.dma_semaphore, #tpu.memory_space<semaphore_mem>>) {add = true}
    %dma_wait3A_289 = arith.constant 128 : i32
    %dma_wait3A_290 = tpu.memref_slice %arg8[%dma_wait3A_289] : memref<1024xi32, #tpu.memory_space<vmem>> -> memref<128xi32, #tpu.memory_space<vmem>>
    %dma_wait3A_291 = arith.constant 0 : i32
    %dma_wait3A_292 = arith.constant 0 : i32
    %dma_wait3A_293 = tpu.memref_slice %arg2[%dma_wait3A_291, %dma_wait3A_292] : memref<10240x128xf32, #tpu.memory_space<hbm>> -> memref<10240x128xf32, #tpu.memory_space<hbm>>
    tpu.wait_indirect_dma semaphore(%arg13 : memref<!tpu.dma_semaphore, #tpu.memory_space<semaphore_mem>>) src(%dma_wait3A_293 : memref<10240x128xf32, #tpu.memory_space<hbm>>) dst(%arg11 : memref<128x128xf32, #tpu.memory_space<vmem>>)
    %dma_wait3A_294 = arith.constant 0 : i32
    %dma_wait3A_295 = arith.constant 0 : i32
    %dma_wait3A_296 = tpu.memref_slice %arg9[%dma_wait3A_294, %dma_wait3A_295] : memref<8x128xi32, #tpu.memory_space<vmem>> -> memref<1x128xi32, #tpu.memory_space<vmem>>
    %dma_wait3A_297 = tpu.memref_squeeze %dma_wait3A_296 : memref<1x128xi32, #tpu.memory_space<vmem>> -> memref<128xi32, #tpu.memory_space<vmem>>
    %dma_wait3A_298 = arith.constant 0 : i32
    %dma_wait3A_299 = arith.constant 0 : i32
    %dma_wait3A_300 = tpu.memref_slice %arg12[%dma_wait3A_298, %dma_wait3A_299] : memref<10240x128xf32, #tpu.memory_space<vmem_shared>> -> memref<10240x128xf32, #tpu.memory_space<vmem_shared>>
    tpu.wait_indirect_dma semaphore(%arg14 : memref<!tpu.dma_semaphore, #tpu.memory_space<semaphore_mem>>) src(%arg10 : memref<128x128xf32, #tpu.memory_space<vmem>>) dst(%dma_wait3A_300 : memref<10240x128xf32, #tpu.memory_space<vmem_shared>>)
    %dma_start3A_301 = arith.constant 256 : i32
    %dma_start3A_302 = tpu.memref_slice %arg8[%dma_start3A_301] : memref<1024xi32, #tpu.memory_space<vmem>> -> memref<128xi32, #tpu.memory_space<vmem>>
    %dma_start3A_303 = arith.constant 0 : i32
    %dma_start3A_304 = arith.constant 0 : i32
    %dma_start3A_305 = tpu.memref_slice %arg2[%dma_start3A_303, %dma_start3A_304] : memref<10240x128xf32, #tpu.memory_space<hbm>> -> memref<10240x128xf32, #tpu.memory_space<hbm>>
    tpu.enqueue_indirect_dma source(%dma_start3A_305 : memref<10240x128xf32, #tpu.memory_space<hbm>>) target(%arg10 : memref<128x128xf32, #tpu.memory_space<vmem>>) offsets(%dma_start3A_302 : memref<128xi32, #tpu.memory_space<vmem>>) semaphore(%arg13 : memref<!tpu.dma_semaphore, #tpu.memory_space<semaphore_mem>>)
    %dma_start3A_306 = arith.constant 1 : i32
    %dma_start3A_307 = arith.constant 0 : i32
    %dma_start3A_308 = tpu.memref_slice %arg9[%dma_start3A_306, %dma_start3A_307] : memref<8x128xi32, #tpu.memory_space<vmem>> -> memref<1x128xi32, #tpu.memory_space<vmem>>
    %dma_start3A_309 = tpu.memref_squeeze %dma_start3A_308 : memref<1x128xi32, #tpu.memory_space<vmem>> -> memref<128xi32, #tpu.memory_space<vmem>>
    %dma_start3A_310 = arith.constant 0 : i32
    %dma_start3A_311 = arith.constant 0 : i32
    %dma_start3A_312 = tpu.memref_slice %arg12[%dma_start3A_310, %dma_start3A_311] : memref<10240x128xf32, #tpu.memory_space<vmem_shared>> -> memref<10240x128xf32, #tpu.memory_space<vmem_shared>>
    tpu.enqueue_indirect_dma source(%arg11 : memref<128x128xf32, #tpu.memory_space<vmem>>) target(%dma_start3A_312 : memref<10240x128xf32, #tpu.memory_space<vmem_shared>>) offsets(%dma_start3A_309 : memref<128xi32, #tpu.memory_space<vmem>>) semaphore(%arg14 : memref<!tpu.dma_semaphore, #tpu.memory_space<semaphore_mem>>) {add = true}
    %dma_wait3A_313 = arith.constant 256 : i32
    %dma_wait3A_314 = tpu.memref_slice %arg8[%dma_wait3A_313] : memref<1024xi32, #tpu.memory_space<vmem>> -> memref<128xi32, #tpu.memory_space<vmem>>
    %dma_wait3A_315 = arith.constant 0 : i32
    %dma_wait3A_316 = arith.constant 0 : i32
    %dma_wait3A_317 = tpu.memref_slice %arg2[%dma_wait3A_315, %dma_wait3A_316] : memref<10240x128xf32, #tpu.memory_space<hbm>> -> memref<10240x128xf32, #tpu.memory_space<hbm>>
    tpu.wait_indirect_dma semaphore(%arg13 : memref<!tpu.dma_semaphore, #tpu.memory_space<semaphore_mem>>) src(%dma_wait3A_317 : memref<10240x128xf32, #tpu.memory_space<hbm>>) dst(%arg10 : memref<128x128xf32, #tpu.memory_space<vmem>>)
    %dma_wait3A_318 = arith.constant 1 : i32
    %dma_wait3A_319 = arith.constant 0 : i32
    %dma_wait3A_320 = tpu.memref_slice %arg9[%dma_wait3A_318, %dma_wait3A_319] : memref<8x128xi32, #tpu.memory_space<vmem>> -> memref<1x128xi32, #tpu.memory_space<vmem>>
    %dma_wait3A_321 = tpu.memref_squeeze %dma_wait3A_320 : memref<1x128xi32, #tpu.memory_space<vmem>> -> memref<128xi32, #tpu.memory_space<vmem>>
    %dma_wait3A_322 = arith.constant 0 : i32
    %dma_wait3A_323 = arith.constant 0 : i32
    %dma_wait3A_324 = tpu.memref_slice %arg12[%dma_wait3A_322, %dma_wait3A_323] : memref<10240x128xf32, #tpu.memory_space<vmem_shared>> -> memref<10240x128xf32, #tpu.memory_space<vmem_shared>>
    tpu.wait_indirect_dma semaphore(%arg14 : memref<!tpu.dma_semaphore, #tpu.memory_space<semaphore_mem>>) src(%arg11 : memref<128x128xf32, #tpu.memory_space<vmem>>) dst(%dma_wait3A_324 : memref<10240x128xf32, #tpu.memory_space<vmem_shared>>)
    %dma_start3A_325 = arith.constant 384 : i32
    %dma_start3A_326 = tpu.memref_slice %arg8[%dma_start3A_325] : memref<1024xi32, #tpu.memory_space<vmem>> -> memref<128xi32, #tpu.memory_space<vmem>>
    %dma_start3A_327 = arith.constant 0 : i32
    %dma_start3A_328 = arith.constant 0 : i32
    %dma_start3A_329 = tpu.memref_slice %arg2[%dma_start3A_327, %dma_start3A_328] : memref<10240x128xf32, #tpu.memory_space<hbm>> -> memref<10240x128xf32, #tpu.memory_space<hbm>>
    tpu.enqueue_indirect_dma source(%dma_start3A_329 : memref<10240x128xf32, #tpu.memory_space<hbm>>) target(%arg11 : memref<128x128xf32, #tpu.memory_space<vmem>>) offsets(%dma_start3A_326 : memref<128xi32, #tpu.memory_space<vmem>>) semaphore(%arg13 : memref<!tpu.dma_semaphore, #tpu.memory_space<semaphore_mem>>)
    %dma_start3A_330 = arith.constant 2 : i32
    %dma_start3A_331 = arith.constant 0 : i32
    %dma_start3A_332 = tpu.memref_slice %arg9[%dma_start3A_330, %dma_start3A_331] : memref<8x128xi32, #tpu.memory_space<vmem>> -> memref<1x128xi32, #tpu.memory_space<vmem>>
    %dma_start3A_333 = tpu.memref_squeeze %dma_start3A_332 : memref<1x128xi32, #tpu.memory_space<vmem>> -> memref<128xi32, #tpu.memory_space<vmem>>
    %dma_start3A_334 = arith.constant 0 : i32
    %dma_start3A_335 = arith.constant 0 : i32
    %dma_start3A_336 = tpu.memref_slice %arg12[%dma_start3A_334, %dma_start3A_335] : memref<10240x128xf32, #tpu.memory_space<vmem_shared>> -> memref<10240x128xf32, #tpu.memory_space<vmem_shared>>
    tpu.enqueue_indirect_dma source(%arg10 : memref<128x128xf32, #tpu.memory_space<vmem>>) target(%dma_start3A_336 : memref<10240x128xf32, #tpu.memory_space<vmem_shared>>) offsets(%dma_start3A_333 : memref<128xi32, #tpu.memory_space<vmem>>) semaphore(%arg14 : memref<!tpu.dma_semaphore, #tpu.memory_space<semaphore_mem>>) {add = true}
    %dma_wait3A_337 = arith.constant 384 : i32
    %dma_wait3A_338 = tpu.memref_slice %arg8[%dma_wait3A_337] : memref<1024xi32, #tpu.memory_space<vmem>> -> memref<128xi32, #tpu.memory_space<vmem>>
    %dma_wait3A_339 = arith.constant 0 : i32
    %dma_wait3A_340 = arith.constant 0 : i32
    %dma_wait3A_341 = tpu.memref_slice %arg2[%dma_wait3A_339, %dma_wait3A_340] : memref<10240x128xf32, #tpu.memory_space<hbm>> -> memref<10240x128xf32, #tpu.memory_space<hbm>>
    tpu.wait_indirect_dma semaphore(%arg13 : memref<!tpu.dma_semaphore, #tpu.memory_space<semaphore_mem>>) src(%dma_wait3A_341 : memref<10240x128xf32, #tpu.memory_space<hbm>>) dst(%arg11 : memref<128x128xf32, #tpu.memory_space<vmem>>)
    %dma_wait3A_342 = arith.constant 2 : i32
    %dma_wait3A_343 = arith.constant 0 : i32
    %dma_wait3A_344 = tpu.memref_slice %arg9[%dma_wait3A_342, %dma_wait3A_343] : memref<8x128xi32, #tpu.memory_space<vmem>> -> memref<1x128xi32, #tpu.memory_space<vmem>>
    %dma_wait3A_345 = tpu.memref_squeeze %dma_wait3A_344 : memref<1x128xi32, #tpu.memory_space<vmem>> -> memref<128xi32, #tpu.memory_space<vmem>>
    %dma_wait3A_346 = arith.constant 0 : i32
    %dma_wait3A_347 = arith.constant 0 : i32
    %dma_wait3A_348 = tpu.memref_slice %arg12[%dma_wait3A_346, %dma_wait3A_347] : memref<10240x128xf32, #tpu.memory_space<vmem_shared>> -> memref<10240x128xf32, #tpu.memory_space<vmem_shared>>
    tpu.wait_indirect_dma semaphore(%arg14 : memref<!tpu.dma_semaphore, #tpu.memory_space<semaphore_mem>>) src(%arg10 : memref<128x128xf32, #tpu.memory_space<vmem>>) dst(%dma_wait3A_348 : memref<10240x128xf32, #tpu.memory_space<vmem_shared>>)
    %dma_start3A_349 = arith.constant 512 : i32
    %dma_start3A_350 = tpu.memref_slice %arg8[%dma_start3A_349] : memref<1024xi32, #tpu.memory_space<vmem>> -> memref<128xi32, #tpu.memory_space<vmem>>
    %dma_start3A_351 = arith.constant 0 : i32
    %dma_start3A_352 = arith.constant 0 : i32
    %dma_start3A_353 = tpu.memref_slice %arg2[%dma_start3A_351, %dma_start3A_352] : memref<10240x128xf32, #tpu.memory_space<hbm>> -> memref<10240x128xf32, #tpu.memory_space<hbm>>
    tpu.enqueue_indirect_dma source(%dma_start3A_353 : memref<10240x128xf32, #tpu.memory_space<hbm>>) target(%arg10 : memref<128x128xf32, #tpu.memory_space<vmem>>) offsets(%dma_start3A_350 : memref<128xi32, #tpu.memory_space<vmem>>) semaphore(%arg13 : memref<!tpu.dma_semaphore, #tpu.memory_space<semaphore_mem>>)
    %dma_start3A_354 = arith.constant 3 : i32
    %dma_start3A_355 = arith.constant 0 : i32
    %dma_start3A_356 = tpu.memref_slice %arg9[%dma_start3A_354, %dma_start3A_355] : memref<8x128xi32, #tpu.memory_space<vmem>> -> memref<1x128xi32, #tpu.memory_space<vmem>>
    %dma_start3A_357 = tpu.memref_squeeze %dma_start3A_356 : memref<1x128xi32, #tpu.memory_space<vmem>> -> memref<128xi32, #tpu.memory_space<vmem>>
    %dma_start3A_358 = arith.constant 0 : i32
    %dma_start3A_359 = arith.constant 0 : i32
    %dma_start3A_360 = tpu.memref_slice %arg12[%dma_start3A_358, %dma_start3A_359] : memref<10240x128xf32, #tpu.memory_space<vmem_shared>> -> memref<10240x128xf32, #tpu.memory_space<vmem_shared>>
    tpu.enqueue_indirect_dma source(%arg11 : memref<128x128xf32, #tpu.memory_space<vmem>>) target(%dma_start3A_360 : memref<10240x128xf32, #tpu.memory_space<vmem_shared>>) offsets(%dma_start3A_357 : memref<128xi32, #tpu.memory_space<vmem>>) semaphore(%arg14 : memref<!tpu.dma_semaphore, #tpu.memory_space<semaphore_mem>>) {add = true}
    %dma_wait3A_361 = arith.constant 512 : i32
    %dma_wait3A_362 = tpu.memref_slice %arg8[%dma_wait3A_361] : memref<1024xi32, #tpu.memory_space<vmem>> -> memref<128xi32, #tpu.memory_space<vmem>>
    %dma_wait3A_363 = arith.constant 0 : i32
    %dma_wait3A_364 = arith.constant 0 : i32
    %dma_wait3A_365 = tpu.memref_slice %arg2[%dma_wait3A_363, %dma_wait3A_364] : memref<10240x128xf32, #tpu.memory_space<hbm>> -> memref<10240x128xf32, #tpu.memory_space<hbm>>
    tpu.wait_indirect_dma semaphore(%arg13 : memref<!tpu.dma_semaphore, #tpu.memory_space<semaphore_mem>>) src(%dma_wait3A_365 : memref<10240x128xf32, #tpu.memory_space<hbm>>) dst(%arg10 : memref<128x128xf32, #tpu.memory_space<vmem>>)
    %dma_wait3A_366 = arith.constant 3 : i32
    %dma_wait3A_367 = arith.constant 0 : i32
    %dma_wait3A_368 = tpu.memref_slice %arg9[%dma_wait3A_366, %dma_wait3A_367] : memref<8x128xi32, #tpu.memory_space<vmem>> -> memref<1x128xi32, #tpu.memory_space<vmem>>
    %dma_wait3A_369 = tpu.memref_squeeze %dma_wait3A_368 : memref<1x128xi32, #tpu.memory_space<vmem>> -> memref<128xi32, #tpu.memory_space<vmem>>
    %dma_wait3A_370 = arith.constant 0 : i32
    %dma_wait3A_371 = arith.constant 0 : i32
    %dma_wait3A_372 = tpu.memref_slice %arg12[%dma_wait3A_370, %dma_wait3A_371] : memref<10240x128xf32, #tpu.memory_space<vmem_shared>> -> memref<10240x128xf32, #tpu.memory_space<vmem_shared>>
    tpu.wait_indirect_dma semaphore(%arg14 : memref<!tpu.dma_semaphore, #tpu.memory_space<semaphore_mem>>) src(%arg11 : memref<128x128xf32, #tpu.memory_space<vmem>>) dst(%dma_wait3A_372 : memref<10240x128xf32, #tpu.memory_space<vmem_shared>>)
    %dma_start3A_373 = arith.constant 640 : i32
    %dma_start3A_374 = tpu.memref_slice %arg8[%dma_start3A_373] : memref<1024xi32, #tpu.memory_space<vmem>> -> memref<128xi32, #tpu.memory_space<vmem>>
    %dma_start3A_375 = arith.constant 0 : i32
    %dma_start3A_376 = arith.constant 0 : i32
    %dma_start3A_377 = tpu.memref_slice %arg2[%dma_start3A_375, %dma_start3A_376] : memref<10240x128xf32, #tpu.memory_space<hbm>> -> memref<10240x128xf32, #tpu.memory_space<hbm>>
    tpu.enqueue_indirect_dma source(%dma_start3A_377 : memref<10240x128xf32, #tpu.memory_space<hbm>>) target(%arg11 : memref<128x128xf32, #tpu.memory_space<vmem>>) offsets(%dma_start3A_374 : memref<128xi32, #tpu.memory_space<vmem>>) semaphore(%arg13 : memref<!tpu.dma_semaphore, #tpu.memory_space<semaphore_mem>>)
    %dma_start3A_378 = arith.constant 4 : i32
    %dma_start3A_379 = arith.constant 0 : i32
    %dma_start3A_380 = tpu.memref_slice %arg9[%dma_start3A_378, %dma_start3A_379] : memref<8x128xi32, #tpu.memory_space<vmem>> -> memref<1x128xi32, #tpu.memory_space<vmem>>
    %dma_start3A_381 = tpu.memref_squeeze %dma_start3A_380 : memref<1x128xi32, #tpu.memory_space<vmem>> -> memref<128xi32, #tpu.memory_space<vmem>>
    %dma_start3A_382 = arith.constant 0 : i32
    %dma_start3A_383 = arith.constant 0 : i32
    %dma_start3A_384 = tpu.memref_slice %arg12[%dma_start3A_382, %dma_start3A_383] : memref<10240x128xf32, #tpu.memory_space<vmem_shared>> -> memref<10240x128xf32, #tpu.memory_space<vmem_shared>>
    tpu.enqueue_indirect_dma source(%arg10 : memref<128x128xf32, #tpu.memory_space<vmem>>) target(%dma_start3A_384 : memref<10240x128xf32, #tpu.memory_space<vmem_shared>>) offsets(%dma_start3A_381 : memref<128xi32, #tpu.memory_space<vmem>>) semaphore(%arg14 : memref<!tpu.dma_semaphore, #tpu.memory_space<semaphore_mem>>) {add = true}
    %dma_wait3A_385 = arith.constant 640 : i32
    %dma_wait3A_386 = tpu.memref_slice %arg8[%dma_wait3A_385] : memref<1024xi32, #tpu.memory_space<vmem>> -> memref<128xi32, #tpu.memory_space<vmem>>
    %dma_wait3A_387 = arith.constant 0 : i32
    %dma_wait3A_388 = arith.constant 0 : i32
    %dma_wait3A_389 = tpu.memref_slice %arg2[%dma_wait3A_387, %dma_wait3A_388] : memref<10240x128xf32, #tpu.memory_space<hbm>> -> memref<10240x128xf32, #tpu.memory_space<hbm>>
    tpu.wait_indirect_dma semaphore(%arg13 : memref<!tpu.dma_semaphore, #tpu.memory_space<semaphore_mem>>) src(%dma_wait3A_389 : memref<10240x128xf32, #tpu.memory_space<hbm>>) dst(%arg11 : memref<128x128xf32, #tpu.memory_space<vmem>>)
    %dma_wait3A_390 = arith.constant 4 : i32
    %dma_wait3A_391 = arith.constant 0 : i32
    %dma_wait3A_392 = tpu.memref_slice %arg9[%dma_wait3A_390, %dma_wait3A_391] : memref<8x128xi32, #tpu.memory_space<vmem>> -> memref<1x128xi32, #tpu.memory_space<vmem>>
    %dma_wait3A_393 = tpu.memref_squeeze %dma_wait3A_392 : memref<1x128xi32, #tpu.memory_space<vmem>> -> memref<128xi32, #tpu.memory_space<vmem>>
    %dma_wait3A_394 = arith.constant 0 : i32
    %dma_wait3A_395 = arith.constant 0 : i32
    %dma_wait3A_396 = tpu.memref_slice %arg12[%dma_wait3A_394, %dma_wait3A_395] : memref<10240x128xf32, #tpu.memory_space<vmem_shared>> -> memref<10240x128xf32, #tpu.memory_space<vmem_shared>>
    tpu.wait_indirect_dma semaphore(%arg14 : memref<!tpu.dma_semaphore, #tpu.memory_space<semaphore_mem>>) src(%arg10 : memref<128x128xf32, #tpu.memory_space<vmem>>) dst(%dma_wait3A_396 : memref<10240x128xf32, #tpu.memory_space<vmem_shared>>)
    %dma_start3A_397 = arith.constant 768 : i32
    %dma_start3A_398 = tpu.memref_slice %arg8[%dma_start3A_397] : memref<1024xi32, #tpu.memory_space<vmem>> -> memref<128xi32, #tpu.memory_space<vmem>>
    %dma_start3A_399 = arith.constant 0 : i32
    %dma_start3A_400 = arith.constant 0 : i32
    %dma_start3A_401 = tpu.memref_slice %arg2[%dma_start3A_399, %dma_start3A_400] : memref<10240x128xf32, #tpu.memory_space<hbm>> -> memref<10240x128xf32, #tpu.memory_space<hbm>>
    tpu.enqueue_indirect_dma source(%dma_start3A_401 : memref<10240x128xf32, #tpu.memory_space<hbm>>) target(%arg10 : memref<128x128xf32, #tpu.memory_space<vmem>>) offsets(%dma_start3A_398 : memref<128xi32, #tpu.memory_space<vmem>>) semaphore(%arg13 : memref<!tpu.dma_semaphore, #tpu.memory_space<semaphore_mem>>)
    %dma_start3A_402 = arith.constant 5 : i32
    %dma_start3A_403 = arith.constant 0 : i32
    %dma_start3A_404 = tpu.memref_slice %arg9[%dma_start3A_402, %dma_start3A_403] : memref<8x128xi32, #tpu.memory_space<vmem>> -> memref<1x128xi32, #tpu.memory_space<vmem>>
    %dma_start3A_405 = tpu.memref_squeeze %dma_start3A_404 : memref<1x128xi32, #tpu.memory_space<vmem>> -> memref<128xi32, #tpu.memory_space<vmem>>
    %dma_start3A_406 = arith.constant 0 : i32
    %dma_start3A_407 = arith.constant 0 : i32
    %dma_start3A_408 = tpu.memref_slice %arg12[%dma_start3A_406, %dma_start3A_407] : memref<10240x128xf32, #tpu.memory_space<vmem_shared>> -> memref<10240x128xf32, #tpu.memory_space<vmem_shared>>
    tpu.enqueue_indirect_dma source(%arg11 : memref<128x128xf32, #tpu.memory_space<vmem>>) target(%dma_start3A_408 : memref<10240x128xf32, #tpu.memory_space<vmem_shared>>) offsets(%dma_start3A_405 : memref<128xi32, #tpu.memory_space<vmem>>) semaphore(%arg14 : memref<!tpu.dma_semaphore, #tpu.memory_space<semaphore_mem>>) {add = true}
    %dma_wait3A_409 = arith.constant 768 : i32
    %dma_wait3A_410 = tpu.memref_slice %arg8[%dma_wait3A_409] : memref<1024xi32, #tpu.memory_space<vmem>> -> memref<128xi32, #tpu.memory_space<vmem>>
    %dma_wait3A_411 = arith.constant 0 : i32
    %dma_wait3A_412 = arith.constant 0 : i32
    %dma_wait3A_413 = tpu.memref_slice %arg2[%dma_wait3A_411, %dma_wait3A_412] : memref<10240x128xf32, #tpu.memory_space<hbm>> -> memref<10240x128xf32, #tpu.memory_space<hbm>>
    tpu.wait_indirect_dma semaphore(%arg13 : memref<!tpu.dma_semaphore, #tpu.memory_space<semaphore_mem>>) src(%dma_wait3A_413 : memref<10240x128xf32, #tpu.memory_space<hbm>>) dst(%arg10 : memref<128x128xf32, #tpu.memory_space<vmem>>)
    %dma_wait3A_414 = arith.constant 5 : i32
    %dma_wait3A_415 = arith.constant 0 : i32
    %dma_wait3A_416 = tpu.memref_slice %arg9[%dma_wait3A_414, %dma_wait3A_415] : memref<8x128xi32, #tpu.memory_space<vmem>> -> memref<1x128xi32, #tpu.memory_space<vmem>>
    %dma_wait3A_417 = tpu.memref_squeeze %dma_wait3A_416 : memref<1x128xi32, #tpu.memory_space<vmem>> -> memref<128xi32, #tpu.memory_space<vmem>>
    %dma_wait3A_418 = arith.constant 0 : i32
    %dma_wait3A_419 = arith.constant 0 : i32
    %dma_wait3A_420 = tpu.memref_slice %arg12[%dma_wait3A_418, %dma_wait3A_419] : memref<10240x128xf32, #tpu.memory_space<vmem_shared>> -> memref<10240x128xf32, #tpu.memory_space<vmem_shared>>
    tpu.wait_indirect_dma semaphore(%arg14 : memref<!tpu.dma_semaphore, #tpu.memory_space<semaphore_mem>>) src(%arg11 : memref<128x128xf32, #tpu.memory_space<vmem>>) dst(%dma_wait3A_420 : memref<10240x128xf32, #tpu.memory_space<vmem_shared>>)
    %dma_start3A_421 = arith.constant 896 : i32
    %dma_start3A_422 = tpu.memref_slice %arg8[%dma_start3A_421] : memref<1024xi32, #tpu.memory_space<vmem>> -> memref<128xi32, #tpu.memory_space<vmem>>
    %dma_start3A_423 = arith.constant 0 : i32
    %dma_start3A_424 = arith.constant 0 : i32
    %dma_start3A_425 = tpu.memref_slice %arg2[%dma_start3A_423, %dma_start3A_424] : memref<10240x128xf32, #tpu.memory_space<hbm>> -> memref<10240x128xf32, #tpu.memory_space<hbm>>
    tpu.enqueue_indirect_dma source(%dma_start3A_425 : memref<10240x128xf32, #tpu.memory_space<hbm>>) target(%arg11 : memref<128x128xf32, #tpu.memory_space<vmem>>) offsets(%dma_start3A_422 : memref<128xi32, #tpu.memory_space<vmem>>) semaphore(%arg13 : memref<!tpu.dma_semaphore, #tpu.memory_space<semaphore_mem>>)
    %dma_start3A_426 = arith.constant 6 : i32
    %dma_start3A_427 = arith.constant 0 : i32
    %dma_start3A_428 = tpu.memref_slice %arg9[%dma_start3A_426, %dma_start3A_427] : memref<8x128xi32, #tpu.memory_space<vmem>> -> memref<1x128xi32, #tpu.memory_space<vmem>>
    %dma_start3A_429 = tpu.memref_squeeze %dma_start3A_428 : memref<1x128xi32, #tpu.memory_space<vmem>> -> memref<128xi32, #tpu.memory_space<vmem>>
    %dma_start3A_430 = arith.constant 0 : i32
    %dma_start3A_431 = arith.constant 0 : i32
    %dma_start3A_432 = tpu.memref_slice %arg12[%dma_start3A_430, %dma_start3A_431] : memref<10240x128xf32, #tpu.memory_space<vmem_shared>> -> memref<10240x128xf32, #tpu.memory_space<vmem_shared>>
    tpu.enqueue_indirect_dma source(%arg10 : memref<128x128xf32, #tpu.memory_space<vmem>>) target(%dma_start3A_432 : memref<10240x128xf32, #tpu.memory_space<vmem_shared>>) offsets(%dma_start3A_429 : memref<128xi32, #tpu.memory_space<vmem>>) semaphore(%arg14 : memref<!tpu.dma_semaphore, #tpu.memory_space<semaphore_mem>>) {add = true}
    %dma_wait3A_433 = arith.constant 896 : i32
    %dma_wait3A_434 = tpu.memref_slice %arg8[%dma_wait3A_433] : memref<1024xi32, #tpu.memory_space<vmem>> -> memref<128xi32, #tpu.memory_space<vmem>>
    %dma_wait3A_435 = arith.constant 0 : i32
    %dma_wait3A_436 = arith.constant 0 : i32
    %dma_wait3A_437 = tpu.memref_slice %arg2[%dma_wait3A_435, %dma_wait3A_436] : memref<10240x128xf32, #tpu.memory_space<hbm>> -> memref<10240x128xf32, #tpu.memory_space<hbm>>
    tpu.wait_indirect_dma semaphore(%arg13 : memref<!tpu.dma_semaphore, #tpu.memory_space<semaphore_mem>>) src(%dma_wait3A_437 : memref<10240x128xf32, #tpu.memory_space<hbm>>) dst(%arg11 : memref<128x128xf32, #tpu.memory_space<vmem>>)
    %dma_start3A_438 = arith.constant 7 : i32
    %dma_start3A_439 = arith.constant 0 : i32
    %dma_start3A_440 = tpu.memref_slice %arg9[%dma_start3A_438, %dma_start3A_439] : memref<8x128xi32, #tpu.memory_space<vmem>> -> memref<1x128xi32, #tpu.memory_space<vmem>>
    %dma_start3A_441 = tpu.memref_squeeze %dma_start3A_440 : memref<1x128xi32, #tpu.memory_space<vmem>> -> memref<128xi32, #tpu.memory_space<vmem>>
    %dma_start3A_442 = arith.constant 0 : i32
    %dma_start3A_443 = arith.constant 0 : i32
    %dma_start3A_444 = tpu.memref_slice %arg12[%dma_start3A_442, %dma_start3A_443] : memref<10240x128xf32, #tpu.memory_space<vmem_shared>> -> memref<10240x128xf32, #tpu.memory_space<vmem_shared>>
    tpu.enqueue_indirect_dma source(%arg11 : memref<128x128xf32, #tpu.memory_space<vmem>>) target(%dma_start3A_444 : memref<10240x128xf32, #tpu.memory_space<vmem_shared>>) offsets(%dma_start3A_441 : memref<128xi32, #tpu.memory_space<vmem>>) semaphore(%arg14 : memref<!tpu.dma_semaphore, #tpu.memory_space<semaphore_mem>>) {add = true}
    %dma_wait3A_445 = arith.constant 6 : i32
    %dma_wait3A_446 = arith.constant 0 : i32
    %dma_wait3A_447 = tpu.memref_slice %arg9[%dma_wait3A_445, %dma_wait3A_446] : memref<8x128xi32, #tpu.memory_space<vmem>> -> memref<1x128xi32, #tpu.memory_space<vmem>>
    %dma_wait3A_448 = tpu.memref_squeeze %dma_wait3A_447 : memref<1x128xi32, #tpu.memory_space<vmem>> -> memref<128xi32, #tpu.memory_space<vmem>>
    %dma_wait3A_449 = arith.constant 0 : i32
    %dma_wait3A_450 = arith.constant 0 : i32
    %dma_wait3A_451 = tpu.memref_slice %arg12[%dma_wait3A_449, %dma_wait3A_450] : memref<10240x128xf32, #tpu.memory_space<vmem_shared>> -> memref<10240x128xf32, #tpu.memory_space<vmem_shared>>
    tpu.wait_indirect_dma semaphore(%arg14 : memref<!tpu.dma_semaphore, #tpu.memory_space<semaphore_mem>>) src(%arg10 : memref<128x128xf32, #tpu.memory_space<vmem>>) dst(%dma_wait3A_451 : memref<10240x128xf32, #tpu.memory_space<vmem_shared>>)
    %dma_wait3A_452 = arith.constant 7 : i32
    %dma_wait3A_453 = arith.constant 0 : i32
    %dma_wait3A_454 = tpu.memref_slice %arg9[%dma_wait3A_452, %dma_wait3A_453] : memref<8x128xi32, #tpu.memory_space<vmem>> -> memref<1x128xi32, #tpu.memory_space<vmem>>
    %dma_wait3A_455 = tpu.memref_squeeze %dma_wait3A_454 : memref<1x128xi32, #tpu.memory_space<vmem>> -> memref<128xi32, #tpu.memory_space<vmem>>
    %dma_wait3A_456 = arith.constant 0 : i32
    %dma_wait3A_457 = arith.constant 0 : i32
    %dma_wait3A_458 = tpu.memref_slice %arg12[%dma_wait3A_456, %dma_wait3A_457] : memref<10240x128xf32, #tpu.memory_space<vmem_shared>> -> memref<10240x128xf32, #tpu.memory_space<vmem_shared>>
    tpu.wait_indirect_dma semaphore(%arg14 : memref<!tpu.dma_semaphore, #tpu.memory_space<semaphore_mem>>) src(%arg11 : memref<128x128xf32, #tpu.memory_space<vmem>>) dst(%dma_wait3A_458 : memref<10240x128xf32, #tpu.memory_space<vmem_shared>>)
    %barrier3A_459 = arith.constant 0 : index
    tpu.barrier barrier_id(%barrier3A_459)
    %mul3A_460 = arith.constant 640 : i32
    %mul3A_461 = arith.muli %arg1, %mul3A_460 : i32
    %mul3A_462 = arith.constant 640 : i32
    %mul3A_463 = arith.muli %arg1, %mul3A_462 : i32
    "tpu.region"() ({
      %run_scoped3A = tpu.sem_alloc : memref<!tpu.dma_semaphore, #tpu.memory_space<semaphore_mem>>
      %dma_start3A_464 = arith.constant 0 : i32
      %dma_start3A_465 = tpu.memref_slice %arg5[%arg0, %mul3A_463, %dma_start3A_464] : memref<2x10240x128xf32, #tpu.memory_space<hbm>> -> memref<1x640x128xf32, #tpu.memory_space<hbm>>
      %dma_start3A_466 = tpu.memref_squeeze %dma_start3A_465 : memref<1x640x128xf32, #tpu.memory_space<hbm>> -> memref<640x128xf32, #tpu.memory_space<hbm>>
      %dma_start3A_467 = arith.constant 0 : i32
      %dma_start3A_468 = tpu.memref_slice %arg12[%mul3A_461, %dma_start3A_467] : memref<10240x128xf32, #tpu.memory_space<vmem_shared>> -> memref<640x128xf32, #tpu.memory_space<vmem_shared>>
      tpu.enqueue_dma source(%dma_start3A_468 : memref<640x128xf32, #tpu.memory_space<vmem_shared>>) target(%dma_start3A_466 : memref<640x128xf32, #tpu.memory_space<hbm>>) target_semaphore(%run_scoped3A : memref<!tpu.dma_semaphore, #tpu.memory_space<semaphore_mem>>)
      %dma_wait3A_469 = arith.constant 0 : i32
      %dma_wait3A_470 = tpu.memref_slice %arg5[%arg0, %mul3A_463, %dma_wait3A_469] : memref<2x10240x128xf32, #tpu.memory_space<hbm>> -> memref<1x640x128xf32, #tpu.memory_space<hbm>>
      %dma_wait3A_471 = tpu.memref_squeeze %dma_wait3A_470 : memref<1x640x128xf32, #tpu.memory_space<hbm>> -> memref<640x128xf32, #tpu.memory_space<hbm>>
      %dma_wait3A_472 = arith.constant 0 : i32
      %dma_wait3A_473 = tpu.memref_slice %arg12[%mul3A_461, %dma_wait3A_472] : memref<10240x128xf32, #tpu.memory_space<vmem_shared>> -> memref<640x128xf32, #tpu.memory_space<vmem_shared>>
      tpu.wait_dma2 semaphore(%run_scoped3A : memref<!tpu.dma_semaphore, #tpu.memory_space<semaphore_mem>>) src(%dma_wait3A_473 : memref<640x128xf32, #tpu.memory_space<vmem_shared>>) dst(%dma_wait3A_471 : memref<640x128xf32, #tpu.memory_space<hbm>>)
      tpu.yield
    }) : () -> ()
    return
  }
}

module attributes {stable_mosaic.version = 14 : i64} {
  func.func @_prep_body(%arg0: i32, %arg1: memref<2x32x10240xf32, #tpu.memory_space<vmem>>, %arg2: memref<10000x128xf32, #tpu.memory_space<vmem>>, %arg3: memref<10000x128xf32, #tpu.memory_space<vmem>>, %arg4: memref<10000x1xf32, #tpu.memory_space<vmem>>, %arg5: memref<10000x1xf32, #tpu.memory_space<vmem>>) attributes {dimension_semantics = [#tpu.dimension_semantics<arbitrary>], iteration_bounds = array<i64: 1>, scalar_prefetch = 0 : i64, scratch_operands = 0 : i64, tpu.core_type = #tpu.core_type<tc>, window_params = [{pipeline_mode = #tpu.pipeline_mode<synchronous>, transform_indices = @transform_0, window_bounds = array<i64: 2, 32, 10240>}, {pipeline_mode = #tpu.pipeline_mode<synchronous>, transform_indices = @transform_1, window_bounds = array<i64: 10000, 128>}, {transform_indices = @transform_2, window_bounds = array<i64: 10000, 128>}, {transform_indices = @transform_3, window_bounds = array<i64: 10000, 1>}, {transform_indices = @transform_4, window_bounds = array<i64: 10000, 1>}]} {
    %get3A = arith.constant 0 : index
    %get3A_0 = arith.constant 0 : index
    %get3A_1 = arith.constant 0 : index
    %get3A_2 = vector.load %arg1[%get3A, %get3A_0, %get3A_1] : memref<2x32x10240xf32, #tpu.memory_space<vmem>>, vector<2x32x10240xf32>
    %reduce_sum3A = arith.constant dense<0.000000e+00> : vector<2x10240xf32>
    %reduce_sum3A_3 = vector.multi_reduction <add>, %get3A_2, %reduce_sum3A [1] : vector<2x32x10240xf32> to vector<2x10240xf32>
    %slice3A = vector.extract_strided_slice %reduce_sum3A_3 {offsets = [0, 0], sizes = [2, 10000], strides = [1, 1]} : vector<2x10240xf32> to vector<2x10000xf32>
    %slice3A_4 = vector.extract_strided_slice %slice3A {offsets = [0, 0], sizes = [1, 10000], strides = [1, 1]} : vector<2x10000xf32> to vector<1x10000xf32>
    %squeeze3A = vector.shape_cast %slice3A_4 : vector<1x10000xf32> to vector<10000xf32>
    %gt3A = arith.constant 0.000000e+00 : f32
    %gt3A_5 = vector.broadcast %gt3A : f32 to vector<10000xf32>
    %gt3A_6 = arith.cmpf ogt, %squeeze3A, %gt3A_5 : vector<10000xf32>
    %slice3A_7 = vector.extract_strided_slice %slice3A {offsets = [0, 0], sizes = [1, 10000], strides = [1, 1]} : vector<2x10000xf32> to vector<1x10000xf32>
    %squeeze3A_8 = vector.shape_cast %slice3A_7 : vector<1x10000xf32> to vector<10000xf32>
    %rsqrt3A = math.rsqrt %squeeze3A_8 : vector<10000xf32>
    %jit3A = arith.constant 0.000000e+00 : f32
    %broadcast_in_dim3A = vector.broadcast %jit3A : f32 to vector<10000xf32>
    %select_n3A = arith.select %gt3A_6, %rsqrt3A, %broadcast_in_dim3A : vector<10000xi1>, vector<10000xf32>
    %slice3A_9 = vector.extract_strided_slice %slice3A {offsets = [1, 0], sizes = [1, 10000], strides = [1, 1]} : vector<2x10000xf32> to vector<1x10000xf32>
    %squeeze3A_10 = vector.shape_cast %slice3A_9 : vector<1x10000xf32> to vector<10000xf32>
    %gt3A_11 = arith.constant 0.000000e+00 : f32
    %gt3A_12 = vector.broadcast %gt3A_11 : f32 to vector<10000xf32>
    %gt3A_13 = arith.cmpf ogt, %squeeze3A_10, %gt3A_12 : vector<10000xf32>
    %slice3A_14 = vector.extract_strided_slice %slice3A {offsets = [1, 0], sizes = [1, 10000], strides = [1, 1]} : vector<2x10000xf32> to vector<1x10000xf32>
    %squeeze3A_15 = vector.shape_cast %slice3A_14 : vector<1x10000xf32> to vector<10000xf32>
    %rsqrt3A_16 = math.rsqrt %squeeze3A_15 : vector<10000xf32>
    %jit3A_17 = arith.constant 0.000000e+00 : f32
    %broadcast_in_dim3A_18 = vector.broadcast %jit3A_17 : f32 to vector<10000xf32>
    %select_n3A_19 = arith.select %gt3A_13, %rsqrt3A_16, %broadcast_in_dim3A_18 : vector<10000xi1>, vector<10000xf32>
    %broadcast_in_dim3A_20 = vector.shape_cast %select_n3A : vector<10000xf32> to vector<10000x1xf32>
    %swap3A = arith.constant 0 : index
    %swap3A_21 = arith.constant 0 : index
    %swap3A_22 = vector.load %arg4[%swap3A, %swap3A_21] : memref<10000x1xf32, #tpu.memory_space<vmem>>, vector<10000x1xf32>
    tpu.vector_store %arg4[%swap3A, %swap3A_21], %broadcast_in_dim3A_20 {strides = array<i32>} : memref<10000x1xf32, #tpu.memory_space<vmem>>, vector<10000x1xf32>,
    %broadcast_in_dim3A_23 = vector.shape_cast %select_n3A_19 : vector<10000xf32> to vector<10000x1xf32>
    %swap3A_24 = arith.constant 0 : index
    %swap3A_25 = arith.constant 0 : index
    %swap3A_26 = vector.load %arg5[%swap3A_24, %swap3A_25] : memref<10000x1xf32, #tpu.memory_space<vmem>>, vector<10000x1xf32>
    tpu.vector_store %arg5[%swap3A_24, %swap3A_25], %broadcast_in_dim3A_23 {strides = array<i32>} : memref<10000x1xf32, #tpu.memory_space<vmem>>, vector<10000x1xf32>,
    %get3A_27 = arith.constant 0 : index
    %get3A_28 = arith.constant 0 : index
    %get3A_29 = vector.load %arg2[%get3A_27, %get3A_28] : memref<10000x128xf32, #tpu.memory_space<vmem>>, vector<10000x128xf32>
    %broadcast_in_dim3A_30 = vector.shape_cast %select_n3A : vector<10000xf32> to vector<10000x1xf32>
    %mul3A = vector.broadcast %broadcast_in_dim3A_30 : vector<10000x1xf32> to vector<10000x128xf32>
    %mul3A_31 = arith.mulf %get3A_29, %mul3A : vector<10000x128xf32>
    %swap3A_32 = arith.constant 0 : index
    %swap3A_33 = arith.constant 0 : index
    %swap3A_34 = vector.load %arg3[%swap3A_32, %swap3A_33] : memref<10000x128xf32, #tpu.memory_space<vmem>>, vector<10000x128xf32>
    tpu.vector_store %arg3[%swap3A_32, %swap3A_33], %mul3A_31 {strides = array<i32>} : memref<10000x128xf32, #tpu.memory_space<vmem>>, vector<10000x128xf32>,
    return
  }
  func.func @transform_0(%arg0: i32) -> (i32, i32, i32) {
    %c0_i32 = arith.constant 0 : i32
    %c0_i32_0 = arith.constant 0 : i32
    %c0_i32_1 = arith.constant 0 : i32
    %c0_i32_2 = arith.constant 0 : i32
    return %c0_i32, %c0_i32_0, %c0_i32_1 : i32, i32, i32
  }
  func.func @transform_1(%arg0: i32) -> (i32, i32) {
    %c0_i32 = arith.constant 0 : i32
    %c0_i32_0 = arith.constant 0 : i32
    %c0_i32_1 = arith.constant 0 : i32
    return %c0_i32, %c0_i32_0 : i32, i32
  }
  func.func @transform_2(%arg0: i32) -> (i32, i32) {
    %c0_i32 = arith.constant 0 : i32
    %c0_i32_0 = arith.constant 0 : i32
    %c0_i32_1 = arith.constant 0 : i32
    return %c0_i32, %c0_i32_0 : i32, i32
  }
  func.func @transform_3(%arg0: i32) -> (i32, i32) {
    %c0_i32 = arith.constant 0 : i32
    %c0_i32_0 = arith.constant 0 : i32
    %c0_i32_1 = arith.constant 0 : i32
    return %c0_i32, %c0_i32_0 : i32, i32
  }
  func.func @transform_4(%arg0: i32) -> (i32, i32) {
    %c0_i32 = arith.constant 0 : i32
    %c0_i32_0 = arith.constant 0 : i32
    %c0_i32_1 = arith.constant 0 : i32
    return %c0_i32, %c0_i32_0 : i32, i32
  }
}

module attributes {stable_mosaic.version = 14 : i64} {
  func.func @_l1_body(%arg0: i32, %arg1: memref<2x2048x128xf32, #tpu.memory_space<vmem>>, %arg2: memref<128x256xf32, #tpu.memory_space<vmem>>, %arg3: memref<1x256xf32, #tpu.memory_space<vmem>>, %arg4: memref<2048x1xf32, #tpu.memory_space<vmem>>, %arg5: memref<2048x1xf32, #tpu.memory_space<vmem>>, %arg6: memref<2x2048x128xf32, #tpu.memory_space<vmem>>) attributes {dimension_semantics = [#tpu.dimension_semantics<arbitrary>], iteration_bounds = array<i64: 5>, scalar_prefetch = 0 : i64, scratch_operands = 0 : i64, tpu.core_type = #tpu.core_type<tc>, window_params = [{transform_indices = @transform_0, window_bounds = array<i64: 2, 2048, 128>}, {pipeline_mode = #tpu.pipeline_mode<synchronous>, transform_indices = @transform_1, window_bounds = array<i64: 128, 256>}, {pipeline_mode = #tpu.pipeline_mode<synchronous>, transform_indices = @transform_2, window_bounds = array<i64: 1, 256>}, {transform_indices = @transform_3, window_bounds = array<i64: 2048, 1>}, {transform_indices = @transform_4, window_bounds = array<i64: 2048, 1>}, {transform_indices = @transform_5, window_bounds = array<i64: 2, 2048, 128>}]} {
    %get3A = arith.constant 0 : index
    %get3A_0 = arith.constant 0 : index
    %get3A_1 = arith.constant 0 : index
    %get3A_2 = vector.load %arg1[%get3A, %get3A_0, %get3A_1] : memref<2x2048x128xf32, #tpu.memory_space<vmem>>, vector<1x2048x128xf32>
    %get3A_3 = vector.shape_cast %get3A_2 : vector<1x2048x128xf32> to vector<2048x128xf32>
    %get3A_4 = arith.constant 1 : index
    %get3A_5 = arith.constant 0 : index
    %get3A_6 = arith.constant 0 : index
    %get3A_7 = vector.load %arg1[%get3A_4, %get3A_5, %get3A_6] : memref<2x2048x128xf32, #tpu.memory_space<vmem>>, vector<1x2048x128xf32>
    %get3A_8 = vector.shape_cast %get3A_7 : vector<1x2048x128xf32> to vector<2048x128xf32>
    %add3A = arith.addf %get3A_3, %get3A_8 : vector<2048x128xf32>
    %get3A_9 = arith.constant 0 : index
    %get3A_10 = arith.constant 0 : index
    %get3A_11 = vector.load %arg2[%get3A_9, %get3A_10] : memref<128x256xf32, #tpu.memory_space<vmem>>, vector<128x256xf32>
    %dot_general3A = arith.constant dense<0.000000e+00> : vector<2048x256xf32>
    %dot_general3A_12 = tpu.matmul %add3A, %get3A_11, %dot_general3A {dimension_numbers = #tpu.dot_dimension_numbers<[1], [0], [0], [1], [0, 0, 1, 1], [], []>, transpose_lhs_hint = false} : vector<2048x128xf32>, vector<128x256xf32>, vector<2048x256xf32> -> vector<2048x256xf32>
    %get3A_13 = arith.constant 0 : index
    %get3A_14 = arith.constant 0 : index
    %get3A_15 = vector.load %arg4[%get3A_13, %get3A_14] : memref<2048x1xf32, #tpu.memory_space<vmem>>, vector<2048x1xf32>
    %mul3A = vector.broadcast %get3A_15 : vector<2048x1xf32> to vector<2048x256xf32>
    %mul3A_16 = arith.mulf %dot_general3A_12, %mul3A : vector<2048x256xf32>
    %get3A_17 = arith.constant 0 : index
    %get3A_18 = arith.constant 0 : index
    %get3A_19 = vector.load %arg3[%get3A_17, %get3A_18] : memref<1x256xf32, #tpu.memory_space<vmem>>, vector<1x256xf32>
    %add3A_20 = vector.broadcast %get3A_19 : vector<1x256xf32> to vector<2048x256xf32>
    %add3A_21 = arith.addf %mul3A_16, %add3A_20 : vector<2048x256xf32>
    %max3A = arith.constant 0.000000e+00 : f32
    %max3A_22 = vector.broadcast %max3A : f32 to vector<2048x256xf32>
    %max3A_23 = arith.maximumf %add3A_21, %max3A_22 : vector<2048x256xf32>
    %get3A_24 = arith.constant 0 : index
    %get3A_25 = arith.constant 0 : index
    %get3A_26 = vector.load %arg5[%get3A_24, %get3A_25] : memref<2048x1xf32, #tpu.memory_space<vmem>>, vector<2048x1xf32>
    %mul3A_27 = vector.broadcast %get3A_26 : vector<2048x1xf32> to vector<2048x256xf32>
    %mul3A_28 = arith.mulf %max3A_23, %mul3A_27 : vector<2048x256xf32>
    %slice3A = vector.extract_strided_slice %mul3A_28 {offsets = [0, 0], sizes = [2048, 128], strides = [1, 1]} : vector<2048x256xf32> to vector<2048x128xf32>
    %swap3A = arith.constant 0 : index
    %swap3A_29 = arith.constant 0 : index
    %swap3A_30 = arith.constant 0 : index
    %swap3A_31 = vector.load %arg6[%swap3A, %swap3A_29, %swap3A_30] : memref<2x2048x128xf32, #tpu.memory_space<vmem>>, vector<1x2048x128xf32>
    %swap3A_32 = vector.shape_cast %swap3A_31 : vector<1x2048x128xf32> to vector<2048x128xf32>
    %swap3A_33 = vector.shape_cast %slice3A : vector<2048x128xf32> to vector<1x2048x128xf32>
    tpu.vector_store %arg6[%swap3A, %swap3A_29, %swap3A_30], %swap3A_33 {strides = array<i32>} : memref<2x2048x128xf32, #tpu.memory_space<vmem>>, vector<1x2048x128xf32>,
    %slice3A_34 = vector.extract_strided_slice %mul3A_28 {offsets = [0, 128], sizes = [2048, 128], strides = [1, 1]} : vector<2048x256xf32> to vector<2048x128xf32>
    %swap3A_35 = arith.constant 1 : index
    %swap3A_36 = arith.constant 0 : index
    %swap3A_37 = arith.constant 0 : index
    %swap3A_38 = vector.load %arg6[%swap3A_35, %swap3A_36, %swap3A_37] : memref<2x2048x128xf32, #tpu.memory_space<vmem>>, vector<1x2048x128xf32>
    %swap3A_39 = vector.shape_cast %swap3A_38 : vector<1x2048x128xf32> to vector<2048x128xf32>
    %swap3A_40 = vector.shape_cast %slice3A_34 : vector<2048x128xf32> to vector<1x2048x128xf32>
    tpu.vector_store %arg6[%swap3A_35, %swap3A_36, %swap3A_37], %swap3A_40 {strides = array<i32>} : memref<2x2048x128xf32, #tpu.memory_space<vmem>>, vector<1x2048x128xf32>,
    return
  }
  func.func @transform_0(%arg0: i32) -> (i32, i32, i32) {
    %c0_i32 = arith.constant 0 : i32
    %c0_i32_0 = arith.constant 0 : i32
    %c0_i32_1 = arith.constant 0 : i32
    return %c0_i32, %arg0, %c0_i32_0 : i32, i32, i32
  }
  func.func @transform_1(%arg0: i32) -> (i32, i32) {
    %c0_i32 = arith.constant 0 : i32
    %c0_i32_0 = arith.constant 0 : i32
    %c0_i32_1 = arith.constant 0 : i32
    return %c0_i32, %c0_i32_0 : i32, i32
  }
  func.func @transform_2(%arg0: i32) -> (i32, i32) {
    %c0_i32 = arith.constant 0 : i32
    %c0_i32_0 = arith.constant 0 : i32
    %c0_i32_1 = arith.constant 0 : i32
    return %c0_i32, %c0_i32_0 : i32, i32
  }
  func.func @transform_3(%arg0: i32) -> (i32, i32) {
    %c0_i32 = arith.constant 0 : i32
    %c0_i32_0 = arith.constant 0 : i32
    return %arg0, %c0_i32 : i32, i32
  }
  func.func @transform_4(%arg0: i32) -> (i32, i32) {
    %c0_i32 = arith.constant 0 : i32
    %c0_i32_0 = arith.constant 0 : i32
    return %arg0, %c0_i32 : i32, i32
  }
  func.func @transform_5(%arg0: i32) -> (i32, i32, i32) {
    %c0_i32 = arith.constant 0 : i32
    %c0_i32_0 = arith.constant 0 : i32
    %c0_i32_1 = arith.constant 0 : i32
    return %c0_i32, %arg0, %c0_i32_0 : i32, i32, i32
  }
}

module attributes {stable_mosaic.version = 14 : i64} {
  func.func @_l2_body(%arg0: i32, %arg1: memref<2x2048x128xf32, #tpu.memory_space<vmem>>, %arg2: memref<256x256xf32, #tpu.memory_space<vmem>>, %arg3: memref<1x256xf32, #tpu.memory_space<vmem>>, %arg4: memref<2048x1xf32, #tpu.memory_space<vmem>>, %arg5: memref<2048x256xf32, #tpu.memory_space<vmem>>) attributes {dimension_semantics = [#tpu.dimension_semantics<arbitrary>], iteration_bounds = array<i64: 5>, scalar_prefetch = 0 : i64, scratch_operands = 0 : i64, tpu.core_type = #tpu.core_type<tc>, window_params = [{transform_indices = @transform_0, window_bounds = array<i64: 2, 2048, 128>}, {pipeline_mode = #tpu.pipeline_mode<synchronous>, transform_indices = @transform_1, window_bounds = array<i64: 256, 256>}, {pipeline_mode = #tpu.pipeline_mode<synchronous>, transform_indices = @transform_2, window_bounds = array<i64: 1, 256>}, {transform_indices = @transform_3, window_bounds = array<i64: 2048, 1>}, {transform_indices = @transform_4, window_bounds = array<i64: 2048, 256>}]} {
    %get3A = arith.constant 0 : index
    %get3A_0 = arith.constant 0 : index
    %get3A_1 = vector.load %arg2[%get3A, %get3A_0] : memref<256x256xf32, #tpu.memory_space<vmem>>, vector<256x256xf32>
    %get3A_2 = arith.constant 0 : index
    %get3A_3 = arith.constant 0 : index
    %get3A_4 = arith.constant 0 : index
    %get3A_5 = vector.load %arg1[%get3A_2, %get3A_3, %get3A_4] : memref<2x2048x128xf32, #tpu.memory_space<vmem>>, vector<1x2048x128xf32>
    %get3A_6 = vector.shape_cast %get3A_5 : vector<1x2048x128xf32> to vector<2048x128xf32>
    %slice3A = vector.extract_strided_slice %get3A_1 {offsets = [0, 0], sizes = [128, 256], strides = [1, 1]} : vector<256x256xf32> to vector<128x256xf32>
    %dot_general3A = arith.constant dense<0.000000e+00> : vector<2048x256xf32>
    %dot_general3A_7 = tpu.matmul %get3A_6, %slice3A, %dot_general3A {dimension_numbers = #tpu.dot_dimension_numbers<[1], [0], [0], [1], [0, 0, 1, 1], [], []>, transpose_lhs_hint = false} : vector<2048x128xf32>, vector<128x256xf32>, vector<2048x256xf32> -> vector<2048x256xf32>
    %get3A_8 = arith.constant 1 : index
    %get3A_9 = arith.constant 0 : index
    %get3A_10 = arith.constant 0 : index
    %get3A_11 = vector.load %arg1[%get3A_8, %get3A_9, %get3A_10] : memref<2x2048x128xf32, #tpu.memory_space<vmem>>, vector<1x2048x128xf32>
    %get3A_12 = vector.shape_cast %get3A_11 : vector<1x2048x128xf32> to vector<2048x128xf32>
    %slice3A_13 = vector.extract_strided_slice %get3A_1 {offsets = [128, 0], sizes = [128, 256], strides = [1, 1]} : vector<256x256xf32> to vector<128x256xf32>
    %dot_general3A_14 = arith.constant dense<0.000000e+00> : vector<2048x256xf32>
    %dot_general3A_15 = tpu.matmul %get3A_12, %slice3A_13, %dot_general3A_14 {dimension_numbers = #tpu.dot_dimension_numbers<[1], [0], [0], [1], [0, 0, 1, 1], [], []>, transpose_lhs_hint = false} : vector<2048x128xf32>, vector<128x256xf32>, vector<2048x256xf32> -> vector<2048x256xf32>
    %add3A = arith.addf %dot_general3A_7, %dot_general3A_15 : vector<2048x256xf32>
    %get3A_16 = arith.constant 0 : index
    %get3A_17 = arith.constant 0 : index
    %get3A_18 = vector.load %arg4[%get3A_16, %get3A_17] : memref<2048x1xf32, #tpu.memory_space<vmem>>, vector<2048x1xf32>
    %mul3A = vector.broadcast %get3A_18 : vector<2048x1xf32> to vector<2048x256xf32>
    %mul3A_19 = arith.mulf %add3A, %mul3A : vector<2048x256xf32>
    %get3A_20 = arith.constant 0 : index
    %get3A_21 = arith.constant 0 : index
    %get3A_22 = vector.load %arg3[%get3A_20, %get3A_21] : memref<1x256xf32, #tpu.memory_space<vmem>>, vector<1x256xf32>
    %add3A_23 = vector.broadcast %get3A_22 : vector<1x256xf32> to vector<2048x256xf32>
    %add3A_24 = arith.addf %mul3A_19, %add3A_23 : vector<2048x256xf32>
    %swap3A = arith.constant 0 : index
    %swap3A_25 = arith.constant 0 : index
    %swap3A_26 = vector.load %arg5[%swap3A, %swap3A_25] : memref<2048x256xf32, #tpu.memory_space<vmem>>, vector<2048x256xf32>
    tpu.vector_store %arg5[%swap3A, %swap3A_25], %add3A_24 {strides = array<i32>} : memref<2048x256xf32, #tpu.memory_space<vmem>>, vector<2048x256xf32>,
    return
  }
  func.func @transform_0(%arg0: i32) -> (i32, i32, i32) {
    %c0_i32 = arith.constant 0 : i32
    %c0_i32_0 = arith.constant 0 : i32
    %c0_i32_1 = arith.constant 0 : i32
    return %c0_i32, %arg0, %c0_i32_0 : i32, i32, i32
  }
  func.func @transform_1(%arg0: i32) -> (i32, i32) {
    %c0_i32 = arith.constant 0 : i32
    %c0_i32_0 = arith.constant 0 : i32
    %c0_i32_1 = arith.constant 0 : i32
    return %c0_i32, %c0_i32_0 : i32, i32
  }
  func.func @transform_2(%arg0: i32) -> (i32, i32) {
    %c0_i32 = arith.constant 0 : i32
    %c0_i32_0 = arith.constant 0 : i32
    %c0_i32_1 = arith.constant 0 : i32
    return %c0_i32, %c0_i32_0 : i32, i32
  }
  func.func @transform_3(%arg0: i32) -> (i32, i32) {
    %c0_i32 = arith.constant 0 : i32
    %c0_i32_0 = arith.constant 0 : i32
    return %arg0, %c0_i32 : i32, i32
  }
  func.func @transform_4(%arg0: i32) -> (i32, i32) {
    %c0_i32 = arith.constant 0 : i32
    %c0_i32_0 = arith.constant 0 : i32
    return %arg0, %c0_i32 : i32, i32
  }
}

</mosaic_0001>

<sc_bundles>
// kernel: kernel.11.cloned.1.call-start
scs
__scs_entry_jumppad:
0x0: {  	(pc) =	sbr.rel $0x88, $3  }
0x1: {  	(tag) =	ssettag $0x0;
	lr =	simm.s32 $0x1  }
0x2: {  	[smem:$0x3F9B] =	sst lr;
	_ =	strace $0xD0000000  }
0x3: {  	_ = 	snop  }
0x4: {  	_ = 	snop  }
0x5: {  	_ = 	snop  }
0x6: {  	_ = 	snop  }
0x7: {  	_ = 	snop  }
__scs_overlays_trampoline_lowered:
0x8: {  	[smem:$0x3FAA] =	sst s0  }
0x9: {  	[smem:$0x3FAB] =	sst s1  }
0xa: {  	[smem:$0x3FAC] =	sst s2  }
0xb: {  	[smem:$0x3FAD] =	sst s3  }
0xc: {  	[smem:$0x3FAE] =	sst s4  }
0xd: {  	[smem:$0x3FAF] =	sst s5  }
0xe: {  	[smem:$0x3FB0] =	sst s6  }
0xf: {  	[smem:$0x3FB1] =	sst s7  }
0x10: {  	[smem:$0x3FB2] =	sst s8  }
0x11: {  	[smem:$0x3FB3] =	sst s9;
	s0 =	simm.s32 @!p0 $0x0  }
0x12: {  	s1 =	sld [smem:$0x3F99];
	s0 =	simm.s32 @p0 $0x1  }
0x13: {  	[smem:$0x3FB4] =	sst s0;
	s0 =	simm.s32 @!p1 $0x0  }
0x14: {  	s2 =	sld [smem:$0x3F98];
	s0 =	simm.s32 @p1 $0x1  }
0x15: {  	[smem:$0x3FB5] =	sst s0;
	s0 =	simm.s32 @!p2 $0x0  }
0x16: {  	s3 =	sld [smem:$0x3FDB];
	s0 =	simm.s32 @p2 $0x1  }
0x17: {  	s4 =	simm.s32 $0x1BF5;
	[smem:$0x3FB7] =	sst s0  }
0x18: {  	s0 =	sld [smem:$0x3F9A];
	_ =	swait.ge [sflag:s4], $0x0  }
0x19: {  	s7 =	sld [smem:$0x3F9B]  }
0x1a: {  	s8 =	sadd.s32 $0xFFFFE003, lr  }
0x1b: {  	s9 =	sadd.s32 $0xFFFFFEF7, lr;
	s5 =	simm.s32 $0xFFFFFFFF;
	p2 =	slt.u32 s8, $0xFFFFF086  }
0x1c: {  	p1 =	slt.u32 s9, $0xF7A;
	s5 =	simm.s32 @!p2 $0x0  }
0x1d: {  	s5 =	simm.s32 @p1 $0x1;
	p0 =	seq.s32 s7, s2  }
0x1e: {  	s7 =	smul.u32 @!p0 $0xF7A, s2;
	p2 =	seq.s32 @!p0 s5, $0x0  }
0x1f: {  	s9 =	smul.u32 $0xF7A, s1;
	s8 =	simm.s32 @!p0 $0x1BF5;
	p2 =	por !p2, p0  }
0x20: {  	[sflag:s8] =	ssyncset.s32 @!p0 $0xFFFFF086;
	s6 =	sadd.s32 @!p0 s3, s7;
	s7 =	simm.s32 @!p0 $0x108  }
0x21: {  	s3 =	sadd.s32 s3, s9;
	s6 =	sadd.s32 @!p0 $0x88, s6;
	s7 =	simm.s32 @p2 $0x1082  }
0x22: {  	[simem:s7], [sflag:s8] =	dma.local @!p0 [hbm:s6], $0xF7A  }
0x23: {  	s9 =	sor.u32 $0xD0000000, s2;
	s6 =	simm.s32 $0x108;
	_ =	swait.ge @!p0 [sflag:s8], $0x0  }
0x24: {  	s3 =	sadd.s32 $0x88, s3;
	s6 =	simm.s32 @!p1 $0x1082;
	[sflag:s4] =	ssyncset.s32 $0xFFFFF086  }
0x25: {  	[simem:s6], [sflag:s4] =	dma.local [hbm:s3], $0xF7A  }
0x26: {  	[smem:$0x3F9B] =	sst s1;
	(tag) =	ssettag s2;
	_ =	strace s9  }
0x27: {  	s1 =	sld [smem:$0x3FAB]  }
0x28: {  	s2 =	sld [smem:$0x3FAC]  }
0x29: {  	s4 =	sld [smem:$0x3FAE]  }
0x2a: {  	p0 =	seq.s32 s5, $0x0;
	s5 =	sld [smem:$0x3FAF]  }
0x2b: {  	s6 =	sld [smem:$0x3FB0]  }
0x2c: {  	s7 =	sld [smem:$0x3FB1]  }
0x2d: {  	s3 =	simm.s32 $0x108;
	s8 =	sld [smem:$0x3FB2]  }
0x2e: {  	s3 =	simm.s32 @!p0 $0x1082;
	s9 =	sld [smem:$0x3FB3]  }
0x2f: {  	lr =	sadd.s32 s0, s3;
	s0 =	sld [smem:$0x3FAA]  }
0x30: {  	s3 =	sld [smem:$0x3FAD]  }
0x31: {  	[smem:$0x3FB6] =	sst s10  }
0x32: {  	s10 =	sld [smem:$0x3FB4];
	_ =	sdelay $0x3  }
0x33: {  	p0 =	seq.s32 s10, $0x1;
	s10 =	sld [smem:$0x3FB6];
	_ =	sdelay $0x3  }
0x34: {  	[smem:$0x3FB6] =	sst s10  }
0x35: {  	s10 =	sld [smem:$0x3FB5];
	_ =	sdelay $0x3  }
0x36: {  	p1 =	seq.s32 s10, $0x1;
	s10 =	sld [smem:$0x3FB6];
	_ =	sdelay $0x3  }
0x37: {  	[smem:$0x3FB6] =	sst s10  }
0x38: {  	s10 =	sld [smem:$0x3FB7]  }
0x39: {  	_ = 	snop;
	(pc) =	sbr.ind lr, $3  }
0x3a: {  	_ = 	snop  }
0x3b: {  	_ = 	snop  }
0x3c: {  	p2 =	seq.s32 s10, $0x1;
	s10 =	sld [smem:$0x3FB6]  }
0x3d: {  	_ =	shalt  }
0x3e: {  	_ =	shalt  }
0x3f: {  	_ =	shalt  }
0x40: {  	_ =	shalt  }
0x41: {  	_ =	shalt  }
0x42: {  	_ =	shalt  }
0x43: {  	_ =	shalt  }
0x44: {  	_ =	shalt  }
0x45: {  	_ =	shalt  }
0x46: {  	_ =	shalt  }
0x47: {  	_ =	shalt  }
0x48: {  	_ =	shalt  }
0x49: {  	_ =	shalt  }
0x4a: {  	_ =	shalt  }
0x4b: {  	_ =	shalt  }
0x4c: {  	_ =	shalt  }
0x4d: {  	_ =	shalt  }
0x4e: {  	_ =	shalt  }
0x4f: {  	_ =	shalt  }
0x50: {  	_ =	shalt  }
0x51: {  	_ =	shalt  }
0x52: {  	_ =	shalt  }
0x53: {  	_ =	shalt  }
0x54: {  	_ =	shalt  }
0x55: {  	_ =	shalt  }
0x56: {  	_ =	shalt  }
0x57: {  	_ =	shalt  }
0x58: {  	_ =	shalt  }
0x59: {  	_ =	shalt  }
0x5a: {  	_ =	shalt  }
0x5b: {  	_ =	shalt  }
0x5c: {  	_ =	shalt  }
0x5d: {  	_ =	shalt  }
0x5e: {  	_ =	shalt  }
0x5f: {  	_ =	shalt  }
0x60: {  	_ =	shalt  }
0x61: {  	_ =	shalt  }
0x62: {  	_ =	shalt  }
0x63: {  	_ =	shalt  }
0x64: {  	_ =	shalt  }
0x65: {  	_ =	shalt  }
0x66: {  	_ =	shalt  }
0x67: {  	_ =	shalt  }
0x68: {  	_ =	shalt  }
0x69: {  	_ =	shalt  }
0x6a: {  	_ =	shalt  }
0x6b: {  	_ =	shalt  }
0x6c: {  	_ =	shalt  }
0x6d: {  	_ =	shalt  }
0x6e: {  	_ =	shalt  }
0x6f: {  	_ =	shalt  }
0x70: {  	_ =	shalt  }
0x71: {  	_ =	shalt  }
0x72: {  	_ =	shalt  }
0x73: {  	_ =	shalt  }
0x74: {  	_ =	shalt  }
0x75: {  	_ =	shalt  }
0x76: {  	_ =	shalt  }
0x77: {  	_ =	shalt  }
0x78: {  	_ =	shalt  }
0x79: {  	_ =	shalt  }
0x7a: {  	_ =	shalt  }
0x7b: {  	_ =	shalt  }
0x7c: {  	_ =	shalt  }
0x7d: {  	_ =	shalt  }
0x7e: {  	_ =	shalt  }
0x7f: {  	_ =	shalt  }
0x80: {  	_ =	shalt  }
0x81: {  	_ =	shalt  }
0x82: {  	_ =	shalt  }
0x83: {  	_ =	shalt  }
0x84: {  	_ =	shalt  }
0x85: {  	_ =	shalt  }
0x86: {  	_ =	shalt  }
0x87: {  	_ =	shalt  }
.Lfunc_end0:
.L_simem_size_0:
called_computation.1_lowered:
.L_overlay_start_0:
0x88: {  	s2 =	sld [smem:$0x3FD9]  }
0x89: {  	s3 =	sld [smem:$0x3FFE];
	_ =	sdelay $0x1  }
0x8a: {  	s1 =	srdreg.scid  }
0x8b: {  	s0 =	sand.u32 $0x1, s1  }
0x8c: {  	s16 =	sshll.u32 s0, $0xA;
	s2 =	sadd.s32 s3, s2  }
0x8d: {  	s2 =	sadd.s32 s2, s16  }
0x8e: {  	[smem:$0x3FC2] =	sst s2  }
0x8f: {  	_ = 	snop  }
0x90: {  	(tm) =	ssettm $0x1  }
0x91: {  	s17 =	sld [smem:$0x3FFB];
	_ =	sdelay $0x3  }
0x92: {  	_ =	strace s17  }
0x93: {  	s2 =	sld [smem:$0x3FFC];
	_ =	sdelay $0x3  }
0x94: {  	_ =	strace s2  }
0x95: {  	s2 =	sld [smem:$0x3FFD];
	_ =	sdelay $0x3  }
0x96: {  	_ =	strace s2  }
0x97: {  	_ =	strace $0x8FFFFFFF  }
0x98: {  	s18 =	sld [smem:$0x3FDB];
	_ =	sdelay $0x1  }
0x99: {  	s19 =	simm.s32 $_scs_section_size  }
0x9a: {  	s4 =	simm.s32 $_size__tile_overlayer_lowered;
	s5 =	simm.s32 $_tile_overlayer_lowered  }
0x9b: {  	s22 =	simm.s32 $0x1BFF;
	s21 =	sshll.u32 s5, $0x1;
	s2 =	sadd.s32 s19, s18  }
0x9c: {  	s6 =	simm.s32 $0x0;
	s20 =	sshll.u32 s4, $0x1;
	s4 =	sadd.s32 s21, s2  }
0x9d: {  	[timem:s6], [sflag:s22] =	dma.local [hbm:s4], s20  }
0x9e: {  	_ =	swait.ge [sflag:s22], s20  }
0x9f: {  	s3 =	ssub.s32 $0x0, s20;
	[sflag:s22] =	ssyncset.done $0x0  }
0xa0: {  	[sflag:s22] =	ssyncadd.s32 s3;
	_ =	sdelay $0x1  }
0xa1: {  	s23 =	simm.s32 $0x1B8B  }
0xa2: {  	_ =	swait.ge [sflag:s23], $0x1  }
0xa3: {  	[sflag:s23] =	ssyncset.done $0x0  }
0xa4: {  	s25 =	simm.s32 $0x1B8E;
	s24 =	sld [smem:$0x3FFE];
	[sflag:s23] =	ssyncadd.s32 $0xFFFFFFFF  }
0xa5: {  	s26 =	simm.s32 $execute0_lowered;
	[smem:$0x3FD2] =	sst s25  }
0xa6: {  	s4 =	sshll.u32 s26, $0x1;
	_ =	strace $0x80000049;
	[dreg:$0x1] =	wrdreg $0xFFFFFFFF  }
0xa7: {  	s28 =	simm.s32 $_size_execute0_lowered;
	s2 =	sadd.s32 s2, s4;
	[dreg:$0x0] =	wrdreg $0x0  }
0xa8: {  	s4 =	sshll.u32 s28, $0x1;
	[dreg:$0x2] =	wrdreg s2  }
0xa9: {  	[dreg:$0x3] =	wrdreg s4  }
0xaa: {  	[dreg:$0x4] =	wrdreg $0xC0  }
0xab: {  	_ =	task [dreg:s6], $0x5FFFF  }
0xac: {  	[dreg:$0x1] =	wrdreg $0xFFFFFFFF  }
0xad: {  	[dreg:$0x0] =	wrdreg $0x60  }
0xae: {  	[dreg:$0x2] =	wrdreg s24  }
0xaf: {  	[dreg:$0x3] =	wrdreg $0x90000  }
0xb0: {  	[dreg:$0x4] =	wrdreg $0x9  }
0xb1: {  	_ =	task.clear_ibuf [dreg:s6], $0x5FFFF;
	_ =	strace $0x90000049  }
0xb2: {  	s29 =	simm.s32 $0x9;
	_ =	strace $0x8000004B  }
0xb3: {  	_ =	swait.ge [sflag:s29], $0x1  }
0xb4: {  	[sflag:s29] =	ssyncadd.s32 $0xFFFFFFFF  }
0xb5: {  	_ =	strace $0x9000004B  }
0xb6: {  	_ =	sfence  }
0xb7: {  	s30 =	sld [smem:$0x0];
	_ =	sdelay $0x2  }
0xb8: {  	s31 =	sshll.u32 s1, $0xD;
	s1 =	sshrl.u32 s1, $0x2  }
0xb9: {  	s3 =	sand.u32 $0x4000, s31;
	s1 =	sadd.s32 s1, s30  }
0xba: {  	s0 =	sor.u32 s3, s0;
	s1 =	sshll.u32 s1, $0x11  }
0xbb: {  	s0 =	sor.u32 s1, s0  }
0xbc: {  	s0 =	sadd.s32 $0x8F2B, s0  }
0xbd: {  	[sflag:s0] =	ssyncadd.remote.s32 $0x1  }
0xbe: {  	_ =	sfence.sel $0xFFFF  }
0xbf: {  	[dreg:$0x0] =	wrdreg $0xFFFFFFFF;
	(pc) =	sbr.abs _section_cstart, $3  }
0xc0: {  	[dreg:$0x1] =	wrdreg $0xFFFFFFFF  }
0xc1: {  	_ =	task.clear_ibuf [dreg:s6], $0x2FFFF;
	_ =	strace $0x9FFFFFFF  }
0xc2: {  	(tm) =	ssettm $0x7FFFFFFF  }
0xc3: {  	_ =	shalt  }
tec
execute0_lowered:
.L_overlay_start_1:
0x0: {  	(tag) =	ssettag $0x1  }
0x1: {  	s0 =	rddreg [dreg:$0x0]  }
0x2: {  	s1 =	rddreg [dreg:$0x1]  }
0x3: {  	s2 =	srdreg.scid;
	s11 =	stileid.u32  }
0x4: {  	s3 =	simm.s32 $0x0;
	s28 =	simm.s32 $0xF00;
	s6 =	smul.u32 $0x14000, s11  }
0x5: {  	s29 =	simm.s32 $0xF80;
	s30 =	simm.s32 $0x480;
	s8 =	smul.u32 $0x50000, s11  }
0x6: {  	s31 =	simm.s32 $0x180;
	s2 =	sand.u32 $0x1, s2;
	s17 =	smul.u32 $0xA0, s11  }
0x7: {  	[smem:$0x7FF] =	sst s3;
	s9 =	sshll.u32 s11, $0x1;
	s11 =	smul.u32 $0xA00, s11  }
0x8: {  	s4 =	sadd.s32 $0x16600, s0;
	s7 =	sadd.s32 $0xC600, s0;
	s5 =	smul.u32 $0x140000, s2  }
0x9: {  	s26 =	sadd.s32 $0x2600, s0;
	_ =	strace $0x8000004A;
	s18 =	smul.u32 $0x50, s2  }
0xa: {  	s12 =	ssub.s32 $0x2, s2;
	s9 =	sor.u32 s2, s9;
	s2 =	smul.u32 $0x500, s2  }
0xb: {  	s10 =	sshrl.u32 s12, $0x1;
	s8 =	sshrl.u32 s8, $0x2;
	s14 =	smul.u32 $0x500, s9  }
0xc: {  	s22 =	sadd.s32 s11, s26;
	s5 =	sadd.s32 s6, s5;
	s13 =	sadd.s32 s8, s1  }
0xd: {  	s9 =	sadd.s32 s18, s17;
	s2 =	sadd.s32 s2, s22;
	s18 =	simm.s32 $0x400  }
0xe: {  	s22 =	simm.s32 $0x80;
	s17 =	simm.s32 $0xE80;
	[dreg:$0x6] =	wrdreg s13  }
0xf: {  	s5 =	sshrl.u32 s5, $0x3;
	s15 =	sadd.s32 $0x4000, s13;
	[dreg:$0x3] =	wrdreg s2  }
0x10: {  	s16 =	sadd.s32 $0x8000, s13;
	s19 =	sadd.s32 s7, s14;
	[dreg:$0x7] =	wrdreg s15  }
0x11: {  	s20 =	sadd.s32 s26, s14;
	s8 =	sor.u32 $0x80, s14;
	[dreg:$0x8] =	wrdreg s16  }
0x12: {  	s9 =	sshll.u32 s9, $0x4;
	s0 =	sadd.s32 s5, s0;
	[dreg:$0xb] =	wrdreg s19  }
0x13: {  	s5 =	ssub.s32 s12, s10;
	s12 =	sadd.s32 $0xC000, s13;
	[dreg:$0xc] =	wrdreg s20  }
0x14: {  	s10 =	sadd.s32 $0x10000, s13;
	s21 =	sadd.s32 s7, s8;
	[dreg:$0x9] =	wrdreg s12  }
0x15: {  	s6 =	sadd.s32 s26, s8;
	s23 =	sadd.s32 s7, s9;
	[dreg:$0xa] =	wrdreg s10  }
0x16: {  	s16 =	simm.s32 $0x1000;
	s9 =	simm.s32 $0x4;
	[dreg:$0xd] =	wrdreg s21  }
0x17: {  	s19 =	simm.s32 $0x3;
	[dreg:$0xe] =	wrdreg s6;
	s0 =	sadd.s32 $0x3E600, s0  }
0x18: {  	s20 =	simm.s32 $0x800;
	s25 =	smax.u32 s5, $0x1;
	[dreg:$0xf] =	wrdreg s0  }
0x19: {  	s24 =	sadd.s32 $0x180, s23;
	s26 =	sadd.s32 $0x100, s23;
	[dreg:$0x10] =	wrdreg s25  }
0x1a: {  	s21 =	simm.s32 $0xC00;
	s23 =	simm.s32 $0x5000;
	[dreg:$0x4] =	wrdreg s24  }
0x1b: {  	s10 =	simm.s32 $0x100;
	[dreg:$0x5] =	wrdreg s26;
	s24 =	simm.s32 $0x1  }
0x1c: {  	v0 =	vimm.f32 $0.0e+00;
	s25 =	simm.s32 $0x2;
	s0 =	simm.s32 $0x0;
	s26 =	simm.s32 $0xB80  }
.LBB2_1:
0x1d: {  	[dreg:$0x11] =	wrdreg s0;
	s7 =	simm.s32 $0x0;
	s8 =	simm.s32 $0x200  }
.LBB2_2:
0x1e: {  	p0 =	sne.s32 s8, $0xFE00;
	[tilespmem:s7+$0x1070] =	vst v0  }
0x1f: {  	[tilespmem:s7+$0x1000] =	vst v0  }
0x20: {  	[tilespmem:s7+$0x1010] =	vst v0  }
.Ltmp0:
0x21: {  	[tilespmem:s7+$0x1020] =	vst v0;
	(pc) =	sbr.rel @p0 .LBB2_2-.Ltmp0, $4  }
0x22: {  	[tilespmem:s7+$0x1030] =	vst v0  }
0x23: {  	[tilespmem:s7+$0x1040] =	vst v0  }
0x24: {  	[tilespmem:s7+$0x1050] =	vst v0  }
0x25: {  	[tilespmem:s7+$0x1060] =	vst v0;
	s7 =	sshra.s32 s8, $0x2;
	s8 =	sadd.s32 $0x200, s8  }
0x26: {  	[tilespmem:s7+$0x1070] =	vst v0  }
0x27: {  	[tilespmem:s7+$0x1000] =	vst v0  }
0x28: {  	[tilespmem:s7+$0x1010] =	vst v0  }
0x29: {  	[tilespmem:s7+$0x1020] =	vst v0  }
0x2a: {  	[tilespmem:s7+$0x1030] =	vst v0  }
0x2b: {  	[tilespmem:s7+$0x1040] =	vst v0  }
0x2c: {  	[tilespmem:s7+$0x1050] =	vst v0  }
0x2d: {  	[tilespmem:s7+$0x1060] =	vst v0;
	s11 =	rddreg [dreg:$0x6]  }
0x2e: {  	[spmem:s11] =	stream.linear.scatter [tilespmem:s16], [sflag:$0x4], $0x4000, $0x38;
	[tilespmem:$0x1D000] =	vst v63  }
0x2f: {  	_ =	swait.ge [sflag:s9], $0x4000  }
0x30: {  	[sflag:s9] =	ssyncset.done $0x0  }
0x31: {  	s12 =	rddreg [dreg:$0x7];
	[sflag:s9] =	ssyncadd.s32 $0xFFFFC000  }
0x32: {  	[spmem:s12] =	stream.linear.scatter [tilespmem:s16], [sflag:$0x4], $0x4000, $0x38;
	[tilespmem:$0x1D000] =	vst v63  }
0x33: {  	_ =	swait.ge [sflag:s9], $0x4000  }
0x34: {  	[sflag:s9] =	ssyncset.done $0x0  }
0x35: {  	s13 =	rddreg [dreg:$0x8];
	[sflag:s9] =	ssyncadd.s32 $0xFFFFC000  }
0x36: {  	[spmem:s13] =	stream.linear.scatter [tilespmem:s16], [sflag:$0x4], $0x4000, $0x38;
	[tilespmem:$0x1D000] =	vst v63  }
0x37: {  	_ =	swait.ge [sflag:s9], $0x4000  }
0x38: {  	[sflag:s9] =	ssyncset.done $0x0  }
0x39: {  	s14 =	rddreg [dreg:$0x9];
	[sflag:s9] =	ssyncadd.s32 $0xFFFFC000  }
0x3a: {  	[spmem:s14] =	stream.linear.scatter [tilespmem:s16], [sflag:$0x4], $0x4000, $0x38;
	[tilespmem:$0x1D000] =	vst v63  }
0x3b: {  	_ =	swait.ge [sflag:s9], $0x4000  }
0x3c: {  	[sflag:s9] =	ssyncset.done $0x0  }
0x3d: {  	s15 =	rddreg [dreg:$0xa];
	[sflag:s9] =	ssyncadd.s32 $0xFFFFC000  }
0x3e: {  	[spmem:s15] =	stream.linear.scatter [tilespmem:s16], [sflag:$0x4], $0x4000, $0x38;
	[tilespmem:$0x1D000] =	vst v63  }
0x3f: {  	_ =	swait.ge [sflag:s9], $0x4000  }
0x40: {  	[sflag:s9] =	ssyncset.done $0x0  }
0x41: {  	[sflag:s9] =	ssyncadd.s32 $0xFFFFC000  }
0x42: {  	[bflag:$0x0] =	sbarrier.arrive $0xFFFF  }
0x43: {  	s0 =	simm.s32 $0x0;
	s8 =	rddreg [dreg:$0xb]  }
0x44: {  	[tilespmem:s0], [sflag:$0x3] =	stream.linear.gather [hbm4b:s8+s0], $0x400, $0x38;
	[tilespmem:$0x1D000] =	vst v63  }
0x45: {  	s2 =	rddreg [dreg:$0xc]  }
0x46: {  	[tilespmem:s18], [sflag:$0x3] =	stream.linear.gather [hbm4b:s2+s0], $0x400, $0x38;
	[tilespmem:$0x1D000] =	vst v63  }
0x47: {  	_ =	swait.ge [sflag:s19], $0x400  }
0x48: {  	[sflag:s19] =	ssyncset.done $0x0  }
0x49: {  	[sflag:s19] =	ssyncadd.s32 $0xFFFFFC00  }
0x4a: {  	_ =	swait.ge [sflag:s19], $0x400  }
0x4b: {  	[sflag:s19] =	ssyncset.done $0x0  }
0x4c: {  	s5 =	rddreg [dreg:$0xd];
	[sflag:s19] =	ssyncadd.s32 $0xFFFFFC00  }
0x4d: {  	[tilespmem:s20], [sflag:$0x3] =	stream.linear.gather [hbm4b:s5+s0], $0x400, $0x38;
	[tilespmem:$0x1D000] =	vst v63  }
0x4e: {  	s6 =	rddreg [dreg:$0xe]  }
0x4f: {  	[tilespmem:s21], [sflag:$0x3] =	stream.linear.gather [hbm4b:s6+s0], $0x400, $0x38;
	[tilespmem:$0x1D000] =	vst v63  }
0x50: {  	_ = 	snop  }
0x51: {  	[tilespmem:s16], [sflag:$0x1] =	stream.indirect.gather [hbm4b:s4+s22], $0x80, s0, s22, $0xb8;
	[tilespmem:$0x1D000] =	vst v63  }
0x52: {  	_ = 	snop  }
0x53: {  	[tilespmem:s23], [sflag:$0x1] =	stream.indirect.gather [hbm4b:s4+s22], $0x80, s22, s22, $0xb8;
	[tilespmem:$0x1D000] =	vst v63  }
0x54: {  	_ =	swait.ge [sflag:s24], $0x4000  }
0x55: {  	[sflag:s24] =	ssyncset.done $0x0  }
0x56: {  	[sflag:s24] =	ssyncadd.s32 $0xFFFFC000  }
0x57: {  	[spmem:s1] =	stream.indirect.scatter.add.f32 [tilespmem:s16], [sflag:$0x2], $0x80, s18, s22, $0xb8;
	[tilespmem:$0x1D000] =	vst v63  }
0x58: {  	_ =	swait.ge [sflag:s24], $0x4000  }
0x59: {  	[sflag:s24] =	ssyncset.done $0x0  }
0x5a: {  	[sflag:s24] =	ssyncadd.s32 $0xFFFFC000  }
0x5b: {  	_ =	swait.ge [sflag:s25], $0x4000  }
0x5c: {  	[sflag:s25] =	ssyncset.done $0x0  }
0x5d: {  	[sflag:s25] =	ssyncadd.s32 $0xFFFFC000  }
0x5e: {  	[tilespmem:s16], [sflag:$0x1] =	stream.indirect.gather [hbm4b:s4+s22], $0x80, s10, s22, $0xb8;
	[tilespmem:$0x1D000] =	vst v63  }
0x5f: {  	s2 =	simm.s32 $0x480  }
0x60: {  	[spmem:s1] =	stream.indirect.scatter.add.f32 [tilespmem:s23], [sflag:$0x2], $0x80, s2, s22, $0xb8;
	[tilespmem:$0x1D000] =	vst v63  }
0x61: {  	_ =	swait.ge [sflag:s24], $0x4000  }
0x62: {  	[sflag:s24] =	ssyncset.done $0x0  }
0x63: {  	[sflag:s24] =	ssyncadd.s32 $0xFFFFC000  }
0x64: {  	_ =	swait.ge [sflag:s25], $0x4000  }
0x65: {  	[sflag:s25] =	ssyncset.done $0x0  }
0x66: {  	s5 =	simm.s32 $0x180;
	[sflag:s25] =	ssyncadd.s32 $0xFFFFC000  }
0x67: {  	[tilespmem:s23], [sflag:$0x1] =	stream.indirect.gather [hbm4b:s4+s22], $0x80, s5, s22, $0xb8;
	[tilespmem:$0x1D000] =	vst v63  }
0x68: {  	s6 =	simm.s32 $0x500  }
0x69: {  	[spmem:s1] =	stream.indirect.scatter.add.f32 [tilespmem:s16], [sflag:$0x2], $0x80, s6, s22, $0xb8;
	[tilespmem:$0x1D000] =	vst v63  }
0x6a: {  	_ =	swait.ge [sflag:s24], $0x4000  }
0x6b: {  	[sflag:s24] =	ssyncset.done $0x0  }
0x6c: {  	[sflag:s24] =	ssyncadd.s32 $0xFFFFC000  }
0x6d: {  	_ =	swait.ge [sflag:s25], $0x4000  }
0x6e: {  	[sflag:s25] =	ssyncset.done $0x0  }
0x6f: {  	s11 =	simm.s32 $0x200;
	[sflag:s25] =	ssyncadd.s32 $0xFFFFC000  }
0x70: {  	[tilespmem:s16], [sflag:$0x1] =	stream.indirect.gather [hbm4b:s4+s22], $0x80, s11, s22, $0xb8;
	[tilespmem:$0x1D000] =	vst v63  }
0x71: {  	s12 =	simm.s32 $0x580  }
0x72: {  	[spmem:s1] =	stream.indirect.scatter.add.f32 [tilespmem:s23], [sflag:$0x2], $0x80, s12, s22, $0xb8;
	[tilespmem:$0x1D000] =	vst v63  }
0x73: {  	_ =	swait.ge [sflag:s24], $0x4000  }
0x74: {  	[sflag:s24] =	ssyncset.done $0x0  }
0x75: {  	[sflag:s24] =	ssyncadd.s32 $0xFFFFC000  }
0x76: {  	_ =	swait.ge [sflag:s25], $0x4000  }
0x77: {  	[sflag:s25] =	ssyncset.done $0x0  }
0x78: {  	s13 =	simm.s32 $0x280;
	[sflag:s25] =	ssyncadd.s32 $0xFFFFC000  }
0x79: {  	[tilespmem:s23], [sflag:$0x1] =	stream.indirect.gather [hbm4b:s4+s22], $0x80, s13, s22, $0xb8;
	[tilespmem:$0x1D000] =	vst v63  }
0x7a: {  	s14 =	simm.s32 $0x600  }
0x7b: {  	[spmem:s1] =	stream.indirect.scatter.add.f32 [tilespmem:s16], [sflag:$0x2], $0x80, s14, s22, $0xb8;
	[tilespmem:$0x1D000] =	vst v63  }
0x7c: {  	_ =	swait.ge [sflag:s24], $0x4000  }
0x7d: {  	[sflag:s24] =	ssyncset.done $0x0  }
0x7e: {  	[sflag:s24] =	ssyncadd.s32 $0xFFFFC000  }
0x7f: {  	_ =	swait.ge [sflag:s25], $0x4000  }
0x80: {  	[sflag:s25] =	ssyncset.done $0x0  }
0x81: {  	s15 =	simm.s32 $0x300;
	[sflag:s25] =	ssyncadd.s32 $0xFFFFC000  }
0x82: {  	[tilespmem:s16], [sflag:$0x1] =	stream.indirect.gather [hbm4b:s4+s22], $0x80, s15, s22, $0xb8;
	[tilespmem:$0x1D000] =	vst v63  }
0x83: {  	s0 =	simm.s32 $0x680  }
0x84: {  	[spmem:s1] =	stream.indirect.scatter.add.f32 [tilespmem:s23], [sflag:$0x2], $0x80, s0, s22, $0xb8;
	[tilespmem:$0x1D000] =	vst v63  }
0x85: {  	_ =	swait.ge [sflag:s24], $0x4000  }
0x86: {  	[sflag:s24] =	ssyncset.done $0x0  }
0x87: {  	[sflag:s24] =	ssyncadd.s32 $0xFFFFC000  }
0x88: {  	_ =	swait.ge [sflag:s25], $0x4000  }
0x89: {  	[sflag:s25] =	ssyncset.done $0x0  }
0x8a: {  	s9 =	simm.s32 $0x380;
	[sflag:s25] =	ssyncadd.s32 $0xFFFFC000  }
0x8b: {  	[tilespmem:s23], [sflag:$0x1] =	stream.indirect.gather [hbm4b:s4+s22], $0x80, s9, s22, $0xb8;
	[tilespmem:$0x1D000] =	vst v63  }
0x8c: {  	s7 =	simm.s32 $0x700  }
0x8d: {  	[spmem:s1] =	stream.indirect.scatter.add.f32 [tilespmem:s16], [sflag:$0x2], $0x80, s7, s22, $0xb8;
	[tilespmem:$0x1D000] =	vst v63  }
0x8e: {  	_ =	swait.ge [sflag:s19], $0x400  }
0x8f: {  	[sflag:s19] =	ssyncset.done $0x0  }
0x90: {  	[sflag:s19] =	ssyncadd.s32 $0xFFFFFC00  }
0x91: {  	_ =	swait.ge [sflag:s19], $0x400  }
0x92: {  	[sflag:s19] =	ssyncset.done $0x0  }
0x93: {  	[sflag:s19] =	ssyncadd.s32 $0xFFFFFC00  }
0x94: {  	_ =	swait.ge [sflag:s24], $0x4000  }
0x95: {  	[sflag:s24] =	ssyncset.done $0x0  }
0x96: {  	[sflag:s24] =	ssyncadd.s32 $0xFFFFC000  }
0x97: {  	_ =	swait.ge [sflag:s25], $0x4000  }
0x98: {  	[sflag:s25] =	ssyncset.done $0x0  }
0x99: {  	[sflag:s25] =	ssyncadd.s32 $0xFFFFC000  }
0x9a: {  	[tilespmem:s16], [sflag:$0x1] =	stream.indirect.gather [hbm4b:s4+s22], $0x80, s20, s22, $0xb8;
	[tilespmem:$0x1D000] =	vst v63  }
0x9b: {  	s9 =	simm.s32 $0x780  }
0x9c: {  	[spmem:s1] =	stream.indirect.scatter.add.f32 [tilespmem:s23], [sflag:$0x2], $0x80, s9, s22, $0xb8;
	[tilespmem:$0x1D000] =	vst v63  }
0x9d: {  	_ =	swait.ge [sflag:s24], $0x4000  }
0x9e: {  	[sflag:s24] =	ssyncset.done $0x0  }
0x9f: {  	[sflag:s24] =	ssyncadd.s32 $0xFFFFC000  }
0xa0: {  	_ =	swait.ge [sflag:s25], $0x4000  }
0xa1: {  	[sflag:s25] =	ssyncset.done $0x0  }
0xa2: {  	s8 =	simm.s32 $0x880;
	[sflag:s25] =	ssyncadd.s32 $0xFFFFC000  }
0xa3: {  	[tilespmem:s23], [sflag:$0x1] =	stream.indirect.gather [hbm4b:s4+s22], $0x80, s8, s22, $0xb8;
	[tilespmem:$0x1D000] =	vst v63  }
0xa4: {  	s7 =	rddreg [dreg:$0x5]  }
0xa5: {  	[spmem:s1] =	stream.indirect.scatter.add.f32 [tilespmem:s16], [sflag:$0x2], $0x80, s21, s22, $0xb8;
	[tilespmem:$0x1D000] =	vst v63  }
0xa6: {  	s0 =	rddreg [dreg:$0x3];
	s7 =	sadd.s32 $0x0, s7  }
0xa7: {  	[tilespmem:s3], [sflag:$0x3] =	stream.linear.gather [hbm4b:s7+s3], $0x400, $0x38;
	[tilespmem:$0x1D000] =	vst v63  }
0xa8: {  	s7 =	sadd.s32 $0x0, s0  }
0xa9: {  	s8 =	sadd.s32 $0x100, s7  }
0xaa: {  	[tilespmem:s18], [sflag:$0x3] =	stream.linear.gather [hbm4b:s8+s3], $0x400, $0x38;
	[tilespmem:$0x1D000] =	vst v63  }
0xab: {  	_ =	swait.ge [sflag:s24], $0x4000  }
0xac: {  	[sflag:s24] =	ssyncset.done $0x0  }
0xad: {  	[sflag:s24] =	ssyncadd.s32 $0xFFFFC000  }
0xae: {  	_ =	swait.ge [sflag:s25], $0x4000  }
0xaf: {  	[sflag:s25] =	ssyncset.done $0x0  }
0xb0: {  	s8 =	simm.s32 $0x900;
	[sflag:s25] =	ssyncadd.s32 $0xFFFFC000  }
0xb1: {  	[tilespmem:s16], [sflag:$0x1] =	stream.indirect.gather [hbm4b:s4+s22], $0x80, s8, s22, $0xb8;
	[tilespmem:$0x1D000] =	vst v63  }
0xb2: {  	s8 =	simm.s32 $0xC80  }
0xb3: {  	[spmem:s1] =	stream.indirect.scatter.add.f32 [tilespmem:s23], [sflag:$0x2], $0x80, s8, s22, $0xb8;
	[tilespmem:$0x1D000] =	vst v63  }
0xb4: {  	_ =	swait.ge [sflag:s24], $0x4000  }
0xb5: {  	[sflag:s24] =	ssyncset.done $0x0  }
0xb6: {  	[sflag:s24] =	ssyncadd.s32 $0xFFFFC000  }
0xb7: {  	_ =	swait.ge [sflag:s25], $0x4000  }
0xb8: {  	[sflag:s25] =	ssyncset.done $0x0  }
0xb9: {  	s8 =	simm.s32 $0x980;
	[sflag:s25] =	ssyncadd.s32 $0xFFFFC000  }
0xba: {  	[tilespmem:s23], [sflag:$0x1] =	stream.indirect.gather [hbm4b:s4+s22], $0x80, s8, s22, $0xb8;
	[tilespmem:$0x1D000] =	vst v63  }
0xbb: {  	s8 =	simm.s32 $0xD00  }
0xbc: {  	[spmem:s1] =	stream.indirect.scatter.add.f32 [tilespmem:s16], [sflag:$0x2], $0x80, s8, s22, $0xb8;
	[tilespmem:$0x1D000] =	vst v63  }
0xbd: {  	_ =	swait.ge [sflag:s24], $0x4000  }
0xbe: {  	[sflag:s24] =	ssyncset.done $0x0  }
0xbf: {  	[sflag:s24] =	ssyncadd.s32 $0xFFFFC000  }
0xc0: {  	_ =	swait.ge [sflag:s25], $0x4000  }
0xc1: {  	[sflag:s25] =	ssyncset.done $0x0  }
0xc2: {  	s8 =	simm.s32 $0xA00;
	[sflag:s25] =	ssyncadd.s32 $0xFFFFC000  }
0xc3: {  	[tilespmem:s16], [sflag:$0x1] =	stream.indirect.gather [hbm4b:s4+s22], $0x80, s8, s22, $0xb8;
	[tilespmem:$0x1D000] =	vst v63  }
0xc4: {  	s8 =	simm.s32 $0xD80  }
0xc5: {  	[spmem:s1] =	stream.indirect.scatter.add.f32 [tilespmem:s23], [sflag:$0x2], $0x80, s8, s22, $0xb8;
	[tilespmem:$0x1D000] =	vst v63  }
0xc6: {  	_ =	swait.ge [sflag:s24], $0x4000  }
0xc7: {  	[sflag:s24] =	ssyncset.done $0x0  }
0xc8: {  	[sflag:s24] =	ssyncadd.s32 $0xFFFFC000  }
0xc9: {  	_ =	swait.ge [sflag:s25], $0x4000  }
0xca: {  	[sflag:s25] =	ssyncset.done $0x0  }
0xcb: {  	s8 =	simm.s32 $0xA80;
	[sflag:s25] =	ssyncadd.s32 $0xFFFFC000  }
0xcc: {  	[tilespmem:s23], [sflag:$0x1] =	stream.indirect.gather [hbm4b:s4+s22], $0x80, s8, s22, $0xb8;
	[tilespmem:$0x1D000] =	vst v63  }
0xcd: {  	s8 =	simm.s32 $0xE00  }
0xce: {  	[spmem:s1] =	stream.indirect.scatter.add.f32 [tilespmem:s16], [sflag:$0x2], $0x80, s8, s22, $0xb8;
	[tilespmem:$0x1D000] =	vst v63  }
0xcf: {  	_ =	swait.ge [sflag:s24], $0x4000  }
0xd0: {  	[sflag:s24] =	ssyncset.done $0x0  }
0xd1: {  	[sflag:s24] =	ssyncadd.s32 $0xFFFFC000  }
0xd2: {  	_ =	swait.ge [sflag:s25], $0x4000  }
0xd3: {  	[sflag:s25] =	ssyncset.done $0x0  }
0xd4: {  	s8 =	simm.s32 $0xB00;
	[sflag:s25] =	ssyncadd.s32 $0xFFFFC000  }
0xd5: {  	[tilespmem:s16], [sflag:$0x1] =	stream.indirect.gather [hbm4b:s4+s22], $0x80, s8, s22, $0xb8;
	[tilespmem:$0x1D000] =	vst v63  }
0xd6: {  	_ = 	snop  }
0xd7: {  	[spmem:s1] =	stream.indirect.scatter.add.f32 [tilespmem:s23], [sflag:$0x2], $0x80, s17, s22, $0xb8;
	[tilespmem:$0x1D000] =	vst v63  }
0xd8: {  	_ =	swait.ge [sflag:s24], $0x4000  }
0xd9: {  	[sflag:s24] =	ssyncset.done $0x0  }
0xda: {  	[sflag:s24] =	ssyncadd.s32 $0xFFFFC000  }
0xdb: {  	_ =	swait.ge [sflag:s25], $0x4000  }
0xdc: {  	[sflag:s25] =	ssyncset.done $0x0  }
0xdd: {  	[sflag:s25] =	ssyncadd.s32 $0xFFFFC000  }
0xde: {  	[tilespmem:s23], [sflag:$0x1] =	stream.indirect.gather [hbm4b:s4+s22], $0x80, s26, s22, $0xb8;
	[tilespmem:$0x1D000] =	vst v63  }
0xdf: {  	_ = 	snop  }
0xe0: {  	[spmem:s1] =	stream.indirect.scatter.add.f32 [tilespmem:s16], [sflag:$0x2], $0x80, s28, s22, $0xb8;
	[tilespmem:$0x1D000] =	vst v63  }
0xe1: {  	_ =	swait.ge [sflag:s19], $0x400  }
0xe2: {  	[sflag:s19] =	ssyncset.done $0x0  }
0xe3: {  	[sflag:s19] =	ssyncadd.s32 $0xFFFFFC00  }
0xe4: {  	_ =	swait.ge [sflag:s19], $0x400  }
0xe5: {  	[sflag:s19] =	ssyncset.done $0x0  }
0xe6: {  	[sflag:s19] =	ssyncadd.s32 $0xFFFFFC00  }
0xe7: {  	_ =	swait.ge [sflag:s24], $0x4000  }
0xe8: {  	[sflag:s24] =	ssyncset.done $0x0  }
0xe9: {  	[sflag:s24] =	ssyncadd.s32 $0xFFFFC000  }
0xea: {  	_ =	swait.ge [sflag:s25], $0x4000  }
0xeb: {  	[sflag:s25] =	ssyncset.done $0x0  }
0xec: {  	[sflag:s25] =	ssyncadd.s32 $0xFFFFC000  }
0xed: {  	[tilespmem:s16], [sflag:$0x1] =	stream.indirect.gather [hbm4b:s4+s22], $0x80, s3, s22, $0xb8;
	[tilespmem:$0x1D000] =	vst v63  }
0xee: {  	_ = 	snop  }
0xef: {  	[spmem:s1] =	stream.indirect.scatter.add.f32 [tilespmem:s23], [sflag:$0x2], $0x80, s29, s22, $0xb8;
	[tilespmem:$0x1D000] =	vst v63  }
0xf0: {  	_ =	swait.ge [sflag:s24], $0x4000  }
0xf1: {  	[sflag:s24] =	ssyncset.done $0x0  }
0xf2: {  	[sflag:s24] =	ssyncadd.s32 $0xFFFFC000  }
0xf3: {  	_ =	swait.ge [sflag:s25], $0x4000  }
0xf4: {  	[sflag:s25] =	ssyncset.done $0x0  }
0xf5: {  	[sflag:s25] =	ssyncadd.s32 $0xFFFFC000  }
0xf6: {  	[tilespmem:s23], [sflag:$0x1] =	stream.indirect.gather [hbm4b:s4+s22], $0x80, s22, s22, $0xb8;
	[tilespmem:$0x1D000] =	vst v63  }
0xf7: {  	s0 =	rddreg [dreg:$0x4]  }
0xf8: {  	[spmem:s1] =	stream.indirect.scatter.add.f32 [tilespmem:s16], [sflag:$0x2], $0x80, s18, s22, $0xb8;
	[tilespmem:$0x1D000] =	vst v63  }
0xf9: {  	s8 =	sadd.s32 $0x0, s0  }
0xfa: {  	[tilespmem:s20], [sflag:$0x3] =	stream.linear.gather [hbm4b:s8+s3], $0x400, $0x38;
	[tilespmem:$0x1D000] =	vst v63  }
0xfb: {  	s7 =	sadd.s32 $0x180, s7  }
0xfc: {  	[tilespmem:s21], [sflag:$0x3] =	stream.linear.gather [hbm4b:s7+s3], $0x400, $0x38;
	[tilespmem:$0x1D000] =	vst v63  }
0xfd: {  	_ =	swait.ge [sflag:s24], $0x4000  }
0xfe: {  	[sflag:s24] =	ssyncset.done $0x0  }
0xff: {  	[sflag:s24] =	ssyncadd.s32 $0xFFFFC000  }
0x100: {  	_ =	swait.ge [sflag:s25], $0x4000  }
0x101: {  	[sflag:s25] =	ssyncset.done $0x0  }
0x102: {  	[sflag:s25] =	ssyncadd.s32 $0xFFFFC000  }
0x103: {  	[tilespmem:s16], [sflag:$0x1] =	stream.indirect.gather [hbm4b:s4+s22], $0x80, s10, s22, $0xb8;
	[tilespmem:$0x1D000] =	vst v63  }
0x104: {  	_ = 	snop  }
0x105: {  	[spmem:s1] =	stream.indirect.scatter.add.f32 [tilespmem:s23], [sflag:$0x2], $0x80, s2, s22, $0xb8;
	[tilespmem:$0x1D000] =	vst v63  }
0x106: {  	_ =	swait.ge [sflag:s24], $0x4000  }
0x107: {  	[sflag:s24] =	ssyncset.done $0x0  }
0x108: {  	[sflag:s24] =	ssyncadd.s32 $0xFFFFC000  }
0x109: {  	_ =	swait.ge [sflag:s25], $0x4000  }
0x10a: {  	[sflag:s25] =	ssyncset.done $0x0  }
0x10b: {  	[sflag:s25] =	ssyncadd.s32 $0xFFFFC000  }
0x10c: {  	[tilespmem:s23], [sflag:$0x1] =	stream.indirect.gather [hbm4b:s4+s22], $0x80, s5, s22, $0xb8;
	[tilespmem:$0x1D000] =	vst v63  }
0x10d: {  	_ = 	snop  }
0x10e: {  	[spmem:s1] =	stream.indirect.scatter.add.f32 [tilespmem:s16], [sflag:$0x2], $0x80, s6, s22, $0xb8;
	[tilespmem:$0x1D000] =	vst v63  }
0x10f: {  	_ =	swait.ge [sflag:s24], $0x4000  }
0x110: {  	[sflag:s24] =	ssyncset.done $0x0  }
0x111: {  	[sflag:s24] =	ssyncadd.s32 $0xFFFFC000  }
0x112: {  	_ =	swait.ge [sflag:s25], $0x4000  }
0x113: {  	[sflag:s25] =	ssyncset.done $0x0  }
0x114: {  	[sflag:s25] =	ssyncadd.s32 $0xFFFFC000  }
0x115: {  	[tilespmem:s16], [sflag:$0x1] =	stream.indirect.gather [hbm4b:s4+s22], $0x80, s11, s22, $0xb8;
	[tilespmem:$0x1D000] =	vst v63  }
0x116: {  	_ = 	snop  }
0x117: {  	[spmem:s1] =	stream.indirect.scatter.add.f32 [tilespmem:s23], [sflag:$0x2], $0x80, s12, s22, $0xb8;
	[tilespmem:$0x1D000] =	vst v63  }
0x118: {  	_ =	swait.ge [sflag:s24], $0x4000  }
0x119: {  	[sflag:s24] =	ssyncset.done $0x0  }
0x11a: {  	[sflag:s24] =	ssyncadd.s32 $0xFFFFC000  }
0x11b: {  	_ =	swait.ge [sflag:s25], $0x4000  }
0x11c: {  	[sflag:s25] =	ssyncset.done $0x0  }
0x11d: {  	[sflag:s25] =	ssyncadd.s32 $0xFFFFC000  }
0x11e: {  	[tilespmem:s23], [sflag:$0x1] =	stream.indirect.gather [hbm4b:s4+s22], $0x80, s13, s22, $0xb8;
	[tilespmem:$0x1D000] =	vst v63  }
0x11f: {  	_ = 	snop  }
0x120: {  	[spmem:s1] =	stream.indirect.scatter.add.f32 [tilespmem:s16], [sflag:$0x2], $0x80, s14, s22, $0xb8;
	[tilespmem:$0x1D000] =	vst v63  }
0x121: {  	_ =	swait.ge [sflag:s24], $0x4000  }
0x122: {  	[sflag:s24] =	ssyncset.done $0x0  }
0x123: {  	[sflag:s24] =	ssyncadd.s32 $0xFFFFC000  }
0x124: {  	_ =	swait.ge [sflag:s25], $0x4000  }
0x125: {  	[sflag:s25] =	ssyncset.done $0x0  }
0x126: {  	[sflag:s25] =	ssyncadd.s32 $0xFFFFC000  }
0x127: {  	[tilespmem:s16], [sflag:$0x1] =	stream.indirect.gather [hbm4b:s4+s22], $0x80, s15, s22, $0xb8;
	[tilespmem:$0x1D000] =	vst v63  }
0x128: {  	s15 =	simm.s32 $0x680  }
0x129: {  	[spmem:s1] =	stream.indirect.scatter.add.f32 [tilespmem:s23], [sflag:$0x2], $0x80, s15, s22, $0xb8;
	[tilespmem:$0x1D000] =	vst v63  }
0x12a: {  	_ =	swait.ge [sflag:s24], $0x4000  }
0x12b: {  	[sflag:s24] =	ssyncset.done $0x0  }
0x12c: {  	[sflag:s24] =	ssyncadd.s32 $0xFFFFC000  }
0x12d: {  	_ =	swait.ge [sflag:s25], $0x4000  }
0x12e: {  	[sflag:s25] =	ssyncset.done $0x0  }
0x12f: {  	s8 =	simm.s32 $0x380;
	[sflag:s25] =	ssyncadd.s32 $0xFFFFC000  }
0x130: {  	[tilespmem:s23], [sflag:$0x1] =	stream.indirect.gather [hbm4b:s4+s22], $0x80, s8, s22, $0xb8;
	[tilespmem:$0x1D000] =	vst v63  }
0x131: {  	s10 =	simm.s32 $0x700  }
0x132: {  	[spmem:s1] =	stream.indirect.scatter.add.f32 [tilespmem:s16], [sflag:$0x2], $0x80, s10, s22, $0xb8;
	[tilespmem:$0x1D000] =	vst v63  }
0x133: {  	_ =	swait.ge [sflag:s19], $0x400  }
0x134: {  	[sflag:s19] =	ssyncset.done $0x0  }
0x135: {  	[sflag:s19] =	ssyncadd.s32 $0xFFFFFC00  }
0x136: {  	_ =	swait.ge [sflag:s19], $0x400  }
0x137: {  	[sflag:s19] =	ssyncset.done $0x0  }
0x138: {  	[sflag:s19] =	ssyncadd.s32 $0xFFFFFC00  }
0x139: {  	_ =	swait.ge [sflag:s24], $0x4000  }
0x13a: {  	s0 =	simm.s32 $0x500;
	s7 =	simm.s32 $0x100;
	[sflag:s24] =	ssyncset.done $0x0  }
0x13b: {  	s2 =	simm.s32 $0x200;
	s5 =	simm.s32 $0x580;
	[sflag:s24] =	ssyncadd.s32 $0xFFFFC000  }
0x13c: {  	s6 =	simm.s32 $0x280;
	s11 =	simm.s32 $0x600;
	_ =	swait.ge [sflag:s25], $0x4000  }
0x13d: {  	s12 =	simm.s32 $0x300;
	s13 =	simm.s32 $0x680;
	[sflag:s25] =	ssyncset.done $0x0  }
0x13e: {  	s14 =	simm.s32 $0x380;
	s15 =	simm.s32 $0x700;
	[sflag:s25] =	ssyncadd.s32 $0xFFFFC000  }
0x13f: {  	[tilespmem:s16], [sflag:$0x1] =	stream.indirect.gather [hbm4b:s4+s22], $0x80, s20, s22, $0xb8;
	[tilespmem:$0x1D000] =	vst v63  }
.LBB2_4:
0x140: {  	[spmem:s1] =	stream.indirect.scatter.add.f32 [tilespmem:s23], [sflag:$0x2], $0x80, s9, s22, $0xb8;
	[tilespmem:$0x1D000] =	vst v63  }
0x141: {  	_ =	swait.ge [sflag:s24], $0x4000  }
0x142: {  	[sflag:s24] =	ssyncset.done $0x0  }
0x143: {  	[sflag:s24] =	ssyncadd.s32 $0xFFFFC000  }
0x144: {  	_ =	swait.ge [sflag:s25], $0x4000  }
0x145: {  	[sflag:s25] =	ssyncset.done $0x0  }
0x146: {  	s10 =	simm.s32 $0x880;
	[sflag:s25] =	ssyncadd.s32 $0xFFFFC000  }
0x147: {  	[tilespmem:s23], [sflag:$0x1] =	stream.indirect.gather [hbm4b:s4+s22], $0x80, s10, s22, $0xb8;
	[tilespmem:$0x1D000] =	vst v63  }
0x148: {  	s8 =	smov.u32 s7;
	s9 =	rddreg [dreg:$0x5]  }
0x149: {  	[spmem:s1] =	stream.indirect.scatter.add.f32 [tilespmem:s16], [sflag:$0x2], $0x80, s21, s22, $0xb8;
	[tilespmem:$0x1D000] =	vst v63  }
0x14a: {  	s9 =	sadd.s32 s8, s9;
	s10 =	rddreg [dreg:$0x3]  }
0x14b: {  	[tilespmem:s3], [sflag:$0x3] =	stream.linear.gather [hbm4b:s9+s3], $0x400, $0x38;
	[tilespmem:$0x1D000] =	vst v63  }
0x14c: {  	s9 =	sadd.s32 s8, s10  }
0x14d: {  	s10 =	sadd.s32 $0x100, s9  }
0x14e: {  	[tilespmem:s18], [sflag:$0x3] =	stream.linear.gather [hbm4b:s10+s3], $0x400, $0x38;
	[tilespmem:$0x1D000] =	vst v63  }
0x14f: {  	_ =	swait.ge [sflag:s24], $0x4000  }
0x150: {  	[sflag:s24] =	ssyncset.done $0x0  }
0x151: {  	[sflag:s24] =	ssyncadd.s32 $0xFFFFC000  }
0x152: {  	_ =	swait.ge [sflag:s25], $0x4000  }
0x153: {  	[sflag:s25] =	ssyncset.done $0x0  }
0x154: {  	s10 =	simm.s32 $0x900;
	[sflag:s25] =	ssyncadd.s32 $0xFFFFC000  }
0x155: {  	[tilespmem:s16], [sflag:$0x1] =	stream.indirect.gather [hbm4b:s4+s22], $0x80, s10, s22, $0xb8;
	[tilespmem:$0x1D000] =	vst v63  }
0x156: {  	s10 =	simm.s32 $0xC80  }
0x157: {  	[spmem:s1] =	stream.indirect.scatter.add.f32 [tilespmem:s23], [sflag:$0x2], $0x80, s10, s22, $0xb8;
	[tilespmem:$0x1D000] =	vst v63  }
0x158: {  	_ =	swait.ge [sflag:s24], $0x4000  }
0x159: {  	[sflag:s24] =	ssyncset.done $0x0  }
0x15a: {  	[sflag:s24] =	ssyncadd.s32 $0xFFFFC000  }
0x15b: {  	_ =	swait.ge [sflag:s25], $0x4000  }
0x15c: {  	[sflag:s25] =	ssyncset.done $0x0  }
0x15d: {  	s10 =	simm.s32 $0x980;
	[sflag:s25] =	ssyncadd.s32 $0xFFFFC000  }
0x15e: {  	[tilespmem:s23], [sflag:$0x1] =	stream.indirect.gather [hbm4b:s4+s22], $0x80, s10, s22, $0xb8;
	[tilespmem:$0x1D000] =	vst v63  }
0x15f: {  	s10 =	simm.s32 $0xD00  }
0x160: {  	[spmem:s1] =	stream.indirect.scatter.add.f32 [tilespmem:s16], [sflag:$0x2], $0x80, s10, s22, $0xb8;
	[tilespmem:$0x1D000] =	vst v63  }
0x161: {  	_ =	swait.ge [sflag:s24], $0x4000  }
0x162: {  	[sflag:s24] =	ssyncset.done $0x0  }
0x163: {  	[sflag:s24] =	ssyncadd.s32 $0xFFFFC000  }
0x164: {  	_ =	swait.ge [sflag:s25], $0x4000  }
0x165: {  	[sflag:s25] =	ssyncset.done $0x0  }
0x166: {  	s10 =	simm.s32 $0xA00;
	[sflag:s25] =	ssyncadd.s32 $0xFFFFC000  }
0x167: {  	[tilespmem:s16], [sflag:$0x1] =	stream.indirect.gather [hbm4b:s4+s22], $0x80, s10, s22, $0xb8;
	[tilespmem:$0x1D000] =	vst v63  }
0x168: {  	s10 =	simm.s32 $0xD80  }
0x169: {  	[spmem:s1] =	stream.indirect.scatter.add.f32 [tilespmem:s23], [sflag:$0x2], $0x80, s10, s22, $0xb8;
	[tilespmem:$0x1D000] =	vst v63  }
0x16a: {  	_ =	swait.ge [sflag:s24], $0x4000  }
0x16b: {  	[sflag:s24] =	ssyncset.done $0x0  }
0x16c: {  	[sflag:s24] =	ssyncadd.s32 $0xFFFFC000  }
0x16d: {  	_ =	swait.ge [sflag:s25], $0x4000  }
0x16e: {  	[sflag:s25] =	ssyncset.done $0x0  }
0x16f: {  	s10 =	simm.s32 $0xA80;
	[sflag:s25] =	ssyncadd.s32 $0xFFFFC000  }
0x170: {  	[tilespmem:s23], [sflag:$0x1] =	stream.indirect.gather [hbm4b:s4+s22], $0x80, s10, s22, $0xb8;
	[tilespmem:$0x1D000] =	vst v63  }
0x171: {  	s10 =	simm.s32 $0xE00  }
0x172: {  	[spmem:s1] =	stream.indirect.scatter.add.f32 [tilespmem:s16], [sflag:$0x2], $0x80, s10, s22, $0xb8;
	[tilespmem:$0x1D000] =	vst v63  }
0x173: {  	_ =	swait.ge [sflag:s24], $0x4000  }
0x174: {  	[sflag:s24] =	ssyncset.done $0x0  }
0x175: {  	[sflag:s24] =	ssyncadd.s32 $0xFFFFC000  }
0x176: {  	_ =	swait.ge [sflag:s25], $0x4000  }
0x177: {  	[sflag:s25] =	ssyncset.done $0x0  }
0x178: {  	s10 =	simm.s32 $0xB00;
	[sflag:s25] =	ssyncadd.s32 $0xFFFFC000  }
0x179: {  	[tilespmem:s16], [sflag:$0x1] =	stream.indirect.gather [hbm4b:s4+s22], $0x80, s10, s22, $0xb8;
	[tilespmem:$0x1D000] =	vst v63  }
0x17a: {  	_ = 	snop  }
0x17b: {  	[spmem:s1] =	stream.indirect.scatter.add.f32 [tilespmem:s23], [sflag:$0x2], $0x80, s17, s22, $0xb8;
	[tilespmem:$0x1D000] =	vst v63  }
0x17c: {  	_ =	swait.ge [sflag:s24], $0x4000  }
0x17d: {  	[sflag:s24] =	ssyncset.done $0x0  }
0x17e: {  	[sflag:s24] =	ssyncadd.s32 $0xFFFFC000  }
0x17f: {  	_ =	swait.ge [sflag:s25], $0x4000  }
0x180: {  	[sflag:s25] =	ssyncset.done $0x0  }
0x181: {  	[sflag:s25] =	ssyncadd.s32 $0xFFFFC000  }
0x182: {  	[tilespmem:s23], [sflag:$0x1] =	stream.indirect.gather [hbm4b:s4+s22], $0x80, s26, s22, $0xb8;
	[tilespmem:$0x1D000] =	vst v63  }
0x183: {  	_ = 	snop  }
0x184: {  	[spmem:s1] =	stream.indirect.scatter.add.f32 [tilespmem:s16], [sflag:$0x2], $0x80, s28, s22, $0xb8;
	[tilespmem:$0x1D000] =	vst v63  }
0x185: {  	_ =	swait.ge [sflag:s19], $0x400  }
0x186: {  	[sflag:s19] =	ssyncset.done $0x0  }
0x187: {  	[sflag:s19] =	ssyncadd.s32 $0xFFFFFC00  }
0x188: {  	_ =	swait.ge [sflag:s19], $0x400  }
0x189: {  	[sflag:s19] =	ssyncset.done $0x0  }
0x18a: {  	[sflag:s19] =	ssyncadd.s32 $0xFFFFFC00  }
0x18b: {  	_ =	swait.ge [sflag:s24], $0x4000  }
0x18c: {  	[sflag:s24] =	ssyncset.done $0x0  }
0x18d: {  	[sflag:s24] =	ssyncadd.s32 $0xFFFFC000  }
0x18e: {  	_ =	swait.ge [sflag:s25], $0x4000  }
0x18f: {  	[sflag:s25] =	ssyncset.done $0x0  }
0x190: {  	[sflag:s25] =	ssyncadd.s32 $0xFFFFC000  }
0x191: {  	[tilespmem:s16], [sflag:$0x1] =	stream.indirect.gather [hbm4b:s4+s22], $0x80, s3, s22, $0xb8;
	[tilespmem:$0x1D000] =	vst v63  }
0x192: {  	_ = 	snop  }
0x193: {  	[spmem:s1] =	stream.indirect.scatter.add.f32 [tilespmem:s23], [sflag:$0x2], $0x80, s29, s22, $0xb8;
	[tilespmem:$0x1D000] =	vst v63  }
0x194: {  	_ =	swait.ge [sflag:s24], $0x4000  }
0x195: {  	[sflag:s24] =	ssyncset.done $0x0  }
0x196: {  	[sflag:s24] =	ssyncadd.s32 $0xFFFFC000  }
0x197: {  	_ =	swait.ge [sflag:s25], $0x4000  }
0x198: {  	[sflag:s25] =	ssyncset.done $0x0  }
0x199: {  	[sflag:s25] =	ssyncadd.s32 $0xFFFFC000  }
0x19a: {  	[tilespmem:s23], [sflag:$0x1] =	stream.indirect.gather [hbm4b:s4+s22], $0x80, s22, s22, $0xb8;
	[tilespmem:$0x1D000] =	vst v63  }
0x19b: {  	s10 =	rddreg [dreg:$0x4]  }
0x19c: {  	[spmem:s1] =	stream.indirect.scatter.add.f32 [tilespmem:s16], [sflag:$0x2], $0x80, s18, s22, $0xb8;
	[tilespmem:$0x1D000] =	vst v63  }
0x19d: {  	s8 =	sadd.s32 s8, s10  }
0x19e: {  	[tilespmem:s20], [sflag:$0x3] =	stream.linear.gather [hbm4b:s8+s3], $0x400, $0x38;
	[tilespmem:$0x1D000] =	vst v63  }
0x19f: {  	s9 =	sadd.s32 $0x180, s9  }
0x1a0: {  	[tilespmem:s21], [sflag:$0x3] =	stream.linear.gather [hbm4b:s9+s3], $0x400, $0x38;
	[tilespmem:$0x1D000] =	vst v63  }
0x1a1: {  	_ =	swait.ge [sflag:s24], $0x4000  }
0x1a2: {  	[sflag:s24] =	ssyncset.done $0x0  }
0x1a3: {  	[sflag:s24] =	ssyncadd.s32 $0xFFFFC000  }
0x1a4: {  	_ =	swait.ge [sflag:s25], $0x4000  }
0x1a5: {  	[sflag:s25] =	ssyncset.done $0x0  }
0x1a6: {  	s10 =	simm.s32 $0x100;
	[sflag:s25] =	ssyncadd.s32 $0xFFFFC000  }
0x1a7: {  	[tilespmem:s16], [sflag:$0x1] =	stream.indirect.gather [hbm4b:s4+s22], $0x80, s10, s22, $0xb8;
	[tilespmem:$0x1D000] =	vst v63  }
0x1a8: {  	_ = 	snop  }
0x1a9: {  	[spmem:s1] =	stream.indirect.scatter.add.f32 [tilespmem:s23], [sflag:$0x2], $0x80, s30, s22, $0xb8;
	[tilespmem:$0x1D000] =	vst v63  }
0x1aa: {  	_ =	swait.ge [sflag:s24], $0x4000  }
0x1ab: {  	[sflag:s24] =	ssyncset.done $0x0  }
0x1ac: {  	[sflag:s24] =	ssyncadd.s32 $0xFFFFC000  }
0x1ad: {  	_ =	swait.ge [sflag:s25], $0x4000  }
0x1ae: {  	[sflag:s25] =	ssyncset.done $0x0  }
0x1af: {  	[sflag:s25] =	ssyncadd.s32 $0xFFFFC000  }
0x1b0: {  	[tilespmem:s23], [sflag:$0x1] =	stream.indirect.gather [hbm4b:s4+s22], $0x80, s31, s22, $0xb8;
	[tilespmem:$0x1D000] =	vst v63  }
0x1b1: {  	_ = 	snop  }
0x1b2: {  	[spmem:s1] =	stream.indirect.scatter.add.f32 [tilespmem:s16], [sflag:$0x2], $0x80, s0, s22, $0xb8;
	[tilespmem:$0x1D000] =	vst v63  }
0x1b3: {  	_ =	swait.ge [sflag:s24], $0x4000  }
0x1b4: {  	[sflag:s24] =	ssyncset.done $0x0  }
0x1b5: {  	[sflag:s24] =	ssyncadd.s32 $0xFFFFC000  }
0x1b6: {  	_ =	swait.ge [sflag:s25], $0x4000  }
0x1b7: {  	[sflag:s25] =	ssyncset.done $0x0  }
0x1b8: {  	[sflag:s25] =	ssyncadd.s32 $0xFFFFC000  }
0x1b9: {  	[tilespmem:s16], [sflag:$0x1] =	stream.indirect.gather [hbm4b:s4+s22], $0x80, s2, s22, $0xb8;
	[tilespmem:$0x1D000] =	vst v63  }
0x1ba: {  	_ = 	snop  }
0x1bb: {  	[spmem:s1] =	stream.indirect.scatter.add.f32 [tilespmem:s23], [sflag:$0x2], $0x80, s5, s22, $0xb8;
	[tilespmem:$0x1D000] =	vst v63  }
0x1bc: {  	_ =	swait.ge [sflag:s24], $0x4000  }
0x1bd: {  	[sflag:s24] =	ssyncset.done $0x0  }
0x1be: {  	[sflag:s24] =	ssyncadd.s32 $0xFFFFC000  }
0x1bf: {  	_ =	swait.ge [sflag:s25], $0x4000  }
0x1c0: {  	[sflag:s25] =	ssyncset.done $0x0  }
0x1c1: {  	[sflag:s25] =	ssyncadd.s32 $0xFFFFC000  }
0x1c2: {  	[tilespmem:s23], [sflag:$0x1] =	stream.indirect.gather [hbm4b:s4+s22], $0x80, s6, s22, $0xb8;
	[tilespmem:$0x1D000] =	vst v63  }
0x1c3: {  	_ = 	snop  }
0x1c4: {  	[spmem:s1] =	stream.indirect.scatter.add.f32 [tilespmem:s16], [sflag:$0x2], $0x80, s11, s22, $0xb8;
	[tilespmem:$0x1D000] =	vst v63  }
0x1c5: {  	_ =	swait.ge [sflag:s24], $0x4000  }
0x1c6: {  	[sflag:s24] =	ssyncset.done $0x0  }
0x1c7: {  	[sflag:s24] =	ssyncadd.s32 $0xFFFFC000  }
0x1c8: {  	_ =	swait.ge [sflag:s25], $0x4000  }
0x1c9: {  	[sflag:s25] =	ssyncset.done $0x0  }
0x1ca: {  	[sflag:s25] =	ssyncadd.s32 $0xFFFFC000  }
0x1cb: {  	[tilespmem:s16], [sflag:$0x1] =	stream.indirect.gather [hbm4b:s4+s22], $0x80, s12, s22, $0xb8;
	[tilespmem:$0x1D000] =	vst v63  }
0x1cc: {  	_ = 	snop  }
0x1cd: {  	[spmem:s1] =	stream.indirect.scatter.add.f32 [tilespmem:s23], [sflag:$0x2], $0x80, s13, s22, $0xb8;
	[tilespmem:$0x1D000] =	vst v63  }
0x1ce: {  	_ =	swait.ge [sflag:s24], $0x4000  }
0x1cf: {  	[sflag:s24] =	ssyncset.done $0x0  }
0x1d0: {  	[sflag:s24] =	ssyncadd.s32 $0xFFFFC000  }
0x1d1: {  	_ =	swait.ge [sflag:s25], $0x4000  }
0x1d2: {  	[sflag:s25] =	ssyncset.done $0x0  }
0x1d3: {  	[sflag:s25] =	ssyncadd.s32 $0xFFFFC000  }
0x1d4: {  	[tilespmem:s23], [sflag:$0x1] =	stream.indirect.gather [hbm4b:s4+s22], $0x80, s14, s22, $0xb8;
	[tilespmem:$0x1D000] =	vst v63  }
0x1d5: {  	_ = 	snop  }
0x1d6: {  	[spmem:s1] =	stream.indirect.scatter.add.f32 [tilespmem:s16], [sflag:$0x2], $0x80, s15, s22, $0xb8;
	[tilespmem:$0x1D000] =	vst v63  }
0x1d7: {  	_ =	swait.ge [sflag:s19], $0x400  }
0x1d8: {  	[sflag:s19] =	ssyncset.done $0x0  }
0x1d9: {  	[sflag:s19] =	ssyncadd.s32 $0xFFFFFC00  }
0x1da: {  	_ =	swait.ge [sflag:s19], $0x400  }
0x1db: {  	[sflag:s19] =	ssyncset.done $0x0  }
0x1dc: {  	[sflag:s19] =	ssyncadd.s32 $0xFFFFFC00  }
0x1dd: {  	_ =	swait.ge [sflag:s24], $0x4000  }
0x1de: {  	p0 =	sne.s32 s7, $0x300;
	[sflag:s24] =	ssyncset.done $0x0  }
.Ltmp1:
0x1df: {  	[sflag:s24] =	ssyncadd.s32 $0xFFFFC000;
	(pc) =	sbr.rel @p0 .LBB2_4-.Ltmp1, $4  }
0x1e0: {  	_ =	swait.ge [sflag:s25], $0x4000  }
0x1e1: {  	[sflag:s25] =	ssyncset.done $0x0  }
0x1e2: {  	s7 =	sadd.s32 $0x100, s7;
	s9 =	simm.s32 $0x780;
	[sflag:s25] =	ssyncadd.s32 $0xFFFFC000  }
0x1e3: {  	[tilespmem:s16], [sflag:$0x1] =	stream.indirect.gather [hbm4b:s4+s22], $0x80, s20, s22, $0xb8;
	[tilespmem:$0x1D000] =	vst v63  }
0x1e4: {  	[spmem:s1] =	stream.indirect.scatter.add.f32 [tilespmem:s23], [sflag:$0x2], $0x80, s9, s22, $0xb8;
	[tilespmem:$0x1D000] =	vst v63  }
0x1e5: {  	_ =	swait.ge [sflag:s24], $0x4000  }
0x1e6: {  	[sflag:s24] =	ssyncset.done $0x0  }
0x1e7: {  	[sflag:s24] =	ssyncadd.s32 $0xFFFFC000  }
0x1e8: {  	_ =	swait.ge [sflag:s25], $0x4000  }
0x1e9: {  	[sflag:s25] =	ssyncset.done $0x0  }
0x1ea: {  	s0 =	simm.s32 $0x880;
	[sflag:s25] =	ssyncadd.s32 $0xFFFFC000  }
0x1eb: {  	[tilespmem:s23], [sflag:$0x1] =	stream.indirect.gather [hbm4b:s4+s22], $0x80, s0, s22, $0xb8;
	[tilespmem:$0x1D000] =	vst v63  }
0x1ec: {  	_ = 	snop  }
0x1ed: {  	[spmem:s1] =	stream.indirect.scatter.add.f32 [tilespmem:s16], [sflag:$0x2], $0x80, s21, s22, $0xb8;
	[tilespmem:$0x1D000] =	vst v63  }
0x1ee: {  	_ =	swait.ge [sflag:s24], $0x4000  }
0x1ef: {  	[sflag:s24] =	ssyncset.done $0x0  }
0x1f0: {  	[sflag:s24] =	ssyncadd.s32 $0xFFFFC000  }
0x1f1: {  	_ =	swait.ge [sflag:s25], $0x4000  }
0x1f2: {  	[sflag:s25] =	ssyncset.done $0x0  }
0x1f3: {  	s15 =	simm.s32 $0x900;
	[sflag:s25] =	ssyncadd.s32 $0xFFFFC000  }
0x1f4: {  	[tilespmem:s16], [sflag:$0x1] =	stream.indirect.gather [hbm4b:s4+s22], $0x80, s15, s22, $0xb8;
	[tilespmem:$0x1D000] =	vst v63  }
0x1f5: {  	s2 =	simm.s32 $0xC80  }
0x1f6: {  	[spmem:s1] =	stream.indirect.scatter.add.f32 [tilespmem:s23], [sflag:$0x2], $0x80, s2, s22, $0xb8;
	[tilespmem:$0x1D000] =	vst v63  }
0x1f7: {  	_ =	swait.ge [sflag:s24], $0x4000  }
0x1f8: {  	[sflag:s24] =	ssyncset.done $0x0  }
0x1f9: {  	[sflag:s24] =	ssyncadd.s32 $0xFFFFC000  }
0x1fa: {  	_ =	swait.ge [sflag:s25], $0x4000  }
0x1fb: {  	[sflag:s25] =	ssyncset.done $0x0  }
0x1fc: {  	s5 =	simm.s32 $0x980;
	[sflag:s25] =	ssyncadd.s32 $0xFFFFC000  }
0x1fd: {  	[tilespmem:s23], [sflag:$0x1] =	stream.indirect.gather [hbm4b:s4+s22], $0x80, s5, s22, $0xb8;
	[tilespmem:$0x1D000] =	vst v63  }
0x1fe: {  	s6 =	simm.s32 $0xD00  }
0x1ff: {  	[spmem:s1] =	stream.indirect.scatter.add.f32 [tilespmem:s16], [sflag:$0x2], $0x80, s6, s22, $0xb8;
	[tilespmem:$0x1D000] =	vst v63  }
0x200: {  	_ =	swait.ge [sflag:s24], $0x4000  }
0x201: {  	[sflag:s24] =	ssyncset.done $0x0  }
0x202: {  	[sflag:s24] =	ssyncadd.s32 $0xFFFFC000  }
0x203: {  	_ =	swait.ge [sflag:s25], $0x4000  }
0x204: {  	[sflag:s25] =	ssyncset.done $0x0  }
0x205: {  	s7 =	simm.s32 $0xA00;
	[sflag:s25] =	ssyncadd.s32 $0xFFFFC000  }
0x206: {  	[tilespmem:s16], [sflag:$0x1] =	stream.indirect.gather [hbm4b:s4+s22], $0x80, s7, s22, $0xb8;
	[tilespmem:$0x1D000] =	vst v63  }
0x207: {  	s8 =	simm.s32 $0xD80  }
0x208: {  	[spmem:s1] =	stream.indirect.scatter.add.f32 [tilespmem:s23], [sflag:$0x2], $0x80, s8, s22, $0xb8;
	[tilespmem:$0x1D000] =	vst v63  }
0x209: {  	_ =	swait.ge [sflag:s24], $0x4000  }
0x20a: {  	[sflag:s24] =	ssyncset.done $0x0  }
0x20b: {  	[sflag:s24] =	ssyncadd.s32 $0xFFFFC000  }
0x20c: {  	_ =	swait.ge [sflag:s25], $0x4000  }
0x20d: {  	[sflag:s25] =	ssyncset.done $0x0  }
0x20e: {  	s9 =	simm.s32 $0xA80;
	[sflag:s25] =	ssyncadd.s32 $0xFFFFC000  }
0x20f: {  	[tilespmem:s23], [sflag:$0x1] =	stream.indirect.gather [hbm4b:s4+s22], $0x80, s9, s22, $0xb8;
	[tilespmem:$0x1D000] =	vst v63  }
0x210: {  	s11 =	simm.s32 $0xE00  }
0x211: {  	[spmem:s1] =	stream.indirect.scatter.add.f32 [tilespmem:s16], [sflag:$0x2], $0x80, s11, s22, $0xb8;
	[tilespmem:$0x1D000] =	vst v63  }
0x212: {  	_ =	swait.ge [sflag:s24], $0x4000  }
0x213: {  	[sflag:s24] =	ssyncset.done $0x0  }
0x214: {  	[sflag:s24] =	ssyncadd.s32 $0xFFFFC000  }
0x215: {  	_ =	swait.ge [sflag:s25], $0x4000  }
0x216: {  	[sflag:s25] =	ssyncset.done $0x0  }
0x217: {  	s12 =	simm.s32 $0xB00;
	[sflag:s25] =	ssyncadd.s32 $0xFFFFC000  }
0x218: {  	[tilespmem:s16], [sflag:$0x1] =	stream.indirect.gather [hbm4b:s4+s22], $0x80, s12, s22, $0xb8;
	[tilespmem:$0x1D000] =	vst v63  }
0x219: {  	_ = 	snop  }
0x21a: {  	[spmem:s1] =	stream.indirect.scatter.add.f32 [tilespmem:s23], [sflag:$0x2], $0x80, s17, s22, $0xb8;
	[tilespmem:$0x1D000] =	vst v63  }
0x21b: {  	_ =	swait.ge [sflag:s24], $0x4000  }
0x21c: {  	[sflag:s24] =	ssyncset.done $0x0  }
0x21d: {  	[sflag:s24] =	ssyncadd.s32 $0xFFFFC000  }
0x21e: {  	_ =	swait.ge [sflag:s25], $0x4000  }
0x21f: {  	[sflag:s25] =	ssyncset.done $0x0  }
0x220: {  	[sflag:s25] =	ssyncadd.s32 $0xFFFFC000  }
0x221: {  	[tilespmem:s23], [sflag:$0x1] =	stream.indirect.gather [hbm4b:s4+s22], $0x80, s26, s22, $0xb8;
	[tilespmem:$0x1D000] =	vst v63  }
0x222: {  	_ = 	snop  }
0x223: {  	[spmem:s1] =	stream.indirect.scatter.add.f32 [tilespmem:s16], [sflag:$0x2], $0x80, s28, s22, $0xb8;
	[tilespmem:$0x1D000] =	vst v63  }
0x224: {  	_ =	swait.ge [sflag:s24], $0x4000  }
0x225: {  	[sflag:s24] =	ssyncset.done $0x0  }
0x226: {  	[sflag:s24] =	ssyncadd.s32 $0xFFFFC000  }
0x227: {  	[spmem:s1] =	stream.indirect.scatter.add.f32 [tilespmem:s23], [sflag:$0x2], $0x80, s29, s22, $0xb8;
	[tilespmem:$0x1D000] =	vst v63  }
0x228: {  	_ =	swait.ge [sflag:s25], $0x4000  }
0x229: {  	[sflag:s25] =	ssyncset.done $0x0  }
0x22a: {  	[sflag:s25] =	ssyncadd.s32 $0xFFFFC000  }
0x22b: {  	_ =	swait.ge [sflag:s25], $0x4000  }
0x22c: {  	[sflag:s25] =	ssyncset.done $0x0  }
0x22d: {  	s7 =	stileid.u32;
	[sflag:s25] =	ssyncadd.s32 $0xFFFFC000  }
0x22e: {  	s7 =	sshll.u32 s7, $0x6;
	[bflag:$0x0] =	sbarrier.arrive $0xFFFF  }
0x22f: {  	s7 =	sor.u32 $0x1C04, s7;
	s8 =	rddreg [dreg:$0x6]  }
0x230: {  	s9 =	simm.s32 $0x4;
	s13 =	rddreg [dreg:$0xf];
	s8 =	sshrl.u32 s8, $0x3  }
0x231: {  	[hbm:s13], [sflag:s7] =	dma.local [spmem:s8], $0x2800  }
0x232: {  	_ =	swait.ge [sflag:s9], $0x2800  }
0x233: {  	s14 =	rddreg [dreg:$0x11]  }
0x234: {  	s15 =	rddreg [dreg:$0x10];
	s0 =	sadd.s32 $0x1, s14  }
0x235: {  	p0 =	sne.s32 s0, s15  }
.Ltmp2:
0x236: {  	_ = 	snop;
	(pc) =	sbr.rel @p0 .LBB2_1-.Ltmp2, $3  }
0x237: {  	_ =	sdelay $0x1  }
0x238: {  	[sflag:s9] =	ssyncset.done $0x0  }
0x239: {  	[sflag:s9] =	ssyncadd.s32 $0xFFFFD800  }
0x23a: {  	_ =	sfence.sel $0x180000  }
0x23b: {  	[bflag:$0x0] =	sbarrier.arrive $0xFFFF  }
0x23c: {  	_ =	strace $0x9000004A  }
0x23d: {  	s0 =	stileid.u32;
	[bflag:$0x2] =	sbarrier.arrive $0xFFFF  }
0x23e: {  	p0 =	sne.s32 s0, $0x0;
	s0 =	rddreg [dreg:$0x2]  }
0x23f: {  	s0 =	sadd.s32 @!p0 $0x100000, s0  }
0x240: {  	[sflag:s0] =	ssyncadd.tile.s32 @!p0 $0x1;
	_ =	shalt  }
.Lfunc_end2:
_tile_overlayer_lowered:
.L_overlay_start_2:
0x241: {  	(tag) =	ssettag $0x2  }
0x242: {  	s0 =	rddreg [dreg:$0x0];
	s2 =	stileid.u32  }
0x243: {  	s1 =	rddreg [dreg:$0x1];
	p0 =	sne.s32 s2, $0x0  }
0x244: {  	s3 =	rddreg [dreg:$0x2];
	[bflag:$0x3] =	sbarrier.arrive $0xFFFF;
	s2 =	simm.s32 @!p0 $0x1C04  }
0x245: {  	[timem:s3], [sflag:s2] =	dma.local @!p0 [hbm:s0], s1  }
0x246: {  	s0 =	simm.s32 @!p0 $0x4  }
0x247: {  	_ =	swait.ge @!p0 [sflag:s0], s1  }
0x248: {  	s1 =	ssub.s32 @!p0 $0x0, s1;
	[sflag:s0] =	ssyncset.done @!p0 $0x0  }
0x249: {  	[sflag:s0] =	ssyncadd.s32 @!p0 s1  }
0x24a: {  	[bflag:$0x3] =	sbarrier.arrive $0xFFFF  }
0x24b: {  	_ =	shalt  }

// kernel: kernel.14.cloned.1.call-start
scs
__scs_entry_jumppad:
0x0: {  	(pc) =	sbr.rel $0x88, $3  }
0x1: {  	(tag) =	ssettag $0x0;
	lr =	simm.s32 $0x1  }
0x2: {  	[smem:$0x3F9B] =	sst lr;
	_ =	strace $0xD0000000  }
0x3: {  	_ = 	snop  }
0x4: {  	_ = 	snop  }
0x5: {  	_ = 	snop  }
0x6: {  	_ = 	snop  }
0x7: {  	_ = 	snop  }
__scs_overlays_trampoline_lowered:
0x8: {  	[smem:$0x3FAA] =	sst s0  }
0x9: {  	[smem:$0x3FAB] =	sst s1  }
0xa: {  	[smem:$0x3FAC] =	sst s2  }
0xb: {  	[smem:$0x3FAD] =	sst s3  }
0xc: {  	[smem:$0x3FAE] =	sst s4  }
0xd: {  	[smem:$0x3FAF] =	sst s5  }
0xe: {  	[smem:$0x3FB0] =	sst s6  }
0xf: {  	[smem:$0x3FB1] =	sst s7  }
0x10: {  	[smem:$0x3FB2] =	sst s8  }
0x11: {  	[smem:$0x3FB3] =	sst s9;
	s0 =	simm.s32 @!p0 $0x0  }
0x12: {  	s1 =	sld [smem:$0x3F99];
	s0 =	simm.s32 @p0 $0x1  }
0x13: {  	[smem:$0x3FB4] =	sst s0;
	s0 =	simm.s32 @!p1 $0x0  }
0x14: {  	s2 =	sld [smem:$0x3F98];
	s0 =	simm.s32 @p1 $0x1  }
0x15: {  	[smem:$0x3FB5] =	sst s0;
	s0 =	simm.s32 @!p2 $0x0  }
0x16: {  	s3 =	sld [smem:$0x3FDB];
	s0 =	simm.s32 @p2 $0x1  }
0x17: {  	s4 =	simm.s32 $0x1BF5;
	[smem:$0x3FB7] =	sst s0  }
0x18: {  	s0 =	sld [smem:$0x3F9A];
	_ =	swait.ge [sflag:s4], $0x0  }
0x19: {  	s7 =	sld [smem:$0x3F9B]  }
0x1a: {  	s8 =	sadd.s32 $0xFFFFE003, lr  }
0x1b: {  	s9 =	sadd.s32 $0xFFFFFEF7, lr;
	s5 =	simm.s32 $0xFFFFFFFF;
	p2 =	slt.u32 s8, $0xFFFFF086  }
0x1c: {  	p1 =	slt.u32 s9, $0xF7A;
	s5 =	simm.s32 @!p2 $0x0  }
0x1d: {  	s5 =	simm.s32 @p1 $0x1;
	p0 =	seq.s32 s7, s2  }
0x1e: {  	s7 =	smul.u32 @!p0 $0xF7A, s2;
	p2 =	seq.s32 @!p0 s5, $0x0  }
0x1f: {  	s9 =	smul.u32 $0xF7A, s1;
	s8 =	simm.s32 @!p0 $0x1BF5;
	p2 =	por !p2, p0  }
0x20: {  	[sflag:s8] =	ssyncset.s32 @!p0 $0xFFFFF086;
	s6 =	sadd.s32 @!p0 s3, s7;
	s7 =	simm.s32 @!p0 $0x108  }
0x21: {  	s3 =	sadd.s32 s3, s9;
	s6 =	sadd.s32 @!p0 $0x88, s6;
	s7 =	simm.s32 @p2 $0x1082  }
0x22: {  	[simem:s7], [sflag:s8] =	dma.local @!p0 [hbm:s6], $0xF7A  }
0x23: {  	s9 =	sor.u32 $0xD0000000, s2;
	s6 =	simm.s32 $0x108;
	_ =	swait.ge @!p0 [sflag:s8], $0x0  }
0x24: {  	s3 =	sadd.s32 $0x88, s3;
	s6 =	simm.s32 @!p1 $0x1082;
	[sflag:s4] =	ssyncset.s32 $0xFFFFF086  }
0x25: {  	[simem:s6], [sflag:s4] =	dma.local [hbm:s3], $0xF7A  }
0x26: {  	[smem:$0x3F9B] =	sst s1;
	(tag) =	ssettag s2;
	_ =	strace s9  }
0x27: {  	s1 =	sld [smem:$0x3FAB]  }
0x28: {  	s2 =	sld [smem:$0x3FAC]  }
0x29: {  	s4 =	sld [smem:$0x3FAE]  }
0x2a: {  	p0 =	seq.s32 s5, $0x0;
	s5 =	sld [smem:$0x3FAF]  }
0x2b: {  	s6 =	sld [smem:$0x3FB0]  }
0x2c: {  	s7 =	sld [smem:$0x3FB1]  }
0x2d: {  	s3 =	simm.s32 $0x108;
	s8 =	sld [smem:$0x3FB2]  }
0x2e: {  	s3 =	simm.s32 @!p0 $0x1082;
	s9 =	sld [smem:$0x3FB3]  }
0x2f: {  	lr =	sadd.s32 s0, s3;
	s0 =	sld [smem:$0x3FAA]  }
0x30: {  	s3 =	sld [smem:$0x3FAD]  }
0x31: {  	[smem:$0x3FB6] =	sst s10  }
0x32: {  	s10 =	sld [smem:$0x3FB4];
	_ =	sdelay $0x3  }
0x33: {  	p0 =	seq.s32 s10, $0x1;
	s10 =	sld [smem:$0x3FB6];
	_ =	sdelay $0x3  }
0x34: {  	[smem:$0x3FB6] =	sst s10  }
0x35: {  	s10 =	sld [smem:$0x3FB5];
	_ =	sdelay $0x3  }
0x36: {  	p1 =	seq.s32 s10, $0x1;
	s10 =	sld [smem:$0x3FB6];
	_ =	sdelay $0x3  }
0x37: {  	[smem:$0x3FB6] =	sst s10  }
0x38: {  	s10 =	sld [smem:$0x3FB7]  }
0x39: {  	_ = 	snop;
	(pc) =	sbr.ind lr, $3  }
0x3a: {  	_ = 	snop  }
0x3b: {  	_ = 	snop  }
0x3c: {  	p2 =	seq.s32 s10, $0x1;
	s10 =	sld [smem:$0x3FB6]  }
0x3d: {  	_ =	shalt  }
0x3e: {  	_ =	shalt  }
0x3f: {  	_ =	shalt  }
0x40: {  	_ =	shalt  }
0x41: {  	_ =	shalt  }
0x42: {  	_ =	shalt  }
0x43: {  	_ =	shalt  }
0x44: {  	_ =	shalt  }
0x45: {  	_ =	shalt  }
0x46: {  	_ =	shalt  }
0x47: {  	_ =	shalt  }
0x48: {  	_ =	shalt  }
0x49: {  	_ =	shalt  }
0x4a: {  	_ =	shalt  }
0x4b: {  	_ =	shalt  }
0x4c: {  	_ =	shalt  }
0x4d: {  	_ =	shalt  }
0x4e: {  	_ =	shalt  }
0x4f: {  	_ =	shalt  }
0x50: {  	_ =	shalt  }
0x51: {  	_ =	shalt  }
0x52: {  	_ =	shalt  }
0x53: {  	_ =	shalt  }
0x54: {  	_ =	shalt  }
0x55: {  	_ =	shalt  }
0x56: {  	_ =	shalt  }
0x57: {  	_ =	shalt  }
0x58: {  	_ =	shalt  }
0x59: {  	_ =	shalt  }
0x5a: {  	_ =	shalt  }
0x5b: {  	_ =	shalt  }
0x5c: {  	_ =	shalt  }
0x5d: {  	_ =	shalt  }
0x5e: {  	_ =	shalt  }
0x5f: {  	_ =	shalt  }
0x60: {  	_ =	shalt  }
0x61: {  	_ =	shalt  }
0x62: {  	_ =	shalt  }
0x63: {  	_ =	shalt  }
0x64: {  	_ =	shalt  }
0x65: {  	_ =	shalt  }
0x66: {  	_ =	shalt  }
0x67: {  	_ =	shalt  }
0x68: {  	_ =	shalt  }
0x69: {  	_ =	shalt  }
0x6a: {  	_ =	shalt  }
0x6b: {  	_ =	shalt  }
0x6c: {  	_ =	shalt  }
0x6d: {  	_ =	shalt  }
0x6e: {  	_ =	shalt  }
0x6f: {  	_ =	shalt  }
0x70: {  	_ =	shalt  }
0x71: {  	_ =	shalt  }
0x72: {  	_ =	shalt  }
0x73: {  	_ =	shalt  }
0x74: {  	_ =	shalt  }
0x75: {  	_ =	shalt  }
0x76: {  	_ =	shalt  }
0x77: {  	_ =	shalt  }
0x78: {  	_ =	shalt  }
0x79: {  	_ =	shalt  }
0x7a: {  	_ =	shalt  }
0x7b: {  	_ =	shalt  }
0x7c: {  	_ =	shalt  }
0x7d: {  	_ =	shalt  }
0x7e: {  	_ =	shalt  }
0x7f: {  	_ =	shalt  }
0x80: {  	_ =	shalt  }
0x81: {  	_ =	shalt  }
0x82: {  	_ =	shalt  }
0x83: {  	_ =	shalt  }
0x84: {  	_ =	shalt  }
0x85: {  	_ =	shalt  }
0x86: {  	_ =	shalt  }
0x87: {  	_ =	shalt  }
.Lfunc_end0:
.L_simem_size_0:
called_computation.2_lowered:
.L_overlay_start_0:
0x88: {  	s2 =	sld [smem:$0x3FD9]  }
0x89: {  	s3 =	sld [smem:$0x3FFE];
	_ =	sdelay $0x1  }
0x8a: {  	s1 =	srdreg.scid  }
0x8b: {  	s0 =	sand.u32 $0x1, s1  }
0x8c: {  	s16 =	sshll.u32 s0, $0xA;
	s2 =	sadd.s32 s3, s2  }
0x8d: {  	s2 =	sadd.s32 s2, s16  }
0x8e: {  	[smem:$0x3FC2] =	sst s2  }
0x8f: {  	_ = 	snop  }
0x90: {  	(tm) =	ssettm $0x1  }
0x91: {  	s17 =	sld [smem:$0x3FFB];
	_ =	sdelay $0x3  }
0x92: {  	_ =	strace s17  }
0x93: {  	s2 =	sld [smem:$0x3FFC];
	_ =	sdelay $0x3  }
0x94: {  	_ =	strace s2  }
0x95: {  	s2 =	sld [smem:$0x3FFD];
	_ =	sdelay $0x3  }
0x96: {  	_ =	strace s2  }
0x97: {  	_ =	strace $0x8FFFFFFF  }
0x98: {  	s18 =	sld [smem:$0x3FDB];
	_ =	sdelay $0x1  }
0x99: {  	s19 =	simm.s32 $_scs_section_size  }
0x9a: {  	s4 =	simm.s32 $_size__tile_overlayer_lowered;
	s5 =	simm.s32 $_tile_overlayer_lowered  }
0x9b: {  	s22 =	simm.s32 $0x1BFF;
	s21 =	sshll.u32 s5, $0x1;
	s2 =	sadd.s32 s19, s18  }
0x9c: {  	s6 =	simm.s32 $0x0;
	s20 =	sshll.u32 s4, $0x1;
	s4 =	sadd.s32 s21, s2  }
0x9d: {  	[timem:s6], [sflag:s22] =	dma.local [hbm:s4], s20  }
0x9e: {  	_ =	swait.ge [sflag:s22], s20  }
0x9f: {  	s3 =	ssub.s32 $0x0, s20;
	[sflag:s22] =	ssyncset.done $0x0  }
0xa0: {  	[sflag:s22] =	ssyncadd.s32 s3;
	_ =	sdelay $0x1  }
0xa1: {  	s23 =	simm.s32 $0x1B8B  }
0xa2: {  	_ =	swait.ge [sflag:s23], $0x1  }
0xa3: {  	[sflag:s23] =	ssyncset.done $0x0  }
0xa4: {  	s25 =	simm.s32 $0x1B8E;
	s24 =	sld [smem:$0x3FFE];
	[sflag:s23] =	ssyncadd.s32 $0xFFFFFFFF  }
0xa5: {  	s26 =	simm.s32 $execute0_lowered;
	[smem:$0x3FD2] =	sst s25  }
0xa6: {  	s4 =	sshll.u32 s26, $0x1;
	_ =	strace $0x8000004C;
	[dreg:$0x1] =	wrdreg $0xFFFFFFFF  }
0xa7: {  	s28 =	simm.s32 $_size_execute0_lowered;
	s2 =	sadd.s32 s2, s4;
	[dreg:$0x0] =	wrdreg $0x0  }
0xa8: {  	s4 =	sshll.u32 s28, $0x1;
	[dreg:$0x2] =	wrdreg s2  }
0xa9: {  	[dreg:$0x3] =	wrdreg s4  }
0xaa: {  	[dreg:$0x4] =	wrdreg $0xC0  }
0xab: {  	_ =	task [dreg:s6], $0x5FFFF  }
0xac: {  	[dreg:$0x1] =	wrdreg $0xFFFFFFFF  }
0xad: {  	[dreg:$0x0] =	wrdreg $0x60  }
0xae: {  	[dreg:$0x2] =	wrdreg s24  }
0xaf: {  	[dreg:$0x3] =	wrdreg $0x90000  }
0xb0: {  	[dreg:$0x4] =	wrdreg $0x9  }
0xb1: {  	_ =	task.clear_ibuf [dreg:s6], $0x5FFFF;
	_ =	strace $0x9000004C  }
0xb2: {  	s29 =	simm.s32 $0x9;
	_ =	strace $0x8000004E  }
0xb3: {  	_ =	swait.ge [sflag:s29], $0x1  }
0xb4: {  	[sflag:s29] =	ssyncadd.s32 $0xFFFFFFFF  }
0xb5: {  	_ =	strace $0x9000004E  }
0xb6: {  	_ =	sfence  }
0xb7: {  	s30 =	sld [smem:$0x0];
	_ =	sdelay $0x2  }
0xb8: {  	s31 =	sshll.u32 s1, $0xD;
	s1 =	sshrl.u32 s1, $0x2  }
0xb9: {  	s3 =	sand.u32 $0x4000, s31;
	s1 =	sadd.s32 s1, s30  }
0xba: {  	s0 =	sor.u32 s3, s0;
	s1 =	sshll.u32 s1, $0x11  }
0xbb: {  	s0 =	sor.u32 s1, s0  }
0xbc: {  	s0 =	sadd.s32 $0x8F2B, s0  }
0xbd: {  	[sflag:s0] =	ssyncadd.remote.s32 $0x1  }
0xbe: {  	_ =	sfence.sel $0xFFFF  }
0xbf: {  	[dreg:$0x0] =	wrdreg $0xFFFFFFFF;
	(pc) =	sbr.abs _section_cstart, $3  }
0xc0: {  	[dreg:$0x1] =	wrdreg $0xFFFFFFFF  }
0xc1: {  	_ =	task.clear_ibuf [dreg:s6], $0x2FFFF;
	_ =	strace $0x9FFFFFFF  }
0xc2: {  	(tm) =	ssettm $0x7FFFFFFF  }
0xc3: {  	_ =	shalt  }
tec
execute0_lowered:
.L_overlay_start_1:
0x0: {  	(tag) =	ssettag $0x1  }
0x1: {  	s0 =	rddreg [dreg:$0x0]  }
0x2: {  	s2 =	srdreg.scid;
	s9 =	stileid.u32  }
0x3: {  	s1 =	rddreg [dreg:$0x1];
	s3 =	simm.s32 $0x0;
	s6 =	smul.u32 $0x14000, s9  }
0x4: {  	s16 =	simm.s32 $0x1000;
	s14 =	simm.s32 $0x4;
	s19 =	smul.u32 $0x50000, s9  }
0x5: {  	s18 =	simm.s32 $0x400;
	s2 =	sand.u32 $0x1, s2;
	s22 =	smul.u32 $0xA00, s9  }
0x6: {  	s15 =	simm.s32 $0x580;
	[smem:$0x7FF] =	sst s3;
	s4 =	smul.u32 $0x28000, s2  }
0x7: {  	s7 =	sadd.s32 $0xC600, s0;
	s8 =	sadd.s32 $0x2600, s0;
	s5 =	smul.u32 $0x140000, s2  }
0x8: {  	_ =	strace $0x8000004D;
	s2 =	ssub.s32 $0x2, s2;
	s20 =	sshrl.u32 s19, $0x2  }
0x9: {  	s21 =	sshrl.u32 s2, $0x1;
	s28 =	sor.u32 $0x80, s22;
	s9 =	sadd.s32 s7, s22  }
0xa: {  	s10 =	sadd.s32 s8, s22;
	s19 =	simm.s32 $0x3;
	s29 =	sadd.s32 s7, s28  }
0xb: {  	s22 =	simm.s32 $0x80;
	s30 =	sadd.s32 s8, s28;
	[dreg:$0x8] =	wrdreg s29  }
0xc: {  	s4 =	sadd.s32 s4, s0;
	s12 =	sadd.s32 s20, s1;
	[dreg:$0x9] =	wrdreg s30  }
0xd: {  	s5 =	sadd.s32 s6, s5;
	s23 =	sadd.s32 $0x4000, s12;
	[dreg:$0x3] =	wrdreg s12  }
0xe: {  	s2 =	ssub.s32 s2, s21;
	s24 =	sadd.s32 $0x8000, s12;
	[dreg:$0x4] =	wrdreg s23  }
0xf: {  	s20 =	simm.s32 $0x800;
	s25 =	sadd.s32 $0xC000, s12;
	[dreg:$0x5] =	wrdreg s24  }
0x10: {  	s21 =	simm.s32 $0xC00;
	s26 =	sadd.s32 $0x10000, s12;
	[dreg:$0x6] =	wrdreg s25  }
0x11: {  	s5 =	sshrl.u32 s5, $0x3;
	s31 =	smax.u32 s2, $0x1;
	[dreg:$0x7] =	wrdreg s26  }
0x12: {  	s13 =	sadd.s32 $0x16600, s4;
	s0 =	sadd.s32 s5, s0;
	[dreg:$0xb] =	wrdreg s31  }
0x13: {  	s23 =	simm.s32 $0x5000;
	s24 =	simm.s32 $0x1;
	s0 =	sadd.s32 $0x66600, s0  }
0x14: {  	v0 =	vimm.f32 $0.0e+00;
	s25 =	simm.s32 $0x2;
	[dreg:$0xa] =	wrdreg s0;
	s0 =	simm.s32 $0x0  }
.LBB2_1:
0x15: {  	[dreg:$0xc] =	wrdreg s0;
	s8 =	simm.s32 $0x0;
	s11 =	simm.s32 $0x200  }
.LBB2_2:
0x16: {  	p0 =	sne.s32 s11, $0xFE00;
	[tilespmem:s8+$0x1070] =	vst v0  }
0x17: {  	[tilespmem:s8+$0x1000] =	vst v0  }
0x18: {  	[tilespmem:s8+$0x1010] =	vst v0  }
.Ltmp0:
0x19: {  	[tilespmem:s8+$0x1020] =	vst v0;
	(pc) =	sbr.rel @p0 .LBB2_2-.Ltmp0, $4  }
0x1a: {  	[tilespmem:s8+$0x1030] =	vst v0  }
0x1b: {  	[tilespmem:s8+$0x1040] =	vst v0  }
0x1c: {  	[tilespmem:s8+$0x1050] =	vst v0  }
0x1d: {  	[tilespmem:s8+$0x1060] =	vst v0;
	s8 =	sshra.s32 s11, $0x2;
	s11 =	sadd.s32 $0x200, s11  }
0x1e: {  	[tilespmem:s8+$0x1070] =	vst v0  }
0x1f: {  	[tilespmem:s8+$0x1000] =	vst v0  }
0x20: {  	[tilespmem:s8+$0x1010] =	vst v0  }
0x21: {  	[tilespmem:s8+$0x1020] =	vst v0  }
0x22: {  	[tilespmem:s8+$0x1030] =	vst v0  }
0x23: {  	[tilespmem:s8+$0x1040] =	vst v0  }
0x24: {  	[tilespmem:s8+$0x1050] =	vst v0  }
0x25: {  	[tilespmem:s8+$0x1060] =	vst v0  }
0x26: {  	[spmem:s12] =	stream.linear.scatter [tilespmem:s16], [sflag:$0x4], $0x4000, $0x38;
	[tilespmem:$0x1D000] =	vst v63  }
0x27: {  	_ =	swait.ge [sflag:s14], $0x4000  }
0x28: {  	[sflag:s14] =	ssyncset.done $0x0  }
0x29: {  	s2 =	rddreg [dreg:$0x4];
	[sflag:s14] =	ssyncadd.s32 $0xFFFFC000  }
0x2a: {  	[spmem:s2] =	stream.linear.scatter [tilespmem:s16], [sflag:$0x4], $0x4000, $0x38;
	[tilespmem:$0x1D000] =	vst v63  }
0x2b: {  	_ =	swait.ge [sflag:s14], $0x4000  }
0x2c: {  	[sflag:s14] =	ssyncset.done $0x0  }
0x2d: {  	s4 =	rddreg [dreg:$0x5];
	[sflag:s14] =	ssyncadd.s32 $0xFFFFC000  }
0x2e: {  	[spmem:s4] =	stream.linear.scatter [tilespmem:s16], [sflag:$0x4], $0x4000, $0x38;
	[tilespmem:$0x1D000] =	vst v63  }
0x2f: {  	_ =	swait.ge [sflag:s14], $0x4000  }
0x30: {  	[sflag:s14] =	ssyncset.done $0x0  }
0x31: {  	s5 =	rddreg [dreg:$0x6];
	[sflag:s14] =	ssyncadd.s32 $0xFFFFC000  }
0x32: {  	[spmem:s5] =	stream.linear.scatter [tilespmem:s16], [sflag:$0x4], $0x4000, $0x38;
	[tilespmem:$0x1D000] =	vst v63  }
0x33: {  	_ =	swait.ge [sflag:s14], $0x4000  }
0x34: {  	[sflag:s14] =	ssyncset.done $0x0  }
0x35: {  	s6 =	rddreg [dreg:$0x7];
	[sflag:s14] =	ssyncadd.s32 $0xFFFFC000  }
0x36: {  	[spmem:s6] =	stream.linear.scatter [tilespmem:s16], [sflag:$0x4], $0x4000, $0x38;
	[tilespmem:$0x1D000] =	vst v63  }
0x37: {  	_ =	swait.ge [sflag:s14], $0x4000  }
0x38: {  	[sflag:s14] =	ssyncset.done $0x0  }
0x39: {  	[sflag:s14] =	ssyncadd.s32 $0xFFFFC000  }
0x3a: {  	[bflag:$0x0] =	sbarrier.arrive $0xFFFF  }
0x3b: {  	[tilespmem:s3], [sflag:$0x3] =	stream.linear.gather [hbm4b:s9+s3], $0x400, $0x38;
	[tilespmem:$0x1D000] =	vst v63  }
0x3c: {  	_ = 	snop  }
0x3d: {  	[tilespmem:s18], [sflag:$0x3] =	stream.linear.gather [hbm4b:s10+s3], $0x400, $0x38;
	[tilespmem:$0x1D000] =	vst v63  }
0x3e: {  	_ =	swait.ge [sflag:s19], $0x400  }
0x3f: {  	[sflag:s19] =	ssyncset.done $0x0  }
0x40: {  	[sflag:s19] =	ssyncadd.s32 $0xFFFFFC00  }
0x41: {  	_ =	swait.ge [sflag:s19], $0x400  }
0x42: {  	[sflag:s19] =	ssyncset.done $0x0  }
0x43: {  	s7 =	rddreg [dreg:$0x8];
	[sflag:s19] =	ssyncadd.s32 $0xFFFFFC00  }
0x44: {  	[tilespmem:s20], [sflag:$0x3] =	stream.linear.gather [hbm4b:s7+s3], $0x400, $0x38;
	[tilespmem:$0x1D000] =	vst v63  }
0x45: {  	s11 =	rddreg [dreg:$0x9]  }
0x46: {  	[tilespmem:s21], [sflag:$0x3] =	stream.linear.gather [hbm4b:s11+s3], $0x400, $0x38;
	[tilespmem:$0x1D000] =	vst v63  }
0x47: {  	_ = 	snop  }
0x48: {  	[tilespmem:s16], [sflag:$0x1] =	stream.indirect.gather [hbm4b:s13+s22], $0x80, s3, s22, $0xb8;
	[tilespmem:$0x1D000] =	vst v63  }
0x49: {  	_ = 	snop  }
0x4a: {  	[tilespmem:s23], [sflag:$0x1] =	stream.indirect.gather [hbm4b:s13+s22], $0x80, s22, s22, $0xb8;
	[tilespmem:$0x1D000] =	vst v63  }
0x4b: {  	_ =	swait.ge [sflag:s24], $0x4000  }
0x4c: {  	[sflag:s24] =	ssyncset.done $0x0  }
0x4d: {  	[sflag:s24] =	ssyncadd.s32 $0xFFFFC000  }
0x4e: {  	[spmem:s1] =	stream.indirect.scatter.add.f32 [tilespmem:s16], [sflag:$0x2], $0x80, s18, s22, $0xb8;
	[tilespmem:$0x1D000] =	vst v63  }
0x4f: {  	_ =	swait.ge [sflag:s24], $0x4000  }
0x50: {  	[sflag:s24] =	ssyncset.done $0x0  }
0x51: {  	[sflag:s24] =	ssyncadd.s32 $0xFFFFC000  }
0x52: {  	_ =	swait.ge [sflag:s25], $0x4000  }
0x53: {  	[sflag:s25] =	ssyncset.done $0x0  }
0x54: {  	s2 =	simm.s32 $0x100;
	[sflag:s25] =	ssyncadd.s32 $0xFFFFC000  }
0x55: {  	[tilespmem:s16], [sflag:$0x1] =	stream.indirect.gather [hbm4b:s13+s22], $0x80, s2, s22, $0xb8;
	[tilespmem:$0x1D000] =	vst v63  }
0x56: {  	s4 =	simm.s32 $0x480  }
0x57: {  	[spmem:s1] =	stream.indirect.scatter.add.f32 [tilespmem:s23], [sflag:$0x2], $0x80, s4, s22, $0xb8;
	[tilespmem:$0x1D000] =	vst v63  }
0x58: {  	_ =	swait.ge [sflag:s24], $0x4000  }
0x59: {  	[sflag:s24] =	ssyncset.done $0x0  }
0x5a: {  	[sflag:s24] =	ssyncadd.s32 $0xFFFFC000  }
0x5b: {  	_ =	swait.ge [sflag:s25], $0x4000  }
0x5c: {  	[sflag:s25] =	ssyncset.done $0x0  }
0x5d: {  	s5 =	simm.s32 $0x180;
	[sflag:s25] =	ssyncadd.s32 $0xFFFFC000  }
0x5e: {  	[tilespmem:s23], [sflag:$0x1] =	stream.indirect.gather [hbm4b:s13+s22], $0x80, s5, s22, $0xb8;
	[tilespmem:$0x1D000] =	vst v63  }
0x5f: {  	s6 =	simm.s32 $0x500  }
0x60: {  	[spmem:s1] =	stream.indirect.scatter.add.f32 [tilespmem:s16], [sflag:$0x2], $0x80, s6, s22, $0xb8;
	[tilespmem:$0x1D000] =	vst v63  }
0x61: {  	_ =	swait.ge [sflag:s24], $0x4000  }
0x62: {  	[sflag:s24] =	ssyncset.done $0x0  }
0x63: {  	[sflag:s24] =	ssyncadd.s32 $0xFFFFC000  }
0x64: {  	_ =	swait.ge [sflag:s25], $0x4000  }
0x65: {  	[sflag:s25] =	ssyncset.done $0x0  }
0x66: {  	s7 =	simm.s32 $0x200;
	[sflag:s25] =	ssyncadd.s32 $0xFFFFC000  }
0x67: {  	[tilespmem:s16], [sflag:$0x1] =	stream.indirect.gather [hbm4b:s13+s22], $0x80, s7, s22, $0xb8;
	[tilespmem:$0x1D000] =	vst v63  }
0x68: {  	s17 =	simm.s32 $0x580  }
0x69: {  	[spmem:s1] =	stream.indirect.scatter.add.f32 [tilespmem:s23], [sflag:$0x2], $0x80, s17, s22, $0xb8;
	[tilespmem:$0x1D000] =	vst v63  }
0x6a: {  	_ =	swait.ge [sflag:s24], $0x4000  }
0x6b: {  	[sflag:s24] =	ssyncset.done $0x0  }
0x6c: {  	[sflag:s24] =	ssyncadd.s32 $0xFFFFC000  }
0x6d: {  	_ =	swait.ge [sflag:s25], $0x4000  }
0x6e: {  	[sflag:s25] =	ssyncset.done $0x0  }
0x6f: {  	s26 =	simm.s32 $0x280;
	[sflag:s25] =	ssyncadd.s32 $0xFFFFC000  }
0x70: {  	[tilespmem:s23], [sflag:$0x1] =	stream.indirect.gather [hbm4b:s13+s22], $0x80, s26, s22, $0xb8;
	[tilespmem:$0x1D000] =	vst v63  }
0x71: {  	s28 =	simm.s32 $0x600  }
0x72: {  	[spmem:s1] =	stream.indirect.scatter.add.f32 [tilespmem:s16], [sflag:$0x2], $0x80, s28, s22, $0xb8;
	[tilespmem:$0x1D000] =	vst v63  }
0x73: {  	_ =	swait.ge [sflag:s24], $0x4000  }
0x74: {  	[sflag:s24] =	ssyncset.done $0x0  }
0x75: {  	[sflag:s24] =	ssyncadd.s32 $0xFFFFC000  }
0x76: {  	_ =	swait.ge [sflag:s25], $0x4000  }
0x77: {  	[sflag:s25] =	ssyncset.done $0x0  }
0x78: {  	s29 =	simm.s32 $0x300;
	[sflag:s25] =	ssyncadd.s32 $0xFFFFC000  }
0x79: {  	[tilespmem:s16], [sflag:$0x1] =	stream.indirect.gather [hbm4b:s13+s22], $0x80, s29, s22, $0xb8;
	[tilespmem:$0x1D000] =	vst v63  }
0x7a: {  	s30 =	simm.s32 $0x680  }
0x7b: {  	[spmem:s1] =	stream.indirect.scatter.add.f32 [tilespmem:s23], [sflag:$0x2], $0x80, s30, s22, $0xb8;
	[tilespmem:$0x1D000] =	vst v63  }
0x7c: {  	_ =	swait.ge [sflag:s24], $0x4000  }
0x7d: {  	[sflag:s24] =	ssyncset.done $0x0  }
0x7e: {  	[sflag:s24] =	ssyncadd.s32 $0xFFFFC000  }
0x7f: {  	_ =	swait.ge [sflag:s25], $0x4000  }
0x80: {  	[sflag:s25] =	ssyncset.done $0x0  }
0x81: {  	s31 =	simm.s32 $0x380;
	[sflag:s25] =	ssyncadd.s32 $0xFFFFC000  }
0x82: {  	[tilespmem:s23], [sflag:$0x1] =	stream.indirect.gather [hbm4b:s13+s22], $0x80, s31, s22, $0xb8;
	[tilespmem:$0x1D000] =	vst v63  }
0x83: {  	s0 =	simm.s32 $0x700  }
0x84: {  	[spmem:s1] =	stream.indirect.scatter.add.f32 [tilespmem:s16], [sflag:$0x2], $0x80, s0, s22, $0xb8;
	[tilespmem:$0x1D000] =	vst v63  }
0x85: {  	_ =	swait.ge [sflag:s19], $0x400  }
0x86: {  	[sflag:s19] =	ssyncset.done $0x0  }
0x87: {  	[sflag:s19] =	ssyncadd.s32 $0xFFFFFC00  }
0x88: {  	_ =	swait.ge [sflag:s19], $0x400  }
0x89: {  	[sflag:s19] =	ssyncset.done $0x0  }
0x8a: {  	[sflag:s19] =	ssyncadd.s32 $0xFFFFFC00  }
0x8b: {  	_ =	swait.ge [sflag:s24], $0x4000  }
0x8c: {  	[sflag:s24] =	ssyncset.done $0x0  }
0x8d: {  	[sflag:s24] =	ssyncadd.s32 $0xFFFFC000  }
0x8e: {  	_ =	swait.ge [sflag:s25], $0x4000  }
0x8f: {  	[sflag:s25] =	ssyncset.done $0x0  }
0x90: {  	[sflag:s25] =	ssyncadd.s32 $0xFFFFC000  }
0x91: {  	[tilespmem:s16], [sflag:$0x1] =	stream.indirect.gather [hbm4b:s13+s22], $0x80, s20, s22, $0xb8;
	[tilespmem:$0x1D000] =	vst v63  }
0x92: {  	s14 =	simm.s32 $0x780  }
0x93: {  	[spmem:s1] =	stream.indirect.scatter.add.f32 [tilespmem:s23], [sflag:$0x2], $0x80, s14, s22, $0xb8;
	[tilespmem:$0x1D000] =	vst v63  }
0x94: {  	_ =	swait.ge [sflag:s24], $0x4000  }
0x95: {  	[sflag:s24] =	ssyncset.done $0x0  }
0x96: {  	[sflag:s24] =	ssyncadd.s32 $0xFFFFC000  }
0x97: {  	_ =	swait.ge [sflag:s25], $0x4000  }
0x98: {  	[sflag:s25] =	ssyncset.done $0x0  }
0x99: {  	s12 =	simm.s32 $0x880;
	[sflag:s25] =	ssyncadd.s32 $0xFFFFC000  }
0x9a: {  	[tilespmem:s23], [sflag:$0x1] =	stream.indirect.gather [hbm4b:s13+s22], $0x80, s12, s22, $0xb8;
	[tilespmem:$0x1D000] =	vst v63  }
0x9b: {  	s8 =	sadd.s32 $0xFFFFF700, s9  }
0x9c: {  	[spmem:s1] =	stream.indirect.scatter.add.f32 [tilespmem:s16], [sflag:$0x2], $0x80, s21, s22, $0xb8;
	[tilespmem:$0x1D000] =	vst v63  }
0x9d: {  	s11 =	sadd.s32 $0xFFFFF700, s10;
	s0 =	sadd.s32 $0xA00, s8  }
0x9e: {  	[tilespmem:s3], [sflag:$0x3] =	stream.linear.gather [hbm4b:s0+s3], $0x400, $0x38;
	[tilespmem:$0x1D000] =	vst v63  }
0x9f: {  	s0 =	sadd.s32 $0xA00, s11  }
0xa0: {  	[tilespmem:s18], [sflag:$0x3] =	stream.linear.gather [hbm4b:s0+s3], $0x400, $0x38;
	[tilespmem:$0x1D000] =	vst v63  }
0xa1: {  	_ =	swait.ge [sflag:s24], $0x4000  }
0xa2: {  	[sflag:s24] =	ssyncset.done $0x0  }
0xa3: {  	[sflag:s24] =	ssyncadd.s32 $0xFFFFC000  }
0xa4: {  	_ =	swait.ge [sflag:s25], $0x4000  }
0xa5: {  	[sflag:s25] =	ssyncset.done $0x0  }
0xa6: {  	s12 =	simm.s32 $0x900;
	[sflag:s25] =	ssyncadd.s32 $0xFFFFC000  }
0xa7: {  	[tilespmem:s16], [sflag:$0x1] =	stream.indirect.gather [hbm4b:s13+s22], $0x80, s12, s22, $0xb8;
	[tilespmem:$0x1D000] =	vst v63  }
0xa8: {  	s12 =	simm.s32 $0xC80  }
0xa9: {  	[spmem:s1] =	stream.indirect.scatter.add.f32 [tilespmem:s23], [sflag:$0x2], $0x80, s12, s22, $0xb8;
	[tilespmem:$0x1D000] =	vst v63  }
0xaa: {  	_ =	swait.ge [sflag:s24], $0x4000  }
0xab: {  	[sflag:s24] =	ssyncset.done $0x0  }
0xac: {  	[sflag:s24] =	ssyncadd.s32 $0xFFFFC000  }
0xad: {  	_ =	swait.ge [sflag:s25], $0x4000  }
0xae: {  	[sflag:s25] =	ssyncset.done $0x0  }
0xaf: {  	s12 =	simm.s32 $0x980;
	[sflag:s25] =	ssyncadd.s32 $0xFFFFC000  }
0xb0: {  	[tilespmem:s23], [sflag:$0x1] =	stream.indirect.gather [hbm4b:s13+s22], $0x80, s12, s22, $0xb8;
	[tilespmem:$0x1D000] =	vst v63  }
0xb1: {  	s12 =	simm.s32 $0xD00  }
0xb2: {  	[spmem:s1] =	stream.indirect.scatter.add.f32 [tilespmem:s16], [sflag:$0x2], $0x80, s12, s22, $0xb8;
	[tilespmem:$0x1D000] =	vst v63  }
0xb3: {  	_ =	swait.ge [sflag:s24], $0x4000  }
0xb4: {  	[sflag:s24] =	ssyncset.done $0x0  }
0xb5: {  	[sflag:s24] =	ssyncadd.s32 $0xFFFFC000  }
0xb6: {  	_ =	swait.ge [sflag:s25], $0x4000  }
0xb7: {  	[sflag:s25] =	ssyncset.done $0x0  }
0xb8: {  	s12 =	simm.s32 $0xA00;
	[sflag:s25] =	ssyncadd.s32 $0xFFFFC000  }
0xb9: {  	[tilespmem:s16], [sflag:$0x1] =	stream.indirect.gather [hbm4b:s13+s22], $0x80, s12, s22, $0xb8;
	[tilespmem:$0x1D000] =	vst v63  }
0xba: {  	s12 =	simm.s32 $0xD80  }
0xbb: {  	[spmem:s1] =	stream.indirect.scatter.add.f32 [tilespmem:s23], [sflag:$0x2], $0x80, s12, s22, $0xb8;
	[tilespmem:$0x1D000] =	vst v63  }
0xbc: {  	_ =	swait.ge [sflag:s24], $0x4000  }
0xbd: {  	[sflag:s24] =	ssyncset.done $0x0  }
0xbe: {  	[sflag:s24] =	ssyncadd.s32 $0xFFFFC000  }
0xbf: {  	_ =	swait.ge [sflag:s25], $0x4000  }
0xc0: {  	[sflag:s25] =	ssyncset.done $0x0  }
0xc1: {  	s12 =	simm.s32 $0xA80;
	[sflag:s25] =	ssyncadd.s32 $0xFFFFC000  }
0xc2: {  	[tilespmem:s23], [sflag:$0x1] =	stream.indirect.gather [hbm4b:s13+s22], $0x80, s12, s22, $0xb8;
	[tilespmem:$0x1D000] =	vst v63  }
0xc3: {  	s12 =	simm.s32 $0xE00  }
0xc4: {  	[spmem:s1] =	stream.indirect.scatter.add.f32 [tilespmem:s16], [sflag:$0x2], $0x80, s12, s22, $0xb8;
	[tilespmem:$0x1D000] =	vst v63  }
0xc5: {  	_ =	swait.ge [sflag:s24], $0x4000  }
0xc6: {  	[sflag:s24] =	ssyncset.done $0x0  }
0xc7: {  	[sflag:s24] =	ssyncadd.s32 $0xFFFFC000  }
0xc8: {  	_ =	swait.ge [sflag:s25], $0x4000  }
0xc9: {  	[sflag:s25] =	ssyncset.done $0x0  }
0xca: {  	s12 =	simm.s32 $0xB00;
	[sflag:s25] =	ssyncadd.s32 $0xFFFFC000  }
0xcb: {  	[tilespmem:s16], [sflag:$0x1] =	stream.indirect.gather [hbm4b:s13+s22], $0x80, s12, s22, $0xb8;
	[tilespmem:$0x1D000] =	vst v63  }
0xcc: {  	s12 =	simm.s32 $0xE80  }
0xcd: {  	[spmem:s1] =	stream.indirect.scatter.add.f32 [tilespmem:s23], [sflag:$0x2], $0x80, s12, s22, $0xb8;
	[tilespmem:$0x1D000] =	vst v63  }
0xce: {  	_ =	swait.ge [sflag:s24], $0x4000  }
0xcf: {  	[sflag:s24] =	ssyncset.done $0x0  }
0xd0: {  	[sflag:s24] =	ssyncadd.s32 $0xFFFFC000  }
0xd1: {  	_ =	swait.ge [sflag:s25], $0x4000  }
0xd2: {  	[sflag:s25] =	ssyncset.done $0x0  }
0xd3: {  	s12 =	simm.s32 $0xB80;
	[sflag:s25] =	ssyncadd.s32 $0xFFFFC000  }
0xd4: {  	[tilespmem:s23], [sflag:$0x1] =	stream.indirect.gather [hbm4b:s13+s22], $0x80, s12, s22, $0xb8;
	[tilespmem:$0x1D000] =	vst v63  }
0xd5: {  	s12 =	simm.s32 $0xF00  }
0xd6: {  	[spmem:s1] =	stream.indirect.scatter.add.f32 [tilespmem:s16], [sflag:$0x2], $0x80, s12, s22, $0xb8;
	[tilespmem:$0x1D000] =	vst v63  }
0xd7: {  	_ =	swait.ge [sflag:s19], $0x400  }
0xd8: {  	[sflag:s19] =	ssyncset.done $0x0  }
0xd9: {  	[sflag:s19] =	ssyncadd.s32 $0xFFFFFC00  }
0xda: {  	_ =	swait.ge [sflag:s19], $0x400  }
0xdb: {  	[sflag:s19] =	ssyncset.done $0x0  }
0xdc: {  	[sflag:s19] =	ssyncadd.s32 $0xFFFFFC00  }
0xdd: {  	_ =	swait.ge [sflag:s24], $0x4000  }
0xde: {  	[sflag:s24] =	ssyncset.done $0x0  }
0xdf: {  	[sflag:s24] =	ssyncadd.s32 $0xFFFFC000  }
0xe0: {  	_ =	swait.ge [sflag:s25], $0x4000  }
0xe1: {  	[sflag:s25] =	ssyncset.done $0x0  }
0xe2: {  	[sflag:s25] =	ssyncadd.s32 $0xFFFFC000  }
0xe3: {  	[tilespmem:s16], [sflag:$0x1] =	stream.indirect.gather [hbm4b:s13+s22], $0x80, s3, s22, $0xb8;
	[tilespmem:$0x1D000] =	vst v63  }
0xe4: {  	s12 =	simm.s32 $0xF80  }
0xe5: {  	[spmem:s1] =	stream.indirect.scatter.add.f32 [tilespmem:s23], [sflag:$0x2], $0x80, s12, s22, $0xb8;
	[tilespmem:$0x1D000] =	vst v63  }
0xe6: {  	_ =	swait.ge [sflag:s24], $0x4000  }
0xe7: {  	[sflag:s24] =	ssyncset.done $0x0  }
0xe8: {  	[sflag:s24] =	ssyncadd.s32 $0xFFFFC000  }
0xe9: {  	_ =	swait.ge [sflag:s25], $0x4000  }
0xea: {  	[sflag:s25] =	ssyncset.done $0x0  }
0xeb: {  	[sflag:s25] =	ssyncadd.s32 $0xFFFFC000  }
0xec: {  	[tilespmem:s23], [sflag:$0x1] =	stream.indirect.gather [hbm4b:s13+s22], $0x80, s22, s22, $0xb8;
	[tilespmem:$0x1D000] =	vst v63  }
0xed: {  	_ = 	snop  }
0xee: {  	[spmem:s1] =	stream.indirect.scatter.add.f32 [tilespmem:s16], [sflag:$0x2], $0x80, s18, s22, $0xb8;
	[tilespmem:$0x1D000] =	vst v63  }
0xef: {  	s8 =	sadd.s32 $0xA80, s8  }
0xf0: {  	[tilespmem:s20], [sflag:$0x3] =	stream.linear.gather [hbm4b:s8+s3], $0x400, $0x38;
	[tilespmem:$0x1D000] =	vst v63  }
0xf1: {  	s11 =	sadd.s32 $0xA80, s11  }
0xf2: {  	[tilespmem:s21], [sflag:$0x3] =	stream.linear.gather [hbm4b:s11+s3], $0x400, $0x38;
	[tilespmem:$0x1D000] =	vst v63  }
0xf3: {  	_ =	swait.ge [sflag:s24], $0x4000  }
0xf4: {  	[sflag:s24] =	ssyncset.done $0x0  }
0xf5: {  	[sflag:s24] =	ssyncadd.s32 $0xFFFFC000  }
0xf6: {  	_ =	swait.ge [sflag:s25], $0x4000  }
0xf7: {  	[sflag:s25] =	ssyncset.done $0x0  }
0xf8: {  	[sflag:s25] =	ssyncadd.s32 $0xFFFFC000  }
0xf9: {  	[tilespmem:s16], [sflag:$0x1] =	stream.indirect.gather [hbm4b:s13+s22], $0x80, s2, s22, $0xb8;
	[tilespmem:$0x1D000] =	vst v63  }
0xfa: {  	_ = 	snop  }
0xfb: {  	[spmem:s1] =	stream.indirect.scatter.add.f32 [tilespmem:s23], [sflag:$0x2], $0x80, s4, s22, $0xb8;
	[tilespmem:$0x1D000] =	vst v63  }
0xfc: {  	_ =	swait.ge [sflag:s24], $0x4000  }
0xfd: {  	[sflag:s24] =	ssyncset.done $0x0  }
0xfe: {  	[sflag:s24] =	ssyncadd.s32 $0xFFFFC000  }
0xff: {  	_ =	swait.ge [sflag:s25], $0x4000  }
0x100: {  	[sflag:s25] =	ssyncset.done $0x0  }
0x101: {  	[sflag:s25] =	ssyncadd.s32 $0xFFFFC000  }
0x102: {  	[tilespmem:s23], [sflag:$0x1] =	stream.indirect.gather [hbm4b:s13+s22], $0x80, s5, s22, $0xb8;
	[tilespmem:$0x1D000] =	vst v63  }
0x103: {  	_ = 	snop  }
0x104: {  	[spmem:s1] =	stream.indirect.scatter.add.f32 [tilespmem:s16], [sflag:$0x2], $0x80, s6, s22, $0xb8;
	[tilespmem:$0x1D000] =	vst v63  }
0x105: {  	_ =	swait.ge [sflag:s24], $0x4000  }
0x106: {  	[sflag:s24] =	ssyncset.done $0x0  }
0x107: {  	[sflag:s24] =	ssyncadd.s32 $0xFFFFC000  }
0x108: {  	_ =	swait.ge [sflag:s25], $0x4000  }
0x109: {  	[sflag:s25] =	ssyncset.done $0x0  }
0x10a: {  	[sflag:s25] =	ssyncadd.s32 $0xFFFFC000  }
0x10b: {  	[tilespmem:s16], [sflag:$0x1] =	stream.indirect.gather [hbm4b:s13+s22], $0x80, s7, s22, $0xb8;
	[tilespmem:$0x1D000] =	vst v63  }
0x10c: {  	_ = 	snop  }
0x10d: {  	[spmem:s1] =	stream.indirect.scatter.add.f32 [tilespmem:s23], [sflag:$0x2], $0x80, s17, s22, $0xb8;
	[tilespmem:$0x1D000] =	vst v63  }
0x10e: {  	_ =	swait.ge [sflag:s24], $0x4000  }
0x10f: {  	[sflag:s24] =	ssyncset.done $0x0  }
0x110: {  	[sflag:s24] =	ssyncadd.s32 $0xFFFFC000  }
0x111: {  	_ =	swait.ge [sflag:s25], $0x4000  }
0x112: {  	[sflag:s25] =	ssyncset.done $0x0  }
0x113: {  	[sflag:s25] =	ssyncadd.s32 $0xFFFFC000  }
0x114: {  	[tilespmem:s23], [sflag:$0x1] =	stream.indirect.gather [hbm4b:s13+s22], $0x80, s26, s22, $0xb8;
	[tilespmem:$0x1D000] =	vst v63  }
0x115: {  	_ = 	snop  }
0x116: {  	[spmem:s1] =	stream.indirect.scatter.add.f32 [tilespmem:s16], [sflag:$0x2], $0x80, s28, s22, $0xb8;
	[tilespmem:$0x1D000] =	vst v63  }
0x117: {  	_ =	swait.ge [sflag:s24], $0x4000  }
0x118: {  	[sflag:s24] =	ssyncset.done $0x0  }
0x119: {  	[sflag:s24] =	ssyncadd.s32 $0xFFFFC000  }
0x11a: {  	_ =	swait.ge [sflag:s25], $0x4000  }
0x11b: {  	[sflag:s25] =	ssyncset.done $0x0  }
0x11c: {  	[sflag:s25] =	ssyncadd.s32 $0xFFFFC000  }
0x11d: {  	[tilespmem:s16], [sflag:$0x1] =	stream.indirect.gather [hbm4b:s13+s22], $0x80, s29, s22, $0xb8;
	[tilespmem:$0x1D000] =	vst v63  }
0x11e: {  	_ = 	snop  }
0x11f: {  	[spmem:s1] =	stream.indirect.scatter.add.f32 [tilespmem:s23], [sflag:$0x2], $0x80, s30, s22, $0xb8;
	[tilespmem:$0x1D000] =	vst v63  }
0x120: {  	_ =	swait.ge [sflag:s24], $0x4000  }
0x121: {  	[sflag:s24] =	ssyncset.done $0x0  }
0x122: {  	[sflag:s24] =	ssyncadd.s32 $0xFFFFC000  }
0x123: {  	_ =	swait.ge [sflag:s25], $0x4000  }
0x124: {  	[sflag:s25] =	ssyncset.done $0x0  }
0x125: {  	[sflag:s25] =	ssyncadd.s32 $0xFFFFC000  }
0x126: {  	[tilespmem:s23], [sflag:$0x1] =	stream.indirect.gather [hbm4b:s13+s22], $0x80, s31, s22, $0xb8;
	[tilespmem:$0x1D000] =	vst v63  }
0x127: {  	s12 =	simm.s32 $0x700  }
0x128: {  	[spmem:s1] =	stream.indirect.scatter.add.f32 [tilespmem:s16], [sflag:$0x2], $0x80, s12, s22, $0xb8;
	[tilespmem:$0x1D000] =	vst v63  }
0x129: {  	_ =	swait.ge [sflag:s19], $0x400  }
0x12a: {  	[sflag:s19] =	ssyncset.done $0x0  }
0x12b: {  	[sflag:s19] =	ssyncadd.s32 $0xFFFFFC00  }
0x12c: {  	_ =	swait.ge [sflag:s19], $0x400  }
0x12d: {  	[sflag:s19] =	ssyncset.done $0x0  }
0x12e: {  	[sflag:s19] =	ssyncadd.s32 $0xFFFFFC00  }
0x12f: {  	s0 =	simm.s32 $0x100;
	s8 =	simm.s32 $0xFFFFF800;
	_ =	swait.ge [sflag:s24], $0x4000  }
0x130: {  	s2 =	simm.s32 $0x480;
	s4 =	simm.s32 $0x180;
	[sflag:s24] =	ssyncset.done $0x0  }
0x131: {  	s5 =	simm.s32 $0x500;
	s6 =	simm.s32 $0x200;
	[sflag:s24] =	ssyncadd.s32 $0xFFFFC000  }
0x132: {  	s17 =	simm.s32 $0x280;
	s26 =	simm.s32 $0x600;
	_ =	swait.ge [sflag:s25], $0x4000  }
0x133: {  	s28 =	simm.s32 $0x300;
	s29 =	simm.s32 $0x680;
	[sflag:s25] =	ssyncset.done $0x0  }
0x134: {  	s30 =	simm.s32 $0x380;
	s31 =	simm.s32 $0x700;
	[sflag:s25] =	ssyncadd.s32 $0xFFFFC000  }
0x135: {  	[tilespmem:s16], [sflag:$0x1] =	stream.indirect.gather [hbm4b:s13+s22], $0x80, s20, s22, $0xb8;
	[tilespmem:$0x1D000] =	vst v63  }
.LBB2_4:
0x136: {  	[spmem:s1] =	stream.indirect.scatter.add.f32 [tilespmem:s23], [sflag:$0x2], $0x80, s14, s22, $0xb8;
	[tilespmem:$0x1D000] =	vst v63  }
0x137: {  	s12 =	smov.u32 s8  }
0x138: {  	p0 =	sne.s32 s8, $0xFFFFFF00;
	s8 =	sadd.s32 $0x100, s8;
	_ =	swait.ge [sflag:s24], $0x4000  }
0x139: {  	[sflag:s24] =	ssyncset.done $0x0  }
0x13a: {  	[sflag:s24] =	ssyncadd.s32 $0xFFFFC000  }
0x13b: {  	_ =	swait.ge [sflag:s25], $0x4000  }
0x13c: {  	[sflag:s25] =	ssyncset.done $0x0  }
0x13d: {  	s11 =	simm.s32 $0x880;
	[sflag:s25] =	ssyncadd.s32 $0xFFFFC000  }
0x13e: {  	[tilespmem:s23], [sflag:$0x1] =	stream.indirect.gather [hbm4b:s13+s22], $0x80, s11, s22, $0xb8;
	[tilespmem:$0x1D000] =	vst v63  }
0x13f: {  	s11 =	sadd.s32 s12, s9  }
0x140: {  	[spmem:s1] =	stream.indirect.scatter.add.f32 [tilespmem:s16], [sflag:$0x2], $0x80, s21, s22, $0xb8;
	[tilespmem:$0x1D000] =	vst v63  }
0x141: {  	s12 =	sadd.s32 s12, s10;
	s14 =	sadd.s32 $0xA00, s11  }
0x142: {  	[tilespmem:s3], [sflag:$0x3] =	stream.linear.gather [hbm4b:s14+s3], $0x400, $0x38;
	[tilespmem:$0x1D000] =	vst v63  }
0x143: {  	s14 =	sadd.s32 $0xA00, s12  }
0x144: {  	[tilespmem:s18], [sflag:$0x3] =	stream.linear.gather [hbm4b:s14+s3], $0x400, $0x38;
	[tilespmem:$0x1D000] =	vst v63  }
0x145: {  	s14 =	simm.s32 $0x780  }
0x146: {  	_ =	swait.ge [sflag:s24], $0x4000  }
0x147: {  	[sflag:s24] =	ssyncset.done $0x0  }
0x148: {  	[sflag:s24] =	ssyncadd.s32 $0xFFFFC000  }
0x149: {  	_ =	swait.ge [sflag:s25], $0x4000  }
0x14a: {  	[sflag:s25] =	ssyncset.done $0x0  }
0x14b: {  	s7 =	simm.s32 $0x900;
	[sflag:s25] =	ssyncadd.s32 $0xFFFFC000  }
0x14c: {  	[tilespmem:s16], [sflag:$0x1] =	stream.indirect.gather [hbm4b:s13+s22], $0x80, s7, s22, $0xb8;
	[tilespmem:$0x1D000] =	vst v63  }
0x14d: {  	s7 =	simm.s32 $0xC80  }
0x14e: {  	[spmem:s1] =	stream.indirect.scatter.add.f32 [tilespmem:s23], [sflag:$0x2], $0x80, s7, s22, $0xb8;
	[tilespmem:$0x1D000] =	vst v63  }
0x14f: {  	_ =	swait.ge [sflag:s24], $0x4000  }
0x150: {  	[sflag:s24] =	ssyncset.done $0x0  }
0x151: {  	[sflag:s24] =	ssyncadd.s32 $0xFFFFC000  }
0x152: {  	_ =	swait.ge [sflag:s25], $0x4000  }
0x153: {  	[sflag:s25] =	ssyncset.done $0x0  }
0x154: {  	s7 =	simm.s32 $0x980;
	[sflag:s25] =	ssyncadd.s32 $0xFFFFC000  }
0x155: {  	[tilespmem:s23], [sflag:$0x1] =	stream.indirect.gather [hbm4b:s13+s22], $0x80, s7, s22, $0xb8;
	[tilespmem:$0x1D000] =	vst v63  }
0x156: {  	s7 =	simm.s32 $0xD00  }
0x157: {  	[spmem:s1] =	stream.indirect.scatter.add.f32 [tilespmem:s16], [sflag:$0x2], $0x80, s7, s22, $0xb8;
	[tilespmem:$0x1D000] =	vst v63  }
0x158: {  	_ =	swait.ge [sflag:s24], $0x4000  }
0x159: {  	[sflag:s24] =	ssyncset.done $0x0  }
0x15a: {  	[sflag:s24] =	ssyncadd.s32 $0xFFFFC000  }
0x15b: {  	_ =	swait.ge [sflag:s25], $0x4000  }
0x15c: {  	[sflag:s25] =	ssyncset.done $0x0  }
0x15d: {  	s7 =	simm.s32 $0xA00;
	[sflag:s25] =	ssyncadd.s32 $0xFFFFC000  }
0x15e: {  	[tilespmem:s16], [sflag:$0x1] =	stream.indirect.gather [hbm4b:s13+s22], $0x80, s7, s22, $0xb8;
	[tilespmem:$0x1D000] =	vst v63  }
0x15f: {  	s7 =	simm.s32 $0xD80  }
0x160: {  	[spmem:s1] =	stream.indirect.scatter.add.f32 [tilespmem:s23], [sflag:$0x2], $0x80, s7, s22, $0xb8;
	[tilespmem:$0x1D000] =	vst v63  }
0x161: {  	_ =	swait.ge [sflag:s24], $0x4000  }
0x162: {  	[sflag:s24] =	ssyncset.done $0x0  }
0x163: {  	[sflag:s24] =	ssyncadd.s32 $0xFFFFC000  }
0x164: {  	_ =	swait.ge [sflag:s25], $0x4000  }
0x165: {  	[sflag:s25] =	ssyncset.done $0x0  }
0x166: {  	s7 =	simm.s32 $0xA80;
	[sflag:s25] =	ssyncadd.s32 $0xFFFFC000  }
0x167: {  	[tilespmem:s23], [sflag:$0x1] =	stream.indirect.gather [hbm4b:s13+s22], $0x80, s7, s22, $0xb8;
	[tilespmem:$0x1D000] =	vst v63  }
0x168: {  	s7 =	simm.s32 $0xE00  }
0x169: {  	[spmem:s1] =	stream.indirect.scatter.add.f32 [tilespmem:s16], [sflag:$0x2], $0x80, s7, s22, $0xb8;
	[tilespmem:$0x1D000] =	vst v63  }
0x16a: {  	_ =	swait.ge [sflag:s24], $0x4000  }
0x16b: {  	[sflag:s24] =	ssyncset.done $0x0  }
0x16c: {  	[sflag:s24] =	ssyncadd.s32 $0xFFFFC000  }
0x16d: {  	_ =	swait.ge [sflag:s25], $0x4000  }
0x16e: {  	[sflag:s25] =	ssyncset.done $0x0  }
0x16f: {  	s7 =	simm.s32 $0xB00;
	[sflag:s25] =	ssyncadd.s32 $0xFFFFC000  }
0x170: {  	[tilespmem:s16], [sflag:$0x1] =	stream.indirect.gather [hbm4b:s13+s22], $0x80, s7, s22, $0xb8;
	[tilespmem:$0x1D000] =	vst v63  }
0x171: {  	s7 =	simm.s32 $0xE80  }
0x172: {  	[spmem:s1] =	stream.indirect.scatter.add.f32 [tilespmem:s23], [sflag:$0x2], $0x80, s7, s22, $0xb8;
	[tilespmem:$0x1D000] =	vst v63  }
0x173: {  	_ =	swait.ge [sflag:s24], $0x4000  }
0x174: {  	[sflag:s24] =	ssyncset.done $0x0  }
0x175: {  	[sflag:s24] =	ssyncadd.s32 $0xFFFFC000  }
0x176: {  	_ =	swait.ge [sflag:s25], $0x4000  }
0x177: {  	[sflag:s25] =	ssyncset.done $0x0  }
0x178: {  	s7 =	simm.s32 $0xB80;
	[sflag:s25] =	ssyncadd.s32 $0xFFFFC000  }
0x179: {  	[tilespmem:s23], [sflag:$0x1] =	stream.indirect.gather [hbm4b:s13+s22], $0x80, s7, s22, $0xb8;
	[tilespmem:$0x1D000] =	vst v63  }
0x17a: {  	s7 =	simm.s32 $0xF00  }
0x17b: {  	[spmem:s1] =	stream.indirect.scatter.add.f32 [tilespmem:s16], [sflag:$0x2], $0x80, s7, s22, $0xb8;
	[tilespmem:$0x1D000] =	vst v63  }
0x17c: {  	_ =	swait.ge [sflag:s19], $0x400  }
0x17d: {  	[sflag:s19] =	ssyncset.done $0x0  }
0x17e: {  	[sflag:s19] =	ssyncadd.s32 $0xFFFFFC00  }
0x17f: {  	_ =	swait.ge [sflag:s19], $0x400  }
0x180: {  	[sflag:s19] =	ssyncset.done $0x0  }
0x181: {  	[sflag:s19] =	ssyncadd.s32 $0xFFFFFC00  }
0x182: {  	_ =	swait.ge [sflag:s24], $0x4000  }
0x183: {  	[sflag:s24] =	ssyncset.done $0x0  }
0x184: {  	[sflag:s24] =	ssyncadd.s32 $0xFFFFC000  }
0x185: {  	_ =	swait.ge [sflag:s25], $0x4000  }
0x186: {  	[sflag:s25] =	ssyncset.done $0x0  }
0x187: {  	[sflag:s25] =	ssyncadd.s32 $0xFFFFC000  }
0x188: {  	[tilespmem:s16], [sflag:$0x1] =	stream.indirect.gather [hbm4b:s13+s22], $0x80, s3, s22, $0xb8;
	[tilespmem:$0x1D000] =	vst v63  }
0x189: {  	s7 =	simm.s32 $0xF80  }
0x18a: {  	[spmem:s1] =	stream.indirect.scatter.add.f32 [tilespmem:s23], [sflag:$0x2], $0x80, s7, s22, $0xb8;
	[tilespmem:$0x1D000] =	vst v63  }
0x18b: {  	_ =	swait.ge [sflag:s24], $0x4000  }
0x18c: {  	[sflag:s24] =	ssyncset.done $0x0  }
0x18d: {  	[sflag:s24] =	ssyncadd.s32 $0xFFFFC000  }
0x18e: {  	_ =	swait.ge [sflag:s25], $0x4000  }
0x18f: {  	[sflag:s25] =	ssyncset.done $0x0  }
0x190: {  	[sflag:s25] =	ssyncadd.s32 $0xFFFFC000  }
0x191: {  	[tilespmem:s23], [sflag:$0x1] =	stream.indirect.gather [hbm4b:s13+s22], $0x80, s22, s22, $0xb8;
	[tilespmem:$0x1D000] =	vst v63  }
0x192: {  	_ = 	snop  }
0x193: {  	[spmem:s1] =	stream.indirect.scatter.add.f32 [tilespmem:s16], [sflag:$0x2], $0x80, s18, s22, $0xb8;
	[tilespmem:$0x1D000] =	vst v63  }
0x194: {  	s11 =	sadd.s32 $0xA80, s11  }
0x195: {  	[tilespmem:s20], [sflag:$0x3] =	stream.linear.gather [hbm4b:s11+s3], $0x400, $0x38;
	[tilespmem:$0x1D000] =	vst v63  }
0x196: {  	s11 =	sadd.s32 $0xA80, s12  }
0x197: {  	[tilespmem:s21], [sflag:$0x3] =	stream.linear.gather [hbm4b:s11+s3], $0x400, $0x38;
	[tilespmem:$0x1D000] =	vst v63  }
0x198: {  	_ =	swait.ge [sflag:s24], $0x4000  }
0x199: {  	[sflag:s24] =	ssyncset.done $0x0  }
0x19a: {  	[sflag:s24] =	ssyncadd.s32 $0xFFFFC000  }
0x19b: {  	_ =	swait.ge [sflag:s25], $0x4000  }
0x19c: {  	[sflag:s25] =	ssyncset.done $0x0  }
0x19d: {  	[sflag:s25] =	ssyncadd.s32 $0xFFFFC000  }
0x19e: {  	[tilespmem:s16], [sflag:$0x1] =	stream.indirect.gather [hbm4b:s13+s22], $0x80, s0, s22, $0xb8;
	[tilespmem:$0x1D000] =	vst v63  }
0x19f: {  	_ = 	snop  }
0x1a0: {  	[spmem:s1] =	stream.indirect.scatter.add.f32 [tilespmem:s23], [sflag:$0x2], $0x80, s2, s22, $0xb8;
	[tilespmem:$0x1D000] =	vst v63  }
0x1a1: {  	_ =	swait.ge [sflag:s24], $0x4000  }
0x1a2: {  	[sflag:s24] =	ssyncset.done $0x0  }
0x1a3: {  	[sflag:s24] =	ssyncadd.s32 $0xFFFFC000  }
0x1a4: {  	_ =	swait.ge [sflag:s25], $0x4000  }
0x1a5: {  	[sflag:s25] =	ssyncset.done $0x0  }
0x1a6: {  	[sflag:s25] =	ssyncadd.s32 $0xFFFFC000  }
0x1a7: {  	[tilespmem:s23], [sflag:$0x1] =	stream.indirect.gather [hbm4b:s13+s22], $0x80, s4, s22, $0xb8;
	[tilespmem:$0x1D000] =	vst v63  }
0x1a8: {  	_ = 	snop  }
0x1a9: {  	[spmem:s1] =	stream.indirect.scatter.add.f32 [tilespmem:s16], [sflag:$0x2], $0x80, s5, s22, $0xb8;
	[tilespmem:$0x1D000] =	vst v63  }
0x1aa: {  	_ =	swait.ge [sflag:s24], $0x4000  }
0x1ab: {  	[sflag:s24] =	ssyncset.done $0x0  }
0x1ac: {  	[sflag:s24] =	ssyncadd.s32 $0xFFFFC000  }
0x1ad: {  	_ =	swait.ge [sflag:s25], $0x4000  }
0x1ae: {  	[sflag:s25] =	ssyncset.done $0x0  }
0x1af: {  	[sflag:s25] =	ssyncadd.s32 $0xFFFFC000  }
0x1b0: {  	[tilespmem:s16], [sflag:$0x1] =	stream.indirect.gather [hbm4b:s13+s22], $0x80, s6, s22, $0xb8;
	[tilespmem:$0x1D000] =	vst v63  }
0x1b1: {  	_ = 	snop  }
0x1b2: {  	[spmem:s1] =	stream.indirect.scatter.add.f32 [tilespmem:s23], [sflag:$0x2], $0x80, s15, s22, $0xb8;
	[tilespmem:$0x1D000] =	vst v63  }
0x1b3: {  	_ =	swait.ge [sflag:s24], $0x4000  }
0x1b4: {  	[sflag:s24] =	ssyncset.done $0x0  }
0x1b5: {  	[sflag:s24] =	ssyncadd.s32 $0xFFFFC000  }
0x1b6: {  	_ =	swait.ge [sflag:s25], $0x4000  }
0x1b7: {  	[sflag:s25] =	ssyncset.done $0x0  }
0x1b8: {  	[sflag:s25] =	ssyncadd.s32 $0xFFFFC000  }
0x1b9: {  	[tilespmem:s23], [sflag:$0x1] =	stream.indirect.gather [hbm4b:s13+s22], $0x80, s17, s22, $0xb8;
	[tilespmem:$0x1D000] =	vst v63  }
0x1ba: {  	_ = 	snop  }
0x1bb: {  	[spmem:s1] =	stream.indirect.scatter.add.f32 [tilespmem:s16], [sflag:$0x2], $0x80, s26, s22, $0xb8;
	[tilespmem:$0x1D000] =	vst v63  }
0x1bc: {  	_ =	swait.ge [sflag:s24], $0x4000  }
0x1bd: {  	[sflag:s24] =	ssyncset.done $0x0  }
0x1be: {  	[sflag:s24] =	ssyncadd.s32 $0xFFFFC000  }
0x1bf: {  	_ =	swait.ge [sflag:s25], $0x4000  }
0x1c0: {  	[sflag:s25] =	ssyncset.done $0x0  }
0x1c1: {  	[sflag:s25] =	ssyncadd.s32 $0xFFFFC000  }
0x1c2: {  	[tilespmem:s16], [sflag:$0x1] =	stream.indirect.gather [hbm4b:s13+s22], $0x80, s28, s22, $0xb8;
	[tilespmem:$0x1D000] =	vst v63  }
0x1c3: {  	_ = 	snop  }
0x1c4: {  	[spmem:s1] =	stream.indirect.scatter.add.f32 [tilespmem:s23], [sflag:$0x2], $0x80, s29, s22, $0xb8;
	[tilespmem:$0x1D000] =	vst v63  }
0x1c5: {  	_ =	swait.ge [sflag:s24], $0x4000  }
0x1c6: {  	[sflag:s24] =	ssyncset.done $0x0  }
0x1c7: {  	[sflag:s24] =	ssyncadd.s32 $0xFFFFC000  }
0x1c8: {  	_ =	swait.ge [sflag:s25], $0x4000  }
0x1c9: {  	[sflag:s25] =	ssyncset.done $0x0  }
0x1ca: {  	[sflag:s25] =	ssyncadd.s32 $0xFFFFC000  }
0x1cb: {  	[tilespmem:s23], [sflag:$0x1] =	stream.indirect.gather [hbm4b:s13+s22], $0x80, s30, s22, $0xb8;
	[tilespmem:$0x1D000] =	vst v63  }
0x1cc: {  	_ = 	snop  }
0x1cd: {  	[spmem:s1] =	stream.indirect.scatter.add.f32 [tilespmem:s16], [sflag:$0x2], $0x80, s31, s22, $0xb8;
	[tilespmem:$0x1D000] =	vst v63  }
0x1ce: {  	_ =	swait.ge [sflag:s19], $0x400  }
0x1cf: {  	[sflag:s19] =	ssyncset.done $0x0  }
0x1d0: {  	[sflag:s19] =	ssyncadd.s32 $0xFFFFFC00  }
0x1d1: {  	_ =	swait.ge [sflag:s19], $0x400  }
0x1d2: {  	[sflag:s19] =	ssyncset.done $0x0  }
0x1d3: {  	[sflag:s19] =	ssyncadd.s32 $0xFFFFFC00  }
0x1d4: {  	_ =	swait.ge [sflag:s24], $0x4000  }
0x1d5: {  	[sflag:s24] =	ssyncset.done $0x0  }
.Ltmp1:
0x1d6: {  	[sflag:s24] =	ssyncadd.s32 $0xFFFFC000;
	(pc) =	sbr.rel @p0 .LBB2_4-.Ltmp1, $4  }
0x1d7: {  	_ =	swait.ge [sflag:s25], $0x4000  }
0x1d8: {  	[sflag:s25] =	ssyncset.done $0x0  }
0x1d9: {  	[sflag:s25] =	ssyncadd.s32 $0xFFFFC000  }
0x1da: {  	[tilespmem:s16], [sflag:$0x1] =	stream.indirect.gather [hbm4b:s13+s22], $0x80, s20, s22, $0xb8;
	[tilespmem:$0x1D000] =	vst v63  }
0x1db: {  	[spmem:s1] =	stream.indirect.scatter.add.f32 [tilespmem:s23], [sflag:$0x2], $0x80, s14, s22, $0xb8;
	[tilespmem:$0x1D000] =	vst v63  }
0x1dc: {  	_ =	swait.ge [sflag:s24], $0x4000  }
0x1dd: {  	[sflag:s24] =	ssyncset.done $0x0  }
0x1de: {  	[sflag:s24] =	ssyncadd.s32 $0xFFFFC000  }
0x1df: {  	_ =	swait.ge [sflag:s25], $0x4000  }
0x1e0: {  	[sflag:s25] =	ssyncset.done $0x0  }
0x1e1: {  	s0 =	simm.s32 $0x880;
	[sflag:s25] =	ssyncadd.s32 $0xFFFFC000  }
0x1e2: {  	[tilespmem:s23], [sflag:$0x1] =	stream.indirect.gather [hbm4b:s13+s22], $0x80, s0, s22, $0xb8;
	[tilespmem:$0x1D000] =	vst v63  }
0x1e3: {  	_ = 	snop  }
0x1e4: {  	[spmem:s1] =	stream.indirect.scatter.add.f32 [tilespmem:s16], [sflag:$0x2], $0x80, s21, s22, $0xb8;
	[tilespmem:$0x1D000] =	vst v63  }
0x1e5: {  	_ =	swait.ge [sflag:s24], $0x4000  }
0x1e6: {  	[sflag:s24] =	ssyncset.done $0x0  }
0x1e7: {  	[sflag:s24] =	ssyncadd.s32 $0xFFFFC000  }
0x1e8: {  	_ =	swait.ge [sflag:s25], $0x4000  }
0x1e9: {  	[sflag:s25] =	ssyncset.done $0x0  }
0x1ea: {  	s31 =	simm.s32 $0x900;
	[sflag:s25] =	ssyncadd.s32 $0xFFFFC000  }
0x1eb: {  	[tilespmem:s16], [sflag:$0x1] =	stream.indirect.gather [hbm4b:s13+s22], $0x80, s31, s22, $0xb8;
	[tilespmem:$0x1D000] =	vst v63  }
0x1ec: {  	s2 =	simm.s32 $0xC80  }
0x1ed: {  	[spmem:s1] =	stream.indirect.scatter.add.f32 [tilespmem:s23], [sflag:$0x2], $0x80, s2, s22, $0xb8;
	[tilespmem:$0x1D000] =	vst v63  }
0x1ee: {  	_ =	swait.ge [sflag:s24], $0x4000  }
0x1ef: {  	[sflag:s24] =	ssyncset.done $0x0  }
0x1f0: {  	[sflag:s24] =	ssyncadd.s32 $0xFFFFC000  }
0x1f1: {  	_ =	swait.ge [sflag:s25], $0x4000  }
0x1f2: {  	[sflag:s25] =	ssyncset.done $0x0  }
0x1f3: {  	s4 =	simm.s32 $0x980;
	[sflag:s25] =	ssyncadd.s32 $0xFFFFC000  }
0x1f4: {  	[tilespmem:s23], [sflag:$0x1] =	stream.indirect.gather [hbm4b:s13+s22], $0x80, s4, s22, $0xb8;
	[tilespmem:$0x1D000] =	vst v63  }
0x1f5: {  	s5 =	simm.s32 $0xD00  }
0x1f6: {  	[spmem:s1] =	stream.indirect.scatter.add.f32 [tilespmem:s16], [sflag:$0x2], $0x80, s5, s22, $0xb8;
	[tilespmem:$0x1D000] =	vst v63  }
0x1f7: {  	_ =	swait.ge [sflag:s24], $0x4000  }
0x1f8: {  	[sflag:s24] =	ssyncset.done $0x0  }
0x1f9: {  	[sflag:s24] =	ssyncadd.s32 $0xFFFFC000  }
0x1fa: {  	_ =	swait.ge [sflag:s25], $0x4000  }
0x1fb: {  	[sflag:s25] =	ssyncset.done $0x0  }
0x1fc: {  	s6 =	simm.s32 $0xA00;
	[sflag:s25] =	ssyncadd.s32 $0xFFFFC000  }
0x1fd: {  	[tilespmem:s16], [sflag:$0x1] =	stream.indirect.gather [hbm4b:s13+s22], $0x80, s6, s22, $0xb8;
	[tilespmem:$0x1D000] =	vst v63  }
0x1fe: {  	s7 =	simm.s32 $0xD80  }
0x1ff: {  	[spmem:s1] =	stream.indirect.scatter.add.f32 [tilespmem:s23], [sflag:$0x2], $0x80, s7, s22, $0xb8;
	[tilespmem:$0x1D000] =	vst v63  }
0x200: {  	_ =	swait.ge [sflag:s24], $0x4000  }
0x201: {  	[sflag:s24] =	ssyncset.done $0x0  }
0x202: {  	[sflag:s24] =	ssyncadd.s32 $0xFFFFC000  }
0x203: {  	_ =	swait.ge [sflag:s25], $0x4000  }
0x204: {  	[sflag:s25] =	ssyncset.done $0x0  }
0x205: {  	s8 =	simm.s32 $0xA80;
	[sflag:s25] =	ssyncadd.s32 $0xFFFFC000  }
0x206: {  	[tilespmem:s23], [sflag:$0x1] =	stream.indirect.gather [hbm4b:s13+s22], $0x80, s8, s22, $0xb8;
	[tilespmem:$0x1D000] =	vst v63  }
0x207: {  	s11 =	simm.s32 $0xE00  }
0x208: {  	[spmem:s1] =	stream.indirect.scatter.add.f32 [tilespmem:s16], [sflag:$0x2], $0x80, s11, s22, $0xb8;
	[tilespmem:$0x1D000] =	vst v63  }
0x209: {  	_ =	swait.ge [sflag:s24], $0x4000  }
0x20a: {  	[sflag:s24] =	ssyncset.done $0x0  }
0x20b: {  	[sflag:s24] =	ssyncadd.s32 $0xFFFFC000  }
0x20c: {  	_ =	swait.ge [sflag:s25], $0x4000  }
0x20d: {  	[sflag:s25] =	ssyncset.done $0x0  }
0x20e: {  	s12 =	simm.s32 $0xB00;
	[sflag:s25] =	ssyncadd.s32 $0xFFFFC000  }
0x20f: {  	[tilespmem:s16], [sflag:$0x1] =	stream.indirect.gather [hbm4b:s13+s22], $0x80, s12, s22, $0xb8;
	[tilespmem:$0x1D000] =	vst v63  }
0x210: {  	s14 =	simm.s32 $0xE80  }
0x211: {  	[spmem:s1] =	stream.indirect.scatter.add.f32 [tilespmem:s23], [sflag:$0x2], $0x80, s14, s22, $0xb8;
	[tilespmem:$0x1D000] =	vst v63  }
0x212: {  	_ =	swait.ge [sflag:s24], $0x4000  }
0x213: {  	[sflag:s24] =	ssyncset.done $0x0  }
0x214: {  	[sflag:s24] =	ssyncadd.s32 $0xFFFFC000  }
0x215: {  	_ =	swait.ge [sflag:s25], $0x4000  }
0x216: {  	[sflag:s25] =	ssyncset.done $0x0  }
0x217: {  	s17 =	simm.s32 $0xB80;
	[sflag:s25] =	ssyncadd.s32 $0xFFFFC000  }
0x218: {  	[tilespmem:s23], [sflag:$0x1] =	stream.indirect.gather [hbm4b:s13+s22], $0x80, s17, s22, $0xb8;
	[tilespmem:$0x1D000] =	vst v63  }
0x219: {  	s26 =	simm.s32 $0xF00  }
0x21a: {  	[spmem:s1] =	stream.indirect.scatter.add.f32 [tilespmem:s16], [sflag:$0x2], $0x80, s26, s22, $0xb8;
	[tilespmem:$0x1D000] =	vst v63  }
0x21b: {  	_ =	swait.ge [sflag:s24], $0x4000  }
0x21c: {  	[sflag:s24] =	ssyncset.done $0x0  }
0x21d: {  	s28 =	simm.s32 $0xF80;
	[sflag:s24] =	ssyncadd.s32 $0xFFFFC000  }
0x21e: {  	[spmem:s1] =	stream.indirect.scatter.add.f32 [tilespmem:s23], [sflag:$0x2], $0x80, s28, s22, $0xb8;
	[tilespmem:$0x1D000] =	vst v63  }
0x21f: {  	_ =	swait.ge [sflag:s25], $0x4000  }
0x220: {  	[sflag:s25] =	ssyncset.done $0x0  }
0x221: {  	[sflag:s25] =	ssyncadd.s32 $0xFFFFC000  }
0x222: {  	_ =	swait.ge [sflag:s25], $0x4000  }
0x223: {  	[sflag:s25] =	ssyncset.done $0x0  }
0x224: {  	s8 =	stileid.u32;
	[sflag:s25] =	ssyncadd.s32 $0xFFFFC000  }
0x225: {  	s8 =	sshll.u32 s8, $0x6;
	[bflag:$0x0] =	sbarrier.arrive $0xFFFF  }
0x226: {  	s8 =	sor.u32 $0x1C04, s8;
	s12 =	rddreg [dreg:$0x3]  }
0x227: {  	s14 =	simm.s32 $0x4;
	s29 =	rddreg [dreg:$0xa];
	s11 =	sshrl.u32 s12, $0x3  }
0x228: {  	[hbm:s29], [sflag:s8] =	dma.local [spmem:s11], $0x2800  }
0x229: {  	_ =	swait.ge [sflag:s14], $0x2800  }
0x22a: {  	s30 =	rddreg [dreg:$0xc]  }
0x22b: {  	s31 =	rddreg [dreg:$0xb];
	s0 =	sadd.s32 $0x1, s30  }
0x22c: {  	p0 =	sne.s32 s0, s31  }
.Ltmp2:
0x22d: {  	_ = 	snop;
	(pc) =	sbr.rel @p0 .LBB2_1-.Ltmp2, $3  }
0x22e: {  	_ =	sdelay $0x1  }
0x22f: {  	[sflag:s14] =	ssyncset.done $0x0  }
0x230: {  	[sflag:s14] =	ssyncadd.s32 $0xFFFFD800  }
0x231: {  	_ =	sfence.sel $0x180000  }
0x232: {  	[bflag:$0x0] =	sbarrier.arrive $0xFFFF  }
0x233: {  	_ =	strace $0x9000004D  }
0x234: {  	s0 =	stileid.u32;
	[bflag:$0x2] =	sbarrier.arrive $0xFFFF  }
0x235: {  	p0 =	sne.s32 s0, $0x0;
	s0 =	rddreg [dreg:$0x2]  }
0x236: {  	s0 =	sadd.s32 @!p0 $0x100000, s0  }
0x237: {  	[sflag:s0] =	ssyncadd.tile.s32 @!p0 $0x1;
	_ =	shalt  }
.Lfunc_end2:
_tile_overlayer_lowered:
.L_overlay_start_2:
0x238: {  	(tag) =	ssettag $0x2  }
0x239: {  	s0 =	rddreg [dreg:$0x0];
	s2 =	stileid.u32  }
0x23a: {  	s1 =	rddreg [dreg:$0x1];
	p0 =	sne.s32 s2, $0x0  }
0x23b: {  	s3 =	rddreg [dreg:$0x2];
	[bflag:$0x3] =	sbarrier.arrive $0xFFFF;
	s2 =	simm.s32 @!p0 $0x1C04  }
0x23c: {  	[timem:s3], [sflag:s2] =	dma.local @!p0 [hbm:s0], s1  }
0x23d: {  	s0 =	simm.s32 @!p0 $0x4  }
0x23e: {  	_ =	swait.ge @!p0 [sflag:s0], s1  }
0x23f: {  	s1 =	ssub.s32 @!p0 $0x0, s1;
	[sflag:s0] =	ssyncset.done @!p0 $0x0  }
0x240: {  	[sflag:s0] =	ssyncadd.s32 @!p0 s1  }
0x241: {  	[bflag:$0x3] =	sbarrier.arrive $0xFFFF  }
0x242: {  	_ =	shalt  }

// kernel: kernel.8.cloned.1.call-start
scs
__scs_entry_jumppad:
0x0: {  	(pc) =	sbr.rel $0x88, $3  }
0x1: {  	(tag) =	ssettag $0x0;
	lr =	simm.s32 $0x1  }
0x2: {  	[smem:$0x3F9B] =	sst lr;
	_ =	strace $0xD0000000  }
0x3: {  	_ = 	snop  }
0x4: {  	_ = 	snop  }
0x5: {  	_ = 	snop  }
0x6: {  	_ = 	snop  }
0x7: {  	_ = 	snop  }
__scs_overlays_trampoline_lowered:
0x8: {  	[smem:$0x3FAA] =	sst s0  }
0x9: {  	[smem:$0x3FAB] =	sst s1  }
0xa: {  	[smem:$0x3FAC] =	sst s2  }
0xb: {  	[smem:$0x3FAD] =	sst s3  }
0xc: {  	[smem:$0x3FAE] =	sst s4  }
0xd: {  	[smem:$0x3FAF] =	sst s5  }
0xe: {  	[smem:$0x3FB0] =	sst s6  }
0xf: {  	[smem:$0x3FB1] =	sst s7  }
0x10: {  	[smem:$0x3FB2] =	sst s8  }
0x11: {  	[smem:$0x3FB3] =	sst s9;
	s0 =	simm.s32 @!p0 $0x0  }
0x12: {  	s1 =	sld [smem:$0x3F99];
	s0 =	simm.s32 @p0 $0x1  }
0x13: {  	[smem:$0x3FB4] =	sst s0;
	s0 =	simm.s32 @!p1 $0x0  }
0x14: {  	s2 =	sld [smem:$0x3F98];
	s0 =	simm.s32 @p1 $0x1  }
0x15: {  	[smem:$0x3FB5] =	sst s0;
	s0 =	simm.s32 @!p2 $0x0  }
0x16: {  	s3 =	sld [smem:$0x3FDB];
	s0 =	simm.s32 @p2 $0x1  }
0x17: {  	s4 =	simm.s32 $0x1BF5;
	[smem:$0x3FB7] =	sst s0  }
0x18: {  	s0 =	sld [smem:$0x3F9A];
	_ =	swait.ge [sflag:s4], $0x0  }
0x19: {  	s7 =	sld [smem:$0x3F9B]  }
0x1a: {  	s8 =	sadd.s32 $0xFFFFE003, lr  }
0x1b: {  	s9 =	sadd.s32 $0xFFFFFEF7, lr;
	s5 =	simm.s32 $0xFFFFFFFF;
	p2 =	slt.u32 s8, $0xFFFFF086  }
0x1c: {  	p1 =	slt.u32 s9, $0xF7A;
	s5 =	simm.s32 @!p2 $0x0  }
0x1d: {  	s5 =	simm.s32 @p1 $0x1;
	p0 =	seq.s32 s7, s2  }
0x1e: {  	s7 =	smul.u32 @!p0 $0xF7A, s2;
	p2 =	seq.s32 @!p0 s5, $0x0  }
0x1f: {  	s9 =	smul.u32 $0xF7A, s1;
	s8 =	simm.s32 @!p0 $0x1BF5;
	p2 =	por !p2, p0  }
0x20: {  	[sflag:s8] =	ssyncset.s32 @!p0 $0xFFFFF086;
	s6 =	sadd.s32 @!p0 s3, s7;
	s7 =	simm.s32 @!p0 $0x108  }
0x21: {  	s3 =	sadd.s32 s3, s9;
	s6 =	sadd.s32 @!p0 $0x88, s6;
	s7 =	simm.s32 @p2 $0x1082  }
0x22: {  	[simem:s7], [sflag:s8] =	dma.local @!p0 [hbm:s6], $0xF7A  }
0x23: {  	s9 =	sor.u32 $0xD0000000, s2;
	s6 =	simm.s32 $0x108;
	_ =	swait.ge @!p0 [sflag:s8], $0x0  }
0x24: {  	s3 =	sadd.s32 $0x88, s3;
	s6 =	simm.s32 @!p1 $0x1082;
	[sflag:s4] =	ssyncset.s32 $0xFFFFF086  }
0x25: {  	[simem:s6], [sflag:s4] =	dma.local [hbm:s3], $0xF7A  }
0x26: {  	[smem:$0x3F9B] =	sst s1;
	(tag) =	ssettag s2;
	_ =	strace s9  }
0x27: {  	s1 =	sld [smem:$0x3FAB]  }
0x28: {  	s2 =	sld [smem:$0x3FAC]  }
0x29: {  	s4 =	sld [smem:$0x3FAE]  }
0x2a: {  	p0 =	seq.s32 s5, $0x0;
	s5 =	sld [smem:$0x3FAF]  }
0x2b: {  	s6 =	sld [smem:$0x3FB0]  }
0x2c: {  	s7 =	sld [smem:$0x3FB1]  }
0x2d: {  	s3 =	simm.s32 $0x108;
	s8 =	sld [smem:$0x3FB2]  }
0x2e: {  	s3 =	simm.s32 @!p0 $0x1082;
	s9 =	sld [smem:$0x3FB3]  }
0x2f: {  	lr =	sadd.s32 s0, s3;
	s0 =	sld [smem:$0x3FAA]  }
0x30: {  	s3 =	sld [smem:$0x3FAD]  }
0x31: {  	[smem:$0x3FB6] =	sst s10  }
0x32: {  	s10 =	sld [smem:$0x3FB4];
	_ =	sdelay $0x3  }
0x33: {  	p0 =	seq.s32 s10, $0x1;
	s10 =	sld [smem:$0x3FB6];
	_ =	sdelay $0x3  }
0x34: {  	[smem:$0x3FB6] =	sst s10  }
0x35: {  	s10 =	sld [smem:$0x3FB5];
	_ =	sdelay $0x3  }
0x36: {  	p1 =	seq.s32 s10, $0x1;
	s10 =	sld [smem:$0x3FB6];
	_ =	sdelay $0x3  }
0x37: {  	[smem:$0x3FB6] =	sst s10  }
0x38: {  	s10 =	sld [smem:$0x3FB7]  }
0x39: {  	_ = 	snop;
	(pc) =	sbr.ind lr, $3  }
0x3a: {  	_ = 	snop  }
0x3b: {  	_ = 	snop  }
0x3c: {  	p2 =	seq.s32 s10, $0x1;
	s10 =	sld [smem:$0x3FB6]  }
0x3d: {  	_ =	shalt  }
0x3e: {  	_ =	shalt  }
0x3f: {  	_ =	shalt  }
0x40: {  	_ =	shalt  }
0x41: {  	_ =	shalt  }
0x42: {  	_ =	shalt  }
0x43: {  	_ =	shalt  }
0x44: {  	_ =	shalt  }
0x45: {  	_ =	shalt  }
0x46: {  	_ =	shalt  }
0x47: {  	_ =	shalt  }
0x48: {  	_ =	shalt  }
0x49: {  	_ =	shalt  }
0x4a: {  	_ =	shalt  }
0x4b: {  	_ =	shalt  }
0x4c: {  	_ =	shalt  }
0x4d: {  	_ =	shalt  }
0x4e: {  	_ =	shalt  }
0x4f: {  	_ =	shalt  }
0x50: {  	_ =	shalt  }
0x51: {  	_ =	shalt  }
0x52: {  	_ =	shalt  }
0x53: {  	_ =	shalt  }
0x54: {  	_ =	shalt  }
0x55: {  	_ =	shalt  }
0x56: {  	_ =	shalt  }
0x57: {  	_ =	shalt  }
0x58: {  	_ =	shalt  }
0x59: {  	_ =	shalt  }
0x5a: {  	_ =	shalt  }
0x5b: {  	_ =	shalt  }
0x5c: {  	_ =	shalt  }
0x5d: {  	_ =	shalt  }
0x5e: {  	_ =	shalt  }
0x5f: {  	_ =	shalt  }
0x60: {  	_ =	shalt  }
0x61: {  	_ =	shalt  }
0x62: {  	_ =	shalt  }
0x63: {  	_ =	shalt  }
0x64: {  	_ =	shalt  }
0x65: {  	_ =	shalt  }
0x66: {  	_ =	shalt  }
0x67: {  	_ =	shalt  }
0x68: {  	_ =	shalt  }
0x69: {  	_ =	shalt  }
0x6a: {  	_ =	shalt  }
0x6b: {  	_ =	shalt  }
0x6c: {  	_ =	shalt  }
0x6d: {  	_ =	shalt  }
0x6e: {  	_ =	shalt  }
0x6f: {  	_ =	shalt  }
0x70: {  	_ =	shalt  }
0x71: {  	_ =	shalt  }
0x72: {  	_ =	shalt  }
0x73: {  	_ =	shalt  }
0x74: {  	_ =	shalt  }
0x75: {  	_ =	shalt  }
0x76: {  	_ =	shalt  }
0x77: {  	_ =	shalt  }
0x78: {  	_ =	shalt  }
0x79: {  	_ =	shalt  }
0x7a: {  	_ =	shalt  }
0x7b: {  	_ =	shalt  }
0x7c: {  	_ =	shalt  }
0x7d: {  	_ =	shalt  }
0x7e: {  	_ =	shalt  }
0x7f: {  	_ =	shalt  }
0x80: {  	_ =	shalt  }
0x81: {  	_ =	shalt  }
0x82: {  	_ =	shalt  }
0x83: {  	_ =	shalt  }
0x84: {  	_ =	shalt  }
0x85: {  	_ =	shalt  }
0x86: {  	_ =	shalt  }
0x87: {  	_ =	shalt  }
.Lfunc_end0:
.L_simem_size_0:
called_computation_lowered:
.L_overlay_start_0:
0x88: {  	s2 =	sld [smem:$0x3FD9]  }
0x89: {  	s3 =	sld [smem:$0x3FFE];
	_ =	sdelay $0x1  }
0x8a: {  	s1 =	srdreg.scid  }
0x8b: {  	s0 =	sand.u32 $0x1, s1  }
0x8c: {  	s17 =	sshll.u32 s0, $0xA;
	s2 =	sadd.s32 s3, s2  }
0x8d: {  	s2 =	sadd.s32 s2, s17  }
0x8e: {  	[smem:$0x3FC2] =	sst s2  }
0x8f: {  	_ = 	snop  }
0x90: {  	s2 =	sld [smem:$0x3FD0];
	(tm) =	ssettm $0x1  }
0x91: {  	s18 =	sld [smem:$0x3FFB];
	_ =	sdelay $0x3  }
0x92: {  	_ =	strace s18  }
0x93: {  	s3 =	sld [smem:$0x3FFC];
	_ =	sdelay $0x3  }
0x94: {  	_ =	strace s3  }
0x95: {  	s3 =	sld [smem:$0x3FFD];
	_ =	sdelay $0x3  }
0x96: {  	_ =	strace s3  }
0x97: {  	_ =	strace $0x8FFFFFFF  }
0x98: {  	s19 =	sld [smem:$0x3FDB];
	_ =	sdelay $0x1  }
0x99: {  	s4 =	simm.s32 $_scs_section_size  }
0x9a: {  	s5 =	simm.s32 $_size__tile_overlayer_lowered;
	s6 =	simm.s32 $_tile_overlayer_lowered  }
0x9b: {  	s22 =	simm.s32 $0x1BFF;
	s21 =	sshll.u32 s6, $0x1;
	s3 =	sadd.s32 s4, s19  }
0x9c: {  	s7 =	simm.s32 $0x0;
	s20 =	sshll.u32 s5, $0x1;
	s5 =	sadd.s32 s21, s3  }
0x9d: {  	[timem:s7], [sflag:s22] =	dma.local [hbm:s5], s20  }
0x9e: {  	_ =	swait.ge [sflag:s22], s20  }
0x9f: {  	s4 =	ssub.s32 $0x0, s20;
	[sflag:s22] =	ssyncset.done $0x0  }
0xa0: {  	[sflag:s22] =	ssyncadd.s32 s4;
	_ =	sdelay $0x1  }
0xa1: {  	s23 =	simm.s32 $0x1B8B  }
0xa2: {  	_ =	swait.ge [sflag:s23], $0x1  }
0xa3: {  	[sflag:s23] =	ssyncset.done $0x0  }
0xa4: {  	s25 =	simm.s32 $0x1B8E;
	s24 =	sld [smem:$0x3FFE];
	[sflag:s23] =	ssyncadd.s32 $0xFFFFFFFF  }
0xa5: {  	s26 =	simm.s32 $execute0_lowered;
	[smem:$0x3FD2] =	sst s25  }
0xa6: {  	s5 =	sshll.u32 s26, $0x1;
	_ =	strace $0x80000046;
	[dreg:$0x1] =	wrdreg $0xFFFFFFFF  }
0xa7: {  	s28 =	simm.s32 $_size_execute0_lowered;
	s3 =	sadd.s32 s3, s5;
	[dreg:$0x0] =	wrdreg $0x0  }
0xa8: {  	s5 =	sshll.u32 s28, $0x1;
	[dreg:$0x2] =	wrdreg s3  }
0xa9: {  	[dreg:$0x3] =	wrdreg s5  }
0xaa: {  	[dreg:$0x4] =	wrdreg $0xC0  }
0xab: {  	_ =	task [dreg:s7], $0x5FFFF  }
0xac: {  	[dreg:$0x1] =	wrdreg $0xFFFFFFFF  }
0xad: {  	[dreg:$0x0] =	wrdreg $0x60  }
0xae: {  	[dreg:$0x2] =	wrdreg s24  }
0xaf: {  	[dreg:$0x3] =	wrdreg s2  }
0xb0: {  	[dreg:$0x4] =	wrdreg $0x9  }
0xb1: {  	_ =	task.clear_ibuf [dreg:s7], $0x5FFFF;
	_ =	strace $0x90000046  }
0xb2: {  	s29 =	simm.s32 $0x9;
	_ =	strace $0x80000048  }
0xb3: {  	_ =	swait.ge [sflag:s29], $0x1  }
0xb4: {  	[sflag:s29] =	ssyncadd.s32 $0xFFFFFFFF  }
0xb5: {  	_ =	strace $0x90000048  }
0xb6: {  	_ =	sfence  }
0xb7: {  	s30 =	sld [smem:$0x0];
	_ =	sdelay $0x2  }
0xb8: {  	s31 =	sshll.u32 s1, $0xD;
	s1 =	sshrl.u32 s1, $0x2  }
0xb9: {  	s3 =	sand.u32 $0x4000, s31;
	s1 =	sadd.s32 s1, s30  }
0xba: {  	s0 =	sor.u32 s3, s0;
	s1 =	sshll.u32 s1, $0x11  }
0xbb: {  	s0 =	sor.u32 s1, s0  }
0xbc: {  	s0 =	sadd.s32 $0x8F2B, s0  }
0xbd: {  	[sflag:s0] =	ssyncadd.remote.s32 $0x1  }
0xbe: {  	_ =	sfence.sel $0xFFFF  }
0xbf: {  	[dreg:$0x0] =	wrdreg $0xFFFFFFFF;
	(pc) =	sbr.abs _section_cstart, $3  }
0xc0: {  	[dreg:$0x1] =	wrdreg $0xFFFFFFFF  }
0xc1: {  	_ =	task.clear_ibuf [dreg:s7], $0x2FFFF;
	_ =	strace $0x9FFFFFFF  }
0xc2: {  	(tm) =	ssettm $0x7FFFFFFF  }
0xc3: {  	_ =	shalt  }
tec
execute0_lowered:
.L_overlay_start_1:
0x0: {  	(tag) =	ssettag $0x1  }
0x1: {  	s3 =	rddreg [dreg:$0x0]  }
0x2: {  	s1 =	srdreg.scid;
	s0 =	stileid.u32  }
0x3: {  	s6 =	rddreg [dreg:$0x1];
	s2 =	simm.s32 $0x0;
	s10 =	simm.s32 $0x5000  }
0x4: {  	s11 =	simm.s32 $0x7800;
	s12 =	simm.s32 $0x80;
	s13 =	simm.s32 $0x400  }
0x5: {  	s4 =	sand.u32 $0x1, s1;
	s5 =	sshll.u32 s0, $0x1;
	s1 =	rddreg [dreg:$0x2]  }
0x6: {  	s14 =	simm.s32 $0x0;
	[smem:$0x7FF] =	sst s2;
	s5 =	sor.u32 s4, s5  }
0x7: {  	s8 =	sshrl.u32 s0, $0x2;
	s4 =	ssub.s32 $0x2, s4;
	s7 =	smul.u32 $0x500, s5  }
0x8: {  	s8 =	smul.u32 $0x14000, s8;
	_ =	strace $0x80000047;
	s5 =	sshll.u32 s5, $0x7  }
0x9: {  	s9 =	sshrl.u32 s4, $0x1;
	s5 =	sand.u32 $0x380, s5;
	s7 =	sadd.s32 s7, s3  }
0xa: {  	s9 =	ssub.s32 s4, s9;
	s30 =	sor.u32 s8, s5;
	s3 =	sadd.s32 $0xC600, s7  }
0xb: {  	s5 =	sshrl.u32 s30, $0x3;
	s8 =	sadd.s32 $0x50000, s30;
	s4 =	sadd.s32 $0x2600, s7  }
0xc: {  	s7 =	smax.u32 s9, $0x1;
	s9 =	simm.s32 $0x2800;
	s31 =	sshrl.u32 s8, $0x3  }
0xd: {  	v0 =	vimm.f32 $0.0e+00;
	v1 =	vimm.f32 $1.000000000e+00;
	s5 =	sadd.s32 s6, s5;
	s8 =	simm.s32 $0x1;
	s6 =	sadd.s32 s6, s31  }
.LBB2_1:
0xe: {  	[tilespmem:s2], [sflag:$0x1] =	stream.linear.gather [hbm4b:s3+s2], $0x2800, $0x38;
	[tilespmem:$0xA000] =	vst v63  }
0xf: {  	_ =	swait.ge [sflag:s8], $0x2800  }
0x10: {  	[sflag:s8] =	ssyncset.done $0x0  }
0x11: {  	[sflag:s8] =	ssyncadd.s32 $0xFFFFD800  }
0x12: {  	[tilespmem:s9], [sflag:$0x1] =	stream.linear.gather [hbm4b:s4+s2], $0x2800, $0x38;
	[tilespmem:$0xA000] =	vst v63  }
0x13: {  	_ =	swait.ge [sflag:s8], $0x2800  }
0x14: {  	[sflag:s8] =	ssyncset.done $0x0  }
0x15: {  	s15 =	simm.s32 $0x0;
	[sflag:s8] =	ssyncadd.s32 $0xFFFFD800  }
.LBB2_2:
0x16: {  	p0 =	sne.s32 s15, $0x9FC0  }
.Ltmp0:
0x17: {  	_ = 	snop;
	(pc) =	sbr.rel @p0 .LBB2_2-.Ltmp0, $4  }
0x18: {  	_ = 	snop  }
0x19: {  	s16 =	sshra.s32 s15, $0x2  }
0x1a: {  	[tilespmem:s16+$0x5000] =	vst v0  }
0x1b: {  	s15 =	sadd.s32 $0x40, s15;
	[tilespmem:s16+$0x7800] =	vst v0  }
0x1c: {  	s16 =	simm.s32 $0x0;
	s15 =	simm.s32 $0x40  }
.LBB2_4:
0x1d: {  	p0 =	sne.s32 s15, $0x9FC0;
	v2 =	vld [tilespmem:s16+$0x0];
	_ =	sdelay $0x7  }
0x1e: {  	[tilespmem:v2+s10+$0x0] =	vst.idx.add.f32.msk $0xffff, v1  }
0x1f: {  	v2 =	vld [tilespmem:s16+$0x2800];
	_ =	sdelay $0x3  }
.Ltmp1:
0x20: {  	(pc) =	sbr.rel @p0 .LBB2_4-.Ltmp1, $2  }
0x21: {  	_ =	sdelay $0x2  }
0x22: {  	s16 =	sshra.s32 s15, $0x2;
	s15 =	sadd.s32 $0x40, s15;
	[tilespmem:v2+s11+$0x0] =	vst.idx.add.f32.msk $0xffff, v1  }
0x23: {  	v2 =	vld [tilespmem:s16+$0x0];
	_ =	sdelay $0x7  }
0x24: {  	[tilespmem:v2+s10+$0x0] =	vst.idx.add.f32.msk $0xffff, v1  }
0x25: {  	v2 =	vld [tilespmem:s16+$0x2800];
	_ =	sdelay $0x7  }
0x26: {  	[tilespmem:v2+s11+$0x0] =	vst.idx.add.f32.msk $0xffff, v1  }
0x27: {  	[hbm4b:s5+s12] =	stream.strided.scatter [tilespmem:s10], [sflag:$0x1], $0x2800, s13, s12, $0x38;
	[tilespmem:$0xA000] =	vst v63  }
0x28: {  	s14 =	sadd.s32 $0x1, s14;
	_ =	swait.ge [sflag:s8], $0x2800  }
0x29: {  	p0 =	sne.s32 s14, s7;
	[sflag:s8] =	ssyncset.done $0x0  }
.Ltmp2:
0x2a: {  	[sflag:s8] =	ssyncadd.s32 $0xFFFFD800;
	(pc) =	sbr.rel @p0 .LBB2_1-.Ltmp2, $4  }
0x2b: {  	[hbm4b:s6+s12] =	stream.strided.scatter [tilespmem:s11], [sflag:$0x1], $0x2800, s13, s12, $0x38;
	[tilespmem:$0xA000] =	vst v63  }
0x2c: {  	_ =	swait.ge [sflag:s8], $0x2800  }
0x2d: {  	[sflag:s8] =	ssyncset.done $0x0  }
0x2e: {  	[sflag:s8] =	ssyncadd.s32 $0xFFFFD800  }
0x2f: {  	_ =	sfence.sel $0x180000  }
0x30: {  	[bflag:$0x0] =	sbarrier.arrive $0xFFFF  }
0x31: {  	p0 =	sne.s32 s0, $0x0;
	_ =	strace $0x90000047  }
0x32: {  	s0 =	sadd.s32 @!p0 $0x100000, s1;
	[bflag:$0x2] =	sbarrier.arrive $0xFFFF  }
0x33: {  	[sflag:s0] =	ssyncadd.tile.s32 @!p0 $0x1;
	_ =	shalt  }
.Lfunc_end2:
_tile_overlayer_lowered:
.L_overlay_start_2:
0x34: {  	(tag) =	ssettag $0x2  }
0x35: {  	s0 =	rddreg [dreg:$0x0];
	s2 =	stileid.u32  }
0x36: {  	s1 =	rddreg [dreg:$0x1];
	p0 =	sne.s32 s2, $0x0  }
0x37: {  	s3 =	rddreg [dreg:$0x2];
	[bflag:$0x3] =	sbarrier.arrive $0xFFFF;
	s2 =	simm.s32 @!p0 $0x1C01  }
0x38: {  	[timem:s3], [sflag:s2] =	dma.local @!p0 [hbm:s0], s1  }
0x39: {  	s0 =	simm.s32 @!p0 $0x1  }
0x3a: {  	_ =	swait.ge @!p0 [sflag:s0], s1  }
0x3b: {  	s1 =	ssub.s32 @!p0 $0x0, s1;
	[sflag:s0] =	ssyncset.done @!p0 $0x0  }
0x3c: {  	[sflag:s0] =	ssyncadd.s32 @!p0 s1  }
0x3d: {  	[bflag:$0x3] =	sbarrier.arrive $0xFFFF  }
0x3e: {  	_ =	shalt  }

</sc_bundles>
